<compile_context>
chip_gen: v7x
topology: tpu7x:2x2x1
jax: 0.10.2.dev20260603
libtpu: 0.0.44.dev20260713+nightly
codegen_flags: <defaults>
</compile_context>

<pallas_src>
import functools

import jax
import jax.numpy as jnp
from jax import lax
from jax.experimental import pallas as pl
from jax.experimental.pallas import tpu as pltpu
from jax.experimental.pallas import tpu_sc as plsc

N = 10000
D = 128
E = 320000
NPAD = 10240
NC, NS, L = 2, 16, 16
NW = NC * NS
CH = 128
CPW = 80
CPB = 8
NB = CPW // CPB
E_PAD = NW * CPW * CH
CPW0 = 128
CPW1 = 2 * CPW - CPW0
NB0, NB1 = CPW0 // CPB, CPW1 // CPB
ROWS_PT = NPAD // NS
BM = 1280

_mesh = plsc.VectorSubcoreMesh(core_axis_name="c", subcore_axis_name="s")
_mesh1 = plsc.VectorSubcoreMesh(core_axis_name="c", subcore_axis_name="s",
                                num_cores=1)
CPW1C = E_PAD // CH // NS
NB1C = CPW1C // CPB


@functools.partial(
    pl.kernel,
    out_type=jax.ShapeDtypeStruct((NC * NPAD, D), jnp.float32),
    mesh=_mesh,
    scratch_types=[
        pltpu.VMEM((CPB, CH), jnp.int32),
        pltpu.VMEM((CH, D), jnp.float32),
        pltpu.SemaphoreType.DMA,
        pltpu.VMEM_SHARED((NPAD, D), jnp.float32),
    ],
)
def _deg_kernel(dst_hbm, out_hbm, idx_v, ones_v, sem, hist_s):
    c = lax.axis_index("c")
    s = lax.axis_index("s")
    wid = c * NS + s
    zero = jnp.zeros((L,), jnp.float32)
    one = jnp.ones((L,), jnp.float32)

    def fill(val):
        def frow(i, _):
            def fcol(j, _):
                ones_v[i, pl.ds(j * L, L)] = val
                return 0

            lax.fori_loop(0, D // L, fcol, 0)
            return 0

        lax.fori_loop(0, CH, frow, 0)

    fill(zero)

    def zacc(k, _):
        pltpu.sync_copy(ones_v, hist_s.at[pl.ds(s * ROWS_PT + k * CH, CH)])
        return 0

    lax.fori_loop(0, ROWS_PT // CH, zacc, 0)
    fill(one)
    plsc.subcore_barrier()

    def body(blk, _):
        base_chunk = wid * CPW + blk * CPB
        pltpu.sync_copy(dst_hbm.at[pl.ds(base_chunk, CPB)], idx_v)
        descs = [
            pltpu.async_copy(ones_v, hist_s.at[idx_v.at[p]], sem, add=True)
            for p in range(CPB)
        ]
        for d in descs:
            d.wait()
        return 0

    lax.fori_loop(0, NB, body, 0)
    plsc.subcore_barrier()

    def wout(k, _):
        base = s * ROWS_PT + k * CH
        pltpu.sync_copy(hist_s.at[pl.ds(base, CH)], ones_v)
        pltpu.sync_copy(ones_v, out_hbm.at[pl.ds(c * NPAD + base, CH)])
        return 0

    lax.fori_loop(0, ROWS_PT // CH, wout, 0)


@functools.partial(
    pl.kernel,
    out_type=jax.ShapeDtypeStruct((NC * NPAD, D), jnp.float32),
    mesh=_mesh,
    scratch_types=[
        pltpu.VMEM((CPB, CH), jnp.int32),
        pltpu.VMEM((CPB, CH), jnp.int32),
        pltpu.VMEM((CH, D), jnp.float32),
        pltpu.VMEM((CH, D), jnp.float32),
        pltpu.VMEM_SHARED((NPAD, D), jnp.float32),
        pltpu.SemaphoreType.DMA,
        pltpu.SemaphoreType.DMA,
    ],
)
def _scatter_kernel(y_hbm, src_hbm, dst_hbm, out_hbm, sidx_v, didx_v,
                    rows0_v, rows1_v, acc_s, sem0, sem1):
    c = lax.axis_index("c")
    s = lax.axis_index("s")
    wid = c * NS + s
    zero = jnp.zeros((L,), jnp.float32)

    def zrow(i, _):
        def zcol(j, _):
            rows0_v[i, pl.ds(j * L, L)] = zero
            return 0

        lax.fori_loop(0, D // L, zcol, 0)
        return 0

    lax.fori_loop(0, CH, zrow, 0)

    def zacc(k, _):
        pltpu.sync_copy(rows0_v, acc_s.at[pl.ds(s * ROWS_PT + k * CH, CH)])
        return 0

    lax.fori_loop(0, ROWS_PT // CH, zacc, 0)
    plsc.subcore_barrier()

    rows = (rows0_v, rows1_v)
    sems = (sem0, sem1)
    base_w = jnp.where(c == 0, s * CPW0, NS * CPW0 + s * CPW1)
    nb = jnp.where(c == 0, NB0, NB1)

    def body(blk, _):
        base_chunk = base_w + blk * CPB
        pltpu.sync_copy(src_hbm.at[pl.ds(base_chunk, CPB)], sidx_v)
        pltpu.sync_copy(dst_hbm.at[pl.ds(base_chunk, CPB)], didx_v)
        descs = [
            pltpu.async_copy(y_hbm.at[sidx_v.at[p]], rows[p % 2],
                             sems[p % 2])
            for p in range(2)
        ]
        for p in range(CPB):
            descs[p].wait()
            pltpu.sync_copy(rows[p % 2], acc_s.at[didx_v.at[p]], add=True)
            if p + 2 < CPB:
                descs.append(
                    pltpu.async_copy(y_hbm.at[sidx_v.at[p + 2]],
                                     rows[p % 2], sems[p % 2]))
        return 0

    lax.fori_loop(0, nb, body, 0)
    plsc.subcore_barrier()

    wdescs = {}
    for k in range(ROWS_PT // CH):
        b = k % 2
        base = s * ROWS_PT + k * CH
        if k >= 2:
            wdescs[k - 2].wait()
        pltpu.sync_copy(acc_s.at[pl.ds(base, CH)], rows[b])
        wdescs[k] = pltpu.async_copy(
            rows[b], out_hbm.at[pl.ds(c * NPAD + base, CH)], sems[b])
    for k in range(ROWS_PT // CH - 2, ROWS_PT // CH):
        wdescs[k].wait()


def _dis_of(h_ref):
    deg = h_ref[0, :, 0] + h_ref[1, :, 0] + 1.0
    return lax.rsqrt(deg)[:, None]


def _tc_first(x_ref, w_ref, h_ref, y_ref):
    xw = jnp.dot(x_ref[...], w_ref[...], preferred_element_type=jnp.float32)
    y_ref[...] = xw * _dis_of(h_ref)


def _tc_mid(acc_ref, y_ref, h_ref, w_ref, b_ref, out_ref):
    dis = _dis_of(h_ref)
    tmp = (acc_ref[0] + acc_ref[1] + y_ref[...]) * dis + b_ref[...]
    hcur = jnp.maximum(tmp, 0.0)
    out_ref[...] = (
        jnp.dot(hcur, w_ref[...], preferred_element_type=jnp.float32) * dis
    )


def _tc_last(acc_ref, y_ref, h_ref, b_ref, out_ref):
    dis = _dis_of(h_ref)
    out_ref[...] = (acc_ref[0] + acc_ref[1] + y_ref[...]) * dis + b_ref[...]


_row_spec = pl.BlockSpec((BM, D), lambda i: (i, 0))
_acc_spec = pl.BlockSpec((NC, BM, D), lambda i: (0, i, 0))
_hist_spec = pl.BlockSpec((NC, BM, D), lambda i: (0, i, 0))
_w_spec = pl.BlockSpec((D, D), lambda i: (0, 0))
_b_spec = pl.BlockSpec((1, D), lambda i: (0, 0))
_out_struct = jax.ShapeDtypeStruct((NPAD, D), jnp.float32)

_tc_first_call = pl.pallas_call(
    _tc_first,
    grid=(NPAD // BM,),
    in_specs=[_row_spec, _w_spec, _hist_spec],
    out_specs=_row_spec,
    out_shape=_out_struct,
)

_tc_mid_call = pl.pallas_call(
    _tc_mid,
    grid=(NPAD // BM,),
    in_specs=[_acc_spec, _row_spec, _hist_spec, _w_spec, _b_spec],
    out_specs=_row_spec,
    out_shape=_out_struct,
)

_tc_last_call = pl.pallas_call(
    _tc_last,
    grid=(NPAD // BM,),
    in_specs=[_acc_spec, _row_spec, _hist_spec, _b_spec],
    out_specs=_row_spec,
    out_shape=_out_struct,
)


def kernel(x, edge_index, W1, b1, W2, b2):
    ei = edge_index.astype(jnp.int32)
    npad_e = E_PAD - E
    src = jnp.concatenate([ei[0], jnp.zeros((npad_e,), jnp.int32)])
    pad_dst = N + jnp.arange(npad_e, dtype=jnp.int32) % (NPAD - N)
    dst = jnp.concatenate([ei[1], pad_dst])
    src2 = src.reshape(E_PAD // CH, CH)
    dst2 = dst.reshape(E_PAD // CH, CH)
    x_p = jnp.pad(x, ((0, NPAD - N), (0, 0)))
    b1r = b1.reshape(1, D)
    b2r = b2.reshape(1, D)

    hist = _deg_kernel(dst2).reshape(NC, NPAD, D)
    y1 = _tc_first_call(x_p, W1, hist)
    acc1 = _scatter_kernel(y1, src2, dst2).reshape(NC, NPAD, D)
    y2 = _tc_mid_call(acc1, y1, hist, W2, b1r)
    acc2 = _scatter_kernel(y2, src2, dst2).reshape(NC, NPAD, D)
    out = _tc_last_call(acc2, y2, hist, b2r)
    return out[:N]

# --- scband reference (transcript-rebuilt; emitter-appended) ---
"""Pipeline reference for scband-gnnencoder-41351945125988 (READ-ONLY COPY).

The authoritative reference and input builder live on the scoring server;
editing this copy changes nothing except your own understanding.
"""

import jax, jax.numpy as jnp
import numpy as np

N_NODES = 10000
IN_DIM = 128
HIDDEN_DIM = 128
OUT_DIM = 128
N_EDGES = 320000


def setup_inputs(seed: int = 0) -> dict:
    key = jax.random.key(seed)
    k_x, k_e, k_w1, k_b1, k_w2, k_b2 = jax.random.split(key, 6)
    x = jax.random.normal(k_x, (N_NODES, IN_DIM), dtype=jnp.float32)
    edge_index = jax.random.randint(k_e, (2, N_EDGES), 0, N_NODES, dtype=jnp.int64)
    s1 = 1.0 / np.sqrt(IN_DIM)
    s2 = 1.0 / np.sqrt(HIDDEN_DIM)
    W1 = jax.random.uniform(k_w1, (IN_DIM, HIDDEN_DIM), dtype=jnp.float32, minval=-s1, maxval=s1)
    b1 = jax.random.uniform(k_b1, (HIDDEN_DIM,), dtype=jnp.float32, minval=-s1, maxval=s1)
    W2 = jax.random.uniform(k_w2, (HIDDEN_DIM, OUT_DIM), dtype=jnp.float32, minval=-s2, maxval=s2)
    b2 = jax.random.uniform(k_b2, (OUT_DIM,), dtype=jnp.float32, minval=-s2, maxval=s2)
    return {"x": x, "edge_index": edge_index, "W1": W1, "b1": b1, "W2": W2, "b2": b2}


def _gcn_conv(x, src, dst, W, b, n_nodes):
    # GCNConv with added self-loops and symmetric normalization:
    # out = D^{-1/2} (A + I) D^{-1/2} (X W) + b
    xw = x @ W
    ones = jnp.ones(src.shape[0], dtype=xw.dtype)
    deg = jnp.zeros((n_nodes,), dtype=xw.dtype).at[dst].add(ones)
    deg_inv_sqrt = jnp.where(deg > 0, 1.0 / jnp.sqrt(deg), 0.0)
    norm = deg_inv_sqrt[src] * deg_inv_sqrt[dst]
    msgs = xw[src] * norm[:, None]
    out = jnp.zeros((n_nodes, xw.shape[1]), dtype=xw.dtype).at[dst].add(msgs)
    return out + b


def reference(x, edge_index, W1, b1, W2, b2):
    n_nodes = x.shape[0]
    loop = jnp.arange(n_nodes, dtype=edge_index.dtype)
    src = jnp.concatenate([edge_index[0], loop])
    dst = jnp.concatenate([edge_index[1], loop])
    # layer 1 + relu (dropout is identity in eval mode)
    h = _gcn_conv(x, src, dst, W1, b1, n_nodes)
    h = jax.nn.relu(h)
    # final layer, no activation
    out = _gcn_conv(h, src, dst, W2, b2, n_nodes)
    return out

if __name__ == "__main__":
    import jax
    _d = setup_inputs()
    print(jax.jit(kernel)(*tuple(_d.values())))

</pallas_src>

<mosaic_0001>
#map = affine_map<(d0, d1) -> (0, 0)>
module attributes {stable_mosaic.version = 14 : i64} {
  func.func @_deg_kernel(%arg0: i32, %arg1: i32, %arg2: memref<2560x128xi32, #tpu.memory_space<hbm>>, %arg3: memref<20480x128xf32, #tpu.memory_space<hbm>>, %arg4: memref<8x128xi32, #tpu.memory_space<vmem>>, %arg5: memref<128x128xf32, #tpu.memory_space<vmem>>, %arg6: memref<!tpu.dma_semaphore, #tpu.memory_space<semaphore_mem>>, %arg7: memref<10240x128xf32, #tpu.memory_space<vmem_shared>>) attributes {dimension_semantics = [#tpu.dimension_semantics<core_parallel>, #tpu.dimension_semantics<subcore_parallel>], iteration_bounds = array<i64: 2, 16>, scalar_prefetch = 0 : i64, scratch_operands = 4 : i64, tpu.core_type = #tpu.core_type<sc_vector_subcore>, window_params = [{transform_indices = #map}, {transform_indices = #map}]} {
    %mul3A = arith.constant 16 : i32
    %mul3A_0 = arith.muli %arg0, %mul3A : i32
    %add3A = arith.addi %mul3A_0, %arg1 : i32
    %broadcast_in_dim3A = arith.constant 0.000000e+00 : f32
    %broadcast_in_dim3A_1 = vector.broadcast %broadcast_in_dim3A : f32 to vector<16xf32>
    %broadcast_in_dim3A_2 = arith.constant 1.000000e+00 : f32
    %broadcast_in_dim3A_3 = vector.broadcast %broadcast_in_dim3A_2 : f32 to vector<16xf32>
    %scan3A = arith.constant 0 : i32
    %scan3A_4 = arith.constant 0 : i32
    %scan3A_5 = arith.constant 128 : i32
    %scan3A_6 = arith.addi %scan3A_4, %scan3A_5 : i32
    %scan3A_7 = arith.constant 1 : i32
    %scan3A_8 = scf.for %scan3A_39 = %scan3A_4 to %scan3A_6 step %scan3A_7 iter_args(%scan3A_40 = %scan3A) -> (i32)  : i32 {
      %scan3A_41 = arith.constant 0 : i32
      %scan3A_42 = arith.constant 0 : i32
      %scan3A_43 = arith.constant 8 : i32
      %scan3A_44 = arith.addi %scan3A_42, %scan3A_43 : i32
      %scan3A_45 = arith.constant 1 : i32
      %scan3A_46 = scf.for %scan3A_49 = %scan3A_42 to %scan3A_44 step %scan3A_45 iter_args(%scan3A_50 = %scan3A_41) -> (i32)  : i32 {
        %mul3A_51 = arith.constant 16 : i32
        %mul3A_52 = arith.muli %scan3A_49, %mul3A_51 : i32
        %swap3A = arith.index_cast %scan3A_39 : i32 to index
        %swap3A_53 = arith.index_cast %mul3A_52 : i32 to index
        %swap3A_54 = tpu.vector_load %arg5[%swap3A, %swap3A_53] {strides = array<i32>} : memref<128x128xf32, #tpu.memory_space<vmem>>, vector<1x16xf32>,
        %swap3A_55 = vector.shape_cast %swap3A_54 : vector<1x16xf32> to vector<16xf32>
        %swap3A_56 = vector.shape_cast %broadcast_in_dim3A_1 : vector<16xf32> to vector<1x16xf32>
        tpu.vector_store %arg5[%swap3A, %swap3A_53], %swap3A_56 {strides = array<i32>} : memref<128x128xf32, #tpu.memory_space<vmem>>, vector<1x16xf32>,
        %scan3A_57 = arith.constant 0 : i32
        scf.yield %scan3A_57 : i32
      }
      %scan3A_47 = arith.constant 8 : i32
      %scan3A_48 = arith.constant 0 : i32
      scf.yield %scan3A_48 : i32
    }
    %scan3A_9 = arith.constant 128 : i32
    %scan3A_10 = arith.constant 0 : i32
    %scan3A_11 = arith.constant 0 : i32
    %scan3A_12 = arith.constant 5 : i32
    %scan3A_13 = arith.addi %scan3A_11, %scan3A_12 : i32
    %scan3A_14 = arith.constant 1 : i32
    %scan3A_15 = scf.for %scan3A_39 = %scan3A_11 to %scan3A_13 step %scan3A_14 iter_args(%scan3A_40 = %scan3A_10) -> (i32)  : i32 {
      %mul3A_41 = arith.constant 640 : i32
      %mul3A_42 = arith.muli %arg1, %mul3A_41 : i32
      %mul3A_43 = arith.constant 128 : i32
      %mul3A_44 = arith.muli %scan3A_39, %mul3A_43 : i32
      %add3A_45 = arith.addi %mul3A_42, %mul3A_44 : i32
      "tpu.region"() ({
        %run_scoped3A = tpu.sem_alloc : memref<!tpu.dma_semaphore, #tpu.memory_space<semaphore_mem>>
        %dma_start3A = arith.constant 0 : i32
        %dma_start3A_47 = tpu.memref_slice %arg7[%add3A_45, %dma_start3A] : memref<10240x128xf32, #tpu.memory_space<vmem_shared>> -> memref<128x128xf32, #tpu.memory_space<vmem_shared>>
        %dma_start3A_48 = arith.constant 0 : i32
        %dma_start3A_49 = tpu.memref_slice %arg7[%add3A_45, %dma_start3A_48] : memref<10240x128xf32, #tpu.memory_space<vmem_shared>> -> memref<128x128xf32, #tpu.memory_space<vmem_shared>>
        tpu.enqueue_dma source(%arg5 : memref<128x128xf32, #tpu.memory_space<vmem>>) target(%dma_start3A_49 : memref<128x128xf32, #tpu.memory_space<vmem_shared>>) target_semaphore(%run_scoped3A : memref<!tpu.dma_semaphore, #tpu.memory_space<semaphore_mem>>)
        %dma_wait3A = arith.constant 0 : i32
        %dma_wait3A_50 = tpu.memref_slice %arg7[%add3A_45, %dma_wait3A] : memref<10240x128xf32, #tpu.memory_space<vmem_shared>> -> memref<128x128xf32, #tpu.memory_space<vmem_shared>>
        %dma_wait3A_51 = arith.constant 0 : i32
        %dma_wait3A_52 = tpu.memref_slice %arg7[%add3A_45, %dma_wait3A_51] : memref<10240x128xf32, #tpu.memory_space<vmem_shared>> -> memref<128x128xf32, #tpu.memory_space<vmem_shared>>
        tpu.wait_dma2 semaphore(%run_scoped3A : memref<!tpu.dma_semaphore, #tpu.memory_space<semaphore_mem>>) src(%arg5 : memref<128x128xf32, #tpu.memory_space<vmem>>) dst(%dma_wait3A_52 : memref<128x128xf32, #tpu.memory_space<vmem_shared>>)
        tpu.yield
      }) : () -> ()
      %scan3A_46 = arith.constant 0 : i32
      scf.yield %scan3A_46 : i32
    }
    %scan3A_16 = arith.constant 5 : i32
    %scan3A_17 = arith.constant 0 : i32
    %scan3A_18 = arith.constant 0 : i32
    %scan3A_19 = arith.constant 128 : i32
    %scan3A_20 = arith.addi %scan3A_18, %scan3A_19 : i32
    %scan3A_21 = arith.constant 1 : i32
    %scan3A_22 = scf.for %scan3A_39 = %scan3A_18 to %scan3A_20 step %scan3A_21 iter_args(%scan3A_40 = %scan3A_17) -> (i32)  : i32 {
      %scan3A_41 = arith.constant 0 : i32
      %scan3A_42 = arith.constant 0 : i32
      %scan3A_43 = arith.constant 8 : i32
      %scan3A_44 = arith.addi %scan3A_42, %scan3A_43 : i32
      %scan3A_45 = arith.constant 1 : i32
      %scan3A_46 = scf.for %scan3A_49 = %scan3A_42 to %scan3A_44 step %scan3A_45 iter_args(%scan3A_50 = %scan3A_41) -> (i32)  : i32 {
        %mul3A_51 = arith.constant 16 : i32
        %mul3A_52 = arith.muli %scan3A_49, %mul3A_51 : i32
        %swap3A = arith.index_cast %scan3A_39 : i32 to index
        %swap3A_53 = arith.index_cast %mul3A_52 : i32 to index
        %swap3A_54 = tpu.vector_load %arg5[%swap3A, %swap3A_53] {strides = array<i32>} : memref<128x128xf32, #tpu.memory_space<vmem>>, vector<1x16xf32>,
        %swap3A_55 = vector.shape_cast %swap3A_54 : vector<1x16xf32> to vector<16xf32>
        %swap3A_56 = vector.shape_cast %broadcast_in_dim3A_3 : vector<16xf32> to vector<1x16xf32>
        tpu.vector_store %arg5[%swap3A, %swap3A_53], %swap3A_56 {strides = array<i32>} : memref<128x128xf32, #tpu.memory_space<vmem>>, vector<1x16xf32>,
        %scan3A_57 = arith.constant 0 : i32
        scf.yield %scan3A_57 : i32
      }
      %scan3A_47 = arith.constant 8 : i32
      %scan3A_48 = arith.constant 0 : i32
      scf.yield %scan3A_48 : i32
    }
    %scan3A_23 = arith.constant 128 : i32
    %barrier3A = arith.constant 0 : index
    tpu.barrier barrier_id(%barrier3A)
    %scan3A_24 = arith.constant 0 : i32
    %scan3A_25 = arith.constant 0 : i32
    %scan3A_26 = arith.constant 10 : i32
    %scan3A_27 = arith.addi %scan3A_25, %scan3A_26 : i32
    %scan3A_28 = arith.constant 1 : i32
    %scan3A_29 = scf.for %scan3A_39 = %scan3A_25 to %scan3A_27 step %scan3A_28 iter_args(%scan3A_40 = %scan3A_24) -> (i32)  : i32 {
      %mul3A_41 = arith.constant 80 : i32
      %mul3A_42 = arith.muli %add3A, %mul3A_41 : i32
      %mul3A_43 = arith.constant 8 : i32
      %mul3A_44 = arith.muli %scan3A_39, %mul3A_43 : i32
      %add3A_45 = arith.addi %mul3A_42, %mul3A_44 : i32
      "tpu.region"() ({
        %run_scoped3A = tpu.sem_alloc : memref<!tpu.dma_semaphore, #tpu.memory_space<semaphore_mem>>
        %dma_start3A_157 = arith.constant 0 : i32
        %dma_start3A_158 = tpu.memref_slice %arg2[%add3A_45, %dma_start3A_157] : memref<2560x128xi32, #tpu.memory_space<hbm>> -> memref<8x128xi32, #tpu.memory_space<hbm>>
        %dma_start3A_159 = arith.constant 0 : i32
        %dma_start3A_160 = tpu.memref_slice %arg2[%add3A_45, %dma_start3A_159] : memref<2560x128xi32, #tpu.memory_space<hbm>> -> memref<8x128xi32, #tpu.memory_space<hbm>>
        tpu.enqueue_dma source(%dma_start3A_160 : memref<8x128xi32, #tpu.memory_space<hbm>>) target(%arg4 : memref<8x128xi32, #tpu.memory_space<vmem>>) target_semaphore(%run_scoped3A : memref<!tpu.dma_semaphore, #tpu.memory_space<semaphore_mem>>)
        %dma_wait3A_161 = arith.constant 0 : i32
        %dma_wait3A_162 = tpu.memref_slice %arg2[%add3A_45, %dma_wait3A_161] : memref<2560x128xi32, #tpu.memory_space<hbm>> -> memref<8x128xi32, #tpu.memory_space<hbm>>
        %dma_wait3A_163 = arith.constant 0 : i32
        %dma_wait3A_164 = tpu.memref_slice %arg2[%add3A_45, %dma_wait3A_163] : memref<2560x128xi32, #tpu.memory_space<hbm>> -> memref<8x128xi32, #tpu.memory_space<hbm>>
        tpu.wait_dma2 semaphore(%run_scoped3A : memref<!tpu.dma_semaphore, #tpu.memory_space<semaphore_mem>>) src(%dma_wait3A_164 : memref<8x128xi32, #tpu.memory_space<hbm>>) dst(%arg4 : memref<8x128xi32, #tpu.memory_space<vmem>>)
        tpu.yield
      }) : () -> ()
      %dma_start3A = arith.constant 0 : i32
      %dma_start3A_46 = arith.constant 0 : i32
      %dma_start3A_47 = tpu.memref_slice %arg4[%dma_start3A, %dma_start3A_46] : memref<8x128xi32, #tpu.memory_space<vmem>> -> memref<1x128xi32, #tpu.memory_space<vmem>>
      %dma_start3A_48 = tpu.memref_squeeze %dma_start3A_47 : memref<1x128xi32, #tpu.memory_space<vmem>> -> memref<128xi32, #tpu.memory_space<vmem>>
      %dma_start3A_49 = arith.constant 0 : i32
      %dma_start3A_50 = arith.constant 0 : i32
      %dma_start3A_51 = tpu.memref_slice %arg7[%dma_start3A_49, %dma_start3A_50] : memref<10240x128xf32, #tpu.memory_space<vmem_shared>> -> memref<10240x128xf32, #tpu.memory_space<vmem_shared>>
      tpu.enqueue_indirect_dma source(%arg5 : memref<128x128xf32, #tpu.memory_space<vmem>>) target(%dma_start3A_51 : memref<10240x128xf32, #tpu.memory_space<vmem_shared>>) offsets(%dma_start3A_48 : memref<128xi32, #tpu.memory_space<vmem>>) semaphore(%arg6 : memref<!tpu.dma_semaphore, #tpu.memory_space<semaphore_mem>>) {add = true}
      %dma_start3A_52 = arith.constant 1 : i32
      %dma_start3A_53 = arith.constant 0 : i32
      %dma_start3A_54 = tpu.memref_slice %arg4[%dma_start3A_52, %dma_start3A_53] : memref<8x128xi32, #tpu.memory_space<vmem>> -> memref<1x128xi32, #tpu.memory_space<vmem>>
      %dma_start3A_55 = tpu.memref_squeeze %dma_start3A_54 : memref<1x128xi32, #tpu.memory_space<vmem>> -> memref<128xi32, #tpu.memory_space<vmem>>
      %dma_start3A_56 = arith.constant 0 : i32
      %dma_start3A_57 = arith.constant 0 : i32
      %dma_start3A_58 = tpu.memref_slice %arg7[%dma_start3A_56, %dma_start3A_57] : memref<10240x128xf32, #tpu.memory_space<vmem_shared>> -> memref<10240x128xf32, #tpu.memory_space<vmem_shared>>
      tpu.enqueue_indirect_dma source(%arg5 : memref<128x128xf32, #tpu.memory_space<vmem>>) target(%dma_start3A_58 : memref<10240x128xf32, #tpu.memory_space<vmem_shared>>) offsets(%dma_start3A_55 : memref<128xi32, #tpu.memory_space<vmem>>) semaphore(%arg6 : memref<!tpu.dma_semaphore, #tpu.memory_space<semaphore_mem>>) {add = true}
      %dma_start3A_59 = arith.constant 2 : i32
      %dma_start3A_60 = arith.constant 0 : i32
      %dma_start3A_61 = tpu.memref_slice %arg4[%dma_start3A_59, %dma_start3A_60] : memref<8x128xi32, #tpu.memory_space<vmem>> -> memref<1x128xi32, #tpu.memory_space<vmem>>
      %dma_start3A_62 = tpu.memref_squeeze %dma_start3A_61 : memref<1x128xi32, #tpu.memory_space<vmem>> -> memref<128xi32, #tpu.memory_space<vmem>>
      %dma_start3A_63 = arith.constant 0 : i32
      %dma_start3A_64 = arith.constant 0 : i32
      %dma_start3A_65 = tpu.memref_slice %arg7[%dma_start3A_63, %dma_start3A_64] : memref<10240x128xf32, #tpu.memory_space<vmem_shared>> -> memref<10240x128xf32, #tpu.memory_space<vmem_shared>>
      tpu.enqueue_indirect_dma source(%arg5 : memref<128x128xf32, #tpu.memory_space<vmem>>) target(%dma_start3A_65 : memref<10240x128xf32, #tpu.memory_space<vmem_shared>>) offsets(%dma_start3A_62 : memref<128xi32, #tpu.memory_space<vmem>>) semaphore(%arg6 : memref<!tpu.dma_semaphore, #tpu.memory_space<semaphore_mem>>) {add = true}
      %dma_start3A_66 = arith.constant 3 : i32
      %dma_start3A_67 = arith.constant 0 : i32
      %dma_start3A_68 = tpu.memref_slice %arg4[%dma_start3A_66, %dma_start3A_67] : memref<8x128xi32, #tpu.memory_space<vmem>> -> memref<1x128xi32, #tpu.memory_space<vmem>>
      %dma_start3A_69 = tpu.memref_squeeze %dma_start3A_68 : memref<1x128xi32, #tpu.memory_space<vmem>> -> memref<128xi32, #tpu.memory_space<vmem>>
      %dma_start3A_70 = arith.constant 0 : i32
      %dma_start3A_71 = arith.constant 0 : i32
      %dma_start3A_72 = tpu.memref_slice %arg7[%dma_start3A_70, %dma_start3A_71] : memref<10240x128xf32, #tpu.memory_space<vmem_shared>> -> memref<10240x128xf32, #tpu.memory_space<vmem_shared>>
      tpu.enqueue_indirect_dma source(%arg5 : memref<128x128xf32, #tpu.memory_space<vmem>>) target(%dma_start3A_72 : memref<10240x128xf32, #tpu.memory_space<vmem_shared>>) offsets(%dma_start3A_69 : memref<128xi32, #tpu.memory_space<vmem>>) semaphore(%arg6 : memref<!tpu.dma_semaphore, #tpu.memory_space<semaphore_mem>>) {add = true}
      %dma_start3A_73 = arith.constant 4 : i32
      %dma_start3A_74 = arith.constant 0 : i32
      %dma_start3A_75 = tpu.memref_slice %arg4[%dma_start3A_73, %dma_start3A_74] : memref<8x128xi32, #tpu.memory_space<vmem>> -> memref<1x128xi32, #tpu.memory_space<vmem>>
      %dma_start3A_76 = tpu.memref_squeeze %dma_start3A_75 : memref<1x128xi32, #tpu.memory_space<vmem>> -> memref<128xi32, #tpu.memory_space<vmem>>
      %dma_start3A_77 = arith.constant 0 : i32
      %dma_start3A_78 = arith.constant 0 : i32
      %dma_start3A_79 = tpu.memref_slice %arg7[%dma_start3A_77, %dma_start3A_78] : memref<10240x128xf32, #tpu.memory_space<vmem_shared>> -> memref<10240x128xf32, #tpu.memory_space<vmem_shared>>
      tpu.enqueue_indirect_dma source(%arg5 : memref<128x128xf32, #tpu.memory_space<vmem>>) target(%dma_start3A_79 : memref<10240x128xf32, #tpu.memory_space<vmem_shared>>) offsets(%dma_start3A_76 : memref<128xi32, #tpu.memory_space<vmem>>) semaphore(%arg6 : memref<!tpu.dma_semaphore, #tpu.memory_space<semaphore_mem>>) {add = true}
      %dma_start3A_80 = arith.constant 5 : i32
      %dma_start3A_81 = arith.constant 0 : i32
      %dma_start3A_82 = tpu.memref_slice %arg4[%dma_start3A_80, %dma_start3A_81] : memref<8x128xi32, #tpu.memory_space<vmem>> -> memref<1x128xi32, #tpu.memory_space<vmem>>
      %dma_start3A_83 = tpu.memref_squeeze %dma_start3A_82 : memref<1x128xi32, #tpu.memory_space<vmem>> -> memref<128xi32, #tpu.memory_space<vmem>>
      %dma_start3A_84 = arith.constant 0 : i32
      %dma_start3A_85 = arith.constant 0 : i32
      %dma_start3A_86 = tpu.memref_slice %arg7[%dma_start3A_84, %dma_start3A_85] : memref<10240x128xf32, #tpu.memory_space<vmem_shared>> -> memref<10240x128xf32, #tpu.memory_space<vmem_shared>>
      tpu.enqueue_indirect_dma source(%arg5 : memref<128x128xf32, #tpu.memory_space<vmem>>) target(%dma_start3A_86 : memref<10240x128xf32, #tpu.memory_space<vmem_shared>>) offsets(%dma_start3A_83 : memref<128xi32, #tpu.memory_space<vmem>>) semaphore(%arg6 : memref<!tpu.dma_semaphore, #tpu.memory_space<semaphore_mem>>) {add = true}
      %dma_start3A_87 = arith.constant 6 : i32
      %dma_start3A_88 = arith.constant 0 : i32
      %dma_start3A_89 = tpu.memref_slice %arg4[%dma_start3A_87, %dma_start3A_88] : memref<8x128xi32, #tpu.memory_space<vmem>> -> memref<1x128xi32, #tpu.memory_space<vmem>>
      %dma_start3A_90 = tpu.memref_squeeze %dma_start3A_89 : memref<1x128xi32, #tpu.memory_space<vmem>> -> memref<128xi32, #tpu.memory_space<vmem>>
      %dma_start3A_91 = arith.constant 0 : i32
      %dma_start3A_92 = arith.constant 0 : i32
      %dma_start3A_93 = tpu.memref_slice %arg7[%dma_start3A_91, %dma_start3A_92] : memref<10240x128xf32, #tpu.memory_space<vmem_shared>> -> memref<10240x128xf32, #tpu.memory_space<vmem_shared>>
      tpu.enqueue_indirect_dma source(%arg5 : memref<128x128xf32, #tpu.memory_space<vmem>>) target(%dma_start3A_93 : memref<10240x128xf32, #tpu.memory_space<vmem_shared>>) offsets(%dma_start3A_90 : memref<128xi32, #tpu.memory_space<vmem>>) semaphore(%arg6 : memref<!tpu.dma_semaphore, #tpu.memory_space<semaphore_mem>>) {add = true}
      %dma_start3A_94 = arith.constant 7 : i32
      %dma_start3A_95 = arith.constant 0 : i32
      %dma_start3A_96 = tpu.memref_slice %arg4[%dma_start3A_94, %dma_start3A_95] : memref<8x128xi32, #tpu.memory_space<vmem>> -> memref<1x128xi32, #tpu.memory_space<vmem>>
      %dma_start3A_97 = tpu.memref_squeeze %dma_start3A_96 : memref<1x128xi32, #tpu.memory_space<vmem>> -> memref<128xi32, #tpu.memory_space<vmem>>
      %dma_start3A_98 = arith.constant 0 : i32
      %dma_start3A_99 = arith.constant 0 : i32
      %dma_start3A_100 = tpu.memref_slice %arg7[%dma_start3A_98, %dma_start3A_99] : memref<10240x128xf32, #tpu.memory_space<vmem_shared>> -> memref<10240x128xf32, #tpu.memory_space<vmem_shared>>
      tpu.enqueue_indirect_dma source(%arg5 : memref<128x128xf32, #tpu.memory_space<vmem>>) target(%dma_start3A_100 : memref<10240x128xf32, #tpu.memory_space<vmem_shared>>) offsets(%dma_start3A_97 : memref<128xi32, #tpu.memory_space<vmem>>) semaphore(%arg6 : memref<!tpu.dma_semaphore, #tpu.memory_space<semaphore_mem>>) {add = true}
      %dma_wait3A = arith.constant 0 : i32
      %dma_wait3A_101 = arith.constant 0 : i32
      %dma_wait3A_102 = tpu.memref_slice %arg4[%dma_wait3A, %dma_wait3A_101] : memref<8x128xi32, #tpu.memory_space<vmem>> -> memref<1x128xi32, #tpu.memory_space<vmem>>
      %dma_wait3A_103 = tpu.memref_squeeze %dma_wait3A_102 : memref<1x128xi32, #tpu.memory_space<vmem>> -> memref<128xi32, #tpu.memory_space<vmem>>
      %dma_wait3A_104 = arith.constant 0 : i32
      %dma_wait3A_105 = arith.constant 0 : i32
      %dma_wait3A_106 = tpu.memref_slice %arg7[%dma_wait3A_104, %dma_wait3A_105] : memref<10240x128xf32, #tpu.memory_space<vmem_shared>> -> memref<10240x128xf32, #tpu.memory_space<vmem_shared>>
      tpu.wait_indirect_dma semaphore(%arg6 : memref<!tpu.dma_semaphore, #tpu.memory_space<semaphore_mem>>) src(%arg5 : memref<128x128xf32, #tpu.memory_space<vmem>>) dst(%dma_wait3A_106 : memref<10240x128xf32, #tpu.memory_space<vmem_shared>>)
      %dma_wait3A_107 = arith.constant 1 : i32
      %dma_wait3A_108 = arith.constant 0 : i32
      %dma_wait3A_109 = tpu.memref_slice %arg4[%dma_wait3A_107, %dma_wait3A_108] : memref<8x128xi32, #tpu.memory_space<vmem>> -> memref<1x128xi32, #tpu.memory_space<vmem>>
      %dma_wait3A_110 = tpu.memref_squeeze %dma_wait3A_109 : memref<1x128xi32, #tpu.memory_space<vmem>> -> memref<128xi32, #tpu.memory_space<vmem>>
      %dma_wait3A_111 = arith.constant 0 : i32
      %dma_wait3A_112 = arith.constant 0 : i32
      %dma_wait3A_113 = tpu.memref_slice %arg7[%dma_wait3A_111, %dma_wait3A_112] : memref<10240x128xf32, #tpu.memory_space<vmem_shared>> -> memref<10240x128xf32, #tpu.memory_space<vmem_shared>>
      tpu.wait_indirect_dma semaphore(%arg6 : memref<!tpu.dma_semaphore, #tpu.memory_space<semaphore_mem>>) src(%arg5 : memref<128x128xf32, #tpu.memory_space<vmem>>) dst(%dma_wait3A_113 : memref<10240x128xf32, #tpu.memory_space<vmem_shared>>)
      %dma_wait3A_114 = arith.constant 2 : i32
      %dma_wait3A_115 = arith.constant 0 : i32
      %dma_wait3A_116 = tpu.memref_slice %arg4[%dma_wait3A_114, %dma_wait3A_115] : memref<8x128xi32, #tpu.memory_space<vmem>> -> memref<1x128xi32, #tpu.memory_space<vmem>>
      %dma_wait3A_117 = tpu.memref_squeeze %dma_wait3A_116 : memref<1x128xi32, #tpu.memory_space<vmem>> -> memref<128xi32, #tpu.memory_space<vmem>>
      %dma_wait3A_118 = arith.constant 0 : i32
      %dma_wait3A_119 = arith.constant 0 : i32
      %dma_wait3A_120 = tpu.memref_slice %arg7[%dma_wait3A_118, %dma_wait3A_119] : memref<10240x128xf32, #tpu.memory_space<vmem_shared>> -> memref<10240x128xf32, #tpu.memory_space<vmem_shared>>
      tpu.wait_indirect_dma semaphore(%arg6 : memref<!tpu.dma_semaphore, #tpu.memory_space<semaphore_mem>>) src(%arg5 : memref<128x128xf32, #tpu.memory_space<vmem>>) dst(%dma_wait3A_120 : memref<10240x128xf32, #tpu.memory_space<vmem_shared>>)
      %dma_wait3A_121 = arith.constant 3 : i32
      %dma_wait3A_122 = arith.constant 0 : i32
      %dma_wait3A_123 = tpu.memref_slice %arg4[%dma_wait3A_121, %dma_wait3A_122] : memref<8x128xi32, #tpu.memory_space<vmem>> -> memref<1x128xi32, #tpu.memory_space<vmem>>
      %dma_wait3A_124 = tpu.memref_squeeze %dma_wait3A_123 : memref<1x128xi32, #tpu.memory_space<vmem>> -> memref<128xi32, #tpu.memory_space<vmem>>
      %dma_wait3A_125 = arith.constant 0 : i32
      %dma_wait3A_126 = arith.constant 0 : i32
      %dma_wait3A_127 = tpu.memref_slice %arg7[%dma_wait3A_125, %dma_wait3A_126] : memref<10240x128xf32, #tpu.memory_space<vmem_shared>> -> memref<10240x128xf32, #tpu.memory_space<vmem_shared>>
      tpu.wait_indirect_dma semaphore(%arg6 : memref<!tpu.dma_semaphore, #tpu.memory_space<semaphore_mem>>) src(%arg5 : memref<128x128xf32, #tpu.memory_space<vmem>>) dst(%dma_wait3A_127 : memref<10240x128xf32, #tpu.memory_space<vmem_shared>>)
      %dma_wait3A_128 = arith.constant 4 : i32
      %dma_wait3A_129 = arith.constant 0 : i32
      %dma_wait3A_130 = tpu.memref_slice %arg4[%dma_wait3A_128, %dma_wait3A_129] : memref<8x128xi32, #tpu.memory_space<vmem>> -> memref<1x128xi32, #tpu.memory_space<vmem>>
      %dma_wait3A_131 = tpu.memref_squeeze %dma_wait3A_130 : memref<1x128xi32, #tpu.memory_space<vmem>> -> memref<128xi32, #tpu.memory_space<vmem>>
      %dma_wait3A_132 = arith.constant 0 : i32
      %dma_wait3A_133 = arith.constant 0 : i32
      %dma_wait3A_134 = tpu.memref_slice %arg7[%dma_wait3A_132, %dma_wait3A_133] : memref<10240x128xf32, #tpu.memory_space<vmem_shared>> -> memref<10240x128xf32, #tpu.memory_space<vmem_shared>>
      tpu.wait_indirect_dma semaphore(%arg6 : memref<!tpu.dma_semaphore, #tpu.memory_space<semaphore_mem>>) src(%arg5 : memref<128x128xf32, #tpu.memory_space<vmem>>) dst(%dma_wait3A_134 : memref<10240x128xf32, #tpu.memory_space<vmem_shared>>)
      %dma_wait3A_135 = arith.constant 5 : i32
      %dma_wait3A_136 = arith.constant 0 : i32
      %dma_wait3A_137 = tpu.memref_slice %arg4[%dma_wait3A_135, %dma_wait3A_136] : memref<8x128xi32, #tpu.memory_space<vmem>> -> memref<1x128xi32, #tpu.memory_space<vmem>>
      %dma_wait3A_138 = tpu.memref_squeeze %dma_wait3A_137 : memref<1x128xi32, #tpu.memory_space<vmem>> -> memref<128xi32, #tpu.memory_space<vmem>>
      %dma_wait3A_139 = arith.constant 0 : i32
      %dma_wait3A_140 = arith.constant 0 : i32
      %dma_wait3A_141 = tpu.memref_slice %arg7[%dma_wait3A_139, %dma_wait3A_140] : memref<10240x128xf32, #tpu.memory_space<vmem_shared>> -> memref<10240x128xf32, #tpu.memory_space<vmem_shared>>
      tpu.wait_indirect_dma semaphore(%arg6 : memref<!tpu.dma_semaphore, #tpu.memory_space<semaphore_mem>>) src(%arg5 : memref<128x128xf32, #tpu.memory_space<vmem>>) dst(%dma_wait3A_141 : memref<10240x128xf32, #tpu.memory_space<vmem_shared>>)
      %dma_wait3A_142 = arith.constant 6 : i32
      %dma_wait3A_143 = arith.constant 0 : i32
      %dma_wait3A_144 = tpu.memref_slice %arg4[%dma_wait3A_142, %dma_wait3A_143] : memref<8x128xi32, #tpu.memory_space<vmem>> -> memref<1x128xi32, #tpu.memory_space<vmem>>
      %dma_wait3A_145 = tpu.memref_squeeze %dma_wait3A_144 : memref<1x128xi32, #tpu.memory_space<vmem>> -> memref<128xi32, #tpu.memory_space<vmem>>
      %dma_wait3A_146 = arith.constant 0 : i32
      %dma_wait3A_147 = arith.constant 0 : i32
      %dma_wait3A_148 = tpu.memref_slice %arg7[%dma_wait3A_146, %dma_wait3A_147] : memref<10240x128xf32, #tpu.memory_space<vmem_shared>> -> memref<10240x128xf32, #tpu.memory_space<vmem_shared>>
      tpu.wait_indirect_dma semaphore(%arg6 : memref<!tpu.dma_semaphore, #tpu.memory_space<semaphore_mem>>) src(%arg5 : memref<128x128xf32, #tpu.memory_space<vmem>>) dst(%dma_wait3A_148 : memref<10240x128xf32, #tpu.memory_space<vmem_shared>>)
      %dma_wait3A_149 = arith.constant 7 : i32
      %dma_wait3A_150 = arith.constant 0 : i32
      %dma_wait3A_151 = tpu.memref_slice %arg4[%dma_wait3A_149, %dma_wait3A_150] : memref<8x128xi32, #tpu.memory_space<vmem>> -> memref<1x128xi32, #tpu.memory_space<vmem>>
      %dma_wait3A_152 = tpu.memref_squeeze %dma_wait3A_151 : memref<1x128xi32, #tpu.memory_space<vmem>> -> memref<128xi32, #tpu.memory_space<vmem>>
      %dma_wait3A_153 = arith.constant 0 : i32
      %dma_wait3A_154 = arith.constant 0 : i32
      %dma_wait3A_155 = tpu.memref_slice %arg7[%dma_wait3A_153, %dma_wait3A_154] : memref<10240x128xf32, #tpu.memory_space<vmem_shared>> -> memref<10240x128xf32, #tpu.memory_space<vmem_shared>>
      tpu.wait_indirect_dma semaphore(%arg6 : memref<!tpu.dma_semaphore, #tpu.memory_space<semaphore_mem>>) src(%arg5 : memref<128x128xf32, #tpu.memory_space<vmem>>) dst(%dma_wait3A_155 : memref<10240x128xf32, #tpu.memory_space<vmem_shared>>)
      %scan3A_156 = arith.constant 0 : i32
      scf.yield %scan3A_156 : i32
    }
    %scan3A_30 = arith.constant 10 : i32
    %barrier3A_31 = arith.constant 0 : index
    tpu.barrier barrier_id(%barrier3A_31)
    %scan3A_32 = arith.constant 0 : i32
    %scan3A_33 = arith.constant 0 : i32
    %scan3A_34 = arith.constant 5 : i32
    %scan3A_35 = arith.addi %scan3A_33, %scan3A_34 : i32
    %scan3A_36 = arith.constant 1 : i32
    %scan3A_37 = scf.for %scan3A_39 = %scan3A_33 to %scan3A_35 step %scan3A_36 iter_args(%scan3A_40 = %scan3A_32) -> (i32)  : i32 {
      %mul3A_41 = arith.constant 640 : i32
      %mul3A_42 = arith.muli %arg1, %mul3A_41 : i32
      %mul3A_43 = arith.constant 128 : i32
      %mul3A_44 = arith.muli %scan3A_39, %mul3A_43 : i32
      %add3A_45 = arith.addi %mul3A_42, %mul3A_44 : i32
      "tpu.region"() ({
        %run_scoped3A = tpu.sem_alloc : memref<!tpu.dma_semaphore, #tpu.memory_space<semaphore_mem>>
        %dma_start3A = arith.constant 0 : i32
        %dma_start3A_50 = tpu.memref_slice %arg7[%add3A_45, %dma_start3A] : memref<10240x128xf32, #tpu.memory_space<vmem_shared>> -> memref<128x128xf32, #tpu.memory_space<vmem_shared>>
        %dma_start3A_51 = arith.constant 0 : i32
        %dma_start3A_52 = tpu.memref_slice %arg7[%add3A_45, %dma_start3A_51] : memref<10240x128xf32, #tpu.memory_space<vmem_shared>> -> memref<128x128xf32, #tpu.memory_space<vmem_shared>>
        tpu.enqueue_dma source(%dma_start3A_52 : memref<128x128xf32, #tpu.memory_space<vmem_shared>>) target(%arg5 : memref<128x128xf32, #tpu.memory_space<vmem>>) target_semaphore(%run_scoped3A : memref<!tpu.dma_semaphore, #tpu.memory_space<semaphore_mem>>)
        %dma_wait3A = arith.constant 0 : i32
        %dma_wait3A_53 = tpu.memref_slice %arg7[%add3A_45, %dma_wait3A] : memref<10240x128xf32, #tpu.memory_space<vmem_shared>> -> memref<128x128xf32, #tpu.memory_space<vmem_shared>>
        %dma_wait3A_54 = arith.constant 0 : i32
        %dma_wait3A_55 = tpu.memref_slice %arg7[%add3A_45, %dma_wait3A_54] : memref<10240x128xf32, #tpu.memory_space<vmem_shared>> -> memref<128x128xf32, #tpu.memory_space<vmem_shared>>
        tpu.wait_dma2 semaphore(%run_scoped3A : memref<!tpu.dma_semaphore, #tpu.memory_space<semaphore_mem>>) src(%dma_wait3A_55 : memref<128x128xf32, #tpu.memory_space<vmem_shared>>) dst(%arg5 : memref<128x128xf32, #tpu.memory_space<vmem>>)
        tpu.yield
      }) : () -> ()
      %mul3A_46 = arith.constant 10240 : i32
      %mul3A_47 = arith.muli %arg0, %mul3A_46 : i32
      %add3A_48 = arith.addi %mul3A_47, %add3A_45 : i32
      "tpu.region"() ({
        %run_scoped3A = tpu.sem_alloc : memref<!tpu.dma_semaphore, #tpu.memory_space<semaphore_mem>>
        %dma_start3A = arith.constant 0 : i32
        %dma_start3A_50 = tpu.memref_slice %arg3[%add3A_48, %dma_start3A] : memref<20480x128xf32, #tpu.memory_space<hbm>> -> memref<128x128xf32, #tpu.memory_space<hbm>>
        %dma_start3A_51 = arith.constant 0 : i32
        %dma_start3A_52 = tpu.memref_slice %arg3[%add3A_48, %dma_start3A_51] : memref<20480x128xf32, #tpu.memory_space<hbm>> -> memref<128x128xf32, #tpu.memory_space<hbm>>
        tpu.enqueue_dma source(%arg5 : memref<128x128xf32, #tpu.memory_space<vmem>>) target(%dma_start3A_52 : memref<128x128xf32, #tpu.memory_space<hbm>>) target_semaphore(%run_scoped3A : memref<!tpu.dma_semaphore, #tpu.memory_space<semaphore_mem>>)
        %dma_wait3A = arith.constant 0 : i32
        %dma_wait3A_53 = tpu.memref_slice %arg3[%add3A_48, %dma_wait3A] : memref<20480x128xf32, #tpu.memory_space<hbm>> -> memref<128x128xf32, #tpu.memory_space<hbm>>
        %dma_wait3A_54 = arith.constant 0 : i32
        %dma_wait3A_55 = tpu.memref_slice %arg3[%add3A_48, %dma_wait3A_54] : memref<20480x128xf32, #tpu.memory_space<hbm>> -> memref<128x128xf32, #tpu.memory_space<hbm>>
        tpu.wait_dma2 semaphore(%run_scoped3A : memref<!tpu.dma_semaphore, #tpu.memory_space<semaphore_mem>>) src(%arg5 : memref<128x128xf32, #tpu.memory_space<vmem>>) dst(%dma_wait3A_55 : memref<128x128xf32, #tpu.memory_space<hbm>>)
        tpu.yield
      }) : () -> ()
      %scan3A_49 = arith.constant 0 : i32
      scf.yield %scan3A_49 : i32
    }
    %scan3A_38 = arith.constant 5 : i32
    return
  }
}

#map = affine_map<(d0, d1) -> (0, 0)>
module attributes {stable_mosaic.version = 14 : i64} {
  func.func @_scatter_kernel(%arg0: i32, %arg1: i32, %arg2: memref<10240x128xf32, #tpu.memory_space<hbm>>, %arg3: memref<2560x128xi32, #tpu.memory_space<hbm>>, %arg4: memref<2560x128xi32, #tpu.memory_space<hbm>>, %arg5: memref<20480x128xf32, #tpu.memory_space<hbm>>, %arg6: memref<8x128xi32, #tpu.memory_space<vmem>>, %arg7: memref<8x128xi32, #tpu.memory_space<vmem>>, %arg8: memref<128x128xf32, #tpu.memory_space<vmem>>, %arg9: memref<128x128xf32, #tpu.memory_space<vmem>>, %arg10: memref<10240x128xf32, #tpu.memory_space<vmem_shared>>, %arg11: memref<!tpu.dma_semaphore, #tpu.memory_space<semaphore_mem>>, %arg12: memref<!tpu.dma_semaphore, #tpu.memory_space<semaphore_mem>>) attributes {dimension_semantics = [#tpu.dimension_semantics<core_parallel>, #tpu.dimension_semantics<subcore_parallel>], iteration_bounds = array<i64: 2, 16>, scalar_prefetch = 0 : i64, scratch_operands = 7 : i64, tpu.core_type = #tpu.core_type<sc_vector_subcore>, window_params = [{transform_indices = #map}, {transform_indices = #map}, {transform_indices = #map}, {transform_indices = #map}]} {
    %mul3A = arith.constant 16 : i32
    %mul3A_0 = arith.muli %arg0, %mul3A : i32
    %add3A = arith.addi %mul3A_0, %arg1 : i32
    %broadcast_in_dim3A = arith.constant 0.000000e+00 : f32
    %broadcast_in_dim3A_1 = vector.broadcast %broadcast_in_dim3A : f32 to vector<16xf32>
    %scan3A = arith.constant 0 : i32
    %scan3A_2 = arith.constant 0 : i32
    %scan3A_3 = arith.constant 128 : i32
    %scan3A_4 = arith.addi %scan3A_2, %scan3A_3 : i32
    %scan3A_5 = arith.constant 1 : i32
    %scan3A_6 = scf.for %scan3A_111 = %scan3A_2 to %scan3A_4 step %scan3A_5 iter_args(%scan3A_112 = %scan3A) -> (i32)  : i32 {
      %scan3A_113 = arith.constant 0 : i32
      %scan3A_114 = arith.constant 0 : i32
      %scan3A_115 = arith.constant 8 : i32
      %scan3A_116 = arith.addi %scan3A_114, %scan3A_115 : i32
      %scan3A_117 = arith.constant 1 : i32
      %scan3A_118 = scf.for %scan3A_121 = %scan3A_114 to %scan3A_116 step %scan3A_117 iter_args(%scan3A_122 = %scan3A_113) -> (i32)  : i32 {
        %mul3A_123 = arith.constant 16 : i32
        %mul3A_124 = arith.muli %scan3A_121, %mul3A_123 : i32
        %swap3A = arith.index_cast %scan3A_111 : i32 to index
        %swap3A_125 = arith.index_cast %mul3A_124 : i32 to index
        %swap3A_126 = tpu.vector_load %arg8[%swap3A, %swap3A_125] {strides = array<i32>} : memref<128x128xf32, #tpu.memory_space<vmem>>, vector<1x16xf32>,
        %swap3A_127 = vector.shape_cast %swap3A_126 : vector<1x16xf32> to vector<16xf32>
        %swap3A_128 = vector.shape_cast %broadcast_in_dim3A_1 : vector<16xf32> to vector<1x16xf32>
        tpu.vector_store %arg8[%swap3A, %swap3A_125], %swap3A_128 {strides = array<i32>} : memref<128x128xf32, #tpu.memory_space<vmem>>, vector<1x16xf32>,
        %scan3A_129 = arith.constant 0 : i32
        scf.yield %scan3A_129 : i32
      }
      %scan3A_119 = arith.constant 8 : i32
      %scan3A_120 = arith.constant 0 : i32
      scf.yield %scan3A_120 : i32
    }
    %scan3A_7 = arith.constant 128 : i32
    %scan3A_8 = arith.constant 0 : i32
    %scan3A_9 = arith.constant 0 : i32
    %scan3A_10 = arith.constant 5 : i32
    %scan3A_11 = arith.addi %scan3A_9, %scan3A_10 : i32
    %scan3A_12 = arith.constant 1 : i32
    %scan3A_13 = scf.for %scan3A_111 = %scan3A_9 to %scan3A_11 step %scan3A_12 iter_args(%scan3A_112 = %scan3A_8) -> (i32)  : i32 {
      %mul3A_113 = arith.constant 640 : i32
      %mul3A_114 = arith.muli %arg1, %mul3A_113 : i32
      %mul3A_115 = arith.constant 128 : i32
      %mul3A_116 = arith.muli %scan3A_111, %mul3A_115 : i32
      %add3A_117 = arith.addi %mul3A_114, %mul3A_116 : i32
      "tpu.region"() ({
        %run_scoped3A = tpu.sem_alloc : memref<!tpu.dma_semaphore, #tpu.memory_space<semaphore_mem>>
        %dma_start3A_119 = arith.constant 0 : i32
        %dma_start3A_120 = tpu.memref_slice %arg10[%add3A_117, %dma_start3A_119] : memref<10240x128xf32, #tpu.memory_space<vmem_shared>> -> memref<128x128xf32, #tpu.memory_space<vmem_shared>>
        %dma_start3A_121 = arith.constant 0 : i32
        %dma_start3A_122 = tpu.memref_slice %arg10[%add3A_117, %dma_start3A_121] : memref<10240x128xf32, #tpu.memory_space<vmem_shared>> -> memref<128x128xf32, #tpu.memory_space<vmem_shared>>
        tpu.enqueue_dma source(%arg8 : memref<128x128xf32, #tpu.memory_space<vmem>>) target(%dma_start3A_122 : memref<128x128xf32, #tpu.memory_space<vmem_shared>>) target_semaphore(%run_scoped3A : memref<!tpu.dma_semaphore, #tpu.memory_space<semaphore_mem>>)
        %dma_wait3A_123 = arith.constant 0 : i32
        %dma_wait3A_124 = tpu.memref_slice %arg10[%add3A_117, %dma_wait3A_123] : memref<10240x128xf32, #tpu.memory_space<vmem_shared>> -> memref<128x128xf32, #tpu.memory_space<vmem_shared>>
        %dma_wait3A_125 = arith.constant 0 : i32
        %dma_wait3A_126 = tpu.memref_slice %arg10[%add3A_117, %dma_wait3A_125] : memref<10240x128xf32, #tpu.memory_space<vmem_shared>> -> memref<128x128xf32, #tpu.memory_space<vmem_shared>>
        tpu.wait_dma2 semaphore(%run_scoped3A : memref<!tpu.dma_semaphore, #tpu.memory_space<semaphore_mem>>) src(%arg8 : memref<128x128xf32, #tpu.memory_space<vmem>>) dst(%dma_wait3A_126 : memref<128x128xf32, #tpu.memory_space<vmem_shared>>)
        tpu.yield
      }) : () -> ()
      %scan3A_118 = arith.constant 0 : i32
      scf.yield %scan3A_118 : i32
    }
    %scan3A_14 = arith.constant 5 : i32
    %barrier3A = arith.constant 0 : index
    tpu.barrier barrier_id(%barrier3A)
    %eq3A = arith.constant 0 : i32
    %eq3A_15 = arith.cmpi eq, %arg0, %eq3A : i32
    %mul3A_16 = arith.constant 128 : i32
    %mul3A_17 = arith.muli %arg1, %mul3A_16 : i32
    %mul3A_18 = arith.constant 32 : i32
    %mul3A_19 = arith.muli %arg1, %mul3A_18 : i32
    %add3A_20 = arith.constant 2048 : i32
    %add3A_21 = arith.addi %add3A_20, %mul3A_19 : i32
    %select_n3A = arith.select %eq3A_15, %mul3A_17, %add3A_21 : i32
    %eq3A_22 = arith.constant 0 : i32
    %eq3A_23 = arith.cmpi eq, %arg0, %eq3A_22 : i32
    %jit3A = arith.constant 16 : i32
    %jit3A_24 = arith.constant 4 : i32
    %select_n3A_25 = arith.select %eq3A_23, %jit3A, %jit3A_24 : i32
    %while3A = arith.constant 0 : i32
    %while3A_26 = arith.constant 0 : i32
    %while3A_27 = arith.subi %select_n3A_25, %while3A : i32
    %while3A_28 = arith.addi %while3A, %while3A_27 : i32
    %while3A_29 = arith.constant 1 : i32
    %while3A_30 = arith.divsi %while3A_27, %while3A_29 : i32
    %while3A_31 = arith.muli %while3A_30, %while3A_29 : i32
    %while3A_32 = arith.addi %while3A, %while3A_31 : i32
    %while3A_33 = arith.constant 1 : i32
    %while3A_34 = scf.for %while3A_111 = %while3A to %while3A_32 step %while3A_33 iter_args(%while3A_112 = %while3A_26) -> (i32)  : i32 {
      %mul3A_113 = arith.constant 8 : i32
      %mul3A_114 = arith.muli %while3A_111, %mul3A_113 : i32
      %add3A_115 = arith.addi %select_n3A, %mul3A_114 : i32
      "tpu.region"() ({
        %run_scoped3A_236 = tpu.sem_alloc : memref<!tpu.dma_semaphore, #tpu.memory_space<semaphore_mem>>
        %dma_start3A_237 = arith.constant 0 : i32
        %dma_start3A_238 = tpu.memref_slice %arg3[%add3A_115, %dma_start3A_237] : memref<2560x128xi32, #tpu.memory_space<hbm>> -> memref<8x128xi32, #tpu.memory_space<hbm>>
        %dma_start3A_239 = arith.constant 0 : i32
        %dma_start3A_240 = tpu.memref_slice %arg3[%add3A_115, %dma_start3A_239] : memref<2560x128xi32, #tpu.memory_space<hbm>> -> memref<8x128xi32, #tpu.memory_space<hbm>>
        tpu.enqueue_dma source(%dma_start3A_240 : memref<8x128xi32, #tpu.memory_space<hbm>>) target(%arg6 : memref<8x128xi32, #tpu.memory_space<vmem>>) target_semaphore(%run_scoped3A_236 : memref<!tpu.dma_semaphore, #tpu.memory_space<semaphore_mem>>)
        %dma_wait3A_241 = arith.constant 0 : i32
        %dma_wait3A_242 = tpu.memref_slice %arg3[%add3A_115, %dma_wait3A_241] : memref<2560x128xi32, #tpu.memory_space<hbm>> -> memref<8x128xi32, #tpu.memory_space<hbm>>
        %dma_wait3A_243 = arith.constant 0 : i32
        %dma_wait3A_244 = tpu.memref_slice %arg3[%add3A_115, %dma_wait3A_243] : memref<2560x128xi32, #tpu.memory_space<hbm>> -> memref<8x128xi32, #tpu.memory_space<hbm>>
        tpu.wait_dma2 semaphore(%run_scoped3A_236 : memref<!tpu.dma_semaphore, #tpu.memory_space<semaphore_mem>>) src(%dma_wait3A_244 : memref<8x128xi32, #tpu.memory_space<hbm>>) dst(%arg6 : memref<8x128xi32, #tpu.memory_space<vmem>>)
        tpu.yield
      }) : () -> ()
      "tpu.region"() ({
        %run_scoped3A_236 = tpu.sem_alloc : memref<!tpu.dma_semaphore, #tpu.memory_space<semaphore_mem>>
        %dma_start3A_237 = arith.constant 0 : i32
        %dma_start3A_238 = tpu.memref_slice %arg4[%add3A_115, %dma_start3A_237] : memref<2560x128xi32, #tpu.memory_space<hbm>> -> memref<8x128xi32, #tpu.memory_space<hbm>>
        %dma_start3A_239 = arith.constant 0 : i32
        %dma_start3A_240 = tpu.memref_slice %arg4[%add3A_115, %dma_start3A_239] : memref<2560x128xi32, #tpu.memory_space<hbm>> -> memref<8x128xi32, #tpu.memory_space<hbm>>
        tpu.enqueue_dma source(%dma_start3A_240 : memref<8x128xi32, #tpu.memory_space<hbm>>) target(%arg7 : memref<8x128xi32, #tpu.memory_space<vmem>>) target_semaphore(%run_scoped3A_236 : memref<!tpu.dma_semaphore, #tpu.memory_space<semaphore_mem>>)
        %dma_wait3A_241 = arith.constant 0 : i32
        %dma_wait3A_242 = tpu.memref_slice %arg4[%add3A_115, %dma_wait3A_241] : memref<2560x128xi32, #tpu.memory_space<hbm>> -> memref<8x128xi32, #tpu.memory_space<hbm>>
        %dma_wait3A_243 = arith.constant 0 : i32
        %dma_wait3A_244 = tpu.memref_slice %arg4[%add3A_115, %dma_wait3A_243] : memref<2560x128xi32, #tpu.memory_space<hbm>> -> memref<8x128xi32, #tpu.memory_space<hbm>>
        tpu.wait_dma2 semaphore(%run_scoped3A_236 : memref<!tpu.dma_semaphore, #tpu.memory_space<semaphore_mem>>) src(%dma_wait3A_244 : memref<8x128xi32, #tpu.memory_space<hbm>>) dst(%arg7 : memref<8x128xi32, #tpu.memory_space<vmem>>)
        tpu.yield
      }) : () -> ()
      %dma_start3A_116 = arith.constant 0 : i32
      %dma_start3A_117 = arith.constant 0 : i32
      %dma_start3A_118 = tpu.memref_slice %arg6[%dma_start3A_116, %dma_start3A_117] : memref<8x128xi32, #tpu.memory_space<vmem>> -> memref<1x128xi32, #tpu.memory_space<vmem>>
      %dma_start3A_119 = tpu.memref_squeeze %dma_start3A_118 : memref<1x128xi32, #tpu.memory_space<vmem>> -> memref<128xi32, #tpu.memory_space<vmem>>
      %dma_start3A_120 = arith.constant 0 : i32
      %dma_start3A_121 = arith.constant 0 : i32
      %dma_start3A_122 = tpu.memref_slice %arg2[%dma_start3A_120, %dma_start3A_121] : memref<10240x128xf32, #tpu.memory_space<hbm>> -> memref<10240x128xf32, #tpu.memory_space<hbm>>
      tpu.enqueue_indirect_dma source(%dma_start3A_122 : memref<10240x128xf32, #tpu.memory_space<hbm>>) target(%arg8 : memref<128x128xf32, #tpu.memory_space<vmem>>) offsets(%dma_start3A_119 : memref<128xi32, #tpu.memory_space<vmem>>) semaphore(%arg11 : memref<!tpu.dma_semaphore, #tpu.memory_space<semaphore_mem>>)
      %dma_start3A_123 = arith.constant 1 : i32
      %dma_start3A_124 = arith.constant 0 : i32
      %dma_start3A_125 = tpu.memref_slice %arg6[%dma_start3A_123, %dma_start3A_124] : memref<8x128xi32, #tpu.memory_space<vmem>> -> memref<1x128xi32, #tpu.memory_space<vmem>>
      %dma_start3A_126 = tpu.memref_squeeze %dma_start3A_125 : memref<1x128xi32, #tpu.memory_space<vmem>> -> memref<128xi32, #tpu.memory_space<vmem>>
      %dma_start3A_127 = arith.constant 0 : i32
      %dma_start3A_128 = arith.constant 0 : i32
      %dma_start3A_129 = tpu.memref_slice %arg2[%dma_start3A_127, %dma_start3A_128] : memref<10240x128xf32, #tpu.memory_space<hbm>> -> memref<10240x128xf32, #tpu.memory_space<hbm>>
      tpu.enqueue_indirect_dma source(%dma_start3A_129 : memref<10240x128xf32, #tpu.memory_space<hbm>>) target(%arg9 : memref<128x128xf32, #tpu.memory_space<vmem>>) offsets(%dma_start3A_126 : memref<128xi32, #tpu.memory_space<vmem>>) semaphore(%arg12 : memref<!tpu.dma_semaphore, #tpu.memory_space<semaphore_mem>>)
      %dma_wait3A_130 = arith.constant 0 : i32
      %dma_wait3A_131 = arith.constant 0 : i32
      %dma_wait3A_132 = tpu.memref_slice %arg6[%dma_wait3A_130, %dma_wait3A_131] : memref<8x128xi32, #tpu.memory_space<vmem>> -> memref<1x128xi32, #tpu.memory_space<vmem>>
      %dma_wait3A_133 = tpu.memref_squeeze %dma_wait3A_132 : memref<1x128xi32, #tpu.memory_space<vmem>> -> memref<128xi32, #tpu.memory_space<vmem>>
      %dma_wait3A_134 = arith.constant 0 : i32
      %dma_wait3A_135 = arith.constant 0 : i32
      %dma_wait3A_136 = tpu.memref_slice %arg2[%dma_wait3A_134, %dma_wait3A_135] : memref<10240x128xf32, #tpu.memory_space<hbm>> -> memref<10240x128xf32, #tpu.memory_space<hbm>>
      tpu.wait_indirect_dma semaphore(%arg11 : memref<!tpu.dma_semaphore, #tpu.memory_space<semaphore_mem>>) src(%dma_wait3A_136 : memref<10240x128xf32, #tpu.memory_space<hbm>>) dst(%arg8 : memref<128x128xf32, #tpu.memory_space<vmem>>)
      %run_scoped3A = arith.constant 0 : i32
      "tpu.region"() ({
        %run_scoped3A_236 = tpu.sem_alloc : memref<!tpu.dma_semaphore, #tpu.memory_space<semaphore_mem>>
        %dma_start3A_237 = arith.constant 0 : i32
        %dma_start3A_238 = tpu.memref_slice %arg7[%run_scoped3A, %dma_start3A_237] : memref<8x128xi32, #tpu.memory_space<vmem>> -> memref<1x128xi32, #tpu.memory_space<vmem>>
        %dma_start3A_239 = tpu.memref_squeeze %dma_start3A_238 : memref<1x128xi32, #tpu.memory_space<vmem>> -> memref<128xi32, #tpu.memory_space<vmem>>
        %dma_start3A_240 = arith.constant 0 : i32
        %dma_start3A_241 = arith.constant 0 : i32
        %dma_start3A_242 = tpu.memref_slice %arg10[%dma_start3A_240, %dma_start3A_241] : memref<10240x128xf32, #tpu.memory_space<vmem_shared>> -> memref<10240x128xf32, #tpu.memory_space<vmem_shared>>
        tpu.enqueue_indirect_dma source(%arg8 : memref<128x128xf32, #tpu.memory_space<vmem>>) target(%dma_start3A_242 : memref<10240x128xf32, #tpu.memory_space<vmem_shared>>) offsets(%dma_start3A_239 : memref<128xi32, #tpu.memory_space<vmem>>) semaphore(%run_scoped3A_236 : memref<!tpu.dma_semaphore, #tpu.memory_space<semaphore_mem>>) {add = true}
        %dma_wait3A_243 = arith.constant 0 : i32
        %dma_wait3A_244 = tpu.memref_slice %arg7[%run_scoped3A, %dma_wait3A_243] : memref<8x128xi32, #tpu.memory_space<vmem>> -> memref<1x128xi32, #tpu.memory_space<vmem>>
        %dma_wait3A_245 = tpu.memref_squeeze %dma_wait3A_244 : memref<1x128xi32, #tpu.memory_space<vmem>> -> memref<128xi32, #tpu.memory_space<vmem>>
        %dma_wait3A_246 = arith.constant 0 : i32
        %dma_wait3A_247 = arith.constant 0 : i32
        %dma_wait3A_248 = tpu.memref_slice %arg10[%dma_wait3A_246, %dma_wait3A_247] : memref<10240x128xf32, #tpu.memory_space<vmem_shared>> -> memref<10240x128xf32, #tpu.memory_space<vmem_shared>>
        tpu.wait_indirect_dma semaphore(%run_scoped3A_236 : memref<!tpu.dma_semaphore, #tpu.memory_space<semaphore_mem>>) src(%arg8 : memref<128x128xf32, #tpu.memory_space<vmem>>) dst(%dma_wait3A_248 : memref<10240x128xf32, #tpu.memory_space<vmem_shared>>)
        tpu.yield
      }) : () -> ()
      %dma_start3A_137 = arith.constant 2 : i32
      %dma_start3A_138 = arith.constant 0 : i32
      %dma_start3A_139 = tpu.memref_slice %arg6[%dma_start3A_137, %dma_start3A_138] : memref<8x128xi32, #tpu.memory_space<vmem>> -> memref<1x128xi32, #tpu.memory_space<vmem>>
      %dma_start3A_140 = tpu.memref_squeeze %dma_start3A_139 : memref<1x128xi32, #tpu.memory_space<vmem>> -> memref<128xi32, #tpu.memory_space<vmem>>
      %dma_start3A_141 = arith.constant 0 : i32
      %dma_start3A_142 = arith.constant 0 : i32
      %dma_start3A_143 = tpu.memref_slice %arg2[%dma_start3A_141, %dma_start3A_142] : memref<10240x128xf32, #tpu.memory_space<hbm>> -> memref<10240x128xf32, #tpu.memory_space<hbm>>
      tpu.enqueue_indirect_dma source(%dma_start3A_143 : memref<10240x128xf32, #tpu.memory_space<hbm>>) target(%arg8 : memref<128x128xf32, #tpu.memory_space<vmem>>) offsets(%dma_start3A_140 : memref<128xi32, #tpu.memory_space<vmem>>) semaphore(%arg11 : memref<!tpu.dma_semaphore, #tpu.memory_space<semaphore_mem>>)
      %dma_wait3A_144 = arith.constant 1 : i32
      %dma_wait3A_145 = arith.constant 0 : i32
      %dma_wait3A_146 = tpu.memref_slice %arg6[%dma_wait3A_144, %dma_wait3A_145] : memref<8x128xi32, #tpu.memory_space<vmem>> -> memref<1x128xi32, #tpu.memory_space<vmem>>
      %dma_wait3A_147 = tpu.memref_squeeze %dma_wait3A_146 : memref<1x128xi32, #tpu.memory_space<vmem>> -> memref<128xi32, #tpu.memory_space<vmem>>
      %dma_wait3A_148 = arith.constant 0 : i32
      %dma_wait3A_149 = arith.constant 0 : i32
      %dma_wait3A_150 = tpu.memref_slice %arg2[%dma_wait3A_148, %dma_wait3A_149] : memref<10240x128xf32, #tpu.memory_space<hbm>> -> memref<10240x128xf32, #tpu.memory_space<hbm>>
      tpu.wait_indirect_dma semaphore(%arg12 : memref<!tpu.dma_semaphore, #tpu.memory_space<semaphore_mem>>) src(%dma_wait3A_150 : memref<10240x128xf32, #tpu.memory_space<hbm>>) dst(%arg9 : memref<128x128xf32, #tpu.memory_space<vmem>>)
      %run_scoped3A_151 = arith.constant 1 : i32
      "tpu.region"() ({
        %run_scoped3A_236 = tpu.sem_alloc : memref<!tpu.dma_semaphore, #tpu.memory_space<semaphore_mem>>
        %dma_start3A_237 = arith.constant 0 : i32
        %dma_start3A_238 = tpu.memref_slice %arg7[%run_scoped3A_151, %dma_start3A_237] : memref<8x128xi32, #tpu.memory_space<vmem>> -> memref<1x128xi32, #tpu.memory_space<vmem>>
        %dma_start3A_239 = tpu.memref_squeeze %dma_start3A_238 : memref<1x128xi32, #tpu.memory_space<vmem>> -> memref<128xi32, #tpu.memory_space<vmem>>
        %dma_start3A_240 = arith.constant 0 : i32
        %dma_start3A_241 = arith.constant 0 : i32
        %dma_start3A_242 = tpu.memref_slice %arg10[%dma_start3A_240, %dma_start3A_241] : memref<10240x128xf32, #tpu.memory_space<vmem_shared>> -> memref<10240x128xf32, #tpu.memory_space<vmem_shared>>
        tpu.enqueue_indirect_dma source(%arg9 : memref<128x128xf32, #tpu.memory_space<vmem>>) target(%dma_start3A_242 : memref<10240x128xf32, #tpu.memory_space<vmem_shared>>) offsets(%dma_start3A_239 : memref<128xi32, #tpu.memory_space<vmem>>) semaphore(%run_scoped3A_236 : memref<!tpu.dma_semaphore, #tpu.memory_space<semaphore_mem>>) {add = true}
        %dma_wait3A_243 = arith.constant 0 : i32
        %dma_wait3A_244 = tpu.memref_slice %arg7[%run_scoped3A_151, %dma_wait3A_243] : memref<8x128xi32, #tpu.memory_space<vmem>> -> memref<1x128xi32, #tpu.memory_space<vmem>>
        %dma_wait3A_245 = tpu.memref_squeeze %dma_wait3A_244 : memref<1x128xi32, #tpu.memory_space<vmem>> -> memref<128xi32, #tpu.memory_space<vmem>>
        %dma_wait3A_246 = arith.constant 0 : i32
        %dma_wait3A_247 = arith.constant 0 : i32
        %dma_wait3A_248 = tpu.memref_slice %arg10[%dma_wait3A_246, %dma_wait3A_247] : memref<10240x128xf32, #tpu.memory_space<vmem_shared>> -> memref<10240x128xf32, #tpu.memory_space<vmem_shared>>
        tpu.wait_indirect_dma semaphore(%run_scoped3A_236 : memref<!tpu.dma_semaphore, #tpu.memory_space<semaphore_mem>>) src(%arg9 : memref<128x128xf32, #tpu.memory_space<vmem>>) dst(%dma_wait3A_248 : memref<10240x128xf32, #tpu.memory_space<vmem_shared>>)
        tpu.yield
      }) : () -> ()
      %dma_start3A_152 = arith.constant 3 : i32
      %dma_start3A_153 = arith.constant 0 : i32
      %dma_start3A_154 = tpu.memref_slice %arg6[%dma_start3A_152, %dma_start3A_153] : memref<8x128xi32, #tpu.memory_space<vmem>> -> memref<1x128xi32, #tpu.memory_space<vmem>>
      %dma_start3A_155 = tpu.memref_squeeze %dma_start3A_154 : memref<1x128xi32, #tpu.memory_space<vmem>> -> memref<128xi32, #tpu.memory_space<vmem>>
      %dma_start3A_156 = arith.constant 0 : i32
      %dma_start3A_157 = arith.constant 0 : i32
      %dma_start3A_158 = tpu.memref_slice %arg2[%dma_start3A_156, %dma_start3A_157] : memref<10240x128xf32, #tpu.memory_space<hbm>> -> memref<10240x128xf32, #tpu.memory_space<hbm>>
      tpu.enqueue_indirect_dma source(%dma_start3A_158 : memref<10240x128xf32, #tpu.memory_space<hbm>>) target(%arg9 : memref<128x128xf32, #tpu.memory_space<vmem>>) offsets(%dma_start3A_155 : memref<128xi32, #tpu.memory_space<vmem>>) semaphore(%arg12 : memref<!tpu.dma_semaphore, #tpu.memory_space<semaphore_mem>>)
      %dma_wait3A_159 = arith.constant 2 : i32
      %dma_wait3A_160 = arith.constant 0 : i32
      %dma_wait3A_161 = tpu.memref_slice %arg6[%dma_wait3A_159, %dma_wait3A_160] : memref<8x128xi32, #tpu.memory_space<vmem>> -> memref<1x128xi32, #tpu.memory_space<vmem>>
      %dma_wait3A_162 = tpu.memref_squeeze %dma_wait3A_161 : memref<1x128xi32, #tpu.memory_space<vmem>> -> memref<128xi32, #tpu.memory_space<vmem>>
      %dma_wait3A_163 = arith.constant 0 : i32
      %dma_wait3A_164 = arith.constant 0 : i32
      %dma_wait3A_165 = tpu.memref_slice %arg2[%dma_wait3A_163, %dma_wait3A_164] : memref<10240x128xf32, #tpu.memory_space<hbm>> -> memref<10240x128xf32, #tpu.memory_space<hbm>>
      tpu.wait_indirect_dma semaphore(%arg11 : memref<!tpu.dma_semaphore, #tpu.memory_space<semaphore_mem>>) src(%dma_wait3A_165 : memref<10240x128xf32, #tpu.memory_space<hbm>>) dst(%arg8 : memref<128x128xf32, #tpu.memory_space<vmem>>)
      %run_scoped3A_166 = arith.constant 2 : i32
      "tpu.region"() ({
        %run_scoped3A_236 = tpu.sem_alloc : memref<!tpu.dma_semaphore, #tpu.memory_space<semaphore_mem>>
        %dma_start3A_237 = arith.constant 0 : i32
        %dma_start3A_238 = tpu.memref_slice %arg7[%run_scoped3A_166, %dma_start3A_237] : memref<8x128xi32, #tpu.memory_space<vmem>> -> memref<1x128xi32, #tpu.memory_space<vmem>>
        %dma_start3A_239 = tpu.memref_squeeze %dma_start3A_238 : memref<1x128xi32, #tpu.memory_space<vmem>> -> memref<128xi32, #tpu.memory_space<vmem>>
        %dma_start3A_240 = arith.constant 0 : i32
        %dma_start3A_241 = arith.constant 0 : i32
        %dma_start3A_242 = tpu.memref_slice %arg10[%dma_start3A_240, %dma_start3A_241] : memref<10240x128xf32, #tpu.memory_space<vmem_shared>> -> memref<10240x128xf32, #tpu.memory_space<vmem_shared>>
        tpu.enqueue_indirect_dma source(%arg8 : memref<128x128xf32, #tpu.memory_space<vmem>>) target(%dma_start3A_242 : memref<10240x128xf32, #tpu.memory_space<vmem_shared>>) offsets(%dma_start3A_239 : memref<128xi32, #tpu.memory_space<vmem>>) semaphore(%run_scoped3A_236 : memref<!tpu.dma_semaphore, #tpu.memory_space<semaphore_mem>>) {add = true}
        %dma_wait3A_243 = arith.constant 0 : i32
        %dma_wait3A_244 = tpu.memref_slice %arg7[%run_scoped3A_166, %dma_wait3A_243] : memref<8x128xi32, #tpu.memory_space<vmem>> -> memref<1x128xi32, #tpu.memory_space<vmem>>
        %dma_wait3A_245 = tpu.memref_squeeze %dma_wait3A_244 : memref<1x128xi32, #tpu.memory_space<vmem>> -> memref<128xi32, #tpu.memory_space<vmem>>
        %dma_wait3A_246 = arith.constant 0 : i32
        %dma_wait3A_247 = arith.constant 0 : i32
        %dma_wait3A_248 = tpu.memref_slice %arg10[%dma_wait3A_246, %dma_wait3A_247] : memref<10240x128xf32, #tpu.memory_space<vmem_shared>> -> memref<10240x128xf32, #tpu.memory_space<vmem_shared>>
        tpu.wait_indirect_dma semaphore(%run_scoped3A_236 : memref<!tpu.dma_semaphore, #tpu.memory_space<semaphore_mem>>) src(%arg8 : memref<128x128xf32, #tpu.memory_space<vmem>>) dst(%dma_wait3A_248 : memref<10240x128xf32, #tpu.memory_space<vmem_shared>>)
        tpu.yield
      }) : () -> ()
      %dma_start3A_167 = arith.constant 4 : i32
      %dma_start3A_168 = arith.constant 0 : i32
      %dma_start3A_169 = tpu.memref_slice %arg6[%dma_start3A_167, %dma_start3A_168] : memref<8x128xi32, #tpu.memory_space<vmem>> -> memref<1x128xi32, #tpu.memory_space<vmem>>
      %dma_start3A_170 = tpu.memref_squeeze %dma_start3A_169 : memref<1x128xi32, #tpu.memory_space<vmem>> -> memref<128xi32, #tpu.memory_space<vmem>>
      %dma_start3A_171 = arith.constant 0 : i32
      %dma_start3A_172 = arith.constant 0 : i32
      %dma_start3A_173 = tpu.memref_slice %arg2[%dma_start3A_171, %dma_start3A_172] : memref<10240x128xf32, #tpu.memory_space<hbm>> -> memref<10240x128xf32, #tpu.memory_space<hbm>>
      tpu.enqueue_indirect_dma source(%dma_start3A_173 : memref<10240x128xf32, #tpu.memory_space<hbm>>) target(%arg8 : memref<128x128xf32, #tpu.memory_space<vmem>>) offsets(%dma_start3A_170 : memref<128xi32, #tpu.memory_space<vmem>>) semaphore(%arg11 : memref<!tpu.dma_semaphore, #tpu.memory_space<semaphore_mem>>)
      %dma_wait3A_174 = arith.constant 3 : i32
      %dma_wait3A_175 = arith.constant 0 : i32
      %dma_wait3A_176 = tpu.memref_slice %arg6[%dma_wait3A_174, %dma_wait3A_175] : memref<8x128xi32, #tpu.memory_space<vmem>> -> memref<1x128xi32, #tpu.memory_space<vmem>>
      %dma_wait3A_177 = tpu.memref_squeeze %dma_wait3A_176 : memref<1x128xi32, #tpu.memory_space<vmem>> -> memref<128xi32, #tpu.memory_space<vmem>>
      %dma_wait3A_178 = arith.constant 0 : i32
      %dma_wait3A_179 = arith.constant 0 : i32
      %dma_wait3A_180 = tpu.memref_slice %arg2[%dma_wait3A_178, %dma_wait3A_179] : memref<10240x128xf32, #tpu.memory_space<hbm>> -> memref<10240x128xf32, #tpu.memory_space<hbm>>
      tpu.wait_indirect_dma semaphore(%arg12 : memref<!tpu.dma_semaphore, #tpu.memory_space<semaphore_mem>>) src(%dma_wait3A_180 : memref<10240x128xf32, #tpu.memory_space<hbm>>) dst(%arg9 : memref<128x128xf32, #tpu.memory_space<vmem>>)
      %run_scoped3A_181 = arith.constant 3 : i32
      "tpu.region"() ({
        %run_scoped3A_236 = tpu.sem_alloc : memref<!tpu.dma_semaphore, #tpu.memory_space<semaphore_mem>>
        %dma_start3A_237 = arith.constant 0 : i32
        %dma_start3A_238 = tpu.memref_slice %arg7[%run_scoped3A_181, %dma_start3A_237] : memref<8x128xi32, #tpu.memory_space<vmem>> -> memref<1x128xi32, #tpu.memory_space<vmem>>
        %dma_start3A_239 = tpu.memref_squeeze %dma_start3A_238 : memref<1x128xi32, #tpu.memory_space<vmem>> -> memref<128xi32, #tpu.memory_space<vmem>>
        %dma_start3A_240 = arith.constant 0 : i32
        %dma_start3A_241 = arith.constant 0 : i32
        %dma_start3A_242 = tpu.memref_slice %arg10[%dma_start3A_240, %dma_start3A_241] : memref<10240x128xf32, #tpu.memory_space<vmem_shared>> -> memref<10240x128xf32, #tpu.memory_space<vmem_shared>>
        tpu.enqueue_indirect_dma source(%arg9 : memref<128x128xf32, #tpu.memory_space<vmem>>) target(%dma_start3A_242 : memref<10240x128xf32, #tpu.memory_space<vmem_shared>>) offsets(%dma_start3A_239 : memref<128xi32, #tpu.memory_space<vmem>>) semaphore(%run_scoped3A_236 : memref<!tpu.dma_semaphore, #tpu.memory_space<semaphore_mem>>) {add = true}
        %dma_wait3A_243 = arith.constant 0 : i32
        %dma_wait3A_244 = tpu.memref_slice %arg7[%run_scoped3A_181, %dma_wait3A_243] : memref<8x128xi32, #tpu.memory_space<vmem>> -> memref<1x128xi32, #tpu.memory_space<vmem>>
        %dma_wait3A_245 = tpu.memref_squeeze %dma_wait3A_244 : memref<1x128xi32, #tpu.memory_space<vmem>> -> memref<128xi32, #tpu.memory_space<vmem>>
        %dma_wait3A_246 = arith.constant 0 : i32
        %dma_wait3A_247 = arith.constant 0 : i32
        %dma_wait3A_248 = tpu.memref_slice %arg10[%dma_wait3A_246, %dma_wait3A_247] : memref<10240x128xf32, #tpu.memory_space<vmem_shared>> -> memref<10240x128xf32, #tpu.memory_space<vmem_shared>>
        tpu.wait_indirect_dma semaphore(%run_scoped3A_236 : memref<!tpu.dma_semaphore, #tpu.memory_space<semaphore_mem>>) src(%arg9 : memref<128x128xf32, #tpu.memory_space<vmem>>) dst(%dma_wait3A_248 : memref<10240x128xf32, #tpu.memory_space<vmem_shared>>)
        tpu.yield
      }) : () -> ()
      %dma_start3A_182 = arith.constant 5 : i32
      %dma_start3A_183 = arith.constant 0 : i32
      %dma_start3A_184 = tpu.memref_slice %arg6[%dma_start3A_182, %dma_start3A_183] : memref<8x128xi32, #tpu.memory_space<vmem>> -> memref<1x128xi32, #tpu.memory_space<vmem>>
      %dma_start3A_185 = tpu.memref_squeeze %dma_start3A_184 : memref<1x128xi32, #tpu.memory_space<vmem>> -> memref<128xi32, #tpu.memory_space<vmem>>
      %dma_start3A_186 = arith.constant 0 : i32
      %dma_start3A_187 = arith.constant 0 : i32
      %dma_start3A_188 = tpu.memref_slice %arg2[%dma_start3A_186, %dma_start3A_187] : memref<10240x128xf32, #tpu.memory_space<hbm>> -> memref<10240x128xf32, #tpu.memory_space<hbm>>
      tpu.enqueue_indirect_dma source(%dma_start3A_188 : memref<10240x128xf32, #tpu.memory_space<hbm>>) target(%arg9 : memref<128x128xf32, #tpu.memory_space<vmem>>) offsets(%dma_start3A_185 : memref<128xi32, #tpu.memory_space<vmem>>) semaphore(%arg12 : memref<!tpu.dma_semaphore, #tpu.memory_space<semaphore_mem>>)
      %dma_wait3A_189 = arith.constant 4 : i32
      %dma_wait3A_190 = arith.constant 0 : i32
      %dma_wait3A_191 = tpu.memref_slice %arg6[%dma_wait3A_189, %dma_wait3A_190] : memref<8x128xi32, #tpu.memory_space<vmem>> -> memref<1x128xi32, #tpu.memory_space<vmem>>
      %dma_wait3A_192 = tpu.memref_squeeze %dma_wait3A_191 : memref<1x128xi32, #tpu.memory_space<vmem>> -> memref<128xi32, #tpu.memory_space<vmem>>
      %dma_wait3A_193 = arith.constant 0 : i32
      %dma_wait3A_194 = arith.constant 0 : i32
      %dma_wait3A_195 = tpu.memref_slice %arg2[%dma_wait3A_193, %dma_wait3A_194] : memref<10240x128xf32, #tpu.memory_space<hbm>> -> memref<10240x128xf32, #tpu.memory_space<hbm>>
      tpu.wait_indirect_dma semaphore(%arg11 : memref<!tpu.dma_semaphore, #tpu.memory_space<semaphore_mem>>) src(%dma_wait3A_195 : memref<10240x128xf32, #tpu.memory_space<hbm>>) dst(%arg8 : memref<128x128xf32, #tpu.memory_space<vmem>>)
      %run_scoped3A_196 = arith.constant 4 : i32
      "tpu.region"() ({
        %run_scoped3A_236 = tpu.sem_alloc : memref<!tpu.dma_semaphore, #tpu.memory_space<semaphore_mem>>
        %dma_start3A_237 = arith.constant 0 : i32
        %dma_start3A_238 = tpu.memref_slice %arg7[%run_scoped3A_196, %dma_start3A_237] : memref<8x128xi32, #tpu.memory_space<vmem>> -> memref<1x128xi32, #tpu.memory_space<vmem>>
        %dma_start3A_239 = tpu.memref_squeeze %dma_start3A_238 : memref<1x128xi32, #tpu.memory_space<vmem>> -> memref<128xi32, #tpu.memory_space<vmem>>
        %dma_start3A_240 = arith.constant 0 : i32
        %dma_start3A_241 = arith.constant 0 : i32
        %dma_start3A_242 = tpu.memref_slice %arg10[%dma_start3A_240, %dma_start3A_241] : memref<10240x128xf32, #tpu.memory_space<vmem_shared>> -> memref<10240x128xf32, #tpu.memory_space<vmem_shared>>
        tpu.enqueue_indirect_dma source(%arg8 : memref<128x128xf32, #tpu.memory_space<vmem>>) target(%dma_start3A_242 : memref<10240x128xf32, #tpu.memory_space<vmem_shared>>) offsets(%dma_start3A_239 : memref<128xi32, #tpu.memory_space<vmem>>) semaphore(%run_scoped3A_236 : memref<!tpu.dma_semaphore, #tpu.memory_space<semaphore_mem>>) {add = true}
        %dma_wait3A_243 = arith.constant 0 : i32
        %dma_wait3A_244 = tpu.memref_slice %arg7[%run_scoped3A_196, %dma_wait3A_243] : memref<8x128xi32, #tpu.memory_space<vmem>> -> memref<1x128xi32, #tpu.memory_space<vmem>>
        %dma_wait3A_245 = tpu.memref_squeeze %dma_wait3A_244 : memref<1x128xi32, #tpu.memory_space<vmem>> -> memref<128xi32, #tpu.memory_space<vmem>>
        %dma_wait3A_246 = arith.constant 0 : i32
        %dma_wait3A_247 = arith.constant 0 : i32
        %dma_wait3A_248 = tpu.memref_slice %arg10[%dma_wait3A_246, %dma_wait3A_247] : memref<10240x128xf32, #tpu.memory_space<vmem_shared>> -> memref<10240x128xf32, #tpu.memory_space<vmem_shared>>
        tpu.wait_indirect_dma semaphore(%run_scoped3A_236 : memref<!tpu.dma_semaphore, #tpu.memory_space<semaphore_mem>>) src(%arg8 : memref<128x128xf32, #tpu.memory_space<vmem>>) dst(%dma_wait3A_248 : memref<10240x128xf32, #tpu.memory_space<vmem_shared>>)
        tpu.yield
      }) : () -> ()
      %dma_start3A_197 = arith.constant 6 : i32
      %dma_start3A_198 = arith.constant 0 : i32
      %dma_start3A_199 = tpu.memref_slice %arg6[%dma_start3A_197, %dma_start3A_198] : memref<8x128xi32, #tpu.memory_space<vmem>> -> memref<1x128xi32, #tpu.memory_space<vmem>>
      %dma_start3A_200 = tpu.memref_squeeze %dma_start3A_199 : memref<1x128xi32, #tpu.memory_space<vmem>> -> memref<128xi32, #tpu.memory_space<vmem>>
      %dma_start3A_201 = arith.constant 0 : i32
      %dma_start3A_202 = arith.constant 0 : i32
      %dma_start3A_203 = tpu.memref_slice %arg2[%dma_start3A_201, %dma_start3A_202] : memref<10240x128xf32, #tpu.memory_space<hbm>> -> memref<10240x128xf32, #tpu.memory_space<hbm>>
      tpu.enqueue_indirect_dma source(%dma_start3A_203 : memref<10240x128xf32, #tpu.memory_space<hbm>>) target(%arg8 : memref<128x128xf32, #tpu.memory_space<vmem>>) offsets(%dma_start3A_200 : memref<128xi32, #tpu.memory_space<vmem>>) semaphore(%arg11 : memref<!tpu.dma_semaphore, #tpu.memory_space<semaphore_mem>>)
      %dma_wait3A_204 = arith.constant 5 : i32
      %dma_wait3A_205 = arith.constant 0 : i32
      %dma_wait3A_206 = tpu.memref_slice %arg6[%dma_wait3A_204, %dma_wait3A_205] : memref<8x128xi32, #tpu.memory_space<vmem>> -> memref<1x128xi32, #tpu.memory_space<vmem>>
      %dma_wait3A_207 = tpu.memref_squeeze %dma_wait3A_206 : memref<1x128xi32, #tpu.memory_space<vmem>> -> memref<128xi32, #tpu.memory_space<vmem>>
      %dma_wait3A_208 = arith.constant 0 : i32
      %dma_wait3A_209 = arith.constant 0 : i32
      %dma_wait3A_210 = tpu.memref_slice %arg2[%dma_wait3A_208, %dma_wait3A_209] : memref<10240x128xf32, #tpu.memory_space<hbm>> -> memref<10240x128xf32, #tpu.memory_space<hbm>>
      tpu.wait_indirect_dma semaphore(%arg12 : memref<!tpu.dma_semaphore, #tpu.memory_space<semaphore_mem>>) src(%dma_wait3A_210 : memref<10240x128xf32, #tpu.memory_space<hbm>>) dst(%arg9 : memref<128x128xf32, #tpu.memory_space<vmem>>)
      %run_scoped3A_211 = arith.constant 5 : i32
      "tpu.region"() ({
        %run_scoped3A_236 = tpu.sem_alloc : memref<!tpu.dma_semaphore, #tpu.memory_space<semaphore_mem>>
        %dma_start3A_237 = arith.constant 0 : i32
        %dma_start3A_238 = tpu.memref_slice %arg7[%run_scoped3A_211, %dma_start3A_237] : memref<8x128xi32, #tpu.memory_space<vmem>> -> memref<1x128xi32, #tpu.memory_space<vmem>>
        %dma_start3A_239 = tpu.memref_squeeze %dma_start3A_238 : memref<1x128xi32, #tpu.memory_space<vmem>> -> memref<128xi32, #tpu.memory_space<vmem>>
        %dma_start3A_240 = arith.constant 0 : i32
        %dma_start3A_241 = arith.constant 0 : i32
        %dma_start3A_242 = tpu.memref_slice %arg10[%dma_start3A_240, %dma_start3A_241] : memref<10240x128xf32, #tpu.memory_space<vmem_shared>> -> memref<10240x128xf32, #tpu.memory_space<vmem_shared>>
        tpu.enqueue_indirect_dma source(%arg9 : memref<128x128xf32, #tpu.memory_space<vmem>>) target(%dma_start3A_242 : memref<10240x128xf32, #tpu.memory_space<vmem_shared>>) offsets(%dma_start3A_239 : memref<128xi32, #tpu.memory_space<vmem>>) semaphore(%run_scoped3A_236 : memref<!tpu.dma_semaphore, #tpu.memory_space<semaphore_mem>>) {add = true}
        %dma_wait3A_243 = arith.constant 0 : i32
        %dma_wait3A_244 = tpu.memref_slice %arg7[%run_scoped3A_211, %dma_wait3A_243] : memref<8x128xi32, #tpu.memory_space<vmem>> -> memref<1x128xi32, #tpu.memory_space<vmem>>
        %dma_wait3A_245 = tpu.memref_squeeze %dma_wait3A_244 : memref<1x128xi32, #tpu.memory_space<vmem>> -> memref<128xi32, #tpu.memory_space<vmem>>
        %dma_wait3A_246 = arith.constant 0 : i32
        %dma_wait3A_247 = arith.constant 0 : i32
        %dma_wait3A_248 = tpu.memref_slice %arg10[%dma_wait3A_246, %dma_wait3A_247] : memref<10240x128xf32, #tpu.memory_space<vmem_shared>> -> memref<10240x128xf32, #tpu.memory_space<vmem_shared>>
        tpu.wait_indirect_dma semaphore(%run_scoped3A_236 : memref<!tpu.dma_semaphore, #tpu.memory_space<semaphore_mem>>) src(%arg9 : memref<128x128xf32, #tpu.memory_space<vmem>>) dst(%dma_wait3A_248 : memref<10240x128xf32, #tpu.memory_space<vmem_shared>>)
        tpu.yield
      }) : () -> ()
      %dma_start3A_212 = arith.constant 7 : i32
      %dma_start3A_213 = arith.constant 0 : i32
      %dma_start3A_214 = tpu.memref_slice %arg6[%dma_start3A_212, %dma_start3A_213] : memref<8x128xi32, #tpu.memory_space<vmem>> -> memref<1x128xi32, #tpu.memory_space<vmem>>
      %dma_start3A_215 = tpu.memref_squeeze %dma_start3A_214 : memref<1x128xi32, #tpu.memory_space<vmem>> -> memref<128xi32, #tpu.memory_space<vmem>>
      %dma_start3A_216 = arith.constant 0 : i32
      %dma_start3A_217 = arith.constant 0 : i32
      %dma_start3A_218 = tpu.memref_slice %arg2[%dma_start3A_216, %dma_start3A_217] : memref<10240x128xf32, #tpu.memory_space<hbm>> -> memref<10240x128xf32, #tpu.memory_space<hbm>>
      tpu.enqueue_indirect_dma source(%dma_start3A_218 : memref<10240x128xf32, #tpu.memory_space<hbm>>) target(%arg9 : memref<128x128xf32, #tpu.memory_space<vmem>>) offsets(%dma_start3A_215 : memref<128xi32, #tpu.memory_space<vmem>>) semaphore(%arg12 : memref<!tpu.dma_semaphore, #tpu.memory_space<semaphore_mem>>)
      %dma_wait3A_219 = arith.constant 6 : i32
      %dma_wait3A_220 = arith.constant 0 : i32
      %dma_wait3A_221 = tpu.memref_slice %arg6[%dma_wait3A_219, %dma_wait3A_220] : memref<8x128xi32, #tpu.memory_space<vmem>> -> memref<1x128xi32, #tpu.memory_space<vmem>>
      %dma_wait3A_222 = tpu.memref_squeeze %dma_wait3A_221 : memref<1x128xi32, #tpu.memory_space<vmem>> -> memref<128xi32, #tpu.memory_space<vmem>>
      %dma_wait3A_223 = arith.constant 0 : i32
      %dma_wait3A_224 = arith.constant 0 : i32
      %dma_wait3A_225 = tpu.memref_slice %arg2[%dma_wait3A_223, %dma_wait3A_224] : memref<10240x128xf32, #tpu.memory_space<hbm>> -> memref<10240x128xf32, #tpu.memory_space<hbm>>
      tpu.wait_indirect_dma semaphore(%arg11 : memref<!tpu.dma_semaphore, #tpu.memory_space<semaphore_mem>>) src(%dma_wait3A_225 : memref<10240x128xf32, #tpu.memory_space<hbm>>) dst(%arg8 : memref<128x128xf32, #tpu.memory_space<vmem>>)
      %run_scoped3A_226 = arith.constant 6 : i32
      "tpu.region"() ({
        %run_scoped3A_236 = tpu.sem_alloc : memref<!tpu.dma_semaphore, #tpu.memory_space<semaphore_mem>>
        %dma_start3A_237 = arith.constant 0 : i32
        %dma_start3A_238 = tpu.memref_slice %arg7[%run_scoped3A_226, %dma_start3A_237] : memref<8x128xi32, #tpu.memory_space<vmem>> -> memref<1x128xi32, #tpu.memory_space<vmem>>
        %dma_start3A_239 = tpu.memref_squeeze %dma_start3A_238 : memref<1x128xi32, #tpu.memory_space<vmem>> -> memref<128xi32, #tpu.memory_space<vmem>>
        %dma_start3A_240 = arith.constant 0 : i32
        %dma_start3A_241 = arith.constant 0 : i32
        %dma_start3A_242 = tpu.memref_slice %arg10[%dma_start3A_240, %dma_start3A_241] : memref<10240x128xf32, #tpu.memory_space<vmem_shared>> -> memref<10240x128xf32, #tpu.memory_space<vmem_shared>>
        tpu.enqueue_indirect_dma source(%arg8 : memref<128x128xf32, #tpu.memory_space<vmem>>) target(%dma_start3A_242 : memref<10240x128xf32, #tpu.memory_space<vmem_shared>>) offsets(%dma_start3A_239 : memref<128xi32, #tpu.memory_space<vmem>>) semaphore(%run_scoped3A_236 : memref<!tpu.dma_semaphore, #tpu.memory_space<semaphore_mem>>) {add = true}
        %dma_wait3A_243 = arith.constant 0 : i32
        %dma_wait3A_244 = tpu.memref_slice %arg7[%run_scoped3A_226, %dma_wait3A_243] : memref<8x128xi32, #tpu.memory_space<vmem>> -> memref<1x128xi32, #tpu.memory_space<vmem>>
        %dma_wait3A_245 = tpu.memref_squeeze %dma_wait3A_244 : memref<1x128xi32, #tpu.memory_space<vmem>> -> memref<128xi32, #tpu.memory_space<vmem>>
        %dma_wait3A_246 = arith.constant 0 : i32
        %dma_wait3A_247 = arith.constant 0 : i32
        %dma_wait3A_248 = tpu.memref_slice %arg10[%dma_wait3A_246, %dma_wait3A_247] : memref<10240x128xf32, #tpu.memory_space<vmem_shared>> -> memref<10240x128xf32, #tpu.memory_space<vmem_shared>>
        tpu.wait_indirect_dma semaphore(%run_scoped3A_236 : memref<!tpu.dma_semaphore, #tpu.memory_space<semaphore_mem>>) src(%arg8 : memref<128x128xf32, #tpu.memory_space<vmem>>) dst(%dma_wait3A_248 : memref<10240x128xf32, #tpu.memory_space<vmem_shared>>)
        tpu.yield
      }) : () -> ()
      %dma_wait3A_227 = arith.constant 7 : i32
      %dma_wait3A_228 = arith.constant 0 : i32
      %dma_wait3A_229 = tpu.memref_slice %arg6[%dma_wait3A_227, %dma_wait3A_228] : memref<8x128xi32, #tpu.memory_space<vmem>> -> memref<1x128xi32, #tpu.memory_space<vmem>>
      %dma_wait3A_230 = tpu.memref_squeeze %dma_wait3A_229 : memref<1x128xi32, #tpu.memory_space<vmem>> -> memref<128xi32, #tpu.memory_space<vmem>>
      %dma_wait3A_231 = arith.constant 0 : i32
      %dma_wait3A_232 = arith.constant 0 : i32
      %dma_wait3A_233 = tpu.memref_slice %arg2[%dma_wait3A_231, %dma_wait3A_232] : memref<10240x128xf32, #tpu.memory_space<hbm>> -> memref<10240x128xf32, #tpu.memory_space<hbm>>
      tpu.wait_indirect_dma semaphore(%arg12 : memref<!tpu.dma_semaphore, #tpu.memory_space<semaphore_mem>>) src(%dma_wait3A_233 : memref<10240x128xf32, #tpu.memory_space<hbm>>) dst(%arg9 : memref<128x128xf32, #tpu.memory_space<vmem>>)
      %run_scoped3A_234 = arith.constant 7 : i32
      "tpu.region"() ({
        %run_scoped3A_236 = tpu.sem_alloc : memref<!tpu.dma_semaphore, #tpu.memory_space<semaphore_mem>>
        %dma_start3A_237 = arith.constant 0 : i32
        %dma_start3A_238 = tpu.memref_slice %arg7[%run_scoped3A_234, %dma_start3A_237] : memref<8x128xi32, #tpu.memory_space<vmem>> -> memref<1x128xi32, #tpu.memory_space<vmem>>
        %dma_start3A_239 = tpu.memref_squeeze %dma_start3A_238 : memref<1x128xi32, #tpu.memory_space<vmem>> -> memref<128xi32, #tpu.memory_space<vmem>>
        %dma_start3A_240 = arith.constant 0 : i32
        %dma_start3A_241 = arith.constant 0 : i32
        %dma_start3A_242 = tpu.memref_slice %arg10[%dma_start3A_240, %dma_start3A_241] : memref<10240x128xf32, #tpu.memory_space<vmem_shared>> -> memref<10240x128xf32, #tpu.memory_space<vmem_shared>>
        tpu.enqueue_indirect_dma source(%arg9 : memref<128x128xf32, #tpu.memory_space<vmem>>) target(%dma_start3A_242 : memref<10240x128xf32, #tpu.memory_space<vmem_shared>>) offsets(%dma_start3A_239 : memref<128xi32, #tpu.memory_space<vmem>>) semaphore(%run_scoped3A_236 : memref<!tpu.dma_semaphore, #tpu.memory_space<semaphore_mem>>) {add = true}
        %dma_wait3A_243 = arith.constant 0 : i32
        %dma_wait3A_244 = tpu.memref_slice %arg7[%run_scoped3A_234, %dma_wait3A_243] : memref<8x128xi32, #tpu.memory_space<vmem>> -> memref<1x128xi32, #tpu.memory_space<vmem>>
        %dma_wait3A_245 = tpu.memref_squeeze %dma_wait3A_244 : memref<1x128xi32, #tpu.memory_space<vmem>> -> memref<128xi32, #tpu.memory_space<vmem>>
        %dma_wait3A_246 = arith.constant 0 : i32
        %dma_wait3A_247 = arith.constant 0 : i32
        %dma_wait3A_248 = tpu.memref_slice %arg10[%dma_wait3A_246, %dma_wait3A_247] : memref<10240x128xf32, #tpu.memory_space<vmem_shared>> -> memref<10240x128xf32, #tpu.memory_space<vmem_shared>>
        tpu.wait_indirect_dma semaphore(%run_scoped3A_236 : memref<!tpu.dma_semaphore, #tpu.memory_space<semaphore_mem>>) src(%arg9 : memref<128x128xf32, #tpu.memory_space<vmem>>) dst(%dma_wait3A_248 : memref<10240x128xf32, #tpu.memory_space<vmem_shared>>)
        tpu.yield
      }) : () -> ()
      %while3A_235 = arith.constant 0 : i32
      scf.yield %while3A_235 : i32
    }
    %while3A_35 = arith.constant 1 : i32
    %while3A_36 = scf.for %while3A_111 = %while3A_32 to %while3A_28 step %while3A_35 iter_args(%while3A_112 = %while3A_34) -> (i32)  : i32 {
      %mul3A_113 = arith.constant 8 : i32
      %mul3A_114 = arith.muli %while3A_111, %mul3A_113 : i32
      %add3A_115 = arith.addi %select_n3A, %mul3A_114 : i32
      "tpu.region"() ({
        %run_scoped3A_236 = tpu.sem_alloc : memref<!tpu.dma_semaphore, #tpu.memory_space<semaphore_mem>>
        %dma_start3A_237 = arith.constant 0 : i32
        %dma_start3A_238 = tpu.memref_slice %arg3[%add3A_115, %dma_start3A_237] : memref<2560x128xi32, #tpu.memory_space<hbm>> -> memref<8x128xi32, #tpu.memory_space<hbm>>
        %dma_start3A_239 = arith.constant 0 : i32
        %dma_start3A_240 = tpu.memref_slice %arg3[%add3A_115, %dma_start3A_239] : memref<2560x128xi32, #tpu.memory_space<hbm>> -> memref<8x128xi32, #tpu.memory_space<hbm>>
        tpu.enqueue_dma source(%dma_start3A_240 : memref<8x128xi32, #tpu.memory_space<hbm>>) target(%arg6 : memref<8x128xi32, #tpu.memory_space<vmem>>) target_semaphore(%run_scoped3A_236 : memref<!tpu.dma_semaphore, #tpu.memory_space<semaphore_mem>>)
        %dma_wait3A_241 = arith.constant 0 : i32
        %dma_wait3A_242 = tpu.memref_slice %arg3[%add3A_115, %dma_wait3A_241] : memref<2560x128xi32, #tpu.memory_space<hbm>> -> memref<8x128xi32, #tpu.memory_space<hbm>>
        %dma_wait3A_243 = arith.constant 0 : i32
        %dma_wait3A_244 = tpu.memref_slice %arg3[%add3A_115, %dma_wait3A_243] : memref<2560x128xi32, #tpu.memory_space<hbm>> -> memref<8x128xi32, #tpu.memory_space<hbm>>
        tpu.wait_dma2 semaphore(%run_scoped3A_236 : memref<!tpu.dma_semaphore, #tpu.memory_space<semaphore_mem>>) src(%dma_wait3A_244 : memref<8x128xi32, #tpu.memory_space<hbm>>) dst(%arg6 : memref<8x128xi32, #tpu.memory_space<vmem>>)
        tpu.yield
      }) : () -> ()
      "tpu.region"() ({
        %run_scoped3A_236 = tpu.sem_alloc : memref<!tpu.dma_semaphore, #tpu.memory_space<semaphore_mem>>
        %dma_start3A_237 = arith.constant 0 : i32
        %dma_start3A_238 = tpu.memref_slice %arg4[%add3A_115, %dma_start3A_237] : memref<2560x128xi32, #tpu.memory_space<hbm>> -> memref<8x128xi32, #tpu.memory_space<hbm>>
        %dma_start3A_239 = arith.constant 0 : i32
        %dma_start3A_240 = tpu.memref_slice %arg4[%add3A_115, %dma_start3A_239] : memref<2560x128xi32, #tpu.memory_space<hbm>> -> memref<8x128xi32, #tpu.memory_space<hbm>>
        tpu.enqueue_dma source(%dma_start3A_240 : memref<8x128xi32, #tpu.memory_space<hbm>>) target(%arg7 : memref<8x128xi32, #tpu.memory_space<vmem>>) target_semaphore(%run_scoped3A_236 : memref<!tpu.dma_semaphore, #tpu.memory_space<semaphore_mem>>)
        %dma_wait3A_241 = arith.constant 0 : i32
        %dma_wait3A_242 = tpu.memref_slice %arg4[%add3A_115, %dma_wait3A_241] : memref<2560x128xi32, #tpu.memory_space<hbm>> -> memref<8x128xi32, #tpu.memory_space<hbm>>
        %dma_wait3A_243 = arith.constant 0 : i32
        %dma_wait3A_244 = tpu.memref_slice %arg4[%add3A_115, %dma_wait3A_243] : memref<2560x128xi32, #tpu.memory_space<hbm>> -> memref<8x128xi32, #tpu.memory_space<hbm>>
        tpu.wait_dma2 semaphore(%run_scoped3A_236 : memref<!tpu.dma_semaphore, #tpu.memory_space<semaphore_mem>>) src(%dma_wait3A_244 : memref<8x128xi32, #tpu.memory_space<hbm>>) dst(%arg7 : memref<8x128xi32, #tpu.memory_space<vmem>>)
        tpu.yield
      }) : () -> ()
      %dma_start3A_116 = arith.constant 0 : i32
      %dma_start3A_117 = arith.constant 0 : i32
      %dma_start3A_118 = tpu.memref_slice %arg6[%dma_start3A_116, %dma_start3A_117] : memref<8x128xi32, #tpu.memory_space<vmem>> -> memref<1x128xi32, #tpu.memory_space<vmem>>
      %dma_start3A_119 = tpu.memref_squeeze %dma_start3A_118 : memref<1x128xi32, #tpu.memory_space<vmem>> -> memref<128xi32, #tpu.memory_space<vmem>>
      %dma_start3A_120 = arith.constant 0 : i32
      %dma_start3A_121 = arith.constant 0 : i32
      %dma_start3A_122 = tpu.memref_slice %arg2[%dma_start3A_120, %dma_start3A_121] : memref<10240x128xf32, #tpu.memory_space<hbm>> -> memref<10240x128xf32, #tpu.memory_space<hbm>>
      tpu.enqueue_indirect_dma source(%dma_start3A_122 : memref<10240x128xf32, #tpu.memory_space<hbm>>) target(%arg8 : memref<128x128xf32, #tpu.memory_space<vmem>>) offsets(%dma_start3A_119 : memref<128xi32, #tpu.memory_space<vmem>>) semaphore(%arg11 : memref<!tpu.dma_semaphore, #tpu.memory_space<semaphore_mem>>)
      %dma_start3A_123 = arith.constant 1 : i32
      %dma_start3A_124 = arith.constant 0 : i32
      %dma_start3A_125 = tpu.memref_slice %arg6[%dma_start3A_123, %dma_start3A_124] : memref<8x128xi32, #tpu.memory_space<vmem>> -> memref<1x128xi32, #tpu.memory_space<vmem>>
      %dma_start3A_126 = tpu.memref_squeeze %dma_start3A_125 : memref<1x128xi32, #tpu.memory_space<vmem>> -> memref<128xi32, #tpu.memory_space<vmem>>
      %dma_start3A_127 = arith.constant 0 : i32
      %dma_start3A_128 = arith.constant 0 : i32
      %dma_start3A_129 = tpu.memref_slice %arg2[%dma_start3A_127, %dma_start3A_128] : memref<10240x128xf32, #tpu.memory_space<hbm>> -> memref<10240x128xf32, #tpu.memory_space<hbm>>
      tpu.enqueue_indirect_dma source(%dma_start3A_129 : memref<10240x128xf32, #tpu.memory_space<hbm>>) target(%arg9 : memref<128x128xf32, #tpu.memory_space<vmem>>) offsets(%dma_start3A_126 : memref<128xi32, #tpu.memory_space<vmem>>) semaphore(%arg12 : memref<!tpu.dma_semaphore, #tpu.memory_space<semaphore_mem>>)
      %dma_wait3A_130 = arith.constant 0 : i32
      %dma_wait3A_131 = arith.constant 0 : i32
      %dma_wait3A_132 = tpu.memref_slice %arg6[%dma_wait3A_130, %dma_wait3A_131] : memref<8x128xi32, #tpu.memory_space<vmem>> -> memref<1x128xi32, #tpu.memory_space<vmem>>
      %dma_wait3A_133 = tpu.memref_squeeze %dma_wait3A_132 : memref<1x128xi32, #tpu.memory_space<vmem>> -> memref<128xi32, #tpu.memory_space<vmem>>
      %dma_wait3A_134 = arith.constant 0 : i32
      %dma_wait3A_135 = arith.constant 0 : i32
      %dma_wait3A_136 = tpu.memref_slice %arg2[%dma_wait3A_134, %dma_wait3A_135] : memref<10240x128xf32, #tpu.memory_space<hbm>> -> memref<10240x128xf32, #tpu.memory_space<hbm>>
      tpu.wait_indirect_dma semaphore(%arg11 : memref<!tpu.dma_semaphore, #tpu.memory_space<semaphore_mem>>) src(%dma_wait3A_136 : memref<10240x128xf32, #tpu.memory_space<hbm>>) dst(%arg8 : memref<128x128xf32, #tpu.memory_space<vmem>>)
      %run_scoped3A = arith.constant 0 : i32
      "tpu.region"() ({
        %run_scoped3A_236 = tpu.sem_alloc : memref<!tpu.dma_semaphore, #tpu.memory_space<semaphore_mem>>
        %dma_start3A_237 = arith.constant 0 : i32
        %dma_start3A_238 = tpu.memref_slice %arg7[%run_scoped3A, %dma_start3A_237] : memref<8x128xi32, #tpu.memory_space<vmem>> -> memref<1x128xi32, #tpu.memory_space<vmem>>
        %dma_start3A_239 = tpu.memref_squeeze %dma_start3A_238 : memref<1x128xi32, #tpu.memory_space<vmem>> -> memref<128xi32, #tpu.memory_space<vmem>>
        %dma_start3A_240 = arith.constant 0 : i32
        %dma_start3A_241 = arith.constant 0 : i32
        %dma_start3A_242 = tpu.memref_slice %arg10[%dma_start3A_240, %dma_start3A_241] : memref<10240x128xf32, #tpu.memory_space<vmem_shared>> -> memref<10240x128xf32, #tpu.memory_space<vmem_shared>>
        tpu.enqueue_indirect_dma source(%arg8 : memref<128x128xf32, #tpu.memory_space<vmem>>) target(%dma_start3A_242 : memref<10240x128xf32, #tpu.memory_space<vmem_shared>>) offsets(%dma_start3A_239 : memref<128xi32, #tpu.memory_space<vmem>>) semaphore(%run_scoped3A_236 : memref<!tpu.dma_semaphore, #tpu.memory_space<semaphore_mem>>) {add = true}
        %dma_wait3A_243 = arith.constant 0 : i32
        %dma_wait3A_244 = tpu.memref_slice %arg7[%run_scoped3A, %dma_wait3A_243] : memref<8x128xi32, #tpu.memory_space<vmem>> -> memref<1x128xi32, #tpu.memory_space<vmem>>
        %dma_wait3A_245 = tpu.memref_squeeze %dma_wait3A_244 : memref<1x128xi32, #tpu.memory_space<vmem>> -> memref<128xi32, #tpu.memory_space<vmem>>
        %dma_wait3A_246 = arith.constant 0 : i32
        %dma_wait3A_247 = arith.constant 0 : i32
        %dma_wait3A_248 = tpu.memref_slice %arg10[%dma_wait3A_246, %dma_wait3A_247] : memref<10240x128xf32, #tpu.memory_space<vmem_shared>> -> memref<10240x128xf32, #tpu.memory_space<vmem_shared>>
        tpu.wait_indirect_dma semaphore(%run_scoped3A_236 : memref<!tpu.dma_semaphore, #tpu.memory_space<semaphore_mem>>) src(%arg8 : memref<128x128xf32, #tpu.memory_space<vmem>>) dst(%dma_wait3A_248 : memref<10240x128xf32, #tpu.memory_space<vmem_shared>>)
        tpu.yield
      }) : () -> ()
      %dma_start3A_137 = arith.constant 2 : i32
      %dma_start3A_138 = arith.constant 0 : i32
      %dma_start3A_139 = tpu.memref_slice %arg6[%dma_start3A_137, %dma_start3A_138] : memref<8x128xi32, #tpu.memory_space<vmem>> -> memref<1x128xi32, #tpu.memory_space<vmem>>
      %dma_start3A_140 = tpu.memref_squeeze %dma_start3A_139 : memref<1x128xi32, #tpu.memory_space<vmem>> -> memref<128xi32, #tpu.memory_space<vmem>>
      %dma_start3A_141 = arith.constant 0 : i32
      %dma_start3A_142 = arith.constant 0 : i32
      %dma_start3A_143 = tpu.memref_slice %arg2[%dma_start3A_141, %dma_start3A_142] : memref<10240x128xf32, #tpu.memory_space<hbm>> -> memref<10240x128xf32, #tpu.memory_space<hbm>>
      tpu.enqueue_indirect_dma source(%dma_start3A_143 : memref<10240x128xf32, #tpu.memory_space<hbm>>) target(%arg8 : memref<128x128xf32, #tpu.memory_space<vmem>>) offsets(%dma_start3A_140 : memref<128xi32, #tpu.memory_space<vmem>>) semaphore(%arg11 : memref<!tpu.dma_semaphore, #tpu.memory_space<semaphore_mem>>)
      %dma_wait3A_144 = arith.constant 1 : i32
      %dma_wait3A_145 = arith.constant 0 : i32
      %dma_wait3A_146 = tpu.memref_slice %arg6[%dma_wait3A_144, %dma_wait3A_145] : memref<8x128xi32, #tpu.memory_space<vmem>> -> memref<1x128xi32, #tpu.memory_space<vmem>>
      %dma_wait3A_147 = tpu.memref_squeeze %dma_wait3A_146 : memref<1x128xi32, #tpu.memory_space<vmem>> -> memref<128xi32, #tpu.memory_space<vmem>>
      %dma_wait3A_148 = arith.constant 0 : i32
      %dma_wait3A_149 = arith.constant 0 : i32
      %dma_wait3A_150 = tpu.memref_slice %arg2[%dma_wait3A_148, %dma_wait3A_149] : memref<10240x128xf32, #tpu.memory_space<hbm>> -> memref<10240x128xf32, #tpu.memory_space<hbm>>
      tpu.wait_indirect_dma semaphore(%arg12 : memref<!tpu.dma_semaphore, #tpu.memory_space<semaphore_mem>>) src(%dma_wait3A_150 : memref<10240x128xf32, #tpu.memory_space<hbm>>) dst(%arg9 : memref<128x128xf32, #tpu.memory_space<vmem>>)
      %run_scoped3A_151 = arith.constant 1 : i32
      "tpu.region"() ({
        %run_scoped3A_236 = tpu.sem_alloc : memref<!tpu.dma_semaphore, #tpu.memory_space<semaphore_mem>>
        %dma_start3A_237 = arith.constant 0 : i32
        %dma_start3A_238 = tpu.memref_slice %arg7[%run_scoped3A_151, %dma_start3A_237] : memref<8x128xi32, #tpu.memory_space<vmem>> -> memref<1x128xi32, #tpu.memory_space<vmem>>
        %dma_start3A_239 = tpu.memref_squeeze %dma_start3A_238 : memref<1x128xi32, #tpu.memory_space<vmem>> -> memref<128xi32, #tpu.memory_space<vmem>>
        %dma_start3A_240 = arith.constant 0 : i32
        %dma_start3A_241 = arith.constant 0 : i32
        %dma_start3A_242 = tpu.memref_slice %arg10[%dma_start3A_240, %dma_start3A_241] : memref<10240x128xf32, #tpu.memory_space<vmem_shared>> -> memref<10240x128xf32, #tpu.memory_space<vmem_shared>>
        tpu.enqueue_indirect_dma source(%arg9 : memref<128x128xf32, #tpu.memory_space<vmem>>) target(%dma_start3A_242 : memref<10240x128xf32, #tpu.memory_space<vmem_shared>>) offsets(%dma_start3A_239 : memref<128xi32, #tpu.memory_space<vmem>>) semaphore(%run_scoped3A_236 : memref<!tpu.dma_semaphore, #tpu.memory_space<semaphore_mem>>) {add = true}
        %dma_wait3A_243 = arith.constant 0 : i32
        %dma_wait3A_244 = tpu.memref_slice %arg7[%run_scoped3A_151, %dma_wait3A_243] : memref<8x128xi32, #tpu.memory_space<vmem>> -> memref<1x128xi32, #tpu.memory_space<vmem>>
        %dma_wait3A_245 = tpu.memref_squeeze %dma_wait3A_244 : memref<1x128xi32, #tpu.memory_space<vmem>> -> memref<128xi32, #tpu.memory_space<vmem>>
        %dma_wait3A_246 = arith.constant 0 : i32
        %dma_wait3A_247 = arith.constant 0 : i32
        %dma_wait3A_248 = tpu.memref_slice %arg10[%dma_wait3A_246, %dma_wait3A_247] : memref<10240x128xf32, #tpu.memory_space<vmem_shared>> -> memref<10240x128xf32, #tpu.memory_space<vmem_shared>>
        tpu.wait_indirect_dma semaphore(%run_scoped3A_236 : memref<!tpu.dma_semaphore, #tpu.memory_space<semaphore_mem>>) src(%arg9 : memref<128x128xf32, #tpu.memory_space<vmem>>) dst(%dma_wait3A_248 : memref<10240x128xf32, #tpu.memory_space<vmem_shared>>)
        tpu.yield
      }) : () -> ()
      %dma_start3A_152 = arith.constant 3 : i32
      %dma_start3A_153 = arith.constant 0 : i32
      %dma_start3A_154 = tpu.memref_slice %arg6[%dma_start3A_152, %dma_start3A_153] : memref<8x128xi32, #tpu.memory_space<vmem>> -> memref<1x128xi32, #tpu.memory_space<vmem>>
      %dma_start3A_155 = tpu.memref_squeeze %dma_start3A_154 : memref<1x128xi32, #tpu.memory_space<vmem>> -> memref<128xi32, #tpu.memory_space<vmem>>
      %dma_start3A_156 = arith.constant 0 : i32
      %dma_start3A_157 = arith.constant 0 : i32
      %dma_start3A_158 = tpu.memref_slice %arg2[%dma_start3A_156, %dma_start3A_157] : memref<10240x128xf32, #tpu.memory_space<hbm>> -> memref<10240x128xf32, #tpu.memory_space<hbm>>
      tpu.enqueue_indirect_dma source(%dma_start3A_158 : memref<10240x128xf32, #tpu.memory_space<hbm>>) target(%arg9 : memref<128x128xf32, #tpu.memory_space<vmem>>) offsets(%dma_start3A_155 : memref<128xi32, #tpu.memory_space<vmem>>) semaphore(%arg12 : memref<!tpu.dma_semaphore, #tpu.memory_space<semaphore_mem>>)
      %dma_wait3A_159 = arith.constant 2 : i32
      %dma_wait3A_160 = arith.constant 0 : i32
      %dma_wait3A_161 = tpu.memref_slice %arg6[%dma_wait3A_159, %dma_wait3A_160] : memref<8x128xi32, #tpu.memory_space<vmem>> -> memref<1x128xi32, #tpu.memory_space<vmem>>
      %dma_wait3A_162 = tpu.memref_squeeze %dma_wait3A_161 : memref<1x128xi32, #tpu.memory_space<vmem>> -> memref<128xi32, #tpu.memory_space<vmem>>
      %dma_wait3A_163 = arith.constant 0 : i32
      %dma_wait3A_164 = arith.constant 0 : i32
      %dma_wait3A_165 = tpu.memref_slice %arg2[%dma_wait3A_163, %dma_wait3A_164] : memref<10240x128xf32, #tpu.memory_space<hbm>> -> memref<10240x128xf32, #tpu.memory_space<hbm>>
      tpu.wait_indirect_dma semaphore(%arg11 : memref<!tpu.dma_semaphore, #tpu.memory_space<semaphore_mem>>) src(%dma_wait3A_165 : memref<10240x128xf32, #tpu.memory_space<hbm>>) dst(%arg8 : memref<128x128xf32, #tpu.memory_space<vmem>>)
      %run_scoped3A_166 = arith.constant 2 : i32
      "tpu.region"() ({
        %run_scoped3A_236 = tpu.sem_alloc : memref<!tpu.dma_semaphore, #tpu.memory_space<semaphore_mem>>
        %dma_start3A_237 = arith.constant 0 : i32
        %dma_start3A_238 = tpu.memref_slice %arg7[%run_scoped3A_166, %dma_start3A_237] : memref<8x128xi32, #tpu.memory_space<vmem>> -> memref<1x128xi32, #tpu.memory_space<vmem>>
        %dma_start3A_239 = tpu.memref_squeeze %dma_start3A_238 : memref<1x128xi32, #tpu.memory_space<vmem>> -> memref<128xi32, #tpu.memory_space<vmem>>
        %dma_start3A_240 = arith.constant 0 : i32
        %dma_start3A_241 = arith.constant 0 : i32
        %dma_start3A_242 = tpu.memref_slice %arg10[%dma_start3A_240, %dma_start3A_241] : memref<10240x128xf32, #tpu.memory_space<vmem_shared>> -> memref<10240x128xf32, #tpu.memory_space<vmem_shared>>
        tpu.enqueue_indirect_dma source(%arg8 : memref<128x128xf32, #tpu.memory_space<vmem>>) target(%dma_start3A_242 : memref<10240x128xf32, #tpu.memory_space<vmem_shared>>) offsets(%dma_start3A_239 : memref<128xi32, #tpu.memory_space<vmem>>) semaphore(%run_scoped3A_236 : memref<!tpu.dma_semaphore, #tpu.memory_space<semaphore_mem>>) {add = true}
        %dma_wait3A_243 = arith.constant 0 : i32
        %dma_wait3A_244 = tpu.memref_slice %arg7[%run_scoped3A_166, %dma_wait3A_243] : memref<8x128xi32, #tpu.memory_space<vmem>> -> memref<1x128xi32, #tpu.memory_space<vmem>>
        %dma_wait3A_245 = tpu.memref_squeeze %dma_wait3A_244 : memref<1x128xi32, #tpu.memory_space<vmem>> -> memref<128xi32, #tpu.memory_space<vmem>>
        %dma_wait3A_246 = arith.constant 0 : i32
        %dma_wait3A_247 = arith.constant 0 : i32
        %dma_wait3A_248 = tpu.memref_slice %arg10[%dma_wait3A_246, %dma_wait3A_247] : memref<10240x128xf32, #tpu.memory_space<vmem_shared>> -> memref<10240x128xf32, #tpu.memory_space<vmem_shared>>
        tpu.wait_indirect_dma semaphore(%run_scoped3A_236 : memref<!tpu.dma_semaphore, #tpu.memory_space<semaphore_mem>>) src(%arg8 : memref<128x128xf32, #tpu.memory_space<vmem>>) dst(%dma_wait3A_248 : memref<10240x128xf32, #tpu.memory_space<vmem_shared>>)
        tpu.yield
      }) : () -> ()
      %dma_start3A_167 = arith.constant 4 : i32
      %dma_start3A_168 = arith.constant 0 : i32
      %dma_start3A_169 = tpu.memref_slice %arg6[%dma_start3A_167, %dma_start3A_168] : memref<8x128xi32, #tpu.memory_space<vmem>> -> memref<1x128xi32, #tpu.memory_space<vmem>>
      %dma_start3A_170 = tpu.memref_squeeze %dma_start3A_169 : memref<1x128xi32, #tpu.memory_space<vmem>> -> memref<128xi32, #tpu.memory_space<vmem>>
      %dma_start3A_171 = arith.constant 0 : i32
      %dma_start3A_172 = arith.constant 0 : i32
      %dma_start3A_173 = tpu.memref_slice %arg2[%dma_start3A_171, %dma_start3A_172] : memref<10240x128xf32, #tpu.memory_space<hbm>> -> memref<10240x128xf32, #tpu.memory_space<hbm>>
      tpu.enqueue_indirect_dma source(%dma_start3A_173 : memref<10240x128xf32, #tpu.memory_space<hbm>>) target(%arg8 : memref<128x128xf32, #tpu.memory_space<vmem>>) offsets(%dma_start3A_170 : memref<128xi32, #tpu.memory_space<vmem>>) semaphore(%arg11 : memref<!tpu.dma_semaphore, #tpu.memory_space<semaphore_mem>>)
      %dma_wait3A_174 = arith.constant 3 : i32
      %dma_wait3A_175 = arith.constant 0 : i32
      %dma_wait3A_176 = tpu.memref_slice %arg6[%dma_wait3A_174, %dma_wait3A_175] : memref<8x128xi32, #tpu.memory_space<vmem>> -> memref<1x128xi32, #tpu.memory_space<vmem>>
      %dma_wait3A_177 = tpu.memref_squeeze %dma_wait3A_176 : memref<1x128xi32, #tpu.memory_space<vmem>> -> memref<128xi32, #tpu.memory_space<vmem>>
      %dma_wait3A_178 = arith.constant 0 : i32
      %dma_wait3A_179 = arith.constant 0 : i32
      %dma_wait3A_180 = tpu.memref_slice %arg2[%dma_wait3A_178, %dma_wait3A_179] : memref<10240x128xf32, #tpu.memory_space<hbm>> -> memref<10240x128xf32, #tpu.memory_space<hbm>>
      tpu.wait_indirect_dma semaphore(%arg12 : memref<!tpu.dma_semaphore, #tpu.memory_space<semaphore_mem>>) src(%dma_wait3A_180 : memref<10240x128xf32, #tpu.memory_space<hbm>>) dst(%arg9 : memref<128x128xf32, #tpu.memory_space<vmem>>)
      %run_scoped3A_181 = arith.constant 3 : i32
      "tpu.region"() ({
        %run_scoped3A_236 = tpu.sem_alloc : memref<!tpu.dma_semaphore, #tpu.memory_space<semaphore_mem>>
        %dma_start3A_237 = arith.constant 0 : i32
        %dma_start3A_238 = tpu.memref_slice %arg7[%run_scoped3A_181, %dma_start3A_237] : memref<8x128xi32, #tpu.memory_space<vmem>> -> memref<1x128xi32, #tpu.memory_space<vmem>>
        %dma_start3A_239 = tpu.memref_squeeze %dma_start3A_238 : memref<1x128xi32, #tpu.memory_space<vmem>> -> memref<128xi32, #tpu.memory_space<vmem>>
        %dma_start3A_240 = arith.constant 0 : i32
        %dma_start3A_241 = arith.constant 0 : i32
        %dma_start3A_242 = tpu.memref_slice %arg10[%dma_start3A_240, %dma_start3A_241] : memref<10240x128xf32, #tpu.memory_space<vmem_shared>> -> memref<10240x128xf32, #tpu.memory_space<vmem_shared>>
        tpu.enqueue_indirect_dma source(%arg9 : memref<128x128xf32, #tpu.memory_space<vmem>>) target(%dma_start3A_242 : memref<10240x128xf32, #tpu.memory_space<vmem_shared>>) offsets(%dma_start3A_239 : memref<128xi32, #tpu.memory_space<vmem>>) semaphore(%run_scoped3A_236 : memref<!tpu.dma_semaphore, #tpu.memory_space<semaphore_mem>>) {add = true}
        %dma_wait3A_243 = arith.constant 0 : i32
        %dma_wait3A_244 = tpu.memref_slice %arg7[%run_scoped3A_181, %dma_wait3A_243] : memref<8x128xi32, #tpu.memory_space<vmem>> -> memref<1x128xi32, #tpu.memory_space<vmem>>
        %dma_wait3A_245 = tpu.memref_squeeze %dma_wait3A_244 : memref<1x128xi32, #tpu.memory_space<vmem>> -> memref<128xi32, #tpu.memory_space<vmem>>
        %dma_wait3A_246 = arith.constant 0 : i32
        %dma_wait3A_247 = arith.constant 0 : i32
        %dma_wait3A_248 = tpu.memref_slice %arg10[%dma_wait3A_246, %dma_wait3A_247] : memref<10240x128xf32, #tpu.memory_space<vmem_shared>> -> memref<10240x128xf32, #tpu.memory_space<vmem_shared>>
        tpu.wait_indirect_dma semaphore(%run_scoped3A_236 : memref<!tpu.dma_semaphore, #tpu.memory_space<semaphore_mem>>) src(%arg9 : memref<128x128xf32, #tpu.memory_space<vmem>>) dst(%dma_wait3A_248 : memref<10240x128xf32, #tpu.memory_space<vmem_shared>>)
        tpu.yield
      }) : () -> ()
      %dma_start3A_182 = arith.constant 5 : i32
      %dma_start3A_183 = arith.constant 0 : i32
      %dma_start3A_184 = tpu.memref_slice %arg6[%dma_start3A_182, %dma_start3A_183] : memref<8x128xi32, #tpu.memory_space<vmem>> -> memref<1x128xi32, #tpu.memory_space<vmem>>
      %dma_start3A_185 = tpu.memref_squeeze %dma_start3A_184 : memref<1x128xi32, #tpu.memory_space<vmem>> -> memref<128xi32, #tpu.memory_space<vmem>>
      %dma_start3A_186 = arith.constant 0 : i32
      %dma_start3A_187 = arith.constant 0 : i32
      %dma_start3A_188 = tpu.memref_slice %arg2[%dma_start3A_186, %dma_start3A_187] : memref<10240x128xf32, #tpu.memory_space<hbm>> -> memref<10240x128xf32, #tpu.memory_space<hbm>>
      tpu.enqueue_indirect_dma source(%dma_start3A_188 : memref<10240x128xf32, #tpu.memory_space<hbm>>) target(%arg9 : memref<128x128xf32, #tpu.memory_space<vmem>>) offsets(%dma_start3A_185 : memref<128xi32, #tpu.memory_space<vmem>>) semaphore(%arg12 : memref<!tpu.dma_semaphore, #tpu.memory_space<semaphore_mem>>)
      %dma_wait3A_189 = arith.constant 4 : i32
      %dma_wait3A_190 = arith.constant 0 : i32
      %dma_wait3A_191 = tpu.memref_slice %arg6[%dma_wait3A_189, %dma_wait3A_190] : memref<8x128xi32, #tpu.memory_space<vmem>> -> memref<1x128xi32, #tpu.memory_space<vmem>>
      %dma_wait3A_192 = tpu.memref_squeeze %dma_wait3A_191 : memref<1x128xi32, #tpu.memory_space<vmem>> -> memref<128xi32, #tpu.memory_space<vmem>>
      %dma_wait3A_193 = arith.constant 0 : i32
      %dma_wait3A_194 = arith.constant 0 : i32
      %dma_wait3A_195 = tpu.memref_slice %arg2[%dma_wait3A_193, %dma_wait3A_194] : memref<10240x128xf32, #tpu.memory_space<hbm>> -> memref<10240x128xf32, #tpu.memory_space<hbm>>
      tpu.wait_indirect_dma semaphore(%arg11 : memref<!tpu.dma_semaphore, #tpu.memory_space<semaphore_mem>>) src(%dma_wait3A_195 : memref<10240x128xf32, #tpu.memory_space<hbm>>) dst(%arg8 : memref<128x128xf32, #tpu.memory_space<vmem>>)
      %run_scoped3A_196 = arith.constant 4 : i32
      "tpu.region"() ({
        %run_scoped3A_236 = tpu.sem_alloc : memref<!tpu.dma_semaphore, #tpu.memory_space<semaphore_mem>>
        %dma_start3A_237 = arith.constant 0 : i32
        %dma_start3A_238 = tpu.memref_slice %arg7[%run_scoped3A_196, %dma_start3A_237] : memref<8x128xi32, #tpu.memory_space<vmem>> -> memref<1x128xi32, #tpu.memory_space<vmem>>
        %dma_start3A_239 = tpu.memref_squeeze %dma_start3A_238 : memref<1x128xi32, #tpu.memory_space<vmem>> -> memref<128xi32, #tpu.memory_space<vmem>>
        %dma_start3A_240 = arith.constant 0 : i32
        %dma_start3A_241 = arith.constant 0 : i32
        %dma_start3A_242 = tpu.memref_slice %arg10[%dma_start3A_240, %dma_start3A_241] : memref<10240x128xf32, #tpu.memory_space<vmem_shared>> -> memref<10240x128xf32, #tpu.memory_space<vmem_shared>>
        tpu.enqueue_indirect_dma source(%arg8 : memref<128x128xf32, #tpu.memory_space<vmem>>) target(%dma_start3A_242 : memref<10240x128xf32, #tpu.memory_space<vmem_shared>>) offsets(%dma_start3A_239 : memref<128xi32, #tpu.memory_space<vmem>>) semaphore(%run_scoped3A_236 : memref<!tpu.dma_semaphore, #tpu.memory_space<semaphore_mem>>) {add = true}
        %dma_wait3A_243 = arith.constant 0 : i32
        %dma_wait3A_244 = tpu.memref_slice %arg7[%run_scoped3A_196, %dma_wait3A_243] : memref<8x128xi32, #tpu.memory_space<vmem>> -> memref<1x128xi32, #tpu.memory_space<vmem>>
        %dma_wait3A_245 = tpu.memref_squeeze %dma_wait3A_244 : memref<1x128xi32, #tpu.memory_space<vmem>> -> memref<128xi32, #tpu.memory_space<vmem>>
        %dma_wait3A_246 = arith.constant 0 : i32
        %dma_wait3A_247 = arith.constant 0 : i32
        %dma_wait3A_248 = tpu.memref_slice %arg10[%dma_wait3A_246, %dma_wait3A_247] : memref<10240x128xf32, #tpu.memory_space<vmem_shared>> -> memref<10240x128xf32, #tpu.memory_space<vmem_shared>>
        tpu.wait_indirect_dma semaphore(%run_scoped3A_236 : memref<!tpu.dma_semaphore, #tpu.memory_space<semaphore_mem>>) src(%arg8 : memref<128x128xf32, #tpu.memory_space<vmem>>) dst(%dma_wait3A_248 : memref<10240x128xf32, #tpu.memory_space<vmem_shared>>)
        tpu.yield
      }) : () -> ()
      %dma_start3A_197 = arith.constant 6 : i32
      %dma_start3A_198 = arith.constant 0 : i32
      %dma_start3A_199 = tpu.memref_slice %arg6[%dma_start3A_197, %dma_start3A_198] : memref<8x128xi32, #tpu.memory_space<vmem>> -> memref<1x128xi32, #tpu.memory_space<vmem>>
      %dma_start3A_200 = tpu.memref_squeeze %dma_start3A_199 : memref<1x128xi32, #tpu.memory_space<vmem>> -> memref<128xi32, #tpu.memory_space<vmem>>
      %dma_start3A_201 = arith.constant 0 : i32
      %dma_start3A_202 = arith.constant 0 : i32
      %dma_start3A_203 = tpu.memref_slice %arg2[%dma_start3A_201, %dma_start3A_202] : memref<10240x128xf32, #tpu.memory_space<hbm>> -> memref<10240x128xf32, #tpu.memory_space<hbm>>
      tpu.enqueue_indirect_dma source(%dma_start3A_203 : memref<10240x128xf32, #tpu.memory_space<hbm>>) target(%arg8 : memref<128x128xf32, #tpu.memory_space<vmem>>) offsets(%dma_start3A_200 : memref<128xi32, #tpu.memory_space<vmem>>) semaphore(%arg11 : memref<!tpu.dma_semaphore, #tpu.memory_space<semaphore_mem>>)
      %dma_wait3A_204 = arith.constant 5 : i32
      %dma_wait3A_205 = arith.constant 0 : i32
      %dma_wait3A_206 = tpu.memref_slice %arg6[%dma_wait3A_204, %dma_wait3A_205] : memref<8x128xi32, #tpu.memory_space<vmem>> -> memref<1x128xi32, #tpu.memory_space<vmem>>
      %dma_wait3A_207 = tpu.memref_squeeze %dma_wait3A_206 : memref<1x128xi32, #tpu.memory_space<vmem>> -> memref<128xi32, #tpu.memory_space<vmem>>
      %dma_wait3A_208 = arith.constant 0 : i32
      %dma_wait3A_209 = arith.constant 0 : i32
      %dma_wait3A_210 = tpu.memref_slice %arg2[%dma_wait3A_208, %dma_wait3A_209] : memref<10240x128xf32, #tpu.memory_space<hbm>> -> memref<10240x128xf32, #tpu.memory_space<hbm>>
      tpu.wait_indirect_dma semaphore(%arg12 : memref<!tpu.dma_semaphore, #tpu.memory_space<semaphore_mem>>) src(%dma_wait3A_210 : memref<10240x128xf32, #tpu.memory_space<hbm>>) dst(%arg9 : memref<128x128xf32, #tpu.memory_space<vmem>>)
      %run_scoped3A_211 = arith.constant 5 : i32
      "tpu.region"() ({
        %run_scoped3A_236 = tpu.sem_alloc : memref<!tpu.dma_semaphore, #tpu.memory_space<semaphore_mem>>
        %dma_start3A_237 = arith.constant 0 : i32
        %dma_start3A_238 = tpu.memref_slice %arg7[%run_scoped3A_211, %dma_start3A_237] : memref<8x128xi32, #tpu.memory_space<vmem>> -> memref<1x128xi32, #tpu.memory_space<vmem>>
        %dma_start3A_239 = tpu.memref_squeeze %dma_start3A_238 : memref<1x128xi32, #tpu.memory_space<vmem>> -> memref<128xi32, #tpu.memory_space<vmem>>
        %dma_start3A_240 = arith.constant 0 : i32
        %dma_start3A_241 = arith.constant 0 : i32
        %dma_start3A_242 = tpu.memref_slice %arg10[%dma_start3A_240, %dma_start3A_241] : memref<10240x128xf32, #tpu.memory_space<vmem_shared>> -> memref<10240x128xf32, #tpu.memory_space<vmem_shared>>
        tpu.enqueue_indirect_dma source(%arg9 : memref<128x128xf32, #tpu.memory_space<vmem>>) target(%dma_start3A_242 : memref<10240x128xf32, #tpu.memory_space<vmem_shared>>) offsets(%dma_start3A_239 : memref<128xi32, #tpu.memory_space<vmem>>) semaphore(%run_scoped3A_236 : memref<!tpu.dma_semaphore, #tpu.memory_space<semaphore_mem>>) {add = true}
        %dma_wait3A_243 = arith.constant 0 : i32
        %dma_wait3A_244 = tpu.memref_slice %arg7[%run_scoped3A_211, %dma_wait3A_243] : memref<8x128xi32, #tpu.memory_space<vmem>> -> memref<1x128xi32, #tpu.memory_space<vmem>>
        %dma_wait3A_245 = tpu.memref_squeeze %dma_wait3A_244 : memref<1x128xi32, #tpu.memory_space<vmem>> -> memref<128xi32, #tpu.memory_space<vmem>>
        %dma_wait3A_246 = arith.constant 0 : i32
        %dma_wait3A_247 = arith.constant 0 : i32
        %dma_wait3A_248 = tpu.memref_slice %arg10[%dma_wait3A_246, %dma_wait3A_247] : memref<10240x128xf32, #tpu.memory_space<vmem_shared>> -> memref<10240x128xf32, #tpu.memory_space<vmem_shared>>
        tpu.wait_indirect_dma semaphore(%run_scoped3A_236 : memref<!tpu.dma_semaphore, #tpu.memory_space<semaphore_mem>>) src(%arg9 : memref<128x128xf32, #tpu.memory_space<vmem>>) dst(%dma_wait3A_248 : memref<10240x128xf32, #tpu.memory_space<vmem_shared>>)
        tpu.yield
      }) : () -> ()
      %dma_start3A_212 = arith.constant 7 : i32
      %dma_start3A_213 = arith.constant 0 : i32
      %dma_start3A_214 = tpu.memref_slice %arg6[%dma_start3A_212, %dma_start3A_213] : memref<8x128xi32, #tpu.memory_space<vmem>> -> memref<1x128xi32, #tpu.memory_space<vmem>>
      %dma_start3A_215 = tpu.memref_squeeze %dma_start3A_214 : memref<1x128xi32, #tpu.memory_space<vmem>> -> memref<128xi32, #tpu.memory_space<vmem>>
      %dma_start3A_216 = arith.constant 0 : i32
      %dma_start3A_217 = arith.constant 0 : i32
      %dma_start3A_218 = tpu.memref_slice %arg2[%dma_start3A_216, %dma_start3A_217] : memref<10240x128xf32, #tpu.memory_space<hbm>> -> memref<10240x128xf32, #tpu.memory_space<hbm>>
      tpu.enqueue_indirect_dma source(%dma_start3A_218 : memref<10240x128xf32, #tpu.memory_space<hbm>>) target(%arg9 : memref<128x128xf32, #tpu.memory_space<vmem>>) offsets(%dma_start3A_215 : memref<128xi32, #tpu.memory_space<vmem>>) semaphore(%arg12 : memref<!tpu.dma_semaphore, #tpu.memory_space<semaphore_mem>>)
      %dma_wait3A_219 = arith.constant 6 : i32
      %dma_wait3A_220 = arith.constant 0 : i32
      %dma_wait3A_221 = tpu.memref_slice %arg6[%dma_wait3A_219, %dma_wait3A_220] : memref<8x128xi32, #tpu.memory_space<vmem>> -> memref<1x128xi32, #tpu.memory_space<vmem>>
      %dma_wait3A_222 = tpu.memref_squeeze %dma_wait3A_221 : memref<1x128xi32, #tpu.memory_space<vmem>> -> memref<128xi32, #tpu.memory_space<vmem>>
      %dma_wait3A_223 = arith.constant 0 : i32
      %dma_wait3A_224 = arith.constant 0 : i32
      %dma_wait3A_225 = tpu.memref_slice %arg2[%dma_wait3A_223, %dma_wait3A_224] : memref<10240x128xf32, #tpu.memory_space<hbm>> -> memref<10240x128xf32, #tpu.memory_space<hbm>>
      tpu.wait_indirect_dma semaphore(%arg11 : memref<!tpu.dma_semaphore, #tpu.memory_space<semaphore_mem>>) src(%dma_wait3A_225 : memref<10240x128xf32, #tpu.memory_space<hbm>>) dst(%arg8 : memref<128x128xf32, #tpu.memory_space<vmem>>)
      %run_scoped3A_226 = arith.constant 6 : i32
      "tpu.region"() ({
        %run_scoped3A_236 = tpu.sem_alloc : memref<!tpu.dma_semaphore, #tpu.memory_space<semaphore_mem>>
        %dma_start3A_237 = arith.constant 0 : i32
        %dma_start3A_238 = tpu.memref_slice %arg7[%run_scoped3A_226, %dma_start3A_237] : memref<8x128xi32, #tpu.memory_space<vmem>> -> memref<1x128xi32, #tpu.memory_space<vmem>>
        %dma_start3A_239 = tpu.memref_squeeze %dma_start3A_238 : memref<1x128xi32, #tpu.memory_space<vmem>> -> memref<128xi32, #tpu.memory_space<vmem>>
        %dma_start3A_240 = arith.constant 0 : i32
        %dma_start3A_241 = arith.constant 0 : i32
        %dma_start3A_242 = tpu.memref_slice %arg10[%dma_start3A_240, %dma_start3A_241] : memref<10240x128xf32, #tpu.memory_space<vmem_shared>> -> memref<10240x128xf32, #tpu.memory_space<vmem_shared>>
        tpu.enqueue_indirect_dma source(%arg8 : memref<128x128xf32, #tpu.memory_space<vmem>>) target(%dma_start3A_242 : memref<10240x128xf32, #tpu.memory_space<vmem_shared>>) offsets(%dma_start3A_239 : memref<128xi32, #tpu.memory_space<vmem>>) semaphore(%run_scoped3A_236 : memref<!tpu.dma_semaphore, #tpu.memory_space<semaphore_mem>>) {add = true}
        %dma_wait3A_243 = arith.constant 0 : i32
        %dma_wait3A_244 = tpu.memref_slice %arg7[%run_scoped3A_226, %dma_wait3A_243] : memref<8x128xi32, #tpu.memory_space<vmem>> -> memref<1x128xi32, #tpu.memory_space<vmem>>
        %dma_wait3A_245 = tpu.memref_squeeze %dma_wait3A_244 : memref<1x128xi32, #tpu.memory_space<vmem>> -> memref<128xi32, #tpu.memory_space<vmem>>
        %dma_wait3A_246 = arith.constant 0 : i32
        %dma_wait3A_247 = arith.constant 0 : i32
        %dma_wait3A_248 = tpu.memref_slice %arg10[%dma_wait3A_246, %dma_wait3A_247] : memref<10240x128xf32, #tpu.memory_space<vmem_shared>> -> memref<10240x128xf32, #tpu.memory_space<vmem_shared>>
        tpu.wait_indirect_dma semaphore(%run_scoped3A_236 : memref<!tpu.dma_semaphore, #tpu.memory_space<semaphore_mem>>) src(%arg8 : memref<128x128xf32, #tpu.memory_space<vmem>>) dst(%dma_wait3A_248 : memref<10240x128xf32, #tpu.memory_space<vmem_shared>>)
        tpu.yield
      }) : () -> ()
      %dma_wait3A_227 = arith.constant 7 : i32
      %dma_wait3A_228 = arith.constant 0 : i32
      %dma_wait3A_229 = tpu.memref_slice %arg6[%dma_wait3A_227, %dma_wait3A_228] : memref<8x128xi32, #tpu.memory_space<vmem>> -> memref<1x128xi32, #tpu.memory_space<vmem>>
      %dma_wait3A_230 = tpu.memref_squeeze %dma_wait3A_229 : memref<1x128xi32, #tpu.memory_space<vmem>> -> memref<128xi32, #tpu.memory_space<vmem>>
      %dma_wait3A_231 = arith.constant 0 : i32
      %dma_wait3A_232 = arith.constant 0 : i32
      %dma_wait3A_233 = tpu.memref_slice %arg2[%dma_wait3A_231, %dma_wait3A_232] : memref<10240x128xf32, #tpu.memory_space<hbm>> -> memref<10240x128xf32, #tpu.memory_space<hbm>>
      tpu.wait_indirect_dma semaphore(%arg12 : memref<!tpu.dma_semaphore, #tpu.memory_space<semaphore_mem>>) src(%dma_wait3A_233 : memref<10240x128xf32, #tpu.memory_space<hbm>>) dst(%arg9 : memref<128x128xf32, #tpu.memory_space<vmem>>)
      %run_scoped3A_234 = arith.constant 7 : i32
      "tpu.region"() ({
        %run_scoped3A_236 = tpu.sem_alloc : memref<!tpu.dma_semaphore, #tpu.memory_space<semaphore_mem>>
        %dma_start3A_237 = arith.constant 0 : i32
        %dma_start3A_238 = tpu.memref_slice %arg7[%run_scoped3A_234, %dma_start3A_237] : memref<8x128xi32, #tpu.memory_space<vmem>> -> memref<1x128xi32, #tpu.memory_space<vmem>>
        %dma_start3A_239 = tpu.memref_squeeze %dma_start3A_238 : memref<1x128xi32, #tpu.memory_space<vmem>> -> memref<128xi32, #tpu.memory_space<vmem>>
        %dma_start3A_240 = arith.constant 0 : i32
        %dma_start3A_241 = arith.constant 0 : i32
        %dma_start3A_242 = tpu.memref_slice %arg10[%dma_start3A_240, %dma_start3A_241] : memref<10240x128xf32, #tpu.memory_space<vmem_shared>> -> memref<10240x128xf32, #tpu.memory_space<vmem_shared>>
        tpu.enqueue_indirect_dma source(%arg9 : memref<128x128xf32, #tpu.memory_space<vmem>>) target(%dma_start3A_242 : memref<10240x128xf32, #tpu.memory_space<vmem_shared>>) offsets(%dma_start3A_239 : memref<128xi32, #tpu.memory_space<vmem>>) semaphore(%run_scoped3A_236 : memref<!tpu.dma_semaphore, #tpu.memory_space<semaphore_mem>>) {add = true}
        %dma_wait3A_243 = arith.constant 0 : i32
        %dma_wait3A_244 = tpu.memref_slice %arg7[%run_scoped3A_234, %dma_wait3A_243] : memref<8x128xi32, #tpu.memory_space<vmem>> -> memref<1x128xi32, #tpu.memory_space<vmem>>
        %dma_wait3A_245 = tpu.memref_squeeze %dma_wait3A_244 : memref<1x128xi32, #tpu.memory_space<vmem>> -> memref<128xi32, #tpu.memory_space<vmem>>
        %dma_wait3A_246 = arith.constant 0 : i32
        %dma_wait3A_247 = arith.constant 0 : i32
        %dma_wait3A_248 = tpu.memref_slice %arg10[%dma_wait3A_246, %dma_wait3A_247] : memref<10240x128xf32, #tpu.memory_space<vmem_shared>> -> memref<10240x128xf32, #tpu.memory_space<vmem_shared>>
        tpu.wait_indirect_dma semaphore(%run_scoped3A_236 : memref<!tpu.dma_semaphore, #tpu.memory_space<semaphore_mem>>) src(%arg9 : memref<128x128xf32, #tpu.memory_space<vmem>>) dst(%dma_wait3A_248 : memref<10240x128xf32, #tpu.memory_space<vmem_shared>>)
        tpu.yield
      }) : () -> ()
      %while3A_235 = arith.constant 0 : i32
      scf.yield %while3A_235 : i32
    }
    %barrier3A_37 = arith.constant 0 : index
    tpu.barrier barrier_id(%barrier3A_37)
    %mul3A_38 = arith.constant 640 : i32
    %mul3A_39 = arith.muli %arg1, %mul3A_38 : i32
    %add3A_40 = arith.constant 0 : i32
    %add3A_41 = arith.addi %mul3A_39, %add3A_40 : i32
    "tpu.region"() ({
      %run_scoped3A = tpu.sem_alloc : memref<!tpu.dma_semaphore, #tpu.memory_space<semaphore_mem>>
      %dma_start3A_111 = arith.constant 0 : i32
      %dma_start3A_112 = tpu.memref_slice %arg10[%add3A_41, %dma_start3A_111] : memref<10240x128xf32, #tpu.memory_space<vmem_shared>> -> memref<128x128xf32, #tpu.memory_space<vmem_shared>>
      %dma_start3A_113 = arith.constant 0 : i32
      %dma_start3A_114 = tpu.memref_slice %arg10[%add3A_41, %dma_start3A_113] : memref<10240x128xf32, #tpu.memory_space<vmem_shared>> -> memref<128x128xf32, #tpu.memory_space<vmem_shared>>
      tpu.enqueue_dma source(%dma_start3A_114 : memref<128x128xf32, #tpu.memory_space<vmem_shared>>) target(%arg8 : memref<128x128xf32, #tpu.memory_space<vmem>>) target_semaphore(%run_scoped3A : memref<!tpu.dma_semaphore, #tpu.memory_space<semaphore_mem>>)
      %dma_wait3A_115 = arith.constant 0 : i32
      %dma_wait3A_116 = tpu.memref_slice %arg10[%add3A_41, %dma_wait3A_115] : memref<10240x128xf32, #tpu.memory_space<vmem_shared>> -> memref<128x128xf32, #tpu.memory_space<vmem_shared>>
      %dma_wait3A_117 = arith.constant 0 : i32
      %dma_wait3A_118 = tpu.memref_slice %arg10[%add3A_41, %dma_wait3A_117] : memref<10240x128xf32, #tpu.memory_space<vmem_shared>> -> memref<128x128xf32, #tpu.memory_space<vmem_shared>>
      tpu.wait_dma2 semaphore(%run_scoped3A : memref<!tpu.dma_semaphore, #tpu.memory_space<semaphore_mem>>) src(%dma_wait3A_118 : memref<128x128xf32, #tpu.memory_space<vmem_shared>>) dst(%arg8 : memref<128x128xf32, #tpu.memory_space<vmem>>)
      tpu.yield
    }) : () -> ()
    %mul3A_42 = arith.constant 10240 : i32
    %mul3A_43 = arith.muli %arg0, %mul3A_42 : i32
    %add3A_44 = arith.addi %mul3A_43, %add3A_41 : i32
    %dma_start3A = arith.constant 0 : i32
    %dma_start3A_45 = tpu.memref_slice %arg5[%add3A_44, %dma_start3A] : memref<20480x128xf32, #tpu.memory_space<hbm>> -> memref<128x128xf32, #tpu.memory_space<hbm>>
    %dma_start3A_46 = arith.constant 0 : i32
    %dma_start3A_47 = tpu.memref_slice %arg5[%add3A_44, %dma_start3A_46] : memref<20480x128xf32, #tpu.memory_space<hbm>> -> memref<128x128xf32, #tpu.memory_space<hbm>>
    tpu.enqueue_dma source(%arg8 : memref<128x128xf32, #tpu.memory_space<vmem>>) target(%dma_start3A_47 : memref<128x128xf32, #tpu.memory_space<hbm>>) target_semaphore(%arg11 : memref<!tpu.dma_semaphore, #tpu.memory_space<semaphore_mem>>)
    %mul3A_48 = arith.constant 640 : i32
    %mul3A_49 = arith.muli %arg1, %mul3A_48 : i32
    %add3A_50 = arith.constant 128 : i32
    %add3A_51 = arith.addi %mul3A_49, %add3A_50 : i32
    "tpu.region"() ({
      %run_scoped3A = tpu.sem_alloc : memref<!tpu.dma_semaphore, #tpu.memory_space<semaphore_mem>>
      %dma_start3A_111 = arith.constant 0 : i32
      %dma_start3A_112 = tpu.memref_slice %arg10[%add3A_51, %dma_start3A_111] : memref<10240x128xf32, #tpu.memory_space<vmem_shared>> -> memref<128x128xf32, #tpu.memory_space<vmem_shared>>
      %dma_start3A_113 = arith.constant 0 : i32
      %dma_start3A_114 = tpu.memref_slice %arg10[%add3A_51, %dma_start3A_113] : memref<10240x128xf32, #tpu.memory_space<vmem_shared>> -> memref<128x128xf32, #tpu.memory_space<vmem_shared>>
      tpu.enqueue_dma source(%dma_start3A_114 : memref<128x128xf32, #tpu.memory_space<vmem_shared>>) target(%arg9 : memref<128x128xf32, #tpu.memory_space<vmem>>) target_semaphore(%run_scoped3A : memref<!tpu.dma_semaphore, #tpu.memory_space<semaphore_mem>>)
      %dma_wait3A_115 = arith.constant 0 : i32
      %dma_wait3A_116 = tpu.memref_slice %arg10[%add3A_51, %dma_wait3A_115] : memref<10240x128xf32, #tpu.memory_space<vmem_shared>> -> memref<128x128xf32, #tpu.memory_space<vmem_shared>>
      %dma_wait3A_117 = arith.constant 0 : i32
      %dma_wait3A_118 = tpu.memref_slice %arg10[%add3A_51, %dma_wait3A_117] : memref<10240x128xf32, #tpu.memory_space<vmem_shared>> -> memref<128x128xf32, #tpu.memory_space<vmem_shared>>
      tpu.wait_dma2 semaphore(%run_scoped3A : memref<!tpu.dma_semaphore, #tpu.memory_space<semaphore_mem>>) src(%dma_wait3A_118 : memref<128x128xf32, #tpu.memory_space<vmem_shared>>) dst(%arg9 : memref<128x128xf32, #tpu.memory_space<vmem>>)
      tpu.yield
    }) : () -> ()
    %mul3A_52 = arith.constant 10240 : i32
    %mul3A_53 = arith.muli %arg0, %mul3A_52 : i32
    %add3A_54 = arith.addi %mul3A_53, %add3A_51 : i32
    %dma_start3A_55 = arith.constant 0 : i32
    %dma_start3A_56 = tpu.memref_slice %arg5[%add3A_54, %dma_start3A_55] : memref<20480x128xf32, #tpu.memory_space<hbm>> -> memref<128x128xf32, #tpu.memory_space<hbm>>
    %dma_start3A_57 = arith.constant 0 : i32
    %dma_start3A_58 = tpu.memref_slice %arg5[%add3A_54, %dma_start3A_57] : memref<20480x128xf32, #tpu.memory_space<hbm>> -> memref<128x128xf32, #tpu.memory_space<hbm>>
    tpu.enqueue_dma source(%arg9 : memref<128x128xf32, #tpu.memory_space<vmem>>) target(%dma_start3A_58 : memref<128x128xf32, #tpu.memory_space<hbm>>) target_semaphore(%arg12 : memref<!tpu.dma_semaphore, #tpu.memory_space<semaphore_mem>>)
    %mul3A_59 = arith.constant 640 : i32
    %mul3A_60 = arith.muli %arg1, %mul3A_59 : i32
    %add3A_61 = arith.constant 256 : i32
    %add3A_62 = arith.addi %mul3A_60, %add3A_61 : i32
    %dma_wait3A = arith.constant 0 : i32
    %dma_wait3A_63 = tpu.memref_slice %arg5[%add3A_44, %dma_wait3A] : memref<20480x128xf32, #tpu.memory_space<hbm>> -> memref<128x128xf32, #tpu.memory_space<hbm>>
    %dma_wait3A_64 = arith.constant 0 : i32
    %dma_wait3A_65 = tpu.memref_slice %arg5[%add3A_44, %dma_wait3A_64] : memref<20480x128xf32, #tpu.memory_space<hbm>> -> memref<128x128xf32, #tpu.memory_space<hbm>>
    tpu.wait_dma2 semaphore(%arg11 : memref<!tpu.dma_semaphore, #tpu.memory_space<semaphore_mem>>) src(%arg8 : memref<128x128xf32, #tpu.memory_space<vmem>>) dst(%dma_wait3A_65 : memref<128x128xf32, #tpu.memory_space<hbm>>)
    "tpu.region"() ({
      %run_scoped3A = tpu.sem_alloc : memref<!tpu.dma_semaphore, #tpu.memory_space<semaphore_mem>>
      %dma_start3A_111 = arith.constant 0 : i32
      %dma_start3A_112 = tpu.memref_slice %arg10[%add3A_62, %dma_start3A_111] : memref<10240x128xf32, #tpu.memory_space<vmem_shared>> -> memref<128x128xf32, #tpu.memory_space<vmem_shared>>
      %dma_start3A_113 = arith.constant 0 : i32
      %dma_start3A_114 = tpu.memref_slice %arg10[%add3A_62, %dma_start3A_113] : memref<10240x128xf32, #tpu.memory_space<vmem_shared>> -> memref<128x128xf32, #tpu.memory_space<vmem_shared>>
      tpu.enqueue_dma source(%dma_start3A_114 : memref<128x128xf32, #tpu.memory_space<vmem_shared>>) target(%arg8 : memref<128x128xf32, #tpu.memory_space<vmem>>) target_semaphore(%run_scoped3A : memref<!tpu.dma_semaphore, #tpu.memory_space<semaphore_mem>>)
      %dma_wait3A_115 = arith.constant 0 : i32
      %dma_wait3A_116 = tpu.memref_slice %arg10[%add3A_62, %dma_wait3A_115] : memref<10240x128xf32, #tpu.memory_space<vmem_shared>> -> memref<128x128xf32, #tpu.memory_space<vmem_shared>>
      %dma_wait3A_117 = arith.constant 0 : i32
      %dma_wait3A_118 = tpu.memref_slice %arg10[%add3A_62, %dma_wait3A_117] : memref<10240x128xf32, #tpu.memory_space<vmem_shared>> -> memref<128x128xf32, #tpu.memory_space<vmem_shared>>
      tpu.wait_dma2 semaphore(%run_scoped3A : memref<!tpu.dma_semaphore, #tpu.memory_space<semaphore_mem>>) src(%dma_wait3A_118 : memref<128x128xf32, #tpu.memory_space<vmem_shared>>) dst(%arg8 : memref<128x128xf32, #tpu.memory_space<vmem>>)
      tpu.yield
    }) : () -> ()
    %mul3A_66 = arith.constant 10240 : i32
    %mul3A_67 = arith.muli %arg0, %mul3A_66 : i32
    %add3A_68 = arith.addi %mul3A_67, %add3A_62 : i32
    %dma_start3A_69 = arith.constant 0 : i32
    %dma_start3A_70 = tpu.memref_slice %arg5[%add3A_68, %dma_start3A_69] : memref<20480x128xf32, #tpu.memory_space<hbm>> -> memref<128x128xf32, #tpu.memory_space<hbm>>
    %dma_start3A_71 = arith.constant 0 : i32
    %dma_start3A_72 = tpu.memref_slice %arg5[%add3A_68, %dma_start3A_71] : memref<20480x128xf32, #tpu.memory_space<hbm>> -> memref<128x128xf32, #tpu.memory_space<hbm>>
    tpu.enqueue_dma source(%arg8 : memref<128x128xf32, #tpu.memory_space<vmem>>) target(%dma_start3A_72 : memref<128x128xf32, #tpu.memory_space<hbm>>) target_semaphore(%arg11 : memref<!tpu.dma_semaphore, #tpu.memory_space<semaphore_mem>>)
    %mul3A_73 = arith.constant 640 : i32
    %mul3A_74 = arith.muli %arg1, %mul3A_73 : i32
    %add3A_75 = arith.constant 384 : i32
    %add3A_76 = arith.addi %mul3A_74, %add3A_75 : i32
    %dma_wait3A_77 = arith.constant 0 : i32
    %dma_wait3A_78 = tpu.memref_slice %arg5[%add3A_54, %dma_wait3A_77] : memref<20480x128xf32, #tpu.memory_space<hbm>> -> memref<128x128xf32, #tpu.memory_space<hbm>>
    %dma_wait3A_79 = arith.constant 0 : i32
    %dma_wait3A_80 = tpu.memref_slice %arg5[%add3A_54, %dma_wait3A_79] : memref<20480x128xf32, #tpu.memory_space<hbm>> -> memref<128x128xf32, #tpu.memory_space<hbm>>
    tpu.wait_dma2 semaphore(%arg12 : memref<!tpu.dma_semaphore, #tpu.memory_space<semaphore_mem>>) src(%arg9 : memref<128x128xf32, #tpu.memory_space<vmem>>) dst(%dma_wait3A_80 : memref<128x128xf32, #tpu.memory_space<hbm>>)
    "tpu.region"() ({
      %run_scoped3A = tpu.sem_alloc : memref<!tpu.dma_semaphore, #tpu.memory_space<semaphore_mem>>
      %dma_start3A_111 = arith.constant 0 : i32
      %dma_start3A_112 = tpu.memref_slice %arg10[%add3A_76, %dma_start3A_111] : memref<10240x128xf32, #tpu.memory_space<vmem_shared>> -> memref<128x128xf32, #tpu.memory_space<vmem_shared>>
      %dma_start3A_113 = arith.constant 0 : i32
      %dma_start3A_114 = tpu.memref_slice %arg10[%add3A_76, %dma_start3A_113] : memref<10240x128xf32, #tpu.memory_space<vmem_shared>> -> memref<128x128xf32, #tpu.memory_space<vmem_shared>>
      tpu.enqueue_dma source(%dma_start3A_114 : memref<128x128xf32, #tpu.memory_space<vmem_shared>>) target(%arg9 : memref<128x128xf32, #tpu.memory_space<vmem>>) target_semaphore(%run_scoped3A : memref<!tpu.dma_semaphore, #tpu.memory_space<semaphore_mem>>)
      %dma_wait3A_115 = arith.constant 0 : i32
      %dma_wait3A_116 = tpu.memref_slice %arg10[%add3A_76, %dma_wait3A_115] : memref<10240x128xf32, #tpu.memory_space<vmem_shared>> -> memref<128x128xf32, #tpu.memory_space<vmem_shared>>
      %dma_wait3A_117 = arith.constant 0 : i32
      %dma_wait3A_118 = tpu.memref_slice %arg10[%add3A_76, %dma_wait3A_117] : memref<10240x128xf32, #tpu.memory_space<vmem_shared>> -> memref<128x128xf32, #tpu.memory_space<vmem_shared>>
      tpu.wait_dma2 semaphore(%run_scoped3A : memref<!tpu.dma_semaphore, #tpu.memory_space<semaphore_mem>>) src(%dma_wait3A_118 : memref<128x128xf32, #tpu.memory_space<vmem_shared>>) dst(%arg9 : memref<128x128xf32, #tpu.memory_space<vmem>>)
      tpu.yield
    }) : () -> ()
    %mul3A_81 = arith.constant 10240 : i32
    %mul3A_82 = arith.muli %arg0, %mul3A_81 : i32
    %add3A_83 = arith.addi %mul3A_82, %add3A_76 : i32
    %dma_start3A_84 = arith.constant 0 : i32
    %dma_start3A_85 = tpu.memref_slice %arg5[%add3A_83, %dma_start3A_84] : memref<20480x128xf32, #tpu.memory_space<hbm>> -> memref<128x128xf32, #tpu.memory_space<hbm>>
    %dma_start3A_86 = arith.constant 0 : i32
    %dma_start3A_87 = tpu.memref_slice %arg5[%add3A_83, %dma_start3A_86] : memref<20480x128xf32, #tpu.memory_space<hbm>> -> memref<128x128xf32, #tpu.memory_space<hbm>>
    tpu.enqueue_dma source(%arg9 : memref<128x128xf32, #tpu.memory_space<vmem>>) target(%dma_start3A_87 : memref<128x128xf32, #tpu.memory_space<hbm>>) target_semaphore(%arg12 : memref<!tpu.dma_semaphore, #tpu.memory_space<semaphore_mem>>)
    %mul3A_88 = arith.constant 640 : i32
    %mul3A_89 = arith.muli %arg1, %mul3A_88 : i32
    %add3A_90 = arith.constant 512 : i32
    %add3A_91 = arith.addi %mul3A_89, %add3A_90 : i32
    %dma_wait3A_92 = arith.constant 0 : i32
    %dma_wait3A_93 = tpu.memref_slice %arg5[%add3A_68, %dma_wait3A_92] : memref<20480x128xf32, #tpu.memory_space<hbm>> -> memref<128x128xf32, #tpu.memory_space<hbm>>
    %dma_wait3A_94 = arith.constant 0 : i32
    %dma_wait3A_95 = tpu.memref_slice %arg5[%add3A_68, %dma_wait3A_94] : memref<20480x128xf32, #tpu.memory_space<hbm>> -> memref<128x128xf32, #tpu.memory_space<hbm>>
    tpu.wait_dma2 semaphore(%arg11 : memref<!tpu.dma_semaphore, #tpu.memory_space<semaphore_mem>>) src(%arg8 : memref<128x128xf32, #tpu.memory_space<vmem>>) dst(%dma_wait3A_95 : memref<128x128xf32, #tpu.memory_space<hbm>>)
    "tpu.region"() ({
      %run_scoped3A = tpu.sem_alloc : memref<!tpu.dma_semaphore, #tpu.memory_space<semaphore_mem>>
      %dma_start3A_111 = arith.constant 0 : i32
      %dma_start3A_112 = tpu.memref_slice %arg10[%add3A_91, %dma_start3A_111] : memref<10240x128xf32, #tpu.memory_space<vmem_shared>> -> memref<128x128xf32, #tpu.memory_space<vmem_shared>>
      %dma_start3A_113 = arith.constant 0 : i32
      %dma_start3A_114 = tpu.memref_slice %arg10[%add3A_91, %dma_start3A_113] : memref<10240x128xf32, #tpu.memory_space<vmem_shared>> -> memref<128x128xf32, #tpu.memory_space<vmem_shared>>
      tpu.enqueue_dma source(%dma_start3A_114 : memref<128x128xf32, #tpu.memory_space<vmem_shared>>) target(%arg8 : memref<128x128xf32, #tpu.memory_space<vmem>>) target_semaphore(%run_scoped3A : memref<!tpu.dma_semaphore, #tpu.memory_space<semaphore_mem>>)
      %dma_wait3A_115 = arith.constant 0 : i32
      %dma_wait3A_116 = tpu.memref_slice %arg10[%add3A_91, %dma_wait3A_115] : memref<10240x128xf32, #tpu.memory_space<vmem_shared>> -> memref<128x128xf32, #tpu.memory_space<vmem_shared>>
      %dma_wait3A_117 = arith.constant 0 : i32
      %dma_wait3A_118 = tpu.memref_slice %arg10[%add3A_91, %dma_wait3A_117] : memref<10240x128xf32, #tpu.memory_space<vmem_shared>> -> memref<128x128xf32, #tpu.memory_space<vmem_shared>>
      tpu.wait_dma2 semaphore(%run_scoped3A : memref<!tpu.dma_semaphore, #tpu.memory_space<semaphore_mem>>) src(%dma_wait3A_118 : memref<128x128xf32, #tpu.memory_space<vmem_shared>>) dst(%arg8 : memref<128x128xf32, #tpu.memory_space<vmem>>)
      tpu.yield
    }) : () -> ()
    %mul3A_96 = arith.constant 10240 : i32
    %mul3A_97 = arith.muli %arg0, %mul3A_96 : i32
    %add3A_98 = arith.addi %mul3A_97, %add3A_91 : i32
    %dma_start3A_99 = arith.constant 0 : i32
    %dma_start3A_100 = tpu.memref_slice %arg5[%add3A_98, %dma_start3A_99] : memref<20480x128xf32, #tpu.memory_space<hbm>> -> memref<128x128xf32, #tpu.memory_space<hbm>>
    %dma_start3A_101 = arith.constant 0 : i32
    %dma_start3A_102 = tpu.memref_slice %arg5[%add3A_98, %dma_start3A_101] : memref<20480x128xf32, #tpu.memory_space<hbm>> -> memref<128x128xf32, #tpu.memory_space<hbm>>
    tpu.enqueue_dma source(%arg8 : memref<128x128xf32, #tpu.memory_space<vmem>>) target(%dma_start3A_102 : memref<128x128xf32, #tpu.memory_space<hbm>>) target_semaphore(%arg11 : memref<!tpu.dma_semaphore, #tpu.memory_space<semaphore_mem>>)
    %dma_wait3A_103 = arith.constant 0 : i32
    %dma_wait3A_104 = tpu.memref_slice %arg5[%add3A_83, %dma_wait3A_103] : memref<20480x128xf32, #tpu.memory_space<hbm>> -> memref<128x128xf32, #tpu.memory_space<hbm>>
    %dma_wait3A_105 = arith.constant 0 : i32
    %dma_wait3A_106 = tpu.memref_slice %arg5[%add3A_83, %dma_wait3A_105] : memref<20480x128xf32, #tpu.memory_space<hbm>> -> memref<128x128xf32, #tpu.memory_space<hbm>>
    tpu.wait_dma2 semaphore(%arg12 : memref<!tpu.dma_semaphore, #tpu.memory_space<semaphore_mem>>) src(%arg9 : memref<128x128xf32, #tpu.memory_space<vmem>>) dst(%dma_wait3A_106 : memref<128x128xf32, #tpu.memory_space<hbm>>)
    %dma_wait3A_107 = arith.constant 0 : i32
    %dma_wait3A_108 = tpu.memref_slice %arg5[%add3A_98, %dma_wait3A_107] : memref<20480x128xf32, #tpu.memory_space<hbm>> -> memref<128x128xf32, #tpu.memory_space<hbm>>
    %dma_wait3A_109 = arith.constant 0 : i32
    %dma_wait3A_110 = tpu.memref_slice %arg5[%add3A_98, %dma_wait3A_109] : memref<20480x128xf32, #tpu.memory_space<hbm>> -> memref<128x128xf32, #tpu.memory_space<hbm>>
    tpu.wait_dma2 semaphore(%arg11 : memref<!tpu.dma_semaphore, #tpu.memory_space<semaphore_mem>>) src(%arg8 : memref<128x128xf32, #tpu.memory_space<vmem>>) dst(%dma_wait3A_110 : memref<128x128xf32, #tpu.memory_space<hbm>>)
    return
  }
}

#map = affine_map<(d0, d1) -> (0, 0)>
module attributes {stable_mosaic.version = 14 : i64} {
  func.func @_scatter_kernel(%arg0: i32, %arg1: i32, %arg2: memref<10240x128xf32, #tpu.memory_space<hbm>>, %arg3: memref<2560x128xi32, #tpu.memory_space<hbm>>, %arg4: memref<2560x128xi32, #tpu.memory_space<hbm>>, %arg5: memref<20480x128xf32, #tpu.memory_space<hbm>>, %arg6: memref<8x128xi32, #tpu.memory_space<vmem>>, %arg7: memref<8x128xi32, #tpu.memory_space<vmem>>, %arg8: memref<128x128xf32, #tpu.memory_space<vmem>>, %arg9: memref<128x128xf32, #tpu.memory_space<vmem>>, %arg10: memref<10240x128xf32, #tpu.memory_space<vmem_shared>>, %arg11: memref<!tpu.dma_semaphore, #tpu.memory_space<semaphore_mem>>, %arg12: memref<!tpu.dma_semaphore, #tpu.memory_space<semaphore_mem>>) attributes {dimension_semantics = [#tpu.dimension_semantics<core_parallel>, #tpu.dimension_semantics<subcore_parallel>], iteration_bounds = array<i64: 2, 16>, scalar_prefetch = 0 : i64, scratch_operands = 7 : i64, tpu.core_type = #tpu.core_type<sc_vector_subcore>, window_params = [{transform_indices = #map}, {transform_indices = #map}, {transform_indices = #map}, {transform_indices = #map}]} {
    %mul3A = arith.constant 16 : i32
    %mul3A_0 = arith.muli %arg0, %mul3A : i32
    %add3A = arith.addi %mul3A_0, %arg1 : i32
    %broadcast_in_dim3A = arith.constant 0.000000e+00 : f32
    %broadcast_in_dim3A_1 = vector.broadcast %broadcast_in_dim3A : f32 to vector<16xf32>
    %scan3A = arith.constant 0 : i32
    %scan3A_2 = arith.constant 0 : i32
    %scan3A_3 = arith.constant 128 : i32
    %scan3A_4 = arith.addi %scan3A_2, %scan3A_3 : i32
    %scan3A_5 = arith.constant 1 : i32
    %scan3A_6 = scf.for %scan3A_111 = %scan3A_2 to %scan3A_4 step %scan3A_5 iter_args(%scan3A_112 = %scan3A) -> (i32)  : i32 {
      %scan3A_113 = arith.constant 0 : i32
      %scan3A_114 = arith.constant 0 : i32
      %scan3A_115 = arith.constant 8 : i32
      %scan3A_116 = arith.addi %scan3A_114, %scan3A_115 : i32
      %scan3A_117 = arith.constant 1 : i32
      %scan3A_118 = scf.for %scan3A_121 = %scan3A_114 to %scan3A_116 step %scan3A_117 iter_args(%scan3A_122 = %scan3A_113) -> (i32)  : i32 {
        %mul3A_123 = arith.constant 16 : i32
        %mul3A_124 = arith.muli %scan3A_121, %mul3A_123 : i32
        %swap3A = arith.index_cast %scan3A_111 : i32 to index
        %swap3A_125 = arith.index_cast %mul3A_124 : i32 to index
        %swap3A_126 = tpu.vector_load %arg8[%swap3A, %swap3A_125] {strides = array<i32>} : memref<128x128xf32, #tpu.memory_space<vmem>>, vector<1x16xf32>,
        %swap3A_127 = vector.shape_cast %swap3A_126 : vector<1x16xf32> to vector<16xf32>
        %swap3A_128 = vector.shape_cast %broadcast_in_dim3A_1 : vector<16xf32> to vector<1x16xf32>
        tpu.vector_store %arg8[%swap3A, %swap3A_125], %swap3A_128 {strides = array<i32>} : memref<128x128xf32, #tpu.memory_space<vmem>>, vector<1x16xf32>,
        %scan3A_129 = arith.constant 0 : i32
        scf.yield %scan3A_129 : i32
      }
      %scan3A_119 = arith.constant 8 : i32
      %scan3A_120 = arith.constant 0 : i32
      scf.yield %scan3A_120 : i32
    }
    %scan3A_7 = arith.constant 128 : i32
    %scan3A_8 = arith.constant 0 : i32
    %scan3A_9 = arith.constant 0 : i32
    %scan3A_10 = arith.constant 5 : i32
    %scan3A_11 = arith.addi %scan3A_9, %scan3A_10 : i32
    %scan3A_12 = arith.constant 1 : i32
    %scan3A_13 = scf.for %scan3A_111 = %scan3A_9 to %scan3A_11 step %scan3A_12 iter_args(%scan3A_112 = %scan3A_8) -> (i32)  : i32 {
      %mul3A_113 = arith.constant 640 : i32
      %mul3A_114 = arith.muli %arg1, %mul3A_113 : i32
      %mul3A_115 = arith.constant 128 : i32
      %mul3A_116 = arith.muli %scan3A_111, %mul3A_115 : i32
      %add3A_117 = arith.addi %mul3A_114, %mul3A_116 : i32
      "tpu.region"() ({
        %run_scoped3A = tpu.sem_alloc : memref<!tpu.dma_semaphore, #tpu.memory_space<semaphore_mem>>
        %dma_start3A_119 = arith.constant 0 : i32
        %dma_start3A_120 = tpu.memref_slice %arg10[%add3A_117, %dma_start3A_119] : memref<10240x128xf32, #tpu.memory_space<vmem_shared>> -> memref<128x128xf32, #tpu.memory_space<vmem_shared>>
        %dma_start3A_121 = arith.constant 0 : i32
        %dma_start3A_122 = tpu.memref_slice %arg10[%add3A_117, %dma_start3A_121] : memref<10240x128xf32, #tpu.memory_space<vmem_shared>> -> memref<128x128xf32, #tpu.memory_space<vmem_shared>>
        tpu.enqueue_dma source(%arg8 : memref<128x128xf32, #tpu.memory_space<vmem>>) target(%dma_start3A_122 : memref<128x128xf32, #tpu.memory_space<vmem_shared>>) target_semaphore(%run_scoped3A : memref<!tpu.dma_semaphore, #tpu.memory_space<semaphore_mem>>)
        %dma_wait3A_123 = arith.constant 0 : i32
        %dma_wait3A_124 = tpu.memref_slice %arg10[%add3A_117, %dma_wait3A_123] : memref<10240x128xf32, #tpu.memory_space<vmem_shared>> -> memref<128x128xf32, #tpu.memory_space<vmem_shared>>
        %dma_wait3A_125 = arith.constant 0 : i32
        %dma_wait3A_126 = tpu.memref_slice %arg10[%add3A_117, %dma_wait3A_125] : memref<10240x128xf32, #tpu.memory_space<vmem_shared>> -> memref<128x128xf32, #tpu.memory_space<vmem_shared>>
        tpu.wait_dma2 semaphore(%run_scoped3A : memref<!tpu.dma_semaphore, #tpu.memory_space<semaphore_mem>>) src(%arg8 : memref<128x128xf32, #tpu.memory_space<vmem>>) dst(%dma_wait3A_126 : memref<128x128xf32, #tpu.memory_space<vmem_shared>>)
        tpu.yield
      }) : () -> ()
      %scan3A_118 = arith.constant 0 : i32
      scf.yield %scan3A_118 : i32
    }
    %scan3A_14 = arith.constant 5 : i32
    %barrier3A = arith.constant 0 : index
    tpu.barrier barrier_id(%barrier3A)
    %eq3A = arith.constant 0 : i32
    %eq3A_15 = arith.cmpi eq, %arg0, %eq3A : i32
    %mul3A_16 = arith.constant 128 : i32
    %mul3A_17 = arith.muli %arg1, %mul3A_16 : i32
    %mul3A_18 = arith.constant 32 : i32
    %mul3A_19 = arith.muli %arg1, %mul3A_18 : i32
    %add3A_20 = arith.constant 2048 : i32
    %add3A_21 = arith.addi %add3A_20, %mul3A_19 : i32
    %select_n3A = arith.select %eq3A_15, %mul3A_17, %add3A_21 : i32
    %eq3A_22 = arith.constant 0 : i32
    %eq3A_23 = arith.cmpi eq, %arg0, %eq3A_22 : i32
    %jit3A = arith.constant 16 : i32
    %jit3A_24 = arith.constant 4 : i32
    %select_n3A_25 = arith.select %eq3A_23, %jit3A, %jit3A_24 : i32
    %while3A = arith.constant 0 : i32
    %while3A_26 = arith.constant 0 : i32
    %while3A_27 = arith.subi %select_n3A_25, %while3A : i32
    %while3A_28 = arith.addi %while3A, %while3A_27 : i32
    %while3A_29 = arith.constant 1 : i32
    %while3A_30 = arith.divsi %while3A_27, %while3A_29 : i32
    %while3A_31 = arith.muli %while3A_30, %while3A_29 : i32
    %while3A_32 = arith.addi %while3A, %while3A_31 : i32
    %while3A_33 = arith.constant 1 : i32
    %while3A_34 = scf.for %while3A_111 = %while3A to %while3A_32 step %while3A_33 iter_args(%while3A_112 = %while3A_26) -> (i32)  : i32 {
      %mul3A_113 = arith.constant 8 : i32
      %mul3A_114 = arith.muli %while3A_111, %mul3A_113 : i32
      %add3A_115 = arith.addi %select_n3A, %mul3A_114 : i32
      "tpu.region"() ({
        %run_scoped3A_236 = tpu.sem_alloc : memref<!tpu.dma_semaphore, #tpu.memory_space<semaphore_mem>>
        %dma_start3A_237 = arith.constant 0 : i32
        %dma_start3A_238 = tpu.memref_slice %arg3[%add3A_115, %dma_start3A_237] : memref<2560x128xi32, #tpu.memory_space<hbm>> -> memref<8x128xi32, #tpu.memory_space<hbm>>
        %dma_start3A_239 = arith.constant 0 : i32
        %dma_start3A_240 = tpu.memref_slice %arg3[%add3A_115, %dma_start3A_239] : memref<2560x128xi32, #tpu.memory_space<hbm>> -> memref<8x128xi32, #tpu.memory_space<hbm>>
        tpu.enqueue_dma source(%dma_start3A_240 : memref<8x128xi32, #tpu.memory_space<hbm>>) target(%arg6 : memref<8x128xi32, #tpu.memory_space<vmem>>) target_semaphore(%run_scoped3A_236 : memref<!tpu.dma_semaphore, #tpu.memory_space<semaphore_mem>>)
        %dma_wait3A_241 = arith.constant 0 : i32
        %dma_wait3A_242 = tpu.memref_slice %arg3[%add3A_115, %dma_wait3A_241] : memref<2560x128xi32, #tpu.memory_space<hbm>> -> memref<8x128xi32, #tpu.memory_space<hbm>>
        %dma_wait3A_243 = arith.constant 0 : i32
        %dma_wait3A_244 = tpu.memref_slice %arg3[%add3A_115, %dma_wait3A_243] : memref<2560x128xi32, #tpu.memory_space<hbm>> -> memref<8x128xi32, #tpu.memory_space<hbm>>
        tpu.wait_dma2 semaphore(%run_scoped3A_236 : memref<!tpu.dma_semaphore, #tpu.memory_space<semaphore_mem>>) src(%dma_wait3A_244 : memref<8x128xi32, #tpu.memory_space<hbm>>) dst(%arg6 : memref<8x128xi32, #tpu.memory_space<vmem>>)
        tpu.yield
      }) : () -> ()
      "tpu.region"() ({
        %run_scoped3A_236 = tpu.sem_alloc : memref<!tpu.dma_semaphore, #tpu.memory_space<semaphore_mem>>
        %dma_start3A_237 = arith.constant 0 : i32
        %dma_start3A_238 = tpu.memref_slice %arg4[%add3A_115, %dma_start3A_237] : memref<2560x128xi32, #tpu.memory_space<hbm>> -> memref<8x128xi32, #tpu.memory_space<hbm>>
        %dma_start3A_239 = arith.constant 0 : i32
        %dma_start3A_240 = tpu.memref_slice %arg4[%add3A_115, %dma_start3A_239] : memref<2560x128xi32, #tpu.memory_space<hbm>> -> memref<8x128xi32, #tpu.memory_space<hbm>>
        tpu.enqueue_dma source(%dma_start3A_240 : memref<8x128xi32, #tpu.memory_space<hbm>>) target(%arg7 : memref<8x128xi32, #tpu.memory_space<vmem>>) target_semaphore(%run_scoped3A_236 : memref<!tpu.dma_semaphore, #tpu.memory_space<semaphore_mem>>)
        %dma_wait3A_241 = arith.constant 0 : i32
        %dma_wait3A_242 = tpu.memref_slice %arg4[%add3A_115, %dma_wait3A_241] : memref<2560x128xi32, #tpu.memory_space<hbm>> -> memref<8x128xi32, #tpu.memory_space<hbm>>
        %dma_wait3A_243 = arith.constant 0 : i32
        %dma_wait3A_244 = tpu.memref_slice %arg4[%add3A_115, %dma_wait3A_243] : memref<2560x128xi32, #tpu.memory_space<hbm>> -> memref<8x128xi32, #tpu.memory_space<hbm>>
        tpu.wait_dma2 semaphore(%run_scoped3A_236 : memref<!tpu.dma_semaphore, #tpu.memory_space<semaphore_mem>>) src(%dma_wait3A_244 : memref<8x128xi32, #tpu.memory_space<hbm>>) dst(%arg7 : memref<8x128xi32, #tpu.memory_space<vmem>>)
        tpu.yield
      }) : () -> ()
      %dma_start3A_116 = arith.constant 0 : i32
      %dma_start3A_117 = arith.constant 0 : i32
      %dma_start3A_118 = tpu.memref_slice %arg6[%dma_start3A_116, %dma_start3A_117] : memref<8x128xi32, #tpu.memory_space<vmem>> -> memref<1x128xi32, #tpu.memory_space<vmem>>
      %dma_start3A_119 = tpu.memref_squeeze %dma_start3A_118 : memref<1x128xi32, #tpu.memory_space<vmem>> -> memref<128xi32, #tpu.memory_space<vmem>>
      %dma_start3A_120 = arith.constant 0 : i32
      %dma_start3A_121 = arith.constant 0 : i32
      %dma_start3A_122 = tpu.memref_slice %arg2[%dma_start3A_120, %dma_start3A_121] : memref<10240x128xf32, #tpu.memory_space<hbm>> -> memref<10240x128xf32, #tpu.memory_space<hbm>>
      tpu.enqueue_indirect_dma source(%dma_start3A_122 : memref<10240x128xf32, #tpu.memory_space<hbm>>) target(%arg8 : memref<128x128xf32, #tpu.memory_space<vmem>>) offsets(%dma_start3A_119 : memref<128xi32, #tpu.memory_space<vmem>>) semaphore(%arg11 : memref<!tpu.dma_semaphore, #tpu.memory_space<semaphore_mem>>)
      %dma_start3A_123 = arith.constant 1 : i32
      %dma_start3A_124 = arith.constant 0 : i32
      %dma_start3A_125 = tpu.memref_slice %arg6[%dma_start3A_123, %dma_start3A_124] : memref<8x128xi32, #tpu.memory_space<vmem>> -> memref<1x128xi32, #tpu.memory_space<vmem>>
      %dma_start3A_126 = tpu.memref_squeeze %dma_start3A_125 : memref<1x128xi32, #tpu.memory_space<vmem>> -> memref<128xi32, #tpu.memory_space<vmem>>
      %dma_start3A_127 = arith.constant 0 : i32
      %dma_start3A_128 = arith.constant 0 : i32
      %dma_start3A_129 = tpu.memref_slice %arg2[%dma_start3A_127, %dma_start3A_128] : memref<10240x128xf32, #tpu.memory_space<hbm>> -> memref<10240x128xf32, #tpu.memory_space<hbm>>
      tpu.enqueue_indirect_dma source(%dma_start3A_129 : memref<10240x128xf32, #tpu.memory_space<hbm>>) target(%arg9 : memref<128x128xf32, #tpu.memory_space<vmem>>) offsets(%dma_start3A_126 : memref<128xi32, #tpu.memory_space<vmem>>) semaphore(%arg12 : memref<!tpu.dma_semaphore, #tpu.memory_space<semaphore_mem>>)
      %dma_wait3A_130 = arith.constant 0 : i32
      %dma_wait3A_131 = arith.constant 0 : i32
      %dma_wait3A_132 = tpu.memref_slice %arg6[%dma_wait3A_130, %dma_wait3A_131] : memref<8x128xi32, #tpu.memory_space<vmem>> -> memref<1x128xi32, #tpu.memory_space<vmem>>
      %dma_wait3A_133 = tpu.memref_squeeze %dma_wait3A_132 : memref<1x128xi32, #tpu.memory_space<vmem>> -> memref<128xi32, #tpu.memory_space<vmem>>
      %dma_wait3A_134 = arith.constant 0 : i32
      %dma_wait3A_135 = arith.constant 0 : i32
      %dma_wait3A_136 = tpu.memref_slice %arg2[%dma_wait3A_134, %dma_wait3A_135] : memref<10240x128xf32, #tpu.memory_space<hbm>> -> memref<10240x128xf32, #tpu.memory_space<hbm>>
      tpu.wait_indirect_dma semaphore(%arg11 : memref<!tpu.dma_semaphore, #tpu.memory_space<semaphore_mem>>) src(%dma_wait3A_136 : memref<10240x128xf32, #tpu.memory_space<hbm>>) dst(%arg8 : memref<128x128xf32, #tpu.memory_space<vmem>>)
      %run_scoped3A = arith.constant 0 : i32
      "tpu.region"() ({
        %run_scoped3A_236 = tpu.sem_alloc : memref<!tpu.dma_semaphore, #tpu.memory_space<semaphore_mem>>
        %dma_start3A_237 = arith.constant 0 : i32
        %dma_start3A_238 = tpu.memref_slice %arg7[%run_scoped3A, %dma_start3A_237] : memref<8x128xi32, #tpu.memory_space<vmem>> -> memref<1x128xi32, #tpu.memory_space<vmem>>
        %dma_start3A_239 = tpu.memref_squeeze %dma_start3A_238 : memref<1x128xi32, #tpu.memory_space<vmem>> -> memref<128xi32, #tpu.memory_space<vmem>>
        %dma_start3A_240 = arith.constant 0 : i32
        %dma_start3A_241 = arith.constant 0 : i32
        %dma_start3A_242 = tpu.memref_slice %arg10[%dma_start3A_240, %dma_start3A_241] : memref<10240x128xf32, #tpu.memory_space<vmem_shared>> -> memref<10240x128xf32, #tpu.memory_space<vmem_shared>>
        tpu.enqueue_indirect_dma source(%arg8 : memref<128x128xf32, #tpu.memory_space<vmem>>) target(%dma_start3A_242 : memref<10240x128xf32, #tpu.memory_space<vmem_shared>>) offsets(%dma_start3A_239 : memref<128xi32, #tpu.memory_space<vmem>>) semaphore(%run_scoped3A_236 : memref<!tpu.dma_semaphore, #tpu.memory_space<semaphore_mem>>) {add = true}
        %dma_wait3A_243 = arith.constant 0 : i32
        %dma_wait3A_244 = tpu.memref_slice %arg7[%run_scoped3A, %dma_wait3A_243] : memref<8x128xi32, #tpu.memory_space<vmem>> -> memref<1x128xi32, #tpu.memory_space<vmem>>
        %dma_wait3A_245 = tpu.memref_squeeze %dma_wait3A_244 : memref<1x128xi32, #tpu.memory_space<vmem>> -> memref<128xi32, #tpu.memory_space<vmem>>
        %dma_wait3A_246 = arith.constant 0 : i32
        %dma_wait3A_247 = arith.constant 0 : i32
        %dma_wait3A_248 = tpu.memref_slice %arg10[%dma_wait3A_246, %dma_wait3A_247] : memref<10240x128xf32, #tpu.memory_space<vmem_shared>> -> memref<10240x128xf32, #tpu.memory_space<vmem_shared>>
        tpu.wait_indirect_dma semaphore(%run_scoped3A_236 : memref<!tpu.dma_semaphore, #tpu.memory_space<semaphore_mem>>) src(%arg8 : memref<128x128xf32, #tpu.memory_space<vmem>>) dst(%dma_wait3A_248 : memref<10240x128xf32, #tpu.memory_space<vmem_shared>>)
        tpu.yield
      }) : () -> ()
      %dma_start3A_137 = arith.constant 2 : i32
      %dma_start3A_138 = arith.constant 0 : i32
      %dma_start3A_139 = tpu.memref_slice %arg6[%dma_start3A_137, %dma_start3A_138] : memref<8x128xi32, #tpu.memory_space<vmem>> -> memref<1x128xi32, #tpu.memory_space<vmem>>
      %dma_start3A_140 = tpu.memref_squeeze %dma_start3A_139 : memref<1x128xi32, #tpu.memory_space<vmem>> -> memref<128xi32, #tpu.memory_space<vmem>>
      %dma_start3A_141 = arith.constant 0 : i32
      %dma_start3A_142 = arith.constant 0 : i32
      %dma_start3A_143 = tpu.memref_slice %arg2[%dma_start3A_141, %dma_start3A_142] : memref<10240x128xf32, #tpu.memory_space<hbm>> -> memref<10240x128xf32, #tpu.memory_space<hbm>>
      tpu.enqueue_indirect_dma source(%dma_start3A_143 : memref<10240x128xf32, #tpu.memory_space<hbm>>) target(%arg8 : memref<128x128xf32, #tpu.memory_space<vmem>>) offsets(%dma_start3A_140 : memref<128xi32, #tpu.memory_space<vmem>>) semaphore(%arg11 : memref<!tpu.dma_semaphore, #tpu.memory_space<semaphore_mem>>)
      %dma_wait3A_144 = arith.constant 1 : i32
      %dma_wait3A_145 = arith.constant 0 : i32
      %dma_wait3A_146 = tpu.memref_slice %arg6[%dma_wait3A_144, %dma_wait3A_145] : memref<8x128xi32, #tpu.memory_space<vmem>> -> memref<1x128xi32, #tpu.memory_space<vmem>>
      %dma_wait3A_147 = tpu.memref_squeeze %dma_wait3A_146 : memref<1x128xi32, #tpu.memory_space<vmem>> -> memref<128xi32, #tpu.memory_space<vmem>>
      %dma_wait3A_148 = arith.constant 0 : i32
      %dma_wait3A_149 = arith.constant 0 : i32
      %dma_wait3A_150 = tpu.memref_slice %arg2[%dma_wait3A_148, %dma_wait3A_149] : memref<10240x128xf32, #tpu.memory_space<hbm>> -> memref<10240x128xf32, #tpu.memory_space<hbm>>
      tpu.wait_indirect_dma semaphore(%arg12 : memref<!tpu.dma_semaphore, #tpu.memory_space<semaphore_mem>>) src(%dma_wait3A_150 : memref<10240x128xf32, #tpu.memory_space<hbm>>) dst(%arg9 : memref<128x128xf32, #tpu.memory_space<vmem>>)
      %run_scoped3A_151 = arith.constant 1 : i32
      "tpu.region"() ({
        %run_scoped3A_236 = tpu.sem_alloc : memref<!tpu.dma_semaphore, #tpu.memory_space<semaphore_mem>>
        %dma_start3A_237 = arith.constant 0 : i32
        %dma_start3A_238 = tpu.memref_slice %arg7[%run_scoped3A_151, %dma_start3A_237] : memref<8x128xi32, #tpu.memory_space<vmem>> -> memref<1x128xi32, #tpu.memory_space<vmem>>
        %dma_start3A_239 = tpu.memref_squeeze %dma_start3A_238 : memref<1x128xi32, #tpu.memory_space<vmem>> -> memref<128xi32, #tpu.memory_space<vmem>>
        %dma_start3A_240 = arith.constant 0 : i32
        %dma_start3A_241 = arith.constant 0 : i32
        %dma_start3A_242 = tpu.memref_slice %arg10[%dma_start3A_240, %dma_start3A_241] : memref<10240x128xf32, #tpu.memory_space<vmem_shared>> -> memref<10240x128xf32, #tpu.memory_space<vmem_shared>>
        tpu.enqueue_indirect_dma source(%arg9 : memref<128x128xf32, #tpu.memory_space<vmem>>) target(%dma_start3A_242 : memref<10240x128xf32, #tpu.memory_space<vmem_shared>>) offsets(%dma_start3A_239 : memref<128xi32, #tpu.memory_space<vmem>>) semaphore(%run_scoped3A_236 : memref<!tpu.dma_semaphore, #tpu.memory_space<semaphore_mem>>) {add = true}
        %dma_wait3A_243 = arith.constant 0 : i32
        %dma_wait3A_244 = tpu.memref_slice %arg7[%run_scoped3A_151, %dma_wait3A_243] : memref<8x128xi32, #tpu.memory_space<vmem>> -> memref<1x128xi32, #tpu.memory_space<vmem>>
        %dma_wait3A_245 = tpu.memref_squeeze %dma_wait3A_244 : memref<1x128xi32, #tpu.memory_space<vmem>> -> memref<128xi32, #tpu.memory_space<vmem>>
        %dma_wait3A_246 = arith.constant 0 : i32
        %dma_wait3A_247 = arith.constant 0 : i32
        %dma_wait3A_248 = tpu.memref_slice %arg10[%dma_wait3A_246, %dma_wait3A_247] : memref<10240x128xf32, #tpu.memory_space<vmem_shared>> -> memref<10240x128xf32, #tpu.memory_space<vmem_shared>>
        tpu.wait_indirect_dma semaphore(%run_scoped3A_236 : memref<!tpu.dma_semaphore, #tpu.memory_space<semaphore_mem>>) src(%arg9 : memref<128x128xf32, #tpu.memory_space<vmem>>) dst(%dma_wait3A_248 : memref<10240x128xf32, #tpu.memory_space<vmem_shared>>)
        tpu.yield
      }) : () -> ()
      %dma_start3A_152 = arith.constant 3 : i32
      %dma_start3A_153 = arith.constant 0 : i32
      %dma_start3A_154 = tpu.memref_slice %arg6[%dma_start3A_152, %dma_start3A_153] : memref<8x128xi32, #tpu.memory_space<vmem>> -> memref<1x128xi32, #tpu.memory_space<vmem>>
      %dma_start3A_155 = tpu.memref_squeeze %dma_start3A_154 : memref<1x128xi32, #tpu.memory_space<vmem>> -> memref<128xi32, #tpu.memory_space<vmem>>
      %dma_start3A_156 = arith.constant 0 : i32
      %dma_start3A_157 = arith.constant 0 : i32
      %dma_start3A_158 = tpu.memref_slice %arg2[%dma_start3A_156, %dma_start3A_157] : memref<10240x128xf32, #tpu.memory_space<hbm>> -> memref<10240x128xf32, #tpu.memory_space<hbm>>
      tpu.enqueue_indirect_dma source(%dma_start3A_158 : memref<10240x128xf32, #tpu.memory_space<hbm>>) target(%arg9 : memref<128x128xf32, #tpu.memory_space<vmem>>) offsets(%dma_start3A_155 : memref<128xi32, #tpu.memory_space<vmem>>) semaphore(%arg12 : memref<!tpu.dma_semaphore, #tpu.memory_space<semaphore_mem>>)
      %dma_wait3A_159 = arith.constant 2 : i32
      %dma_wait3A_160 = arith.constant 0 : i32
      %dma_wait3A_161 = tpu.memref_slice %arg6[%dma_wait3A_159, %dma_wait3A_160] : memref<8x128xi32, #tpu.memory_space<vmem>> -> memref<1x128xi32, #tpu.memory_space<vmem>>
      %dma_wait3A_162 = tpu.memref_squeeze %dma_wait3A_161 : memref<1x128xi32, #tpu.memory_space<vmem>> -> memref<128xi32, #tpu.memory_space<vmem>>
      %dma_wait3A_163 = arith.constant 0 : i32
      %dma_wait3A_164 = arith.constant 0 : i32
      %dma_wait3A_165 = tpu.memref_slice %arg2[%dma_wait3A_163, %dma_wait3A_164] : memref<10240x128xf32, #tpu.memory_space<hbm>> -> memref<10240x128xf32, #tpu.memory_space<hbm>>
      tpu.wait_indirect_dma semaphore(%arg11 : memref<!tpu.dma_semaphore, #tpu.memory_space<semaphore_mem>>) src(%dma_wait3A_165 : memref<10240x128xf32, #tpu.memory_space<hbm>>) dst(%arg8 : memref<128x128xf32, #tpu.memory_space<vmem>>)
      %run_scoped3A_166 = arith.constant 2 : i32
      "tpu.region"() ({
        %run_scoped3A_236 = tpu.sem_alloc : memref<!tpu.dma_semaphore, #tpu.memory_space<semaphore_mem>>
        %dma_start3A_237 = arith.constant 0 : i32
        %dma_start3A_238 = tpu.memref_slice %arg7[%run_scoped3A_166, %dma_start3A_237] : memref<8x128xi32, #tpu.memory_space<vmem>> -> memref<1x128xi32, #tpu.memory_space<vmem>>
        %dma_start3A_239 = tpu.memref_squeeze %dma_start3A_238 : memref<1x128xi32, #tpu.memory_space<vmem>> -> memref<128xi32, #tpu.memory_space<vmem>>
        %dma_start3A_240 = arith.constant 0 : i32
        %dma_start3A_241 = arith.constant 0 : i32
        %dma_start3A_242 = tpu.memref_slice %arg10[%dma_start3A_240, %dma_start3A_241] : memref<10240x128xf32, #tpu.memory_space<vmem_shared>> -> memref<10240x128xf32, #tpu.memory_space<vmem_shared>>
        tpu.enqueue_indirect_dma source(%arg8 : memref<128x128xf32, #tpu.memory_space<vmem>>) target(%dma_start3A_242 : memref<10240x128xf32, #tpu.memory_space<vmem_shared>>) offsets(%dma_start3A_239 : memref<128xi32, #tpu.memory_space<vmem>>) semaphore(%run_scoped3A_236 : memref<!tpu.dma_semaphore, #tpu.memory_space<semaphore_mem>>) {add = true}
        %dma_wait3A_243 = arith.constant 0 : i32
        %dma_wait3A_244 = tpu.memref_slice %arg7[%run_scoped3A_166, %dma_wait3A_243] : memref<8x128xi32, #tpu.memory_space<vmem>> -> memref<1x128xi32, #tpu.memory_space<vmem>>
        %dma_wait3A_245 = tpu.memref_squeeze %dma_wait3A_244 : memref<1x128xi32, #tpu.memory_space<vmem>> -> memref<128xi32, #tpu.memory_space<vmem>>
        %dma_wait3A_246 = arith.constant 0 : i32
        %dma_wait3A_247 = arith.constant 0 : i32
        %dma_wait3A_248 = tpu.memref_slice %arg10[%dma_wait3A_246, %dma_wait3A_247] : memref<10240x128xf32, #tpu.memory_space<vmem_shared>> -> memref<10240x128xf32, #tpu.memory_space<vmem_shared>>
        tpu.wait_indirect_dma semaphore(%run_scoped3A_236 : memref<!tpu.dma_semaphore, #tpu.memory_space<semaphore_mem>>) src(%arg8 : memref<128x128xf32, #tpu.memory_space<vmem>>) dst(%dma_wait3A_248 : memref<10240x128xf32, #tpu.memory_space<vmem_shared>>)
        tpu.yield
      }) : () -> ()
      %dma_start3A_167 = arith.constant 4 : i32
      %dma_start3A_168 = arith.constant 0 : i32
      %dma_start3A_169 = tpu.memref_slice %arg6[%dma_start3A_167, %dma_start3A_168] : memref<8x128xi32, #tpu.memory_space<vmem>> -> memref<1x128xi32, #tpu.memory_space<vmem>>
      %dma_start3A_170 = tpu.memref_squeeze %dma_start3A_169 : memref<1x128xi32, #tpu.memory_space<vmem>> -> memref<128xi32, #tpu.memory_space<vmem>>
      %dma_start3A_171 = arith.constant 0 : i32
      %dma_start3A_172 = arith.constant 0 : i32
      %dma_start3A_173 = tpu.memref_slice %arg2[%dma_start3A_171, %dma_start3A_172] : memref<10240x128xf32, #tpu.memory_space<hbm>> -> memref<10240x128xf32, #tpu.memory_space<hbm>>
      tpu.enqueue_indirect_dma source(%dma_start3A_173 : memref<10240x128xf32, #tpu.memory_space<hbm>>) target(%arg8 : memref<128x128xf32, #tpu.memory_space<vmem>>) offsets(%dma_start3A_170 : memref<128xi32, #tpu.memory_space<vmem>>) semaphore(%arg11 : memref<!tpu.dma_semaphore, #tpu.memory_space<semaphore_mem>>)
      %dma_wait3A_174 = arith.constant 3 : i32
      %dma_wait3A_175 = arith.constant 0 : i32
      %dma_wait3A_176 = tpu.memref_slice %arg6[%dma_wait3A_174, %dma_wait3A_175] : memref<8x128xi32, #tpu.memory_space<vmem>> -> memref<1x128xi32, #tpu.memory_space<vmem>>
      %dma_wait3A_177 = tpu.memref_squeeze %dma_wait3A_176 : memref<1x128xi32, #tpu.memory_space<vmem>> -> memref<128xi32, #tpu.memory_space<vmem>>
      %dma_wait3A_178 = arith.constant 0 : i32
      %dma_wait3A_179 = arith.constant 0 : i32
      %dma_wait3A_180 = tpu.memref_slice %arg2[%dma_wait3A_178, %dma_wait3A_179] : memref<10240x128xf32, #tpu.memory_space<hbm>> -> memref<10240x128xf32, #tpu.memory_space<hbm>>
      tpu.wait_indirect_dma semaphore(%arg12 : memref<!tpu.dma_semaphore, #tpu.memory_space<semaphore_mem>>) src(%dma_wait3A_180 : memref<10240x128xf32, #tpu.memory_space<hbm>>) dst(%arg9 : memref<128x128xf32, #tpu.memory_space<vmem>>)
      %run_scoped3A_181 = arith.constant 3 : i32
      "tpu.region"() ({
        %run_scoped3A_236 = tpu.sem_alloc : memref<!tpu.dma_semaphore, #tpu.memory_space<semaphore_mem>>
        %dma_start3A_237 = arith.constant 0 : i32
        %dma_start3A_238 = tpu.memref_slice %arg7[%run_scoped3A_181, %dma_start3A_237] : memref<8x128xi32, #tpu.memory_space<vmem>> -> memref<1x128xi32, #tpu.memory_space<vmem>>
        %dma_start3A_239 = tpu.memref_squeeze %dma_start3A_238 : memref<1x128xi32, #tpu.memory_space<vmem>> -> memref<128xi32, #tpu.memory_space<vmem>>
        %dma_start3A_240 = arith.constant 0 : i32
        %dma_start3A_241 = arith.constant 0 : i32
        %dma_start3A_242 = tpu.memref_slice %arg10[%dma_start3A_240, %dma_start3A_241] : memref<10240x128xf32, #tpu.memory_space<vmem_shared>> -> memref<10240x128xf32, #tpu.memory_space<vmem_shared>>
        tpu.enqueue_indirect_dma source(%arg9 : memref<128x128xf32, #tpu.memory_space<vmem>>) target(%dma_start3A_242 : memref<10240x128xf32, #tpu.memory_space<vmem_shared>>) offsets(%dma_start3A_239 : memref<128xi32, #tpu.memory_space<vmem>>) semaphore(%run_scoped3A_236 : memref<!tpu.dma_semaphore, #tpu.memory_space<semaphore_mem>>) {add = true}
        %dma_wait3A_243 = arith.constant 0 : i32
        %dma_wait3A_244 = tpu.memref_slice %arg7[%run_scoped3A_181, %dma_wait3A_243] : memref<8x128xi32, #tpu.memory_space<vmem>> -> memref<1x128xi32, #tpu.memory_space<vmem>>
        %dma_wait3A_245 = tpu.memref_squeeze %dma_wait3A_244 : memref<1x128xi32, #tpu.memory_space<vmem>> -> memref<128xi32, #tpu.memory_space<vmem>>
        %dma_wait3A_246 = arith.constant 0 : i32
        %dma_wait3A_247 = arith.constant 0 : i32
        %dma_wait3A_248 = tpu.memref_slice %arg10[%dma_wait3A_246, %dma_wait3A_247] : memref<10240x128xf32, #tpu.memory_space<vmem_shared>> -> memref<10240x128xf32, #tpu.memory_space<vmem_shared>>
        tpu.wait_indirect_dma semaphore(%run_scoped3A_236 : memref<!tpu.dma_semaphore, #tpu.memory_space<semaphore_mem>>) src(%arg9 : memref<128x128xf32, #tpu.memory_space<vmem>>) dst(%dma_wait3A_248 : memref<10240x128xf32, #tpu.memory_space<vmem_shared>>)
        tpu.yield
      }) : () -> ()
      %dma_start3A_182 = arith.constant 5 : i32
      %dma_start3A_183 = arith.constant 0 : i32
      %dma_start3A_184 = tpu.memref_slice %arg6[%dma_start3A_182, %dma_start3A_183] : memref<8x128xi32, #tpu.memory_space<vmem>> -> memref<1x128xi32, #tpu.memory_space<vmem>>
      %dma_start3A_185 = tpu.memref_squeeze %dma_start3A_184 : memref<1x128xi32, #tpu.memory_space<vmem>> -> memref<128xi32, #tpu.memory_space<vmem>>
      %dma_start3A_186 = arith.constant 0 : i32
      %dma_start3A_187 = arith.constant 0 : i32
      %dma_start3A_188 = tpu.memref_slice %arg2[%dma_start3A_186, %dma_start3A_187] : memref<10240x128xf32, #tpu.memory_space<hbm>> -> memref<10240x128xf32, #tpu.memory_space<hbm>>
      tpu.enqueue_indirect_dma source(%dma_start3A_188 : memref<10240x128xf32, #tpu.memory_space<hbm>>) target(%arg9 : memref<128x128xf32, #tpu.memory_space<vmem>>) offsets(%dma_start3A_185 : memref<128xi32, #tpu.memory_space<vmem>>) semaphore(%arg12 : memref<!tpu.dma_semaphore, #tpu.memory_space<semaphore_mem>>)
      %dma_wait3A_189 = arith.constant 4 : i32
      %dma_wait3A_190 = arith.constant 0 : i32
      %dma_wait3A_191 = tpu.memref_slice %arg6[%dma_wait3A_189, %dma_wait3A_190] : memref<8x128xi32, #tpu.memory_space<vmem>> -> memref<1x128xi32, #tpu.memory_space<vmem>>
      %dma_wait3A_192 = tpu.memref_squeeze %dma_wait3A_191 : memref<1x128xi32, #tpu.memory_space<vmem>> -> memref<128xi32, #tpu.memory_space<vmem>>
      %dma_wait3A_193 = arith.constant 0 : i32
      %dma_wait3A_194 = arith.constant 0 : i32
      %dma_wait3A_195 = tpu.memref_slice %arg2[%dma_wait3A_193, %dma_wait3A_194] : memref<10240x128xf32, #tpu.memory_space<hbm>> -> memref<10240x128xf32, #tpu.memory_space<hbm>>
      tpu.wait_indirect_dma semaphore(%arg11 : memref<!tpu.dma_semaphore, #tpu.memory_space<semaphore_mem>>) src(%dma_wait3A_195 : memref<10240x128xf32, #tpu.memory_space<hbm>>) dst(%arg8 : memref<128x128xf32, #tpu.memory_space<vmem>>)
      %run_scoped3A_196 = arith.constant 4 : i32
      "tpu.region"() ({
        %run_scoped3A_236 = tpu.sem_alloc : memref<!tpu.dma_semaphore, #tpu.memory_space<semaphore_mem>>
        %dma_start3A_237 = arith.constant 0 : i32
        %dma_start3A_238 = tpu.memref_slice %arg7[%run_scoped3A_196, %dma_start3A_237] : memref<8x128xi32, #tpu.memory_space<vmem>> -> memref<1x128xi32, #tpu.memory_space<vmem>>
        %dma_start3A_239 = tpu.memref_squeeze %dma_start3A_238 : memref<1x128xi32, #tpu.memory_space<vmem>> -> memref<128xi32, #tpu.memory_space<vmem>>
        %dma_start3A_240 = arith.constant 0 : i32
        %dma_start3A_241 = arith.constant 0 : i32
        %dma_start3A_242 = tpu.memref_slice %arg10[%dma_start3A_240, %dma_start3A_241] : memref<10240x128xf32, #tpu.memory_space<vmem_shared>> -> memref<10240x128xf32, #tpu.memory_space<vmem_shared>>
        tpu.enqueue_indirect_dma source(%arg8 : memref<128x128xf32, #tpu.memory_space<vmem>>) target(%dma_start3A_242 : memref<10240x128xf32, #tpu.memory_space<vmem_shared>>) offsets(%dma_start3A_239 : memref<128xi32, #tpu.memory_space<vmem>>) semaphore(%run_scoped3A_236 : memref<!tpu.dma_semaphore, #tpu.memory_space<semaphore_mem>>) {add = true}
        %dma_wait3A_243 = arith.constant 0 : i32
        %dma_wait3A_244 = tpu.memref_slice %arg7[%run_scoped3A_196, %dma_wait3A_243] : memref<8x128xi32, #tpu.memory_space<vmem>> -> memref<1x128xi32, #tpu.memory_space<vmem>>
        %dma_wait3A_245 = tpu.memref_squeeze %dma_wait3A_244 : memref<1x128xi32, #tpu.memory_space<vmem>> -> memref<128xi32, #tpu.memory_space<vmem>>
        %dma_wait3A_246 = arith.constant 0 : i32
        %dma_wait3A_247 = arith.constant 0 : i32
        %dma_wait3A_248 = tpu.memref_slice %arg10[%dma_wait3A_246, %dma_wait3A_247] : memref<10240x128xf32, #tpu.memory_space<vmem_shared>> -> memref<10240x128xf32, #tpu.memory_space<vmem_shared>>
        tpu.wait_indirect_dma semaphore(%run_scoped3A_236 : memref<!tpu.dma_semaphore, #tpu.memory_space<semaphore_mem>>) src(%arg8 : memref<128x128xf32, #tpu.memory_space<vmem>>) dst(%dma_wait3A_248 : memref<10240x128xf32, #tpu.memory_space<vmem_shared>>)
        tpu.yield
      }) : () -> ()
      %dma_start3A_197 = arith.constant 6 : i32
      %dma_start3A_198 = arith.constant 0 : i32
      %dma_start3A_199 = tpu.memref_slice %arg6[%dma_start3A_197, %dma_start3A_198] : memref<8x128xi32, #tpu.memory_space<vmem>> -> memref<1x128xi32, #tpu.memory_space<vmem>>
      %dma_start3A_200 = tpu.memref_squeeze %dma_start3A_199 : memref<1x128xi32, #tpu.memory_space<vmem>> -> memref<128xi32, #tpu.memory_space<vmem>>
      %dma_start3A_201 = arith.constant 0 : i32
      %dma_start3A_202 = arith.constant 0 : i32
      %dma_start3A_203 = tpu.memref_slice %arg2[%dma_start3A_201, %dma_start3A_202] : memref<10240x128xf32, #tpu.memory_space<hbm>> -> memref<10240x128xf32, #tpu.memory_space<hbm>>
      tpu.enqueue_indirect_dma source(%dma_start3A_203 : memref<10240x128xf32, #tpu.memory_space<hbm>>) target(%arg8 : memref<128x128xf32, #tpu.memory_space<vmem>>) offsets(%dma_start3A_200 : memref<128xi32, #tpu.memory_space<vmem>>) semaphore(%arg11 : memref<!tpu.dma_semaphore, #tpu.memory_space<semaphore_mem>>)
      %dma_wait3A_204 = arith.constant 5 : i32
      %dma_wait3A_205 = arith.constant 0 : i32
      %dma_wait3A_206 = tpu.memref_slice %arg6[%dma_wait3A_204, %dma_wait3A_205] : memref<8x128xi32, #tpu.memory_space<vmem>> -> memref<1x128xi32, #tpu.memory_space<vmem>>
      %dma_wait3A_207 = tpu.memref_squeeze %dma_wait3A_206 : memref<1x128xi32, #tpu.memory_space<vmem>> -> memref<128xi32, #tpu.memory_space<vmem>>
      %dma_wait3A_208 = arith.constant 0 : i32
      %dma_wait3A_209 = arith.constant 0 : i32
      %dma_wait3A_210 = tpu.memref_slice %arg2[%dma_wait3A_208, %dma_wait3A_209] : memref<10240x128xf32, #tpu.memory_space<hbm>> -> memref<10240x128xf32, #tpu.memory_space<hbm>>
      tpu.wait_indirect_dma semaphore(%arg12 : memref<!tpu.dma_semaphore, #tpu.memory_space<semaphore_mem>>) src(%dma_wait3A_210 : memref<10240x128xf32, #tpu.memory_space<hbm>>) dst(%arg9 : memref<128x128xf32, #tpu.memory_space<vmem>>)
      %run_scoped3A_211 = arith.constant 5 : i32
      "tpu.region"() ({
        %run_scoped3A_236 = tpu.sem_alloc : memref<!tpu.dma_semaphore, #tpu.memory_space<semaphore_mem>>
        %dma_start3A_237 = arith.constant 0 : i32
        %dma_start3A_238 = tpu.memref_slice %arg7[%run_scoped3A_211, %dma_start3A_237] : memref<8x128xi32, #tpu.memory_space<vmem>> -> memref<1x128xi32, #tpu.memory_space<vmem>>
        %dma_start3A_239 = tpu.memref_squeeze %dma_start3A_238 : memref<1x128xi32, #tpu.memory_space<vmem>> -> memref<128xi32, #tpu.memory_space<vmem>>
        %dma_start3A_240 = arith.constant 0 : i32
        %dma_start3A_241 = arith.constant 0 : i32
        %dma_start3A_242 = tpu.memref_slice %arg10[%dma_start3A_240, %dma_start3A_241] : memref<10240x128xf32, #tpu.memory_space<vmem_shared>> -> memref<10240x128xf32, #tpu.memory_space<vmem_shared>>
        tpu.enqueue_indirect_dma source(%arg9 : memref<128x128xf32, #tpu.memory_space<vmem>>) target(%dma_start3A_242 : memref<10240x128xf32, #tpu.memory_space<vmem_shared>>) offsets(%dma_start3A_239 : memref<128xi32, #tpu.memory_space<vmem>>) semaphore(%run_scoped3A_236 : memref<!tpu.dma_semaphore, #tpu.memory_space<semaphore_mem>>) {add = true}
        %dma_wait3A_243 = arith.constant 0 : i32
        %dma_wait3A_244 = tpu.memref_slice %arg7[%run_scoped3A_211, %dma_wait3A_243] : memref<8x128xi32, #tpu.memory_space<vmem>> -> memref<1x128xi32, #tpu.memory_space<vmem>>
        %dma_wait3A_245 = tpu.memref_squeeze %dma_wait3A_244 : memref<1x128xi32, #tpu.memory_space<vmem>> -> memref<128xi32, #tpu.memory_space<vmem>>
        %dma_wait3A_246 = arith.constant 0 : i32
        %dma_wait3A_247 = arith.constant 0 : i32
        %dma_wait3A_248 = tpu.memref_slice %arg10[%dma_wait3A_246, %dma_wait3A_247] : memref<10240x128xf32, #tpu.memory_space<vmem_shared>> -> memref<10240x128xf32, #tpu.memory_space<vmem_shared>>
        tpu.wait_indirect_dma semaphore(%run_scoped3A_236 : memref<!tpu.dma_semaphore, #tpu.memory_space<semaphore_mem>>) src(%arg9 : memref<128x128xf32, #tpu.memory_space<vmem>>) dst(%dma_wait3A_248 : memref<10240x128xf32, #tpu.memory_space<vmem_shared>>)
        tpu.yield
      }) : () -> ()
      %dma_start3A_212 = arith.constant 7 : i32
      %dma_start3A_213 = arith.constant 0 : i32
      %dma_start3A_214 = tpu.memref_slice %arg6[%dma_start3A_212, %dma_start3A_213] : memref<8x128xi32, #tpu.memory_space<vmem>> -> memref<1x128xi32, #tpu.memory_space<vmem>>
      %dma_start3A_215 = tpu.memref_squeeze %dma_start3A_214 : memref<1x128xi32, #tpu.memory_space<vmem>> -> memref<128xi32, #tpu.memory_space<vmem>>
      %dma_start3A_216 = arith.constant 0 : i32
      %dma_start3A_217 = arith.constant 0 : i32
      %dma_start3A_218 = tpu.memref_slice %arg2[%dma_start3A_216, %dma_start3A_217] : memref<10240x128xf32, #tpu.memory_space<hbm>> -> memref<10240x128xf32, #tpu.memory_space<hbm>>
      tpu.enqueue_indirect_dma source(%dma_start3A_218 : memref<10240x128xf32, #tpu.memory_space<hbm>>) target(%arg9 : memref<128x128xf32, #tpu.memory_space<vmem>>) offsets(%dma_start3A_215 : memref<128xi32, #tpu.memory_space<vmem>>) semaphore(%arg12 : memref<!tpu.dma_semaphore, #tpu.memory_space<semaphore_mem>>)
      %dma_wait3A_219 = arith.constant 6 : i32
      %dma_wait3A_220 = arith.constant 0 : i32
      %dma_wait3A_221 = tpu.memref_slice %arg6[%dma_wait3A_219, %dma_wait3A_220] : memref<8x128xi32, #tpu.memory_space<vmem>> -> memref<1x128xi32, #tpu.memory_space<vmem>>
      %dma_wait3A_222 = tpu.memref_squeeze %dma_wait3A_221 : memref<1x128xi32, #tpu.memory_space<vmem>> -> memref<128xi32, #tpu.memory_space<vmem>>
      %dma_wait3A_223 = arith.constant 0 : i32
      %dma_wait3A_224 = arith.constant 0 : i32
      %dma_wait3A_225 = tpu.memref_slice %arg2[%dma_wait3A_223, %dma_wait3A_224] : memref<10240x128xf32, #tpu.memory_space<hbm>> -> memref<10240x128xf32, #tpu.memory_space<hbm>>
      tpu.wait_indirect_dma semaphore(%arg11 : memref<!tpu.dma_semaphore, #tpu.memory_space<semaphore_mem>>) src(%dma_wait3A_225 : memref<10240x128xf32, #tpu.memory_space<hbm>>) dst(%arg8 : memref<128x128xf32, #tpu.memory_space<vmem>>)
      %run_scoped3A_226 = arith.constant 6 : i32
      "tpu.region"() ({
        %run_scoped3A_236 = tpu.sem_alloc : memref<!tpu.dma_semaphore, #tpu.memory_space<semaphore_mem>>
        %dma_start3A_237 = arith.constant 0 : i32
        %dma_start3A_238 = tpu.memref_slice %arg7[%run_scoped3A_226, %dma_start3A_237] : memref<8x128xi32, #tpu.memory_space<vmem>> -> memref<1x128xi32, #tpu.memory_space<vmem>>
        %dma_start3A_239 = tpu.memref_squeeze %dma_start3A_238 : memref<1x128xi32, #tpu.memory_space<vmem>> -> memref<128xi32, #tpu.memory_space<vmem>>
        %dma_start3A_240 = arith.constant 0 : i32
        %dma_start3A_241 = arith.constant 0 : i32
        %dma_start3A_242 = tpu.memref_slice %arg10[%dma_start3A_240, %dma_start3A_241] : memref<10240x128xf32, #tpu.memory_space<vmem_shared>> -> memref<10240x128xf32, #tpu.memory_space<vmem_shared>>
        tpu.enqueue_indirect_dma source(%arg8 : memref<128x128xf32, #tpu.memory_space<vmem>>) target(%dma_start3A_242 : memref<10240x128xf32, #tpu.memory_space<vmem_shared>>) offsets(%dma_start3A_239 : memref<128xi32, #tpu.memory_space<vmem>>) semaphore(%run_scoped3A_236 : memref<!tpu.dma_semaphore, #tpu.memory_space<semaphore_mem>>) {add = true}
        %dma_wait3A_243 = arith.constant 0 : i32
        %dma_wait3A_244 = tpu.memref_slice %arg7[%run_scoped3A_226, %dma_wait3A_243] : memref<8x128xi32, #tpu.memory_space<vmem>> -> memref<1x128xi32, #tpu.memory_space<vmem>>
        %dma_wait3A_245 = tpu.memref_squeeze %dma_wait3A_244 : memref<1x128xi32, #tpu.memory_space<vmem>> -> memref<128xi32, #tpu.memory_space<vmem>>
        %dma_wait3A_246 = arith.constant 0 : i32
        %dma_wait3A_247 = arith.constant 0 : i32
        %dma_wait3A_248 = tpu.memref_slice %arg10[%dma_wait3A_246, %dma_wait3A_247] : memref<10240x128xf32, #tpu.memory_space<vmem_shared>> -> memref<10240x128xf32, #tpu.memory_space<vmem_shared>>
        tpu.wait_indirect_dma semaphore(%run_scoped3A_236 : memref<!tpu.dma_semaphore, #tpu.memory_space<semaphore_mem>>) src(%arg8 : memref<128x128xf32, #tpu.memory_space<vmem>>) dst(%dma_wait3A_248 : memref<10240x128xf32, #tpu.memory_space<vmem_shared>>)
        tpu.yield
      }) : () -> ()
      %dma_wait3A_227 = arith.constant 7 : i32
      %dma_wait3A_228 = arith.constant 0 : i32
      %dma_wait3A_229 = tpu.memref_slice %arg6[%dma_wait3A_227, %dma_wait3A_228] : memref<8x128xi32, #tpu.memory_space<vmem>> -> memref<1x128xi32, #tpu.memory_space<vmem>>
      %dma_wait3A_230 = tpu.memref_squeeze %dma_wait3A_229 : memref<1x128xi32, #tpu.memory_space<vmem>> -> memref<128xi32, #tpu.memory_space<vmem>>
      %dma_wait3A_231 = arith.constant 0 : i32
      %dma_wait3A_232 = arith.constant 0 : i32
      %dma_wait3A_233 = tpu.memref_slice %arg2[%dma_wait3A_231, %dma_wait3A_232] : memref<10240x128xf32, #tpu.memory_space<hbm>> -> memref<10240x128xf32, #tpu.memory_space<hbm>>
      tpu.wait_indirect_dma semaphore(%arg12 : memref<!tpu.dma_semaphore, #tpu.memory_space<semaphore_mem>>) src(%dma_wait3A_233 : memref<10240x128xf32, #tpu.memory_space<hbm>>) dst(%arg9 : memref<128x128xf32, #tpu.memory_space<vmem>>)
      %run_scoped3A_234 = arith.constant 7 : i32
      "tpu.region"() ({
        %run_scoped3A_236 = tpu.sem_alloc : memref<!tpu.dma_semaphore, #tpu.memory_space<semaphore_mem>>
        %dma_start3A_237 = arith.constant 0 : i32
        %dma_start3A_238 = tpu.memref_slice %arg7[%run_scoped3A_234, %dma_start3A_237] : memref<8x128xi32, #tpu.memory_space<vmem>> -> memref<1x128xi32, #tpu.memory_space<vmem>>
        %dma_start3A_239 = tpu.memref_squeeze %dma_start3A_238 : memref<1x128xi32, #tpu.memory_space<vmem>> -> memref<128xi32, #tpu.memory_space<vmem>>
        %dma_start3A_240 = arith.constant 0 : i32
        %dma_start3A_241 = arith.constant 0 : i32
        %dma_start3A_242 = tpu.memref_slice %arg10[%dma_start3A_240, %dma_start3A_241] : memref<10240x128xf32, #tpu.memory_space<vmem_shared>> -> memref<10240x128xf32, #tpu.memory_space<vmem_shared>>
        tpu.enqueue_indirect_dma source(%arg9 : memref<128x128xf32, #tpu.memory_space<vmem>>) target(%dma_start3A_242 : memref<10240x128xf32, #tpu.memory_space<vmem_shared>>) offsets(%dma_start3A_239 : memref<128xi32, #tpu.memory_space<vmem>>) semaphore(%run_scoped3A_236 : memref<!tpu.dma_semaphore, #tpu.memory_space<semaphore_mem>>) {add = true}
        %dma_wait3A_243 = arith.constant 0 : i32
        %dma_wait3A_244 = tpu.memref_slice %arg7[%run_scoped3A_234, %dma_wait3A_243] : memref<8x128xi32, #tpu.memory_space<vmem>> -> memref<1x128xi32, #tpu.memory_space<vmem>>
        %dma_wait3A_245 = tpu.memref_squeeze %dma_wait3A_244 : memref<1x128xi32, #tpu.memory_space<vmem>> -> memref<128xi32, #tpu.memory_space<vmem>>
        %dma_wait3A_246 = arith.constant 0 : i32
        %dma_wait3A_247 = arith.constant 0 : i32
        %dma_wait3A_248 = tpu.memref_slice %arg10[%dma_wait3A_246, %dma_wait3A_247] : memref<10240x128xf32, #tpu.memory_space<vmem_shared>> -> memref<10240x128xf32, #tpu.memory_space<vmem_shared>>
        tpu.wait_indirect_dma semaphore(%run_scoped3A_236 : memref<!tpu.dma_semaphore, #tpu.memory_space<semaphore_mem>>) src(%arg9 : memref<128x128xf32, #tpu.memory_space<vmem>>) dst(%dma_wait3A_248 : memref<10240x128xf32, #tpu.memory_space<vmem_shared>>)
        tpu.yield
      }) : () -> ()
      %while3A_235 = arith.constant 0 : i32
      scf.yield %while3A_235 : i32
    }
    %while3A_35 = arith.constant 1 : i32
    %while3A_36 = scf.for %while3A_111 = %while3A_32 to %while3A_28 step %while3A_35 iter_args(%while3A_112 = %while3A_34) -> (i32)  : i32 {
      %mul3A_113 = arith.constant 8 : i32
      %mul3A_114 = arith.muli %while3A_111, %mul3A_113 : i32
      %add3A_115 = arith.addi %select_n3A, %mul3A_114 : i32
      "tpu.region"() ({
        %run_scoped3A_236 = tpu.sem_alloc : memref<!tpu.dma_semaphore, #tpu.memory_space<semaphore_mem>>
        %dma_start3A_237 = arith.constant 0 : i32
        %dma_start3A_238 = tpu.memref_slice %arg3[%add3A_115, %dma_start3A_237] : memref<2560x128xi32, #tpu.memory_space<hbm>> -> memref<8x128xi32, #tpu.memory_space<hbm>>
        %dma_start3A_239 = arith.constant 0 : i32
        %dma_start3A_240 = tpu.memref_slice %arg3[%add3A_115, %dma_start3A_239] : memref<2560x128xi32, #tpu.memory_space<hbm>> -> memref<8x128xi32, #tpu.memory_space<hbm>>
        tpu.enqueue_dma source(%dma_start3A_240 : memref<8x128xi32, #tpu.memory_space<hbm>>) target(%arg6 : memref<8x128xi32, #tpu.memory_space<vmem>>) target_semaphore(%run_scoped3A_236 : memref<!tpu.dma_semaphore, #tpu.memory_space<semaphore_mem>>)
        %dma_wait3A_241 = arith.constant 0 : i32
        %dma_wait3A_242 = tpu.memref_slice %arg3[%add3A_115, %dma_wait3A_241] : memref<2560x128xi32, #tpu.memory_space<hbm>> -> memref<8x128xi32, #tpu.memory_space<hbm>>
        %dma_wait3A_243 = arith.constant 0 : i32
        %dma_wait3A_244 = tpu.memref_slice %arg3[%add3A_115, %dma_wait3A_243] : memref<2560x128xi32, #tpu.memory_space<hbm>> -> memref<8x128xi32, #tpu.memory_space<hbm>>
        tpu.wait_dma2 semaphore(%run_scoped3A_236 : memref<!tpu.dma_semaphore, #tpu.memory_space<semaphore_mem>>) src(%dma_wait3A_244 : memref<8x128xi32, #tpu.memory_space<hbm>>) dst(%arg6 : memref<8x128xi32, #tpu.memory_space<vmem>>)
        tpu.yield
      }) : () -> ()
      "tpu.region"() ({
        %run_scoped3A_236 = tpu.sem_alloc : memref<!tpu.dma_semaphore, #tpu.memory_space<semaphore_mem>>
        %dma_start3A_237 = arith.constant 0 : i32
        %dma_start3A_238 = tpu.memref_slice %arg4[%add3A_115, %dma_start3A_237] : memref<2560x128xi32, #tpu.memory_space<hbm>> -> memref<8x128xi32, #tpu.memory_space<hbm>>
        %dma_start3A_239 = arith.constant 0 : i32
        %dma_start3A_240 = tpu.memref_slice %arg4[%add3A_115, %dma_start3A_239] : memref<2560x128xi32, #tpu.memory_space<hbm>> -> memref<8x128xi32, #tpu.memory_space<hbm>>
        tpu.enqueue_dma source(%dma_start3A_240 : memref<8x128xi32, #tpu.memory_space<hbm>>) target(%arg7 : memref<8x128xi32, #tpu.memory_space<vmem>>) target_semaphore(%run_scoped3A_236 : memref<!tpu.dma_semaphore, #tpu.memory_space<semaphore_mem>>)
        %dma_wait3A_241 = arith.constant 0 : i32
        %dma_wait3A_242 = tpu.memref_slice %arg4[%add3A_115, %dma_wait3A_241] : memref<2560x128xi32, #tpu.memory_space<hbm>> -> memref<8x128xi32, #tpu.memory_space<hbm>>
        %dma_wait3A_243 = arith.constant 0 : i32
        %dma_wait3A_244 = tpu.memref_slice %arg4[%add3A_115, %dma_wait3A_243] : memref<2560x128xi32, #tpu.memory_space<hbm>> -> memref<8x128xi32, #tpu.memory_space<hbm>>
        tpu.wait_dma2 semaphore(%run_scoped3A_236 : memref<!tpu.dma_semaphore, #tpu.memory_space<semaphore_mem>>) src(%dma_wait3A_244 : memref<8x128xi32, #tpu.memory_space<hbm>>) dst(%arg7 : memref<8x128xi32, #tpu.memory_space<vmem>>)
        tpu.yield
      }) : () -> ()
      %dma_start3A_116 = arith.constant 0 : i32
      %dma_start3A_117 = arith.constant 0 : i32
      %dma_start3A_118 = tpu.memref_slice %arg6[%dma_start3A_116, %dma_start3A_117] : memref<8x128xi32, #tpu.memory_space<vmem>> -> memref<1x128xi32, #tpu.memory_space<vmem>>
      %dma_start3A_119 = tpu.memref_squeeze %dma_start3A_118 : memref<1x128xi32, #tpu.memory_space<vmem>> -> memref<128xi32, #tpu.memory_space<vmem>>
      %dma_start3A_120 = arith.constant 0 : i32
      %dma_start3A_121 = arith.constant 0 : i32
      %dma_start3A_122 = tpu.memref_slice %arg2[%dma_start3A_120, %dma_start3A_121] : memref<10240x128xf32, #tpu.memory_space<hbm>> -> memref<10240x128xf32, #tpu.memory_space<hbm>>
      tpu.enqueue_indirect_dma source(%dma_start3A_122 : memref<10240x128xf32, #tpu.memory_space<hbm>>) target(%arg8 : memref<128x128xf32, #tpu.memory_space<vmem>>) offsets(%dma_start3A_119 : memref<128xi32, #tpu.memory_space<vmem>>) semaphore(%arg11 : memref<!tpu.dma_semaphore, #tpu.memory_space<semaphore_mem>>)
      %dma_start3A_123 = arith.constant 1 : i32
      %dma_start3A_124 = arith.constant 0 : i32
      %dma_start3A_125 = tpu.memref_slice %arg6[%dma_start3A_123, %dma_start3A_124] : memref<8x128xi32, #tpu.memory_space<vmem>> -> memref<1x128xi32, #tpu.memory_space<vmem>>
      %dma_start3A_126 = tpu.memref_squeeze %dma_start3A_125 : memref<1x128xi32, #tpu.memory_space<vmem>> -> memref<128xi32, #tpu.memory_space<vmem>>
      %dma_start3A_127 = arith.constant 0 : i32
      %dma_start3A_128 = arith.constant 0 : i32
      %dma_start3A_129 = tpu.memref_slice %arg2[%dma_start3A_127, %dma_start3A_128] : memref<10240x128xf32, #tpu.memory_space<hbm>> -> memref<10240x128xf32, #tpu.memory_space<hbm>>
      tpu.enqueue_indirect_dma source(%dma_start3A_129 : memref<10240x128xf32, #tpu.memory_space<hbm>>) target(%arg9 : memref<128x128xf32, #tpu.memory_space<vmem>>) offsets(%dma_start3A_126 : memref<128xi32, #tpu.memory_space<vmem>>) semaphore(%arg12 : memref<!tpu.dma_semaphore, #tpu.memory_space<semaphore_mem>>)
      %dma_wait3A_130 = arith.constant 0 : i32
      %dma_wait3A_131 = arith.constant 0 : i32
      %dma_wait3A_132 = tpu.memref_slice %arg6[%dma_wait3A_130, %dma_wait3A_131] : memref<8x128xi32, #tpu.memory_space<vmem>> -> memref<1x128xi32, #tpu.memory_space<vmem>>
      %dma_wait3A_133 = tpu.memref_squeeze %dma_wait3A_132 : memref<1x128xi32, #tpu.memory_space<vmem>> -> memref<128xi32, #tpu.memory_space<vmem>>
      %dma_wait3A_134 = arith.constant 0 : i32
      %dma_wait3A_135 = arith.constant 0 : i32
      %dma_wait3A_136 = tpu.memref_slice %arg2[%dma_wait3A_134, %dma_wait3A_135] : memref<10240x128xf32, #tpu.memory_space<hbm>> -> memref<10240x128xf32, #tpu.memory_space<hbm>>
      tpu.wait_indirect_dma semaphore(%arg11 : memref<!tpu.dma_semaphore, #tpu.memory_space<semaphore_mem>>) src(%dma_wait3A_136 : memref<10240x128xf32, #tpu.memory_space<hbm>>) dst(%arg8 : memref<128x128xf32, #tpu.memory_space<vmem>>)
      %run_scoped3A = arith.constant 0 : i32
      "tpu.region"() ({
        %run_scoped3A_236 = tpu.sem_alloc : memref<!tpu.dma_semaphore, #tpu.memory_space<semaphore_mem>>
        %dma_start3A_237 = arith.constant 0 : i32
        %dma_start3A_238 = tpu.memref_slice %arg7[%run_scoped3A, %dma_start3A_237] : memref<8x128xi32, #tpu.memory_space<vmem>> -> memref<1x128xi32, #tpu.memory_space<vmem>>
        %dma_start3A_239 = tpu.memref_squeeze %dma_start3A_238 : memref<1x128xi32, #tpu.memory_space<vmem>> -> memref<128xi32, #tpu.memory_space<vmem>>
        %dma_start3A_240 = arith.constant 0 : i32
        %dma_start3A_241 = arith.constant 0 : i32
        %dma_start3A_242 = tpu.memref_slice %arg10[%dma_start3A_240, %dma_start3A_241] : memref<10240x128xf32, #tpu.memory_space<vmem_shared>> -> memref<10240x128xf32, #tpu.memory_space<vmem_shared>>
        tpu.enqueue_indirect_dma source(%arg8 : memref<128x128xf32, #tpu.memory_space<vmem>>) target(%dma_start3A_242 : memref<10240x128xf32, #tpu.memory_space<vmem_shared>>) offsets(%dma_start3A_239 : memref<128xi32, #tpu.memory_space<vmem>>) semaphore(%run_scoped3A_236 : memref<!tpu.dma_semaphore, #tpu.memory_space<semaphore_mem>>) {add = true}
        %dma_wait3A_243 = arith.constant 0 : i32
        %dma_wait3A_244 = tpu.memref_slice %arg7[%run_scoped3A, %dma_wait3A_243] : memref<8x128xi32, #tpu.memory_space<vmem>> -> memref<1x128xi32, #tpu.memory_space<vmem>>
        %dma_wait3A_245 = tpu.memref_squeeze %dma_wait3A_244 : memref<1x128xi32, #tpu.memory_space<vmem>> -> memref<128xi32, #tpu.memory_space<vmem>>
        %dma_wait3A_246 = arith.constant 0 : i32
        %dma_wait3A_247 = arith.constant 0 : i32
        %dma_wait3A_248 = tpu.memref_slice %arg10[%dma_wait3A_246, %dma_wait3A_247] : memref<10240x128xf32, #tpu.memory_space<vmem_shared>> -> memref<10240x128xf32, #tpu.memory_space<vmem_shared>>
        tpu.wait_indirect_dma semaphore(%run_scoped3A_236 : memref<!tpu.dma_semaphore, #tpu.memory_space<semaphore_mem>>) src(%arg8 : memref<128x128xf32, #tpu.memory_space<vmem>>) dst(%dma_wait3A_248 : memref<10240x128xf32, #tpu.memory_space<vmem_shared>>)
        tpu.yield
      }) : () -> ()
      %dma_start3A_137 = arith.constant 2 : i32
      %dma_start3A_138 = arith.constant 0 : i32
      %dma_start3A_139 = tpu.memref_slice %arg6[%dma_start3A_137, %dma_start3A_138] : memref<8x128xi32, #tpu.memory_space<vmem>> -> memref<1x128xi32, #tpu.memory_space<vmem>>
      %dma_start3A_140 = tpu.memref_squeeze %dma_start3A_139 : memref<1x128xi32, #tpu.memory_space<vmem>> -> memref<128xi32, #tpu.memory_space<vmem>>
      %dma_start3A_141 = arith.constant 0 : i32
      %dma_start3A_142 = arith.constant 0 : i32
      %dma_start3A_143 = tpu.memref_slice %arg2[%dma_start3A_141, %dma_start3A_142] : memref<10240x128xf32, #tpu.memory_space<hbm>> -> memref<10240x128xf32, #tpu.memory_space<hbm>>
      tpu.enqueue_indirect_dma source(%dma_start3A_143 : memref<10240x128xf32, #tpu.memory_space<hbm>>) target(%arg8 : memref<128x128xf32, #tpu.memory_space<vmem>>) offsets(%dma_start3A_140 : memref<128xi32, #tpu.memory_space<vmem>>) semaphore(%arg11 : memref<!tpu.dma_semaphore, #tpu.memory_space<semaphore_mem>>)
      %dma_wait3A_144 = arith.constant 1 : i32
      %dma_wait3A_145 = arith.constant 0 : i32
      %dma_wait3A_146 = tpu.memref_slice %arg6[%dma_wait3A_144, %dma_wait3A_145] : memref<8x128xi32, #tpu.memory_space<vmem>> -> memref<1x128xi32, #tpu.memory_space<vmem>>
      %dma_wait3A_147 = tpu.memref_squeeze %dma_wait3A_146 : memref<1x128xi32, #tpu.memory_space<vmem>> -> memref<128xi32, #tpu.memory_space<vmem>>
      %dma_wait3A_148 = arith.constant 0 : i32
      %dma_wait3A_149 = arith.constant 0 : i32
      %dma_wait3A_150 = tpu.memref_slice %arg2[%dma_wait3A_148, %dma_wait3A_149] : memref<10240x128xf32, #tpu.memory_space<hbm>> -> memref<10240x128xf32, #tpu.memory_space<hbm>>
      tpu.wait_indirect_dma semaphore(%arg12 : memref<!tpu.dma_semaphore, #tpu.memory_space<semaphore_mem>>) src(%dma_wait3A_150 : memref<10240x128xf32, #tpu.memory_space<hbm>>) dst(%arg9 : memref<128x128xf32, #tpu.memory_space<vmem>>)
      %run_scoped3A_151 = arith.constant 1 : i32
      "tpu.region"() ({
        %run_scoped3A_236 = tpu.sem_alloc : memref<!tpu.dma_semaphore, #tpu.memory_space<semaphore_mem>>
        %dma_start3A_237 = arith.constant 0 : i32
        %dma_start3A_238 = tpu.memref_slice %arg7[%run_scoped3A_151, %dma_start3A_237] : memref<8x128xi32, #tpu.memory_space<vmem>> -> memref<1x128xi32, #tpu.memory_space<vmem>>
        %dma_start3A_239 = tpu.memref_squeeze %dma_start3A_238 : memref<1x128xi32, #tpu.memory_space<vmem>> -> memref<128xi32, #tpu.memory_space<vmem>>
        %dma_start3A_240 = arith.constant 0 : i32
        %dma_start3A_241 = arith.constant 0 : i32
        %dma_start3A_242 = tpu.memref_slice %arg10[%dma_start3A_240, %dma_start3A_241] : memref<10240x128xf32, #tpu.memory_space<vmem_shared>> -> memref<10240x128xf32, #tpu.memory_space<vmem_shared>>
        tpu.enqueue_indirect_dma source(%arg9 : memref<128x128xf32, #tpu.memory_space<vmem>>) target(%dma_start3A_242 : memref<10240x128xf32, #tpu.memory_space<vmem_shared>>) offsets(%dma_start3A_239 : memref<128xi32, #tpu.memory_space<vmem>>) semaphore(%run_scoped3A_236 : memref<!tpu.dma_semaphore, #tpu.memory_space<semaphore_mem>>) {add = true}
        %dma_wait3A_243 = arith.constant 0 : i32
        %dma_wait3A_244 = tpu.memref_slice %arg7[%run_scoped3A_151, %dma_wait3A_243] : memref<8x128xi32, #tpu.memory_space<vmem>> -> memref<1x128xi32, #tpu.memory_space<vmem>>
        %dma_wait3A_245 = tpu.memref_squeeze %dma_wait3A_244 : memref<1x128xi32, #tpu.memory_space<vmem>> -> memref<128xi32, #tpu.memory_space<vmem>>
        %dma_wait3A_246 = arith.constant 0 : i32
        %dma_wait3A_247 = arith.constant 0 : i32
        %dma_wait3A_248 = tpu.memref_slice %arg10[%dma_wait3A_246, %dma_wait3A_247] : memref<10240x128xf32, #tpu.memory_space<vmem_shared>> -> memref<10240x128xf32, #tpu.memory_space<vmem_shared>>
        tpu.wait_indirect_dma semaphore(%run_scoped3A_236 : memref<!tpu.dma_semaphore, #tpu.memory_space<semaphore_mem>>) src(%arg9 : memref<128x128xf32, #tpu.memory_space<vmem>>) dst(%dma_wait3A_248 : memref<10240x128xf32, #tpu.memory_space<vmem_shared>>)
        tpu.yield
      }) : () -> ()
      %dma_start3A_152 = arith.constant 3 : i32
      %dma_start3A_153 = arith.constant 0 : i32
      %dma_start3A_154 = tpu.memref_slice %arg6[%dma_start3A_152, %dma_start3A_153] : memref<8x128xi32, #tpu.memory_space<vmem>> -> memref<1x128xi32, #tpu.memory_space<vmem>>
      %dma_start3A_155 = tpu.memref_squeeze %dma_start3A_154 : memref<1x128xi32, #tpu.memory_space<vmem>> -> memref<128xi32, #tpu.memory_space<vmem>>
      %dma_start3A_156 = arith.constant 0 : i32
      %dma_start3A_157 = arith.constant 0 : i32
      %dma_start3A_158 = tpu.memref_slice %arg2[%dma_start3A_156, %dma_start3A_157] : memref<10240x128xf32, #tpu.memory_space<hbm>> -> memref<10240x128xf32, #tpu.memory_space<hbm>>
      tpu.enqueue_indirect_dma source(%dma_start3A_158 : memref<10240x128xf32, #tpu.memory_space<hbm>>) target(%arg9 : memref<128x128xf32, #tpu.memory_space<vmem>>) offsets(%dma_start3A_155 : memref<128xi32, #tpu.memory_space<vmem>>) semaphore(%arg12 : memref<!tpu.dma_semaphore, #tpu.memory_space<semaphore_mem>>)
      %dma_wait3A_159 = arith.constant 2 : i32
      %dma_wait3A_160 = arith.constant 0 : i32
      %dma_wait3A_161 = tpu.memref_slice %arg6[%dma_wait3A_159, %dma_wait3A_160] : memref<8x128xi32, #tpu.memory_space<vmem>> -> memref<1x128xi32, #tpu.memory_space<vmem>>
      %dma_wait3A_162 = tpu.memref_squeeze %dma_wait3A_161 : memref<1x128xi32, #tpu.memory_space<vmem>> -> memref<128xi32, #tpu.memory_space<vmem>>
      %dma_wait3A_163 = arith.constant 0 : i32
      %dma_wait3A_164 = arith.constant 0 : i32
      %dma_wait3A_165 = tpu.memref_slice %arg2[%dma_wait3A_163, %dma_wait3A_164] : memref<10240x128xf32, #tpu.memory_space<hbm>> -> memref<10240x128xf32, #tpu.memory_space<hbm>>
      tpu.wait_indirect_dma semaphore(%arg11 : memref<!tpu.dma_semaphore, #tpu.memory_space<semaphore_mem>>) src(%dma_wait3A_165 : memref<10240x128xf32, #tpu.memory_space<hbm>>) dst(%arg8 : memref<128x128xf32, #tpu.memory_space<vmem>>)
      %run_scoped3A_166 = arith.constant 2 : i32
      "tpu.region"() ({
        %run_scoped3A_236 = tpu.sem_alloc : memref<!tpu.dma_semaphore, #tpu.memory_space<semaphore_mem>>
        %dma_start3A_237 = arith.constant 0 : i32
        %dma_start3A_238 = tpu.memref_slice %arg7[%run_scoped3A_166, %dma_start3A_237] : memref<8x128xi32, #tpu.memory_space<vmem>> -> memref<1x128xi32, #tpu.memory_space<vmem>>
        %dma_start3A_239 = tpu.memref_squeeze %dma_start3A_238 : memref<1x128xi32, #tpu.memory_space<vmem>> -> memref<128xi32, #tpu.memory_space<vmem>>
        %dma_start3A_240 = arith.constant 0 : i32
        %dma_start3A_241 = arith.constant 0 : i32
        %dma_start3A_242 = tpu.memref_slice %arg10[%dma_start3A_240, %dma_start3A_241] : memref<10240x128xf32, #tpu.memory_space<vmem_shared>> -> memref<10240x128xf32, #tpu.memory_space<vmem_shared>>
        tpu.enqueue_indirect_dma source(%arg8 : memref<128x128xf32, #tpu.memory_space<vmem>>) target(%dma_start3A_242 : memref<10240x128xf32, #tpu.memory_space<vmem_shared>>) offsets(%dma_start3A_239 : memref<128xi32, #tpu.memory_space<vmem>>) semaphore(%run_scoped3A_236 : memref<!tpu.dma_semaphore, #tpu.memory_space<semaphore_mem>>) {add = true}
        %dma_wait3A_243 = arith.constant 0 : i32
        %dma_wait3A_244 = tpu.memref_slice %arg7[%run_scoped3A_166, %dma_wait3A_243] : memref<8x128xi32, #tpu.memory_space<vmem>> -> memref<1x128xi32, #tpu.memory_space<vmem>>
        %dma_wait3A_245 = tpu.memref_squeeze %dma_wait3A_244 : memref<1x128xi32, #tpu.memory_space<vmem>> -> memref<128xi32, #tpu.memory_space<vmem>>
        %dma_wait3A_246 = arith.constant 0 : i32
        %dma_wait3A_247 = arith.constant 0 : i32
        %dma_wait3A_248 = tpu.memref_slice %arg10[%dma_wait3A_246, %dma_wait3A_247] : memref<10240x128xf32, #tpu.memory_space<vmem_shared>> -> memref<10240x128xf32, #tpu.memory_space<vmem_shared>>
        tpu.wait_indirect_dma semaphore(%run_scoped3A_236 : memref<!tpu.dma_semaphore, #tpu.memory_space<semaphore_mem>>) src(%arg8 : memref<128x128xf32, #tpu.memory_space<vmem>>) dst(%dma_wait3A_248 : memref<10240x128xf32, #tpu.memory_space<vmem_shared>>)
        tpu.yield
      }) : () -> ()
      %dma_start3A_167 = arith.constant 4 : i32
      %dma_start3A_168 = arith.constant 0 : i32
      %dma_start3A_169 = tpu.memref_slice %arg6[%dma_start3A_167, %dma_start3A_168] : memref<8x128xi32, #tpu.memory_space<vmem>> -> memref<1x128xi32, #tpu.memory_space<vmem>>
      %dma_start3A_170 = tpu.memref_squeeze %dma_start3A_169 : memref<1x128xi32, #tpu.memory_space<vmem>> -> memref<128xi32, #tpu.memory_space<vmem>>
      %dma_start3A_171 = arith.constant 0 : i32
      %dma_start3A_172 = arith.constant 0 : i32
      %dma_start3A_173 = tpu.memref_slice %arg2[%dma_start3A_171, %dma_start3A_172] : memref<10240x128xf32, #tpu.memory_space<hbm>> -> memref<10240x128xf32, #tpu.memory_space<hbm>>
      tpu.enqueue_indirect_dma source(%dma_start3A_173 : memref<10240x128xf32, #tpu.memory_space<hbm>>) target(%arg8 : memref<128x128xf32, #tpu.memory_space<vmem>>) offsets(%dma_start3A_170 : memref<128xi32, #tpu.memory_space<vmem>>) semaphore(%arg11 : memref<!tpu.dma_semaphore, #tpu.memory_space<semaphore_mem>>)
      %dma_wait3A_174 = arith.constant 3 : i32
      %dma_wait3A_175 = arith.constant 0 : i32
      %dma_wait3A_176 = tpu.memref_slice %arg6[%dma_wait3A_174, %dma_wait3A_175] : memref<8x128xi32, #tpu.memory_space<vmem>> -> memref<1x128xi32, #tpu.memory_space<vmem>>
      %dma_wait3A_177 = tpu.memref_squeeze %dma_wait3A_176 : memref<1x128xi32, #tpu.memory_space<vmem>> -> memref<128xi32, #tpu.memory_space<vmem>>
      %dma_wait3A_178 = arith.constant 0 : i32
      %dma_wait3A_179 = arith.constant 0 : i32
      %dma_wait3A_180 = tpu.memref_slice %arg2[%dma_wait3A_178, %dma_wait3A_179] : memref<10240x128xf32, #tpu.memory_space<hbm>> -> memref<10240x128xf32, #tpu.memory_space<hbm>>
      tpu.wait_indirect_dma semaphore(%arg12 : memref<!tpu.dma_semaphore, #tpu.memory_space<semaphore_mem>>) src(%dma_wait3A_180 : memref<10240x128xf32, #tpu.memory_space<hbm>>) dst(%arg9 : memref<128x128xf32, #tpu.memory_space<vmem>>)
      %run_scoped3A_181 = arith.constant 3 : i32
      "tpu.region"() ({
        %run_scoped3A_236 = tpu.sem_alloc : memref<!tpu.dma_semaphore, #tpu.memory_space<semaphore_mem>>
        %dma_start3A_237 = arith.constant 0 : i32
        %dma_start3A_238 = tpu.memref_slice %arg7[%run_scoped3A_181, %dma_start3A_237] : memref<8x128xi32, #tpu.memory_space<vmem>> -> memref<1x128xi32, #tpu.memory_space<vmem>>
        %dma_start3A_239 = tpu.memref_squeeze %dma_start3A_238 : memref<1x128xi32, #tpu.memory_space<vmem>> -> memref<128xi32, #tpu.memory_space<vmem>>
        %dma_start3A_240 = arith.constant 0 : i32
        %dma_start3A_241 = arith.constant 0 : i32
        %dma_start3A_242 = tpu.memref_slice %arg10[%dma_start3A_240, %dma_start3A_241] : memref<10240x128xf32, #tpu.memory_space<vmem_shared>> -> memref<10240x128xf32, #tpu.memory_space<vmem_shared>>
        tpu.enqueue_indirect_dma source(%arg9 : memref<128x128xf32, #tpu.memory_space<vmem>>) target(%dma_start3A_242 : memref<10240x128xf32, #tpu.memory_space<vmem_shared>>) offsets(%dma_start3A_239 : memref<128xi32, #tpu.memory_space<vmem>>) semaphore(%run_scoped3A_236 : memref<!tpu.dma_semaphore, #tpu.memory_space<semaphore_mem>>) {add = true}
        %dma_wait3A_243 = arith.constant 0 : i32
        %dma_wait3A_244 = tpu.memref_slice %arg7[%run_scoped3A_181, %dma_wait3A_243] : memref<8x128xi32, #tpu.memory_space<vmem>> -> memref<1x128xi32, #tpu.memory_space<vmem>>
        %dma_wait3A_245 = tpu.memref_squeeze %dma_wait3A_244 : memref<1x128xi32, #tpu.memory_space<vmem>> -> memref<128xi32, #tpu.memory_space<vmem>>
        %dma_wait3A_246 = arith.constant 0 : i32
        %dma_wait3A_247 = arith.constant 0 : i32
        %dma_wait3A_248 = tpu.memref_slice %arg10[%dma_wait3A_246, %dma_wait3A_247] : memref<10240x128xf32, #tpu.memory_space<vmem_shared>> -> memref<10240x128xf32, #tpu.memory_space<vmem_shared>>
        tpu.wait_indirect_dma semaphore(%run_scoped3A_236 : memref<!tpu.dma_semaphore, #tpu.memory_space<semaphore_mem>>) src(%arg9 : memref<128x128xf32, #tpu.memory_space<vmem>>) dst(%dma_wait3A_248 : memref<10240x128xf32, #tpu.memory_space<vmem_shared>>)
        tpu.yield
      }) : () -> ()
      %dma_start3A_182 = arith.constant 5 : i32
      %dma_start3A_183 = arith.constant 0 : i32
      %dma_start3A_184 = tpu.memref_slice %arg6[%dma_start3A_182, %dma_start3A_183] : memref<8x128xi32, #tpu.memory_space<vmem>> -> memref<1x128xi32, #tpu.memory_space<vmem>>
      %dma_start3A_185 = tpu.memref_squeeze %dma_start3A_184 : memref<1x128xi32, #tpu.memory_space<vmem>> -> memref<128xi32, #tpu.memory_space<vmem>>
      %dma_start3A_186 = arith.constant 0 : i32
      %dma_start3A_187 = arith.constant 0 : i32
      %dma_start3A_188 = tpu.memref_slice %arg2[%dma_start3A_186, %dma_start3A_187] : memref<10240x128xf32, #tpu.memory_space<hbm>> -> memref<10240x128xf32, #tpu.memory_space<hbm>>
      tpu.enqueue_indirect_dma source(%dma_start3A_188 : memref<10240x128xf32, #tpu.memory_space<hbm>>) target(%arg9 : memref<128x128xf32, #tpu.memory_space<vmem>>) offsets(%dma_start3A_185 : memref<128xi32, #tpu.memory_space<vmem>>) semaphore(%arg12 : memref<!tpu.dma_semaphore, #tpu.memory_space<semaphore_mem>>)
      %dma_wait3A_189 = arith.constant 4 : i32
      %dma_wait3A_190 = arith.constant 0 : i32
      %dma_wait3A_191 = tpu.memref_slice %arg6[%dma_wait3A_189, %dma_wait3A_190] : memref<8x128xi32, #tpu.memory_space<vmem>> -> memref<1x128xi32, #tpu.memory_space<vmem>>
      %dma_wait3A_192 = tpu.memref_squeeze %dma_wait3A_191 : memref<1x128xi32, #tpu.memory_space<vmem>> -> memref<128xi32, #tpu.memory_space<vmem>>
      %dma_wait3A_193 = arith.constant 0 : i32
      %dma_wait3A_194 = arith.constant 0 : i32
      %dma_wait3A_195 = tpu.memref_slice %arg2[%dma_wait3A_193, %dma_wait3A_194] : memref<10240x128xf32, #tpu.memory_space<hbm>> -> memref<10240x128xf32, #tpu.memory_space<hbm>>
      tpu.wait_indirect_dma semaphore(%arg11 : memref<!tpu.dma_semaphore, #tpu.memory_space<semaphore_mem>>) src(%dma_wait3A_195 : memref<10240x128xf32, #tpu.memory_space<hbm>>) dst(%arg8 : memref<128x128xf32, #tpu.memory_space<vmem>>)
      %run_scoped3A_196 = arith.constant 4 : i32
      "tpu.region"() ({
        %run_scoped3A_236 = tpu.sem_alloc : memref<!tpu.dma_semaphore, #tpu.memory_space<semaphore_mem>>
        %dma_start3A_237 = arith.constant 0 : i32
        %dma_start3A_238 = tpu.memref_slice %arg7[%run_scoped3A_196, %dma_start3A_237] : memref<8x128xi32, #tpu.memory_space<vmem>> -> memref<1x128xi32, #tpu.memory_space<vmem>>
        %dma_start3A_239 = tpu.memref_squeeze %dma_start3A_238 : memref<1x128xi32, #tpu.memory_space<vmem>> -> memref<128xi32, #tpu.memory_space<vmem>>
        %dma_start3A_240 = arith.constant 0 : i32
        %dma_start3A_241 = arith.constant 0 : i32
        %dma_start3A_242 = tpu.memref_slice %arg10[%dma_start3A_240, %dma_start3A_241] : memref<10240x128xf32, #tpu.memory_space<vmem_shared>> -> memref<10240x128xf32, #tpu.memory_space<vmem_shared>>
        tpu.enqueue_indirect_dma source(%arg8 : memref<128x128xf32, #tpu.memory_space<vmem>>) target(%dma_start3A_242 : memref<10240x128xf32, #tpu.memory_space<vmem_shared>>) offsets(%dma_start3A_239 : memref<128xi32, #tpu.memory_space<vmem>>) semaphore(%run_scoped3A_236 : memref<!tpu.dma_semaphore, #tpu.memory_space<semaphore_mem>>) {add = true}
        %dma_wait3A_243 = arith.constant 0 : i32
        %dma_wait3A_244 = tpu.memref_slice %arg7[%run_scoped3A_196, %dma_wait3A_243] : memref<8x128xi32, #tpu.memory_space<vmem>> -> memref<1x128xi32, #tpu.memory_space<vmem>>
        %dma_wait3A_245 = tpu.memref_squeeze %dma_wait3A_244 : memref<1x128xi32, #tpu.memory_space<vmem>> -> memref<128xi32, #tpu.memory_space<vmem>>
        %dma_wait3A_246 = arith.constant 0 : i32
        %dma_wait3A_247 = arith.constant 0 : i32
        %dma_wait3A_248 = tpu.memref_slice %arg10[%dma_wait3A_246, %dma_wait3A_247] : memref<10240x128xf32, #tpu.memory_space<vmem_shared>> -> memref<10240x128xf32, #tpu.memory_space<vmem_shared>>
        tpu.wait_indirect_dma semaphore(%run_scoped3A_236 : memref<!tpu.dma_semaphore, #tpu.memory_space<semaphore_mem>>) src(%arg8 : memref<128x128xf32, #tpu.memory_space<vmem>>) dst(%dma_wait3A_248 : memref<10240x128xf32, #tpu.memory_space<vmem_shared>>)
        tpu.yield
      }) : () -> ()
      %dma_start3A_197 = arith.constant 6 : i32
      %dma_start3A_198 = arith.constant 0 : i32
      %dma_start3A_199 = tpu.memref_slice %arg6[%dma_start3A_197, %dma_start3A_198] : memref<8x128xi32, #tpu.memory_space<vmem>> -> memref<1x128xi32, #tpu.memory_space<vmem>>
      %dma_start3A_200 = tpu.memref_squeeze %dma_start3A_199 : memref<1x128xi32, #tpu.memory_space<vmem>> -> memref<128xi32, #tpu.memory_space<vmem>>
      %dma_start3A_201 = arith.constant 0 : i32
      %dma_start3A_202 = arith.constant 0 : i32
      %dma_start3A_203 = tpu.memref_slice %arg2[%dma_start3A_201, %dma_start3A_202] : memref<10240x128xf32, #tpu.memory_space<hbm>> -> memref<10240x128xf32, #tpu.memory_space<hbm>>
      tpu.enqueue_indirect_dma source(%dma_start3A_203 : memref<10240x128xf32, #tpu.memory_space<hbm>>) target(%arg8 : memref<128x128xf32, #tpu.memory_space<vmem>>) offsets(%dma_start3A_200 : memref<128xi32, #tpu.memory_space<vmem>>) semaphore(%arg11 : memref<!tpu.dma_semaphore, #tpu.memory_space<semaphore_mem>>)
      %dma_wait3A_204 = arith.constant 5 : i32
      %dma_wait3A_205 = arith.constant 0 : i32
      %dma_wait3A_206 = tpu.memref_slice %arg6[%dma_wait3A_204, %dma_wait3A_205] : memref<8x128xi32, #tpu.memory_space<vmem>> -> memref<1x128xi32, #tpu.memory_space<vmem>>
      %dma_wait3A_207 = tpu.memref_squeeze %dma_wait3A_206 : memref<1x128xi32, #tpu.memory_space<vmem>> -> memref<128xi32, #tpu.memory_space<vmem>>
      %dma_wait3A_208 = arith.constant 0 : i32
      %dma_wait3A_209 = arith.constant 0 : i32
      %dma_wait3A_210 = tpu.memref_slice %arg2[%dma_wait3A_208, %dma_wait3A_209] : memref<10240x128xf32, #tpu.memory_space<hbm>> -> memref<10240x128xf32, #tpu.memory_space<hbm>>
      tpu.wait_indirect_dma semaphore(%arg12 : memref<!tpu.dma_semaphore, #tpu.memory_space<semaphore_mem>>) src(%dma_wait3A_210 : memref<10240x128xf32, #tpu.memory_space<hbm>>) dst(%arg9 : memref<128x128xf32, #tpu.memory_space<vmem>>)
      %run_scoped3A_211 = arith.constant 5 : i32
      "tpu.region"() ({
        %run_scoped3A_236 = tpu.sem_alloc : memref<!tpu.dma_semaphore, #tpu.memory_space<semaphore_mem>>
        %dma_start3A_237 = arith.constant 0 : i32
        %dma_start3A_238 = tpu.memref_slice %arg7[%run_scoped3A_211, %dma_start3A_237] : memref<8x128xi32, #tpu.memory_space<vmem>> -> memref<1x128xi32, #tpu.memory_space<vmem>>
        %dma_start3A_239 = tpu.memref_squeeze %dma_start3A_238 : memref<1x128xi32, #tpu.memory_space<vmem>> -> memref<128xi32, #tpu.memory_space<vmem>>
        %dma_start3A_240 = arith.constant 0 : i32
        %dma_start3A_241 = arith.constant 0 : i32
        %dma_start3A_242 = tpu.memref_slice %arg10[%dma_start3A_240, %dma_start3A_241] : memref<10240x128xf32, #tpu.memory_space<vmem_shared>> -> memref<10240x128xf32, #tpu.memory_space<vmem_shared>>
        tpu.enqueue_indirect_dma source(%arg9 : memref<128x128xf32, #tpu.memory_space<vmem>>) target(%dma_start3A_242 : memref<10240x128xf32, #tpu.memory_space<vmem_shared>>) offsets(%dma_start3A_239 : memref<128xi32, #tpu.memory_space<vmem>>) semaphore(%run_scoped3A_236 : memref<!tpu.dma_semaphore, #tpu.memory_space<semaphore_mem>>) {add = true}
        %dma_wait3A_243 = arith.constant 0 : i32
        %dma_wait3A_244 = tpu.memref_slice %arg7[%run_scoped3A_211, %dma_wait3A_243] : memref<8x128xi32, #tpu.memory_space<vmem>> -> memref<1x128xi32, #tpu.memory_space<vmem>>
        %dma_wait3A_245 = tpu.memref_squeeze %dma_wait3A_244 : memref<1x128xi32, #tpu.memory_space<vmem>> -> memref<128xi32, #tpu.memory_space<vmem>>
        %dma_wait3A_246 = arith.constant 0 : i32
        %dma_wait3A_247 = arith.constant 0 : i32
        %dma_wait3A_248 = tpu.memref_slice %arg10[%dma_wait3A_246, %dma_wait3A_247] : memref<10240x128xf32, #tpu.memory_space<vmem_shared>> -> memref<10240x128xf32, #tpu.memory_space<vmem_shared>>
        tpu.wait_indirect_dma semaphore(%run_scoped3A_236 : memref<!tpu.dma_semaphore, #tpu.memory_space<semaphore_mem>>) src(%arg9 : memref<128x128xf32, #tpu.memory_space<vmem>>) dst(%dma_wait3A_248 : memref<10240x128xf32, #tpu.memory_space<vmem_shared>>)
        tpu.yield
      }) : () -> ()
      %dma_start3A_212 = arith.constant 7 : i32
      %dma_start3A_213 = arith.constant 0 : i32
      %dma_start3A_214 = tpu.memref_slice %arg6[%dma_start3A_212, %dma_start3A_213] : memref<8x128xi32, #tpu.memory_space<vmem>> -> memref<1x128xi32, #tpu.memory_space<vmem>>
      %dma_start3A_215 = tpu.memref_squeeze %dma_start3A_214 : memref<1x128xi32, #tpu.memory_space<vmem>> -> memref<128xi32, #tpu.memory_space<vmem>>
      %dma_start3A_216 = arith.constant 0 : i32
      %dma_start3A_217 = arith.constant 0 : i32
      %dma_start3A_218 = tpu.memref_slice %arg2[%dma_start3A_216, %dma_start3A_217] : memref<10240x128xf32, #tpu.memory_space<hbm>> -> memref<10240x128xf32, #tpu.memory_space<hbm>>
      tpu.enqueue_indirect_dma source(%dma_start3A_218 : memref<10240x128xf32, #tpu.memory_space<hbm>>) target(%arg9 : memref<128x128xf32, #tpu.memory_space<vmem>>) offsets(%dma_start3A_215 : memref<128xi32, #tpu.memory_space<vmem>>) semaphore(%arg12 : memref<!tpu.dma_semaphore, #tpu.memory_space<semaphore_mem>>)
      %dma_wait3A_219 = arith.constant 6 : i32
      %dma_wait3A_220 = arith.constant 0 : i32
      %dma_wait3A_221 = tpu.memref_slice %arg6[%dma_wait3A_219, %dma_wait3A_220] : memref<8x128xi32, #tpu.memory_space<vmem>> -> memref<1x128xi32, #tpu.memory_space<vmem>>
      %dma_wait3A_222 = tpu.memref_squeeze %dma_wait3A_221 : memref<1x128xi32, #tpu.memory_space<vmem>> -> memref<128xi32, #tpu.memory_space<vmem>>
      %dma_wait3A_223 = arith.constant 0 : i32
      %dma_wait3A_224 = arith.constant 0 : i32
      %dma_wait3A_225 = tpu.memref_slice %arg2[%dma_wait3A_223, %dma_wait3A_224] : memref<10240x128xf32, #tpu.memory_space<hbm>> -> memref<10240x128xf32, #tpu.memory_space<hbm>>
      tpu.wait_indirect_dma semaphore(%arg11 : memref<!tpu.dma_semaphore, #tpu.memory_space<semaphore_mem>>) src(%dma_wait3A_225 : memref<10240x128xf32, #tpu.memory_space<hbm>>) dst(%arg8 : memref<128x128xf32, #tpu.memory_space<vmem>>)
      %run_scoped3A_226 = arith.constant 6 : i32
      "tpu.region"() ({
        %run_scoped3A_236 = tpu.sem_alloc : memref<!tpu.dma_semaphore, #tpu.memory_space<semaphore_mem>>
        %dma_start3A_237 = arith.constant 0 : i32
        %dma_start3A_238 = tpu.memref_slice %arg7[%run_scoped3A_226, %dma_start3A_237] : memref<8x128xi32, #tpu.memory_space<vmem>> -> memref<1x128xi32, #tpu.memory_space<vmem>>
        %dma_start3A_239 = tpu.memref_squeeze %dma_start3A_238 : memref<1x128xi32, #tpu.memory_space<vmem>> -> memref<128xi32, #tpu.memory_space<vmem>>
        %dma_start3A_240 = arith.constant 0 : i32
        %dma_start3A_241 = arith.constant 0 : i32
        %dma_start3A_242 = tpu.memref_slice %arg10[%dma_start3A_240, %dma_start3A_241] : memref<10240x128xf32, #tpu.memory_space<vmem_shared>> -> memref<10240x128xf32, #tpu.memory_space<vmem_shared>>
        tpu.enqueue_indirect_dma source(%arg8 : memref<128x128xf32, #tpu.memory_space<vmem>>) target(%dma_start3A_242 : memref<10240x128xf32, #tpu.memory_space<vmem_shared>>) offsets(%dma_start3A_239 : memref<128xi32, #tpu.memory_space<vmem>>) semaphore(%run_scoped3A_236 : memref<!tpu.dma_semaphore, #tpu.memory_space<semaphore_mem>>) {add = true}
        %dma_wait3A_243 = arith.constant 0 : i32
        %dma_wait3A_244 = tpu.memref_slice %arg7[%run_scoped3A_226, %dma_wait3A_243] : memref<8x128xi32, #tpu.memory_space<vmem>> -> memref<1x128xi32, #tpu.memory_space<vmem>>
        %dma_wait3A_245 = tpu.memref_squeeze %dma_wait3A_244 : memref<1x128xi32, #tpu.memory_space<vmem>> -> memref<128xi32, #tpu.memory_space<vmem>>
        %dma_wait3A_246 = arith.constant 0 : i32
        %dma_wait3A_247 = arith.constant 0 : i32
        %dma_wait3A_248 = tpu.memref_slice %arg10[%dma_wait3A_246, %dma_wait3A_247] : memref<10240x128xf32, #tpu.memory_space<vmem_shared>> -> memref<10240x128xf32, #tpu.memory_space<vmem_shared>>
        tpu.wait_indirect_dma semaphore(%run_scoped3A_236 : memref<!tpu.dma_semaphore, #tpu.memory_space<semaphore_mem>>) src(%arg8 : memref<128x128xf32, #tpu.memory_space<vmem>>) dst(%dma_wait3A_248 : memref<10240x128xf32, #tpu.memory_space<vmem_shared>>)
        tpu.yield
      }) : () -> ()
      %dma_wait3A_227 = arith.constant 7 : i32
      %dma_wait3A_228 = arith.constant 0 : i32
      %dma_wait3A_229 = tpu.memref_slice %arg6[%dma_wait3A_227, %dma_wait3A_228] : memref<8x128xi32, #tpu.memory_space<vmem>> -> memref<1x128xi32, #tpu.memory_space<vmem>>
      %dma_wait3A_230 = tpu.memref_squeeze %dma_wait3A_229 : memref<1x128xi32, #tpu.memory_space<vmem>> -> memref<128xi32, #tpu.memory_space<vmem>>
      %dma_wait3A_231 = arith.constant 0 : i32
      %dma_wait3A_232 = arith.constant 0 : i32
      %dma_wait3A_233 = tpu.memref_slice %arg2[%dma_wait3A_231, %dma_wait3A_232] : memref<10240x128xf32, #tpu.memory_space<hbm>> -> memref<10240x128xf32, #tpu.memory_space<hbm>>
      tpu.wait_indirect_dma semaphore(%arg12 : memref<!tpu.dma_semaphore, #tpu.memory_space<semaphore_mem>>) src(%dma_wait3A_233 : memref<10240x128xf32, #tpu.memory_space<hbm>>) dst(%arg9 : memref<128x128xf32, #tpu.memory_space<vmem>>)
      %run_scoped3A_234 = arith.constant 7 : i32
      "tpu.region"() ({
        %run_scoped3A_236 = tpu.sem_alloc : memref<!tpu.dma_semaphore, #tpu.memory_space<semaphore_mem>>
        %dma_start3A_237 = arith.constant 0 : i32
        %dma_start3A_238 = tpu.memref_slice %arg7[%run_scoped3A_234, %dma_start3A_237] : memref<8x128xi32, #tpu.memory_space<vmem>> -> memref<1x128xi32, #tpu.memory_space<vmem>>
        %dma_start3A_239 = tpu.memref_squeeze %dma_start3A_238 : memref<1x128xi32, #tpu.memory_space<vmem>> -> memref<128xi32, #tpu.memory_space<vmem>>
        %dma_start3A_240 = arith.constant 0 : i32
        %dma_start3A_241 = arith.constant 0 : i32
        %dma_start3A_242 = tpu.memref_slice %arg10[%dma_start3A_240, %dma_start3A_241] : memref<10240x128xf32, #tpu.memory_space<vmem_shared>> -> memref<10240x128xf32, #tpu.memory_space<vmem_shared>>
        tpu.enqueue_indirect_dma source(%arg9 : memref<128x128xf32, #tpu.memory_space<vmem>>) target(%dma_start3A_242 : memref<10240x128xf32, #tpu.memory_space<vmem_shared>>) offsets(%dma_start3A_239 : memref<128xi32, #tpu.memory_space<vmem>>) semaphore(%run_scoped3A_236 : memref<!tpu.dma_semaphore, #tpu.memory_space<semaphore_mem>>) {add = true}
        %dma_wait3A_243 = arith.constant 0 : i32
        %dma_wait3A_244 = tpu.memref_slice %arg7[%run_scoped3A_234, %dma_wait3A_243] : memref<8x128xi32, #tpu.memory_space<vmem>> -> memref<1x128xi32, #tpu.memory_space<vmem>>
        %dma_wait3A_245 = tpu.memref_squeeze %dma_wait3A_244 : memref<1x128xi32, #tpu.memory_space<vmem>> -> memref<128xi32, #tpu.memory_space<vmem>>
        %dma_wait3A_246 = arith.constant 0 : i32
        %dma_wait3A_247 = arith.constant 0 : i32
        %dma_wait3A_248 = tpu.memref_slice %arg10[%dma_wait3A_246, %dma_wait3A_247] : memref<10240x128xf32, #tpu.memory_space<vmem_shared>> -> memref<10240x128xf32, #tpu.memory_space<vmem_shared>>
        tpu.wait_indirect_dma semaphore(%run_scoped3A_236 : memref<!tpu.dma_semaphore, #tpu.memory_space<semaphore_mem>>) src(%arg9 : memref<128x128xf32, #tpu.memory_space<vmem>>) dst(%dma_wait3A_248 : memref<10240x128xf32, #tpu.memory_space<vmem_shared>>)
        tpu.yield
      }) : () -> ()
      %while3A_235 = arith.constant 0 : i32
      scf.yield %while3A_235 : i32
    }
    %barrier3A_37 = arith.constant 0 : index
    tpu.barrier barrier_id(%barrier3A_37)
    %mul3A_38 = arith.constant 640 : i32
    %mul3A_39 = arith.muli %arg1, %mul3A_38 : i32
    %add3A_40 = arith.constant 0 : i32
    %add3A_41 = arith.addi %mul3A_39, %add3A_40 : i32
    "tpu.region"() ({
      %run_scoped3A = tpu.sem_alloc : memref<!tpu.dma_semaphore, #tpu.memory_space<semaphore_mem>>
      %dma_start3A_111 = arith.constant 0 : i32
      %dma_start3A_112 = tpu.memref_slice %arg10[%add3A_41, %dma_start3A_111] : memref<10240x128xf32, #tpu.memory_space<vmem_shared>> -> memref<128x128xf32, #tpu.memory_space<vmem_shared>>
      %dma_start3A_113 = arith.constant 0 : i32
      %dma_start3A_114 = tpu.memref_slice %arg10[%add3A_41, %dma_start3A_113] : memref<10240x128xf32, #tpu.memory_space<vmem_shared>> -> memref<128x128xf32, #tpu.memory_space<vmem_shared>>
      tpu.enqueue_dma source(%dma_start3A_114 : memref<128x128xf32, #tpu.memory_space<vmem_shared>>) target(%arg8 : memref<128x128xf32, #tpu.memory_space<vmem>>) target_semaphore(%run_scoped3A : memref<!tpu.dma_semaphore, #tpu.memory_space<semaphore_mem>>)
      %dma_wait3A_115 = arith.constant 0 : i32
      %dma_wait3A_116 = tpu.memref_slice %arg10[%add3A_41, %dma_wait3A_115] : memref<10240x128xf32, #tpu.memory_space<vmem_shared>> -> memref<128x128xf32, #tpu.memory_space<vmem_shared>>
      %dma_wait3A_117 = arith.constant 0 : i32
      %dma_wait3A_118 = tpu.memref_slice %arg10[%add3A_41, %dma_wait3A_117] : memref<10240x128xf32, #tpu.memory_space<vmem_shared>> -> memref<128x128xf32, #tpu.memory_space<vmem_shared>>
      tpu.wait_dma2 semaphore(%run_scoped3A : memref<!tpu.dma_semaphore, #tpu.memory_space<semaphore_mem>>) src(%dma_wait3A_118 : memref<128x128xf32, #tpu.memory_space<vmem_shared>>) dst(%arg8 : memref<128x128xf32, #tpu.memory_space<vmem>>)
      tpu.yield
    }) : () -> ()
    %mul3A_42 = arith.constant 10240 : i32
    %mul3A_43 = arith.muli %arg0, %mul3A_42 : i32
    %add3A_44 = arith.addi %mul3A_43, %add3A_41 : i32
    %dma_start3A = arith.constant 0 : i32
    %dma_start3A_45 = tpu.memref_slice %arg5[%add3A_44, %dma_start3A] : memref<20480x128xf32, #tpu.memory_space<hbm>> -> memref<128x128xf32, #tpu.memory_space<hbm>>
    %dma_start3A_46 = arith.constant 0 : i32
    %dma_start3A_47 = tpu.memref_slice %arg5[%add3A_44, %dma_start3A_46] : memref<20480x128xf32, #tpu.memory_space<hbm>> -> memref<128x128xf32, #tpu.memory_space<hbm>>
    tpu.enqueue_dma source(%arg8 : memref<128x128xf32, #tpu.memory_space<vmem>>) target(%dma_start3A_47 : memref<128x128xf32, #tpu.memory_space<hbm>>) target_semaphore(%arg11 : memref<!tpu.dma_semaphore, #tpu.memory_space<semaphore_mem>>)
    %mul3A_48 = arith.constant 640 : i32
    %mul3A_49 = arith.muli %arg1, %mul3A_48 : i32
    %add3A_50 = arith.constant 128 : i32
    %add3A_51 = arith.addi %mul3A_49, %add3A_50 : i32
    "tpu.region"() ({
      %run_scoped3A = tpu.sem_alloc : memref<!tpu.dma_semaphore, #tpu.memory_space<semaphore_mem>>
      %dma_start3A_111 = arith.constant 0 : i32
      %dma_start3A_112 = tpu.memref_slice %arg10[%add3A_51, %dma_start3A_111] : memref<10240x128xf32, #tpu.memory_space<vmem_shared>> -> memref<128x128xf32, #tpu.memory_space<vmem_shared>>
      %dma_start3A_113 = arith.constant 0 : i32
      %dma_start3A_114 = tpu.memref_slice %arg10[%add3A_51, %dma_start3A_113] : memref<10240x128xf32, #tpu.memory_space<vmem_shared>> -> memref<128x128xf32, #tpu.memory_space<vmem_shared>>
      tpu.enqueue_dma source(%dma_start3A_114 : memref<128x128xf32, #tpu.memory_space<vmem_shared>>) target(%arg9 : memref<128x128xf32, #tpu.memory_space<vmem>>) target_semaphore(%run_scoped3A : memref<!tpu.dma_semaphore, #tpu.memory_space<semaphore_mem>>)
      %dma_wait3A_115 = arith.constant 0 : i32
      %dma_wait3A_116 = tpu.memref_slice %arg10[%add3A_51, %dma_wait3A_115] : memref<10240x128xf32, #tpu.memory_space<vmem_shared>> -> memref<128x128xf32, #tpu.memory_space<vmem_shared>>
      %dma_wait3A_117 = arith.constant 0 : i32
      %dma_wait3A_118 = tpu.memref_slice %arg10[%add3A_51, %dma_wait3A_117] : memref<10240x128xf32, #tpu.memory_space<vmem_shared>> -> memref<128x128xf32, #tpu.memory_space<vmem_shared>>
      tpu.wait_dma2 semaphore(%run_scoped3A : memref<!tpu.dma_semaphore, #tpu.memory_space<semaphore_mem>>) src(%dma_wait3A_118 : memref<128x128xf32, #tpu.memory_space<vmem_shared>>) dst(%arg9 : memref<128x128xf32, #tpu.memory_space<vmem>>)
      tpu.yield
    }) : () -> ()
    %mul3A_52 = arith.constant 10240 : i32
    %mul3A_53 = arith.muli %arg0, %mul3A_52 : i32
    %add3A_54 = arith.addi %mul3A_53, %add3A_51 : i32
    %dma_start3A_55 = arith.constant 0 : i32
    %dma_start3A_56 = tpu.memref_slice %arg5[%add3A_54, %dma_start3A_55] : memref<20480x128xf32, #tpu.memory_space<hbm>> -> memref<128x128xf32, #tpu.memory_space<hbm>>
    %dma_start3A_57 = arith.constant 0 : i32
    %dma_start3A_58 = tpu.memref_slice %arg5[%add3A_54, %dma_start3A_57] : memref<20480x128xf32, #tpu.memory_space<hbm>> -> memref<128x128xf32, #tpu.memory_space<hbm>>
    tpu.enqueue_dma source(%arg9 : memref<128x128xf32, #tpu.memory_space<vmem>>) target(%dma_start3A_58 : memref<128x128xf32, #tpu.memory_space<hbm>>) target_semaphore(%arg12 : memref<!tpu.dma_semaphore, #tpu.memory_space<semaphore_mem>>)
    %mul3A_59 = arith.constant 640 : i32
    %mul3A_60 = arith.muli %arg1, %mul3A_59 : i32
    %add3A_61 = arith.constant 256 : i32
    %add3A_62 = arith.addi %mul3A_60, %add3A_61 : i32
    %dma_wait3A = arith.constant 0 : i32
    %dma_wait3A_63 = tpu.memref_slice %arg5[%add3A_44, %dma_wait3A] : memref<20480x128xf32, #tpu.memory_space<hbm>> -> memref<128x128xf32, #tpu.memory_space<hbm>>
    %dma_wait3A_64 = arith.constant 0 : i32
    %dma_wait3A_65 = tpu.memref_slice %arg5[%add3A_44, %dma_wait3A_64] : memref<20480x128xf32, #tpu.memory_space<hbm>> -> memref<128x128xf32, #tpu.memory_space<hbm>>
    tpu.wait_dma2 semaphore(%arg11 : memref<!tpu.dma_semaphore, #tpu.memory_space<semaphore_mem>>) src(%arg8 : memref<128x128xf32, #tpu.memory_space<vmem>>) dst(%dma_wait3A_65 : memref<128x128xf32, #tpu.memory_space<hbm>>)
    "tpu.region"() ({
      %run_scoped3A = tpu.sem_alloc : memref<!tpu.dma_semaphore, #tpu.memory_space<semaphore_mem>>
      %dma_start3A_111 = arith.constant 0 : i32
      %dma_start3A_112 = tpu.memref_slice %arg10[%add3A_62, %dma_start3A_111] : memref<10240x128xf32, #tpu.memory_space<vmem_shared>> -> memref<128x128xf32, #tpu.memory_space<vmem_shared>>
      %dma_start3A_113 = arith.constant 0 : i32
      %dma_start3A_114 = tpu.memref_slice %arg10[%add3A_62, %dma_start3A_113] : memref<10240x128xf32, #tpu.memory_space<vmem_shared>> -> memref<128x128xf32, #tpu.memory_space<vmem_shared>>
      tpu.enqueue_dma source(%dma_start3A_114 : memref<128x128xf32, #tpu.memory_space<vmem_shared>>) target(%arg8 : memref<128x128xf32, #tpu.memory_space<vmem>>) target_semaphore(%run_scoped3A : memref<!tpu.dma_semaphore, #tpu.memory_space<semaphore_mem>>)
      %dma_wait3A_115 = arith.constant 0 : i32
      %dma_wait3A_116 = tpu.memref_slice %arg10[%add3A_62, %dma_wait3A_115] : memref<10240x128xf32, #tpu.memory_space<vmem_shared>> -> memref<128x128xf32, #tpu.memory_space<vmem_shared>>
      %dma_wait3A_117 = arith.constant 0 : i32
      %dma_wait3A_118 = tpu.memref_slice %arg10[%add3A_62, %dma_wait3A_117] : memref<10240x128xf32, #tpu.memory_space<vmem_shared>> -> memref<128x128xf32, #tpu.memory_space<vmem_shared>>
      tpu.wait_dma2 semaphore(%run_scoped3A : memref<!tpu.dma_semaphore, #tpu.memory_space<semaphore_mem>>) src(%dma_wait3A_118 : memref<128x128xf32, #tpu.memory_space<vmem_shared>>) dst(%arg8 : memref<128x128xf32, #tpu.memory_space<vmem>>)
      tpu.yield
    }) : () -> ()
    %mul3A_66 = arith.constant 10240 : i32
    %mul3A_67 = arith.muli %arg0, %mul3A_66 : i32
    %add3A_68 = arith.addi %mul3A_67, %add3A_62 : i32
    %dma_start3A_69 = arith.constant 0 : i32
    %dma_start3A_70 = tpu.memref_slice %arg5[%add3A_68, %dma_start3A_69] : memref<20480x128xf32, #tpu.memory_space<hbm>> -> memref<128x128xf32, #tpu.memory_space<hbm>>
    %dma_start3A_71 = arith.constant 0 : i32
    %dma_start3A_72 = tpu.memref_slice %arg5[%add3A_68, %dma_start3A_71] : memref<20480x128xf32, #tpu.memory_space<hbm>> -> memref<128x128xf32, #tpu.memory_space<hbm>>
    tpu.enqueue_dma source(%arg8 : memref<128x128xf32, #tpu.memory_space<vmem>>) target(%dma_start3A_72 : memref<128x128xf32, #tpu.memory_space<hbm>>) target_semaphore(%arg11 : memref<!tpu.dma_semaphore, #tpu.memory_space<semaphore_mem>>)
    %mul3A_73 = arith.constant 640 : i32
    %mul3A_74 = arith.muli %arg1, %mul3A_73 : i32
    %add3A_75 = arith.constant 384 : i32
    %add3A_76 = arith.addi %mul3A_74, %add3A_75 : i32
    %dma_wait3A_77 = arith.constant 0 : i32
    %dma_wait3A_78 = tpu.memref_slice %arg5[%add3A_54, %dma_wait3A_77] : memref<20480x128xf32, #tpu.memory_space<hbm>> -> memref<128x128xf32, #tpu.memory_space<hbm>>
    %dma_wait3A_79 = arith.constant 0 : i32
    %dma_wait3A_80 = tpu.memref_slice %arg5[%add3A_54, %dma_wait3A_79] : memref<20480x128xf32, #tpu.memory_space<hbm>> -> memref<128x128xf32, #tpu.memory_space<hbm>>
    tpu.wait_dma2 semaphore(%arg12 : memref<!tpu.dma_semaphore, #tpu.memory_space<semaphore_mem>>) src(%arg9 : memref<128x128xf32, #tpu.memory_space<vmem>>) dst(%dma_wait3A_80 : memref<128x128xf32, #tpu.memory_space<hbm>>)
    "tpu.region"() ({
      %run_scoped3A = tpu.sem_alloc : memref<!tpu.dma_semaphore, #tpu.memory_space<semaphore_mem>>
      %dma_start3A_111 = arith.constant 0 : i32
      %dma_start3A_112 = tpu.memref_slice %arg10[%add3A_76, %dma_start3A_111] : memref<10240x128xf32, #tpu.memory_space<vmem_shared>> -> memref<128x128xf32, #tpu.memory_space<vmem_shared>>
      %dma_start3A_113 = arith.constant 0 : i32
      %dma_start3A_114 = tpu.memref_slice %arg10[%add3A_76, %dma_start3A_113] : memref<10240x128xf32, #tpu.memory_space<vmem_shared>> -> memref<128x128xf32, #tpu.memory_space<vmem_shared>>
      tpu.enqueue_dma source(%dma_start3A_114 : memref<128x128xf32, #tpu.memory_space<vmem_shared>>) target(%arg9 : memref<128x128xf32, #tpu.memory_space<vmem>>) target_semaphore(%run_scoped3A : memref<!tpu.dma_semaphore, #tpu.memory_space<semaphore_mem>>)
      %dma_wait3A_115 = arith.constant 0 : i32
      %dma_wait3A_116 = tpu.memref_slice %arg10[%add3A_76, %dma_wait3A_115] : memref<10240x128xf32, #tpu.memory_space<vmem_shared>> -> memref<128x128xf32, #tpu.memory_space<vmem_shared>>
      %dma_wait3A_117 = arith.constant 0 : i32
      %dma_wait3A_118 = tpu.memref_slice %arg10[%add3A_76, %dma_wait3A_117] : memref<10240x128xf32, #tpu.memory_space<vmem_shared>> -> memref<128x128xf32, #tpu.memory_space<vmem_shared>>
      tpu.wait_dma2 semaphore(%run_scoped3A : memref<!tpu.dma_semaphore, #tpu.memory_space<semaphore_mem>>) src(%dma_wait3A_118 : memref<128x128xf32, #tpu.memory_space<vmem_shared>>) dst(%arg9 : memref<128x128xf32, #tpu.memory_space<vmem>>)
      tpu.yield
    }) : () -> ()
    %mul3A_81 = arith.constant 10240 : i32
    %mul3A_82 = arith.muli %arg0, %mul3A_81 : i32
    %add3A_83 = arith.addi %mul3A_82, %add3A_76 : i32
    %dma_start3A_84 = arith.constant 0 : i32
    %dma_start3A_85 = tpu.memref_slice %arg5[%add3A_83, %dma_start3A_84] : memref<20480x128xf32, #tpu.memory_space<hbm>> -> memref<128x128xf32, #tpu.memory_space<hbm>>
    %dma_start3A_86 = arith.constant 0 : i32
    %dma_start3A_87 = tpu.memref_slice %arg5[%add3A_83, %dma_start3A_86] : memref<20480x128xf32, #tpu.memory_space<hbm>> -> memref<128x128xf32, #tpu.memory_space<hbm>>
    tpu.enqueue_dma source(%arg9 : memref<128x128xf32, #tpu.memory_space<vmem>>) target(%dma_start3A_87 : memref<128x128xf32, #tpu.memory_space<hbm>>) target_semaphore(%arg12 : memref<!tpu.dma_semaphore, #tpu.memory_space<semaphore_mem>>)
    %mul3A_88 = arith.constant 640 : i32
    %mul3A_89 = arith.muli %arg1, %mul3A_88 : i32
    %add3A_90 = arith.constant 512 : i32
    %add3A_91 = arith.addi %mul3A_89, %add3A_90 : i32
    %dma_wait3A_92 = arith.constant 0 : i32
    %dma_wait3A_93 = tpu.memref_slice %arg5[%add3A_68, %dma_wait3A_92] : memref<20480x128xf32, #tpu.memory_space<hbm>> -> memref<128x128xf32, #tpu.memory_space<hbm>>
    %dma_wait3A_94 = arith.constant 0 : i32
    %dma_wait3A_95 = tpu.memref_slice %arg5[%add3A_68, %dma_wait3A_94] : memref<20480x128xf32, #tpu.memory_space<hbm>> -> memref<128x128xf32, #tpu.memory_space<hbm>>
    tpu.wait_dma2 semaphore(%arg11 : memref<!tpu.dma_semaphore, #tpu.memory_space<semaphore_mem>>) src(%arg8 : memref<128x128xf32, #tpu.memory_space<vmem>>) dst(%dma_wait3A_95 : memref<128x128xf32, #tpu.memory_space<hbm>>)
    "tpu.region"() ({
      %run_scoped3A = tpu.sem_alloc : memref<!tpu.dma_semaphore, #tpu.memory_space<semaphore_mem>>
      %dma_start3A_111 = arith.constant 0 : i32
      %dma_start3A_112 = tpu.memref_slice %arg10[%add3A_91, %dma_start3A_111] : memref<10240x128xf32, #tpu.memory_space<vmem_shared>> -> memref<128x128xf32, #tpu.memory_space<vmem_shared>>
      %dma_start3A_113 = arith.constant 0 : i32
      %dma_start3A_114 = tpu.memref_slice %arg10[%add3A_91, %dma_start3A_113] : memref<10240x128xf32, #tpu.memory_space<vmem_shared>> -> memref<128x128xf32, #tpu.memory_space<vmem_shared>>
      tpu.enqueue_dma source(%dma_start3A_114 : memref<128x128xf32, #tpu.memory_space<vmem_shared>>) target(%arg8 : memref<128x128xf32, #tpu.memory_space<vmem>>) target_semaphore(%run_scoped3A : memref<!tpu.dma_semaphore, #tpu.memory_space<semaphore_mem>>)
      %dma_wait3A_115 = arith.constant 0 : i32
      %dma_wait3A_116 = tpu.memref_slice %arg10[%add3A_91, %dma_wait3A_115] : memref<10240x128xf32, #tpu.memory_space<vmem_shared>> -> memref<128x128xf32, #tpu.memory_space<vmem_shared>>
      %dma_wait3A_117 = arith.constant 0 : i32
      %dma_wait3A_118 = tpu.memref_slice %arg10[%add3A_91, %dma_wait3A_117] : memref<10240x128xf32, #tpu.memory_space<vmem_shared>> -> memref<128x128xf32, #tpu.memory_space<vmem_shared>>
      tpu.wait_dma2 semaphore(%run_scoped3A : memref<!tpu.dma_semaphore, #tpu.memory_space<semaphore_mem>>) src(%dma_wait3A_118 : memref<128x128xf32, #tpu.memory_space<vmem_shared>>) dst(%arg8 : memref<128x128xf32, #tpu.memory_space<vmem>>)
      tpu.yield
    }) : () -> ()
    %mul3A_96 = arith.constant 10240 : i32
    %mul3A_97 = arith.muli %arg0, %mul3A_96 : i32
    %add3A_98 = arith.addi %mul3A_97, %add3A_91 : i32
    %dma_start3A_99 = arith.constant 0 : i32
    %dma_start3A_100 = tpu.memref_slice %arg5[%add3A_98, %dma_start3A_99] : memref<20480x128xf32, #tpu.memory_space<hbm>> -> memref<128x128xf32, #tpu.memory_space<hbm>>
    %dma_start3A_101 = arith.constant 0 : i32
    %dma_start3A_102 = tpu.memref_slice %arg5[%add3A_98, %dma_start3A_101] : memref<20480x128xf32, #tpu.memory_space<hbm>> -> memref<128x128xf32, #tpu.memory_space<hbm>>
    tpu.enqueue_dma source(%arg8 : memref<128x128xf32, #tpu.memory_space<vmem>>) target(%dma_start3A_102 : memref<128x128xf32, #tpu.memory_space<hbm>>) target_semaphore(%arg11 : memref<!tpu.dma_semaphore, #tpu.memory_space<semaphore_mem>>)
    %dma_wait3A_103 = arith.constant 0 : i32
    %dma_wait3A_104 = tpu.memref_slice %arg5[%add3A_83, %dma_wait3A_103] : memref<20480x128xf32, #tpu.memory_space<hbm>> -> memref<128x128xf32, #tpu.memory_space<hbm>>
    %dma_wait3A_105 = arith.constant 0 : i32
    %dma_wait3A_106 = tpu.memref_slice %arg5[%add3A_83, %dma_wait3A_105] : memref<20480x128xf32, #tpu.memory_space<hbm>> -> memref<128x128xf32, #tpu.memory_space<hbm>>
    tpu.wait_dma2 semaphore(%arg12 : memref<!tpu.dma_semaphore, #tpu.memory_space<semaphore_mem>>) src(%arg9 : memref<128x128xf32, #tpu.memory_space<vmem>>) dst(%dma_wait3A_106 : memref<128x128xf32, #tpu.memory_space<hbm>>)
    %dma_wait3A_107 = arith.constant 0 : i32
    %dma_wait3A_108 = tpu.memref_slice %arg5[%add3A_98, %dma_wait3A_107] : memref<20480x128xf32, #tpu.memory_space<hbm>> -> memref<128x128xf32, #tpu.memory_space<hbm>>
    %dma_wait3A_109 = arith.constant 0 : i32
    %dma_wait3A_110 = tpu.memref_slice %arg5[%add3A_98, %dma_wait3A_109] : memref<20480x128xf32, #tpu.memory_space<hbm>> -> memref<128x128xf32, #tpu.memory_space<hbm>>
    tpu.wait_dma2 semaphore(%arg11 : memref<!tpu.dma_semaphore, #tpu.memory_space<semaphore_mem>>) src(%arg8 : memref<128x128xf32, #tpu.memory_space<vmem>>) dst(%dma_wait3A_110 : memref<128x128xf32, #tpu.memory_space<hbm>>)
    return
  }
}

module attributes {stable_mosaic.version = 14 : i64} {
  func.func @_tc_first(%arg0: i32, %arg1: memref<1280x128xf32, #tpu.memory_space<vmem>>, %arg2: memref<128x128xf32, #tpu.memory_space<vmem>>, %arg3: memref<2x1280x128xf32, #tpu.memory_space<vmem>>, %arg4: memref<1280x128xf32, #tpu.memory_space<vmem>>) attributes {dimension_semantics = [#tpu.dimension_semantics<arbitrary>], iteration_bounds = array<i64: 8>, scalar_prefetch = 0 : i64, scratch_operands = 0 : i64, tpu.core_type = #tpu.core_type<tc>, window_params = [{transform_indices = @transform_0, window_bounds = array<i64: 1280, 128>}, {pipeline_mode = #tpu.pipeline_mode<synchronous>, transform_indices = @transform_1, window_bounds = array<i64: 128, 128>}, {transform_indices = @transform_2, window_bounds = array<i64: 2, 1280, 128>}, {transform_indices = @transform_3, window_bounds = array<i64: 1280, 128>}]} {
    %get3A = arith.constant 0 : index
    %get3A_0 = arith.constant 0 : index
    %get3A_1 = vector.load %arg1[%get3A, %get3A_0] : memref<1280x128xf32, #tpu.memory_space<vmem>>, vector<1280x128xf32>
    %get3A_2 = arith.constant 0 : index
    %get3A_3 = arith.constant 0 : index
    %get3A_4 = vector.load %arg2[%get3A_2, %get3A_3] : memref<128x128xf32, #tpu.memory_space<vmem>>, vector<128x128xf32>
    %dot_general3A = arith.constant dense<0.000000e+00> : vector<1280x128xf32>
    %dot_general3A_5 = tpu.matmul %get3A_1, %get3A_4, %dot_general3A {dimension_numbers = #tpu.dot_dimension_numbers<[1], [0], [0], [1], [0, 0, 1, 1], [], []>, transpose_lhs_hint = false} : vector<1280x128xf32>, vector<128x128xf32>, vector<1280x128xf32> -> vector<1280x128xf32>
    %get3A_6 = arith.constant 0 : index
    %get3A_7 = arith.constant 0 : index
    %get3A_8 = arith.constant 0 : index
    %get3A_9 = vector.load %arg3[%get3A_6, %get3A_7, %get3A_8] : memref<2x1280x128xf32, #tpu.memory_space<vmem>>, vector<1x1280x1xf32>
    %get3A_10 = vector.shape_cast %get3A_9 : vector<1x1280x1xf32> to vector<1280xf32>
    %get3A_11 = arith.constant 1 : index
    %get3A_12 = arith.constant 0 : index
    %get3A_13 = arith.constant 0 : index
    %get3A_14 = vector.load %arg3[%get3A_11, %get3A_12, %get3A_13] : memref<2x1280x128xf32, #tpu.memory_space<vmem>>, vector<1x1280x1xf32>
    %get3A_15 = vector.shape_cast %get3A_14 : vector<1x1280x1xf32> to vector<1280xf32>
    %add3A = arith.addf %get3A_10, %get3A_15 : vector<1280xf32>
    %add3A_16 = arith.constant 1.000000e+00 : f32
    %add3A_17 = vector.broadcast %add3A_16 : f32 to vector<1280xf32>
    %add3A_18 = arith.addf %add3A, %add3A_17 : vector<1280xf32>
    %rsqrt3A = math.rsqrt %add3A_18 : vector<1280xf32>
    %broadcast_in_dim3A = vector.shape_cast %rsqrt3A : vector<1280xf32> to vector<1280x1xf32>
    %mul3A = vector.broadcast %broadcast_in_dim3A : vector<1280x1xf32> to vector<1280x128xf32>
    %mul3A_19 = arith.mulf %dot_general3A_5, %mul3A : vector<1280x128xf32>
    %swap3A = arith.constant 0 : index
    %swap3A_20 = arith.constant 0 : index
    %swap3A_21 = vector.load %arg4[%swap3A, %swap3A_20] : memref<1280x128xf32, #tpu.memory_space<vmem>>, vector<1280x128xf32>
    tpu.vector_store %arg4[%swap3A, %swap3A_20], %mul3A_19 {strides = array<i32>} : memref<1280x128xf32, #tpu.memory_space<vmem>>, vector<1280x128xf32>,
    return
  }
  func.func @transform_0(%arg0: i32) -> (i32, i32) {
    %c0_i32 = arith.constant 0 : i32
    %c0_i32_0 = arith.constant 0 : i32
    return %arg0, %c0_i32 : i32, i32
  }
  func.func @transform_1(%arg0: i32) -> (i32, i32) {
    %c0_i32 = arith.constant 0 : i32
    %c0_i32_0 = arith.constant 0 : i32
    %c0_i32_1 = arith.constant 0 : i32
    return %c0_i32, %c0_i32_0 : i32, i32
  }
  func.func @transform_2(%arg0: i32) -> (i32, i32, i32) {
    %c0_i32 = arith.constant 0 : i32
    %c0_i32_0 = arith.constant 0 : i32
    %c0_i32_1 = arith.constant 0 : i32
    return %c0_i32, %arg0, %c0_i32_0 : i32, i32, i32
  }
  func.func @transform_3(%arg0: i32) -> (i32, i32) {
    %c0_i32 = arith.constant 0 : i32
    %c0_i32_0 = arith.constant 0 : i32
    return %arg0, %c0_i32 : i32, i32
  }
}

module attributes {stable_mosaic.version = 14 : i64} {
  func.func @_tc_mid(%arg0: i32, %arg1: memref<2x1280x128xf32, #tpu.memory_space<vmem>>, %arg2: memref<1280x128xf32, #tpu.memory_space<vmem>>, %arg3: memref<2x1280x128xf32, #tpu.memory_space<vmem>>, %arg4: memref<128x128xf32, #tpu.memory_space<vmem>>, %arg5: memref<1x128xf32, #tpu.memory_space<vmem>>, %arg6: memref<1280x128xf32, #tpu.memory_space<vmem>>) attributes {dimension_semantics = [#tpu.dimension_semantics<arbitrary>], iteration_bounds = array<i64: 8>, scalar_prefetch = 0 : i64, scratch_operands = 0 : i64, tpu.core_type = #tpu.core_type<tc>, window_params = [{transform_indices = @transform_0, window_bounds = array<i64: 2, 1280, 128>}, {transform_indices = @transform_1, window_bounds = array<i64: 1280, 128>}, {transform_indices = @transform_2, window_bounds = array<i64: 2, 1280, 128>}, {pipeline_mode = #tpu.pipeline_mode<synchronous>, transform_indices = @transform_3, window_bounds = array<i64: 128, 128>}, {pipeline_mode = #tpu.pipeline_mode<synchronous>, transform_indices = @transform_4, window_bounds = array<i64: 1, 128>}, {transform_indices = @transform_5, window_bounds = array<i64: 1280, 128>}]} {
    %get3A = arith.constant 0 : index
    %get3A_0 = arith.constant 0 : index
    %get3A_1 = arith.constant 0 : index
    %get3A_2 = vector.load %arg3[%get3A, %get3A_0, %get3A_1] : memref<2x1280x128xf32, #tpu.memory_space<vmem>>, vector<1x1280x1xf32>
    %get3A_3 = vector.shape_cast %get3A_2 : vector<1x1280x1xf32> to vector<1280xf32>
    %get3A_4 = arith.constant 1 : index
    %get3A_5 = arith.constant 0 : index
    %get3A_6 = arith.constant 0 : index
    %get3A_7 = vector.load %arg3[%get3A_4, %get3A_5, %get3A_6] : memref<2x1280x128xf32, #tpu.memory_space<vmem>>, vector<1x1280x1xf32>
    %get3A_8 = vector.shape_cast %get3A_7 : vector<1x1280x1xf32> to vector<1280xf32>
    %add3A = arith.addf %get3A_3, %get3A_8 : vector<1280xf32>
    %add3A_9 = arith.constant 1.000000e+00 : f32
    %add3A_10 = vector.broadcast %add3A_9 : f32 to vector<1280xf32>
    %add3A_11 = arith.addf %add3A, %add3A_10 : vector<1280xf32>
    %rsqrt3A = math.rsqrt %add3A_11 : vector<1280xf32>
    %broadcast_in_dim3A = vector.shape_cast %rsqrt3A : vector<1280xf32> to vector<1280x1xf32>
    %get3A_12 = arith.constant 0 : index
    %get3A_13 = arith.constant 0 : index
    %get3A_14 = arith.constant 0 : index
    %get3A_15 = vector.load %arg1[%get3A_12, %get3A_13, %get3A_14] : memref<2x1280x128xf32, #tpu.memory_space<vmem>>, vector<1x1280x128xf32>
    %get3A_16 = vector.shape_cast %get3A_15 : vector<1x1280x128xf32> to vector<1280x128xf32>
    %get3A_17 = arith.constant 1 : index
    %get3A_18 = arith.constant 0 : index
    %get3A_19 = arith.constant 0 : index
    %get3A_20 = vector.load %arg1[%get3A_17, %get3A_18, %get3A_19] : memref<2x1280x128xf32, #tpu.memory_space<vmem>>, vector<1x1280x128xf32>
    %get3A_21 = vector.shape_cast %get3A_20 : vector<1x1280x128xf32> to vector<1280x128xf32>
    %add3A_22 = arith.addf %get3A_16, %get3A_21 : vector<1280x128xf32>
    %get3A_23 = arith.constant 0 : index
    %get3A_24 = arith.constant 0 : index
    %get3A_25 = vector.load %arg2[%get3A_23, %get3A_24] : memref<1280x128xf32, #tpu.memory_space<vmem>>, vector<1280x128xf32>
    %add3A_26 = arith.addf %add3A_22, %get3A_25 : vector<1280x128xf32>
    %mul3A = vector.broadcast %broadcast_in_dim3A : vector<1280x1xf32> to vector<1280x128xf32>
    %mul3A_27 = arith.mulf %add3A_26, %mul3A : vector<1280x128xf32>
    %get3A_28 = arith.constant 0 : index
    %get3A_29 = arith.constant 0 : index
    %get3A_30 = vector.load %arg5[%get3A_28, %get3A_29] : memref<1x128xf32, #tpu.memory_space<vmem>>, vector<1x128xf32>
    %add3A_31 = vector.broadcast %get3A_30 : vector<1x128xf32> to vector<1280x128xf32>
    %add3A_32 = arith.addf %mul3A_27, %add3A_31 : vector<1280x128xf32>
    %max3A = arith.constant 0.000000e+00 : f32
    %max3A_33 = vector.broadcast %max3A : f32 to vector<1280x128xf32>
    %max3A_34 = arith.maximumf %add3A_32, %max3A_33 : vector<1280x128xf32>
    %get3A_35 = arith.constant 0 : index
    %get3A_36 = arith.constant 0 : index
    %get3A_37 = vector.load %arg4[%get3A_35, %get3A_36] : memref<128x128xf32, #tpu.memory_space<vmem>>, vector<128x128xf32>
    %dot_general3A = arith.constant dense<0.000000e+00> : vector<1280x128xf32>
    %dot_general3A_38 = tpu.matmul %max3A_34, %get3A_37, %dot_general3A {dimension_numbers = #tpu.dot_dimension_numbers<[1], [0], [0], [1], [0, 0, 1, 1], [], []>, transpose_lhs_hint = false} : vector<1280x128xf32>, vector<128x128xf32>, vector<1280x128xf32> -> vector<1280x128xf32>
    %mul3A_39 = vector.broadcast %broadcast_in_dim3A : vector<1280x1xf32> to vector<1280x128xf32>
    %mul3A_40 = arith.mulf %dot_general3A_38, %mul3A_39 : vector<1280x128xf32>
    %swap3A = arith.constant 0 : index
    %swap3A_41 = arith.constant 0 : index
    %swap3A_42 = vector.load %arg6[%swap3A, %swap3A_41] : memref<1280x128xf32, #tpu.memory_space<vmem>>, vector<1280x128xf32>
    tpu.vector_store %arg6[%swap3A, %swap3A_41], %mul3A_40 {strides = array<i32>} : memref<1280x128xf32, #tpu.memory_space<vmem>>, vector<1280x128xf32>,
    return
  }
  func.func @transform_0(%arg0: i32) -> (i32, i32, i32) {
    %c0_i32 = arith.constant 0 : i32
    %c0_i32_0 = arith.constant 0 : i32
    %c0_i32_1 = arith.constant 0 : i32
    return %c0_i32, %arg0, %c0_i32_0 : i32, i32, i32
  }
  func.func @transform_1(%arg0: i32) -> (i32, i32) {
    %c0_i32 = arith.constant 0 : i32
    %c0_i32_0 = arith.constant 0 : i32
    return %arg0, %c0_i32 : i32, i32
  }
  func.func @transform_2(%arg0: i32) -> (i32, i32, i32) {
    %c0_i32 = arith.constant 0 : i32
    %c0_i32_0 = arith.constant 0 : i32
    %c0_i32_1 = arith.constant 0 : i32
    return %c0_i32, %arg0, %c0_i32_0 : i32, i32, i32
  }
  func.func @transform_3(%arg0: i32) -> (i32, i32) {
    %c0_i32 = arith.constant 0 : i32
    %c0_i32_0 = arith.constant 0 : i32
    %c0_i32_1 = arith.constant 0 : i32
    return %c0_i32, %c0_i32_0 : i32, i32
  }
  func.func @transform_4(%arg0: i32) -> (i32, i32) {
    %c0_i32 = arith.constant 0 : i32
    %c0_i32_0 = arith.constant 0 : i32
    %c0_i32_1 = arith.constant 0 : i32
    return %c0_i32, %c0_i32_0 : i32, i32
  }
  func.func @transform_5(%arg0: i32) -> (i32, i32) {
    %c0_i32 = arith.constant 0 : i32
    %c0_i32_0 = arith.constant 0 : i32
    return %arg0, %c0_i32 : i32, i32
  }
}

module attributes {stable_mosaic.version = 14 : i64} {
  func.func @_tc_last(%arg0: i32, %arg1: memref<2x1280x128xf32, #tpu.memory_space<vmem>>, %arg2: memref<1280x128xf32, #tpu.memory_space<vmem>>, %arg3: memref<2x1280x128xf32, #tpu.memory_space<vmem>>, %arg4: memref<1x128xf32, #tpu.memory_space<vmem>>, %arg5: memref<1280x128xf32, #tpu.memory_space<vmem>>) attributes {dimension_semantics = [#tpu.dimension_semantics<arbitrary>], iteration_bounds = array<i64: 8>, scalar_prefetch = 0 : i64, scratch_operands = 0 : i64, tpu.core_type = #tpu.core_type<tc>, window_params = [{transform_indices = @transform_0, window_bounds = array<i64: 2, 1280, 128>}, {transform_indices = @transform_1, window_bounds = array<i64: 1280, 128>}, {transform_indices = @transform_2, window_bounds = array<i64: 2, 1280, 128>}, {pipeline_mode = #tpu.pipeline_mode<synchronous>, transform_indices = @transform_3, window_bounds = array<i64: 1, 128>}, {transform_indices = @transform_4, window_bounds = array<i64: 1280, 128>}]} {
    %get3A = arith.constant 0 : index
    %get3A_0 = arith.constant 0 : index
    %get3A_1 = arith.constant 0 : index
    %get3A_2 = vector.load %arg3[%get3A, %get3A_0, %get3A_1] : memref<2x1280x128xf32, #tpu.memory_space<vmem>>, vector<1x1280x1xf32>
    %get3A_3 = vector.shape_cast %get3A_2 : vector<1x1280x1xf32> to vector<1280xf32>
    %get3A_4 = arith.constant 1 : index
    %get3A_5 = arith.constant 0 : index
    %get3A_6 = arith.constant 0 : index
    %get3A_7 = vector.load %arg3[%get3A_4, %get3A_5, %get3A_6] : memref<2x1280x128xf32, #tpu.memory_space<vmem>>, vector<1x1280x1xf32>
    %get3A_8 = vector.shape_cast %get3A_7 : vector<1x1280x1xf32> to vector<1280xf32>
    %add3A = arith.addf %get3A_3, %get3A_8 : vector<1280xf32>
    %add3A_9 = arith.constant 1.000000e+00 : f32
    %add3A_10 = vector.broadcast %add3A_9 : f32 to vector<1280xf32>
    %add3A_11 = arith.addf %add3A, %add3A_10 : vector<1280xf32>
    %rsqrt3A = math.rsqrt %add3A_11 : vector<1280xf32>
    %broadcast_in_dim3A = vector.shape_cast %rsqrt3A : vector<1280xf32> to vector<1280x1xf32>
    %get3A_12 = arith.constant 0 : index
    %get3A_13 = arith.constant 0 : index
    %get3A_14 = arith.constant 0 : index
    %get3A_15 = vector.load %arg1[%get3A_12, %get3A_13, %get3A_14] : memref<2x1280x128xf32, #tpu.memory_space<vmem>>, vector<1x1280x128xf32>
    %get3A_16 = vector.shape_cast %get3A_15 : vector<1x1280x128xf32> to vector<1280x128xf32>
    %get3A_17 = arith.constant 1 : index
    %get3A_18 = arith.constant 0 : index
    %get3A_19 = arith.constant 0 : index
    %get3A_20 = vector.load %arg1[%get3A_17, %get3A_18, %get3A_19] : memref<2x1280x128xf32, #tpu.memory_space<vmem>>, vector<1x1280x128xf32>
    %get3A_21 = vector.shape_cast %get3A_20 : vector<1x1280x128xf32> to vector<1280x128xf32>
    %add3A_22 = arith.addf %get3A_16, %get3A_21 : vector<1280x128xf32>
    %get3A_23 = arith.constant 0 : index
    %get3A_24 = arith.constant 0 : index
    %get3A_25 = vector.load %arg2[%get3A_23, %get3A_24] : memref<1280x128xf32, #tpu.memory_space<vmem>>, vector<1280x128xf32>
    %add3A_26 = arith.addf %add3A_22, %get3A_25 : vector<1280x128xf32>
    %mul3A = vector.broadcast %broadcast_in_dim3A : vector<1280x1xf32> to vector<1280x128xf32>
    %mul3A_27 = arith.mulf %add3A_26, %mul3A : vector<1280x128xf32>
    %get3A_28 = arith.constant 0 : index
    %get3A_29 = arith.constant 0 : index
    %get3A_30 = vector.load %arg4[%get3A_28, %get3A_29] : memref<1x128xf32, #tpu.memory_space<vmem>>, vector<1x128xf32>
    %add3A_31 = vector.broadcast %get3A_30 : vector<1x128xf32> to vector<1280x128xf32>
    %add3A_32 = arith.addf %mul3A_27, %add3A_31 : vector<1280x128xf32>
    %swap3A = arith.constant 0 : index
    %swap3A_33 = arith.constant 0 : index
    %swap3A_34 = vector.load %arg5[%swap3A, %swap3A_33] : memref<1280x128xf32, #tpu.memory_space<vmem>>, vector<1280x128xf32>
    tpu.vector_store %arg5[%swap3A, %swap3A_33], %add3A_32 {strides = array<i32>} : memref<1280x128xf32, #tpu.memory_space<vmem>>, vector<1280x128xf32>,
    return
  }
  func.func @transform_0(%arg0: i32) -> (i32, i32, i32) {
    %c0_i32 = arith.constant 0 : i32
    %c0_i32_0 = arith.constant 0 : i32
    %c0_i32_1 = arith.constant 0 : i32
    return %c0_i32, %arg0, %c0_i32_0 : i32, i32, i32
  }
  func.func @transform_1(%arg0: i32) -> (i32, i32) {
    %c0_i32 = arith.constant 0 : i32
    %c0_i32_0 = arith.constant 0 : i32
    return %arg0, %c0_i32 : i32, i32
  }
  func.func @transform_2(%arg0: i32) -> (i32, i32, i32) {
    %c0_i32 = arith.constant 0 : i32
    %c0_i32_0 = arith.constant 0 : i32
    %c0_i32_1 = arith.constant 0 : i32
    return %c0_i32, %arg0, %c0_i32_0 : i32, i32, i32
  }
  func.func @transform_3(%arg0: i32) -> (i32, i32) {
    %c0_i32 = arith.constant 0 : i32
    %c0_i32_0 = arith.constant 0 : i32
    %c0_i32_1 = arith.constant 0 : i32
    return %c0_i32, %c0_i32_0 : i32, i32
  }
  func.func @transform_4(%arg0: i32) -> (i32, i32) {
    %c0_i32 = arith.constant 0 : i32
    %c0_i32_0 = arith.constant 0 : i32
    return %arg0, %c0_i32 : i32, i32
  }
}

</mosaic_0001>

<sc_bundles>
// kernel: kernel.11.cloned.1.call-start
scs
__scs_entry_jumppad:
0x0: {  	(pc) =	sbr.rel $0x88, $3  }
0x1: {  	(tag) =	ssettag $0x0;
	lr =	simm.s32 $0x1  }
0x2: {  	[smem:$0x3F9B] =	sst lr;
	_ =	strace $0xD0000000  }
0x3: {  	_ = 	snop  }
0x4: {  	_ = 	snop  }
0x5: {  	_ = 	snop  }
0x6: {  	_ = 	snop  }
0x7: {  	_ = 	snop  }
__scs_overlays_trampoline_lowered:
0x8: {  	[smem:$0x3FAA] =	sst s0  }
0x9: {  	[smem:$0x3FAB] =	sst s1  }
0xa: {  	[smem:$0x3FAC] =	sst s2  }
0xb: {  	[smem:$0x3FAD] =	sst s3  }
0xc: {  	[smem:$0x3FAE] =	sst s4  }
0xd: {  	[smem:$0x3FAF] =	sst s5  }
0xe: {  	[smem:$0x3FB0] =	sst s6  }
0xf: {  	[smem:$0x3FB1] =	sst s7  }
0x10: {  	[smem:$0x3FB2] =	sst s8  }
0x11: {  	[smem:$0x3FB3] =	sst s9;
	s0 =	simm.s32 @!p0 $0x0  }
0x12: {  	s1 =	sld [smem:$0x3F99];
	s0 =	simm.s32 @p0 $0x1  }
0x13: {  	[smem:$0x3FB4] =	sst s0;
	s0 =	simm.s32 @!p1 $0x0  }
0x14: {  	s2 =	sld [smem:$0x3F98];
	s0 =	simm.s32 @p1 $0x1  }
0x15: {  	[smem:$0x3FB5] =	sst s0;
	s0 =	simm.s32 @!p2 $0x0  }
0x16: {  	s3 =	sld [smem:$0x3FDB];
	s0 =	simm.s32 @p2 $0x1  }
0x17: {  	s4 =	simm.s32 $0x1BF5;
	[smem:$0x3FB7] =	sst s0  }
0x18: {  	s0 =	sld [smem:$0x3F9A];
	_ =	swait.ge [sflag:s4], $0x0  }
0x19: {  	s7 =	sld [smem:$0x3F9B]  }
0x1a: {  	s8 =	sadd.s32 $0xFFFFE003, lr  }
0x1b: {  	s9 =	sadd.s32 $0xFFFFFEF7, lr;
	s5 =	simm.s32 $0xFFFFFFFF;
	p2 =	slt.u32 s8, $0xFFFFF086  }
0x1c: {  	p1 =	slt.u32 s9, $0xF7A;
	s5 =	simm.s32 @!p2 $0x0  }
0x1d: {  	s5 =	simm.s32 @p1 $0x1;
	p0 =	seq.s32 s7, s2  }
0x1e: {  	s7 =	smul.u32 @!p0 $0xF7A, s2;
	p2 =	seq.s32 @!p0 s5, $0x0  }
0x1f: {  	s9 =	smul.u32 $0xF7A, s1;
	s8 =	simm.s32 @!p0 $0x1BF5;
	p2 =	por !p2, p0  }
0x20: {  	[sflag:s8] =	ssyncset.s32 @!p0 $0xFFFFF086;
	s6 =	sadd.s32 @!p0 s3, s7;
	s7 =	simm.s32 @!p0 $0x108  }
0x21: {  	s3 =	sadd.s32 s3, s9;
	s6 =	sadd.s32 @!p0 $0x88, s6;
	s7 =	simm.s32 @p2 $0x1082  }
0x22: {  	[simem:s7], [sflag:s8] =	dma.local @!p0 [hbm:s6], $0xF7A  }
0x23: {  	s9 =	sor.u32 $0xD0000000, s2;
	s6 =	simm.s32 $0x108;
	_ =	swait.ge @!p0 [sflag:s8], $0x0  }
0x24: {  	s3 =	sadd.s32 $0x88, s3;
	s6 =	simm.s32 @!p1 $0x1082;
	[sflag:s4] =	ssyncset.s32 $0xFFFFF086  }
0x25: {  	[simem:s6], [sflag:s4] =	dma.local [hbm:s3], $0xF7A  }
0x26: {  	[smem:$0x3F9B] =	sst s1;
	(tag) =	ssettag s2;
	_ =	strace s9  }
0x27: {  	s1 =	sld [smem:$0x3FAB]  }
0x28: {  	s2 =	sld [smem:$0x3FAC]  }
0x29: {  	s4 =	sld [smem:$0x3FAE]  }
0x2a: {  	p0 =	seq.s32 s5, $0x0;
	s5 =	sld [smem:$0x3FAF]  }
0x2b: {  	s6 =	sld [smem:$0x3FB0]  }
0x2c: {  	s7 =	sld [smem:$0x3FB1]  }
0x2d: {  	s3 =	simm.s32 $0x108;
	s8 =	sld [smem:$0x3FB2]  }
0x2e: {  	s3 =	simm.s32 @!p0 $0x1082;
	s9 =	sld [smem:$0x3FB3]  }
0x2f: {  	lr =	sadd.s32 s0, s3;
	s0 =	sld [smem:$0x3FAA]  }
0x30: {  	s3 =	sld [smem:$0x3FAD]  }
0x31: {  	[smem:$0x3FB6] =	sst s10  }
0x32: {  	s10 =	sld [smem:$0x3FB4];
	_ =	sdelay $0x3  }
0x33: {  	p0 =	seq.s32 s10, $0x1;
	s10 =	sld [smem:$0x3FB6];
	_ =	sdelay $0x3  }
0x34: {  	[smem:$0x3FB6] =	sst s10  }
0x35: {  	s10 =	sld [smem:$0x3FB5];
	_ =	sdelay $0x3  }
0x36: {  	p1 =	seq.s32 s10, $0x1;
	s10 =	sld [smem:$0x3FB6];
	_ =	sdelay $0x3  }
0x37: {  	[smem:$0x3FB6] =	sst s10  }
0x38: {  	s10 =	sld [smem:$0x3FB7]  }
0x39: {  	_ = 	snop;
	(pc) =	sbr.ind lr, $3  }
0x3a: {  	_ = 	snop  }
0x3b: {  	_ = 	snop  }
0x3c: {  	p2 =	seq.s32 s10, $0x1;
	s10 =	sld [smem:$0x3FB6]  }
0x3d: {  	_ =	shalt  }
0x3e: {  	_ =	shalt  }
0x3f: {  	_ =	shalt  }
0x40: {  	_ =	shalt  }
0x41: {  	_ =	shalt  }
0x42: {  	_ =	shalt  }
0x43: {  	_ =	shalt  }
0x44: {  	_ =	shalt  }
0x45: {  	_ =	shalt  }
0x46: {  	_ =	shalt  }
0x47: {  	_ =	shalt  }
0x48: {  	_ =	shalt  }
0x49: {  	_ =	shalt  }
0x4a: {  	_ =	shalt  }
0x4b: {  	_ =	shalt  }
0x4c: {  	_ =	shalt  }
0x4d: {  	_ =	shalt  }
0x4e: {  	_ =	shalt  }
0x4f: {  	_ =	shalt  }
0x50: {  	_ =	shalt  }
0x51: {  	_ =	shalt  }
0x52: {  	_ =	shalt  }
0x53: {  	_ =	shalt  }
0x54: {  	_ =	shalt  }
0x55: {  	_ =	shalt  }
0x56: {  	_ =	shalt  }
0x57: {  	_ =	shalt  }
0x58: {  	_ =	shalt  }
0x59: {  	_ =	shalt  }
0x5a: {  	_ =	shalt  }
0x5b: {  	_ =	shalt  }
0x5c: {  	_ =	shalt  }
0x5d: {  	_ =	shalt  }
0x5e: {  	_ =	shalt  }
0x5f: {  	_ =	shalt  }
0x60: {  	_ =	shalt  }
0x61: {  	_ =	shalt  }
0x62: {  	_ =	shalt  }
0x63: {  	_ =	shalt  }
0x64: {  	_ =	shalt  }
0x65: {  	_ =	shalt  }
0x66: {  	_ =	shalt  }
0x67: {  	_ =	shalt  }
0x68: {  	_ =	shalt  }
0x69: {  	_ =	shalt  }
0x6a: {  	_ =	shalt  }
0x6b: {  	_ =	shalt  }
0x6c: {  	_ =	shalt  }
0x6d: {  	_ =	shalt  }
0x6e: {  	_ =	shalt  }
0x6f: {  	_ =	shalt  }
0x70: {  	_ =	shalt  }
0x71: {  	_ =	shalt  }
0x72: {  	_ =	shalt  }
0x73: {  	_ =	shalt  }
0x74: {  	_ =	shalt  }
0x75: {  	_ =	shalt  }
0x76: {  	_ =	shalt  }
0x77: {  	_ =	shalt  }
0x78: {  	_ =	shalt  }
0x79: {  	_ =	shalt  }
0x7a: {  	_ =	shalt  }
0x7b: {  	_ =	shalt  }
0x7c: {  	_ =	shalt  }
0x7d: {  	_ =	shalt  }
0x7e: {  	_ =	shalt  }
0x7f: {  	_ =	shalt  }
0x80: {  	_ =	shalt  }
0x81: {  	_ =	shalt  }
0x82: {  	_ =	shalt  }
0x83: {  	_ =	shalt  }
0x84: {  	_ =	shalt  }
0x85: {  	_ =	shalt  }
0x86: {  	_ =	shalt  }
0x87: {  	_ =	shalt  }
.Lfunc_end0:
.L_simem_size_0:
called_computation.1_lowered:
.L_overlay_start_0:
0x88: {  	s2 =	sld [smem:$0x3FD9]  }
0x89: {  	s3 =	sld [smem:$0x3FFE];
	_ =	sdelay $0x1  }
0x8a: {  	s1 =	srdreg.scid  }
0x8b: {  	s0 =	sand.u32 $0x1, s1  }
0x8c: {  	s17 =	sshll.u32 s0, $0xA;
	s2 =	sadd.s32 s3, s2  }
0x8d: {  	s2 =	sadd.s32 s2, s17  }
0x8e: {  	[smem:$0x3FC2] =	sst s2  }
0x8f: {  	_ = 	snop  }
0x90: {  	s2 =	sld [smem:$0x3FD0];
	(tm) =	ssettm $0x1  }
0x91: {  	s18 =	sld [smem:$0x3FFB];
	_ =	sdelay $0x3  }
0x92: {  	_ =	strace s18  }
0x93: {  	s3 =	sld [smem:$0x3FFC];
	_ =	sdelay $0x3  }
0x94: {  	_ =	strace s3  }
0x95: {  	s3 =	sld [smem:$0x3FFD];
	_ =	sdelay $0x3  }
0x96: {  	_ =	strace s3  }
0x97: {  	_ =	strace $0x8FFFFFFF  }
0x98: {  	s19 =	sld [smem:$0x3FDB];
	_ =	sdelay $0x1  }
0x99: {  	s4 =	simm.s32 $_scs_section_size  }
0x9a: {  	s5 =	simm.s32 $_size__tile_overlayer_lowered;
	s6 =	simm.s32 $_tile_overlayer_lowered  }
0x9b: {  	s22 =	simm.s32 $0x1BFF;
	s21 =	sshll.u32 s6, $0x1;
	s3 =	sadd.s32 s4, s19  }
0x9c: {  	s7 =	simm.s32 $0x0;
	s20 =	sshll.u32 s5, $0x1;
	s5 =	sadd.s32 s21, s3  }
0x9d: {  	[timem:s7], [sflag:s22] =	dma.local [hbm:s5], s20  }
0x9e: {  	_ =	swait.ge [sflag:s22], s20  }
0x9f: {  	s4 =	ssub.s32 $0x0, s20;
	[sflag:s22] =	ssyncset.done $0x0  }
0xa0: {  	[sflag:s22] =	ssyncadd.s32 s4;
	_ =	sdelay $0x1  }
0xa1: {  	s23 =	simm.s32 $0x1B8B  }
0xa2: {  	_ =	swait.ge [sflag:s23], $0x1  }
0xa3: {  	[sflag:s23] =	ssyncset.done $0x0  }
0xa4: {  	s25 =	simm.s32 $0x1B8E;
	s24 =	sld [smem:$0x3FFE];
	[sflag:s23] =	ssyncadd.s32 $0xFFFFFFFF  }
0xa5: {  	s26 =	simm.s32 $execute0_lowered;
	[smem:$0x3FD2] =	sst s25  }
0xa6: {  	s5 =	sshll.u32 s26, $0x1;
	_ =	strace $0x80000049;
	[dreg:$0x1] =	wrdreg $0xFFFFFFFF  }
0xa7: {  	s28 =	simm.s32 $_size_execute0_lowered;
	s3 =	sadd.s32 s3, s5;
	[dreg:$0x0] =	wrdreg $0x0  }
0xa8: {  	s5 =	sshll.u32 s28, $0x1;
	[dreg:$0x2] =	wrdreg s3  }
0xa9: {  	[dreg:$0x3] =	wrdreg s5  }
0xaa: {  	[dreg:$0x4] =	wrdreg $0xC0  }
0xab: {  	_ =	task [dreg:s7], $0x5FFFF  }
0xac: {  	[dreg:$0x1] =	wrdreg $0xFFFFFFFF  }
0xad: {  	[dreg:$0x0] =	wrdreg $0x60  }
0xae: {  	[dreg:$0x2] =	wrdreg s24  }
0xaf: {  	[dreg:$0x3] =	wrdreg s2  }
0xb0: {  	[dreg:$0x4] =	wrdreg $0x88000  }
0xb1: {  	[dreg:$0x5] =	wrdreg $0x9  }
0xb2: {  	_ =	task.clear_ibuf [dreg:s7], $0x6FFFF;
	_ =	strace $0x90000049  }
0xb3: {  	s29 =	simm.s32 $0x9;
	_ =	strace $0x8000004B  }
0xb4: {  	_ =	swait.ge [sflag:s29], $0x1  }
0xb5: {  	[sflag:s29] =	ssyncadd.s32 $0xFFFFFFFF  }
0xb6: {  	_ =	strace $0x9000004B  }
0xb7: {  	_ =	sfence  }
0xb8: {  	s30 =	sld [smem:$0x0];
	_ =	sdelay $0x2  }
0xb9: {  	s31 =	sshll.u32 s1, $0xD;
	s1 =	sshrl.u32 s1, $0x2  }
0xba: {  	s3 =	sand.u32 $0x4000, s31;
	s1 =	sadd.s32 s1, s30  }
0xbb: {  	s0 =	sor.u32 s3, s0;
	s1 =	sshll.u32 s1, $0x11  }
0xbc: {  	s0 =	sor.u32 s1, s0  }
0xbd: {  	s0 =	sadd.s32 $0x8F2B, s0  }
0xbe: {  	[sflag:s0] =	ssyncadd.remote.s32 $0x1  }
0xbf: {  	_ =	sfence.sel $0xFFFF  }
0xc0: {  	[dreg:$0x0] =	wrdreg $0xFFFFFFFF;
	(pc) =	sbr.abs _section_cstart, $3  }
0xc1: {  	[dreg:$0x1] =	wrdreg $0xFFFFFFFF  }
0xc2: {  	_ =	task.clear_ibuf [dreg:s7], $0x2FFFF;
	_ =	strace $0x9FFFFFFF  }
0xc3: {  	(tm) =	ssettm $0x7FFFFFFF  }
tec
execute0_lowered:
.L_overlay_start_1:
0x0: {  	(tag) =	ssettag $0x1  }
0x1: {  	s0 =	rddreg [dreg:$0x0]  }
0x2: {  	s2 =	rddreg [dreg:$0x1]  }
0x3: {  	s1 =	rddreg [dreg:$0x2];
	s3 =	simm.s32 $0x0  }
0x4: {  	s4 =	srdreg.scid;
	s9 =	stileid.u32;
	s28 =	simm.s32 $0x4800  }
0x5: {  	s29 =	simm.s32 $0x1;
	s30 =	simm.s32 $0x100;
	s31 =	simm.s32 $0x2  }
0x6: {  	[smem:$0x7FF] =	sst s3;
	s5 =	sand.u32 $0x1, s4;
	s24 =	sshll.u32 s9, $0x2  }
0x7: {  	s6 =	sshll.u32 s9, $0x4;
	s8 =	smul.u32 $0x50000, s9;
	s4 =	sadd.s32 $0x5CA00, s0  }
0x8: {  	s9 =	smul.u32 $0x280, s9;
	_ =	strace $0x8000004A;
	p0 =	seq.s32 s5, $0x0  }
0x9: {  	s7 =	sor.u32 $0x100, s24;
	s25 =	ssub.s32 $0x2, s5;
	s10 =	smul.u32 $0x2800, s5  }
0xa: {  	s7 =	smov.u32 @p0 s6;
	s26 =	sshrl.u32 s25, $0x1;
	s8 =	sshrl.u32 s8, $0x2  }
0xb: {  	s6 =	simm.s32 $0x10;
	s14 =	sadd.s32 $0x80, s9;
	s18 =	sadd.s32 $0x180, s9  }
0xc: {  	s7 =	sshll.u32 s7, $0x7;
	s12 =	ssub.s32 s25, s26;
	s13 =	sadd.s32 s9, s10  }
0xd: {  	s5 =	sadd.s32 s8, s1;
	s6 =	simm.s32 @!p0 $0x4;
	s19 =	sshll.u32 s18, $0x7  }
0xe: {  	s11 =	sadd.s32 s7, s0;
	s0 =	sadd.s32 $0x84A00, s0;
	s22 =	smax.u32 s12, $0x1  }
0xf: {  	s8 =	sshll.u32 s13, $0x4;
	s23 =	sadd.s32 $0x4000, s5;
	[dreg:$0xd] =	wrdreg s22  }
0x10: {  	s13 =	sshll.u32 s14, $0x7;
	s24 =	sadd.s32 $0x8000, s5;
	[dreg:$0xe] =	wrdreg s23  }
0x11: {  	s25 =	sadd.s32 $0xC000, s5;
	s26 =	sadd.s32 $0x10000, s5;
	[dreg:$0xf] =	wrdreg s24  }
0x12: {  	s12 =	simm.s32 $0x300;
	s8 =	sadd.s32 s0, s8;
	[dreg:$0x10] =	wrdreg s25  }
0x13: {  	s13 =	sadd.s32 s13, s1;
	[dreg:$0x11] =	wrdreg s26;
	s23 =	simm.s32 $0x800  }
0x14: {  	s24 =	simm.s32 $0x3;
	s25 =	simm.s32 $0x400;
	s26 =	simm.s32 $0x80  }
0x15: {  	[dreg:$0x4] =	wrdreg s8;
	s8 =	sadd.s32 s10, s14;
	s14 =	sadd.s32 $0x100, s9  }
0x16: {  	[dreg:$0x5] =	wrdreg s13;
	s9 =	sadd.s32 $0x200, s9;
	s8 =	sshll.u32 s8, $0x4  }
0x17: {  	s15 =	sadd.s32 s10, s14;
	s16 =	sshll.u32 s14, $0x7;
	s20 =	sshll.u32 s9, $0x7  }
0x18: {  	s14 =	simm.s32 $0x380;
	s8 =	sadd.s32 s0, s8;
	s13 =	sshll.u32 s15, $0x4  }
0x19: {  	s15 =	simm.s32 $0x700;
	[dreg:$0x6] =	wrdreg s8;
	s8 =	sadd.s32 s16, s1  }
0x1a: {  	s17 =	sadd.s32 s0, s13;
	s13 =	sadd.s32 s19, s1;
	s19 =	sadd.s32 s7, s2  }
0x1b: {  	s2 =	simm.s32 $0x180;
	s7 =	simm.s32 $0x500;
	[dreg:$0x7] =	wrdreg s8  }
0x1c: {  	s16 =	simm.s32 $0x780;
	[dreg:$0x8] =	wrdreg s17;
	s8 =	sadd.s32 s10, s18  }
0x1d: {  	[dreg:$0x9] =	wrdreg s13;
	s10 =	sadd.s32 s10, s9;
	s9 =	simm.s32 $0x580  }
0x1e: {  	s13 =	simm.s32 $0x680;
	s17 =	simm.s32 $0x0;
	s8 =	sshll.u32 s8, $0x4  }
0x1f: {  	s21 =	sshll.u32 s10, $0x4;
	s10 =	simm.s32 $0x280;
	s8 =	sadd.s32 s0, s8  }
0x20: {  	s0 =	sadd.s32 s0, s21;
	[dreg:$0xa] =	wrdreg s8;
	s8 =	sadd.s32 s20, s1  }
0x21: {  	[dreg:$0xc] =	wrdreg s0;
	s20 =	sadd.s32 $0x2A00, s11;
	s0 =	simm.s32 $0x480  }
0x22: {  	v0 =	vimm.f32 $0.0e+00;
	s11 =	simm.s32 $0x600;
	[dreg:$0xb] =	wrdreg s8;
	s8 =	simm.s32 $0x200  }
.LBB2_1:
0x23: {  	s18 =	simm.s32 $0x0;
	s21 =	simm.s32 $0x200  }
.LBB2_2:
0x24: {  	p0 =	sne.s32 s21, $0xFE00;
	[tilespmem:s18+$0x870] =	vst v0  }
0x25: {  	[tilespmem:s18+$0x800] =	vst v0  }
0x26: {  	[tilespmem:s18+$0x810] =	vst v0  }
.Ltmp0:
0x27: {  	[tilespmem:s18+$0x820] =	vst v0;
	(pc) =	sbr.rel @p0 .LBB2_2-.Ltmp0, $4  }
0x28: {  	[tilespmem:s18+$0x830] =	vst v0  }
0x29: {  	[tilespmem:s18+$0x840] =	vst v0  }
0x2a: {  	[tilespmem:s18+$0x850] =	vst v0  }
0x2b: {  	[tilespmem:s18+$0x860] =	vst v0;
	s18 =	sshra.s32 s21, $0x2;
	s21 =	sadd.s32 $0x200, s21  }
0x2c: {  	[tilespmem:s18+$0x870] =	vst v0  }
0x2d: {  	[tilespmem:s18+$0x800] =	vst v0  }
0x2e: {  	[tilespmem:s18+$0x810] =	vst v0  }
0x2f: {  	[tilespmem:s18+$0x820] =	vst v0  }
0x30: {  	[tilespmem:s18+$0x830] =	vst v0  }
0x31: {  	[tilespmem:s18+$0x840] =	vst v0  }
0x32: {  	[tilespmem:s18+$0x850] =	vst v0  }
0x33: {  	[tilespmem:s18+$0x860] =	vst v0  }
0x34: {  	[spmem:s5] =	stream.linear.scatter [tilespmem:s23], [sflag:$0x3], $0x4000, $0x38;
	[tilespmem:$0x1C800] =	vst v63  }
0x35: {  	_ =	swait.ge [sflag:s24], $0x4000  }
0x36: {  	[sflag:s24] =	ssyncset.done $0x0  }
0x37: {  	s21 =	rddreg [dreg:$0xe];
	[sflag:s24] =	ssyncadd.s32 $0xFFFFC000  }
0x38: {  	[spmem:s21] =	stream.linear.scatter [tilespmem:s23], [sflag:$0x3], $0x4000, $0x38;
	[tilespmem:$0x1C800] =	vst v63  }
0x39: {  	_ =	swait.ge [sflag:s24], $0x4000  }
0x3a: {  	[sflag:s24] =	ssyncset.done $0x0  }
0x3b: {  	s22 =	rddreg [dreg:$0xf];
	[sflag:s24] =	ssyncadd.s32 $0xFFFFC000  }
0x3c: {  	[spmem:s22] =	stream.linear.scatter [tilespmem:s23], [sflag:$0x3], $0x4000, $0x38;
	[tilespmem:$0x1C800] =	vst v63  }
0x3d: {  	_ =	swait.ge [sflag:s24], $0x4000  }
0x3e: {  	[sflag:s24] =	ssyncset.done $0x0  }
0x3f: {  	s21 =	rddreg [dreg:$0x10];
	[sflag:s24] =	ssyncadd.s32 $0xFFFFC000  }
0x40: {  	[spmem:s21] =	stream.linear.scatter [tilespmem:s23], [sflag:$0x3], $0x4000, $0x38;
	[tilespmem:$0x1C800] =	vst v63  }
0x41: {  	_ =	swait.ge [sflag:s24], $0x4000  }
0x42: {  	[sflag:s24] =	ssyncset.done $0x0  }
0x43: {  	s22 =	rddreg [dreg:$0x11];
	[sflag:s24] =	ssyncadd.s32 $0xFFFFC000  }
0x44: {  	[spmem:s22] =	stream.linear.scatter [tilespmem:s23], [sflag:$0x3], $0x4000, $0x38;
	[tilespmem:$0x1C800] =	vst v63  }
0x45: {  	_ =	swait.ge [sflag:s24], $0x4000  }
0x46: {  	[sflag:s24] =	ssyncset.done $0x0  }
0x47: {  	[sflag:s24] =	ssyncadd.s32 $0xFFFFC000  }
0x48: {  	[bflag:$0x0] =	sbarrier.arrive $0xFFFF  }
0x49: {  	[tilespmem:s3], [sflag:$0x3] =	stream.linear.gather [hbm4b:s20+s3], $0x400, $0x38;
	[tilespmem:$0x1C800] =	vst v63  }
0x4a: {  	_ =	swait.ge [sflag:s24], $0x400  }
0x4b: {  	[sflag:s24] =	ssyncset.done $0x0  }
0x4c: {  	[sflag:s24] =	ssyncadd.s32 $0xFFFFFC00  }
0x4d: {  	[tilespmem:s25], [sflag:$0x3] =	stream.linear.gather [hbm4b:s19+s3], $0x400, $0x38;
	[tilespmem:$0x1C800] =	vst v63  }
0x4e: {  	_ =	swait.ge [sflag:s24], $0x400  }
0x4f: {  	[sflag:s24] =	ssyncset.done $0x0  }
0x50: {  	[sflag:s24] =	ssyncadd.s32 $0xFFFFFC00  }
0x51: {  	[tilespmem:s23], [sflag:$0x1] =	stream.indirect.gather [hbm4b:s4+s26], $0x80, s3, s26, $0xb8;
	[tilespmem:$0x1C800] =	vst v63  }
0x52: {  	_ = 	snop  }
0x53: {  	[tilespmem:s28], [sflag:$0x2] =	stream.indirect.gather [hbm4b:s4+s26], $0x80, s26, s26, $0xb8;
	[tilespmem:$0x1C800] =	vst v63  }
0x54: {  	_ =	swait.ge [sflag:s29], $0x4000  }
0x55: {  	[sflag:s29] =	ssyncset.done $0x0  }
0x56: {  	[sflag:s29] =	ssyncadd.s32 $0xFFFFC000  }
0x57: {  	[spmem:s1] =	stream.indirect.scatter.add.f32 [tilespmem:s23], [sflag:$0x3], $0x80, s25, s26, $0xb8;
	[tilespmem:$0x1C800] =	vst v63  }
0x58: {  	_ =	swait.ge [sflag:s24], $0x4000  }
0x59: {  	[sflag:s24] =	ssyncset.done $0x0  }
0x5a: {  	[sflag:s24] =	ssyncadd.s32 $0xFFFFC000  }
0x5b: {  	[tilespmem:s23], [sflag:$0x1] =	stream.indirect.gather [hbm4b:s4+s26], $0x80, s30, s26, $0xb8;
	[tilespmem:$0x1C800] =	vst v63  }
0x5c: {  	_ =	swait.ge [sflag:s31], $0x4000  }
0x5d: {  	[sflag:s31] =	ssyncset.done $0x0  }
0x5e: {  	[sflag:s31] =	ssyncadd.s32 $0xFFFFC000  }
0x5f: {  	[spmem:s1] =	stream.indirect.scatter.add.f32 [tilespmem:s28], [sflag:$0x3], $0x80, s0, s26, $0xb8;
	[tilespmem:$0x1C800] =	vst v63  }
0x60: {  	_ =	swait.ge [sflag:s24], $0x4000  }
0x61: {  	[sflag:s24] =	ssyncset.done $0x0  }
0x62: {  	[sflag:s24] =	ssyncadd.s32 $0xFFFFC000  }
0x63: {  	[tilespmem:s28], [sflag:$0x2] =	stream.indirect.gather [hbm4b:s4+s26], $0x80, s2, s26, $0xb8;
	[tilespmem:$0x1C800] =	vst v63  }
0x64: {  	_ =	swait.ge [sflag:s29], $0x4000  }
0x65: {  	[sflag:s29] =	ssyncset.done $0x0  }
0x66: {  	[sflag:s29] =	ssyncadd.s32 $0xFFFFC000  }
0x67: {  	[spmem:s1] =	stream.indirect.scatter.add.f32 [tilespmem:s23], [sflag:$0x3], $0x80, s7, s26, $0xb8;
	[tilespmem:$0x1C800] =	vst v63  }
0x68: {  	_ =	swait.ge [sflag:s24], $0x4000  }
0x69: {  	[sflag:s24] =	ssyncset.done $0x0  }
0x6a: {  	[sflag:s24] =	ssyncadd.s32 $0xFFFFC000  }
0x6b: {  	[tilespmem:s23], [sflag:$0x1] =	stream.indirect.gather [hbm4b:s4+s26], $0x80, s8, s26, $0xb8;
	[tilespmem:$0x1C800] =	vst v63  }
0x6c: {  	_ =	swait.ge [sflag:s31], $0x4000  }
0x6d: {  	[sflag:s31] =	ssyncset.done $0x0  }
0x6e: {  	[sflag:s31] =	ssyncadd.s32 $0xFFFFC000  }
0x6f: {  	[spmem:s1] =	stream.indirect.scatter.add.f32 [tilespmem:s28], [sflag:$0x3], $0x80, s9, s26, $0xb8;
	[tilespmem:$0x1C800] =	vst v63  }
0x70: {  	_ =	swait.ge [sflag:s24], $0x4000  }
0x71: {  	[sflag:s24] =	ssyncset.done $0x0  }
0x72: {  	[sflag:s24] =	ssyncadd.s32 $0xFFFFC000  }
0x73: {  	[tilespmem:s28], [sflag:$0x2] =	stream.indirect.gather [hbm4b:s4+s26], $0x80, s10, s26, $0xb8;
	[tilespmem:$0x1C800] =	vst v63  }
0x74: {  	_ =	swait.ge [sflag:s29], $0x4000  }
0x75: {  	[sflag:s29] =	ssyncset.done $0x0  }
0x76: {  	[sflag:s29] =	ssyncadd.s32 $0xFFFFC000  }
0x77: {  	[spmem:s1] =	stream.indirect.scatter.add.f32 [tilespmem:s23], [sflag:$0x3], $0x80, s11, s26, $0xb8;
	[tilespmem:$0x1C800] =	vst v63  }
0x78: {  	_ =	swait.ge [sflag:s24], $0x4000  }
0x79: {  	[sflag:s24] =	ssyncset.done $0x0  }
0x7a: {  	[sflag:s24] =	ssyncadd.s32 $0xFFFFC000  }
0x7b: {  	[tilespmem:s23], [sflag:$0x1] =	stream.indirect.gather [hbm4b:s4+s26], $0x80, s12, s26, $0xb8;
	[tilespmem:$0x1C800] =	vst v63  }
0x7c: {  	_ =	swait.ge [sflag:s31], $0x4000  }
0x7d: {  	[sflag:s31] =	ssyncset.done $0x0  }
0x7e: {  	[sflag:s31] =	ssyncadd.s32 $0xFFFFC000  }
0x7f: {  	[spmem:s1] =	stream.indirect.scatter.add.f32 [tilespmem:s28], [sflag:$0x3], $0x80, s13, s26, $0xb8;
	[tilespmem:$0x1C800] =	vst v63  }
0x80: {  	_ =	swait.ge [sflag:s24], $0x4000  }
0x81: {  	[sflag:s24] =	ssyncset.done $0x0  }
0x82: {  	[sflag:s24] =	ssyncadd.s32 $0xFFFFC000  }
0x83: {  	[tilespmem:s28], [sflag:$0x2] =	stream.indirect.gather [hbm4b:s4+s26], $0x80, s14, s26, $0xb8;
	[tilespmem:$0x1C800] =	vst v63  }
0x84: {  	_ =	swait.ge [sflag:s29], $0x4000  }
0x85: {  	[sflag:s29] =	ssyncset.done $0x0  }
0x86: {  	[sflag:s29] =	ssyncadd.s32 $0xFFFFC000  }
0x87: {  	[spmem:s1] =	stream.indirect.scatter.add.f32 [tilespmem:s23], [sflag:$0x3], $0x80, s15, s26, $0xb8;
	[tilespmem:$0x1C800] =	vst v63  }
0x88: {  	_ =	swait.ge [sflag:s24], $0x4000  }
0x89: {  	[sflag:s24] =	ssyncset.done $0x0  }
0x8a: {  	[sflag:s24] =	ssyncadd.s32 $0xFFFFC000  }
0x8b: {  	p0 =	sne.s32 s6, $0x1;
	_ =	swait.ge [sflag:s31], $0x4000  }
.Ltmp1:
0x8c: {  	[sflag:s31] =	ssyncset.done $0x0;
	(pc) =	sbr.rel @!p0 .LBB2_5-.Ltmp1, $4  }
0x8d: {  	[sflag:s31] =	ssyncadd.s32 $0xFFFFC000  }
0x8e: {  	[spmem:s1] =	stream.indirect.scatter.add.f32 [tilespmem:s28], [sflag:$0x3], $0x80, s16, s26, $0xb8;
	[tilespmem:$0x1C800] =	vst v63  }
0x8f: {  	s18 =	sadd.s32 $0xFFFFFFFF, s6;
	_ =	swait.ge [sflag:s24], $0x4000  }
0x90: {  	s21 =	smov.u32 s19;
	s22 =	smov.u32 s20;
	[sflag:s24] =	ssyncset.done $0x0  }
.LBB2_4:
0x91: {  	[sflag:s24] =	ssyncadd.s32 $0xFFFFC000;
	s21 =	sadd.s32 $0x80, s21;
	s22 =	sadd.s32 $0x80, s22  }
0x92: {  	[tilespmem:s3], [sflag:$0x3] =	stream.linear.gather [hbm4b:s22+s3], $0x400, $0x38;
	[tilespmem:$0x1C800] =	vst v63  }
0x93: {  	p0 =	sne.s32 s18, $0x1;
	s18 =	sadd.s32 $0xFFFFFFFF, s18;
	_ =	swait.ge [sflag:s24], $0x400  }
0x94: {  	[sflag:s24] =	ssyncset.done $0x0  }
0x95: {  	[sflag:s24] =	ssyncadd.s32 $0xFFFFFC00  }
0x96: {  	[tilespmem:s25], [sflag:$0x3] =	stream.linear.gather [hbm4b:s21+s3], $0x400, $0x38;
	[tilespmem:$0x1C800] =	vst v63  }
0x97: {  	_ =	swait.ge [sflag:s24], $0x400  }
0x98: {  	[sflag:s24] =	ssyncset.done $0x0  }
0x99: {  	[sflag:s24] =	ssyncadd.s32 $0xFFFFFC00  }
0x9a: {  	[tilespmem:s23], [sflag:$0x1] =	stream.indirect.gather [hbm4b:s4+s26], $0x80, s3, s26, $0xb8;
	[tilespmem:$0x1C800] =	vst v63  }
0x9b: {  	_ = 	snop  }
0x9c: {  	[tilespmem:s28], [sflag:$0x2] =	stream.indirect.gather [hbm4b:s4+s26], $0x80, s26, s26, $0xb8;
	[tilespmem:$0x1C800] =	vst v63  }
0x9d: {  	_ =	swait.ge [sflag:s29], $0x4000  }
0x9e: {  	[sflag:s29] =	ssyncset.done $0x0  }
0x9f: {  	[sflag:s29] =	ssyncadd.s32 $0xFFFFC000  }
0xa0: {  	[spmem:s1] =	stream.indirect.scatter.add.f32 [tilespmem:s23], [sflag:$0x3], $0x80, s25, s26, $0xb8;
	[tilespmem:$0x1C800] =	vst v63  }
0xa1: {  	_ =	swait.ge [sflag:s24], $0x4000  }
0xa2: {  	[sflag:s24] =	ssyncset.done $0x0  }
0xa3: {  	[sflag:s24] =	ssyncadd.s32 $0xFFFFC000  }
0xa4: {  	[tilespmem:s23], [sflag:$0x1] =	stream.indirect.gather [hbm4b:s4+s26], $0x80, s30, s26, $0xb8;
	[tilespmem:$0x1C800] =	vst v63  }
0xa5: {  	_ =	swait.ge [sflag:s31], $0x4000  }
0xa6: {  	[sflag:s31] =	ssyncset.done $0x0  }
0xa7: {  	[sflag:s31] =	ssyncadd.s32 $0xFFFFC000  }
0xa8: {  	[spmem:s1] =	stream.indirect.scatter.add.f32 [tilespmem:s28], [sflag:$0x3], $0x80, s0, s26, $0xb8;
	[tilespmem:$0x1C800] =	vst v63  }
0xa9: {  	_ =	swait.ge [sflag:s24], $0x4000  }
0xaa: {  	[sflag:s24] =	ssyncset.done $0x0  }
0xab: {  	[sflag:s24] =	ssyncadd.s32 $0xFFFFC000  }
0xac: {  	[tilespmem:s28], [sflag:$0x2] =	stream.indirect.gather [hbm4b:s4+s26], $0x80, s2, s26, $0xb8;
	[tilespmem:$0x1C800] =	vst v63  }
0xad: {  	_ =	swait.ge [sflag:s29], $0x4000  }
0xae: {  	[sflag:s29] =	ssyncset.done $0x0  }
0xaf: {  	[sflag:s29] =	ssyncadd.s32 $0xFFFFC000  }
0xb0: {  	[spmem:s1] =	stream.indirect.scatter.add.f32 [tilespmem:s23], [sflag:$0x3], $0x80, s7, s26, $0xb8;
	[tilespmem:$0x1C800] =	vst v63  }
0xb1: {  	_ =	swait.ge [sflag:s24], $0x4000  }
0xb2: {  	[sflag:s24] =	ssyncset.done $0x0  }
0xb3: {  	[sflag:s24] =	ssyncadd.s32 $0xFFFFC000  }
0xb4: {  	[tilespmem:s23], [sflag:$0x1] =	stream.indirect.gather [hbm4b:s4+s26], $0x80, s8, s26, $0xb8;
	[tilespmem:$0x1C800] =	vst v63  }
0xb5: {  	_ =	swait.ge [sflag:s31], $0x4000  }
0xb6: {  	[sflag:s31] =	ssyncset.done $0x0  }
0xb7: {  	[sflag:s31] =	ssyncadd.s32 $0xFFFFC000  }
0xb8: {  	[spmem:s1] =	stream.indirect.scatter.add.f32 [tilespmem:s28], [sflag:$0x3], $0x80, s9, s26, $0xb8;
	[tilespmem:$0x1C800] =	vst v63  }
0xb9: {  	_ =	swait.ge [sflag:s24], $0x4000  }
0xba: {  	[sflag:s24] =	ssyncset.done $0x0  }
0xbb: {  	[sflag:s24] =	ssyncadd.s32 $0xFFFFC000  }
0xbc: {  	[tilespmem:s28], [sflag:$0x2] =	stream.indirect.gather [hbm4b:s4+s26], $0x80, s10, s26, $0xb8;
	[tilespmem:$0x1C800] =	vst v63  }
0xbd: {  	_ =	swait.ge [sflag:s29], $0x4000  }
0xbe: {  	[sflag:s29] =	ssyncset.done $0x0  }
0xbf: {  	[sflag:s29] =	ssyncadd.s32 $0xFFFFC000  }
0xc0: {  	[spmem:s1] =	stream.indirect.scatter.add.f32 [tilespmem:s23], [sflag:$0x3], $0x80, s11, s26, $0xb8;
	[tilespmem:$0x1C800] =	vst v63  }
0xc1: {  	_ =	swait.ge [sflag:s24], $0x4000  }
0xc2: {  	[sflag:s24] =	ssyncset.done $0x0  }
0xc3: {  	[sflag:s24] =	ssyncadd.s32 $0xFFFFC000  }
0xc4: {  	[tilespmem:s23], [sflag:$0x1] =	stream.indirect.gather [hbm4b:s4+s26], $0x80, s12, s26, $0xb8;
	[tilespmem:$0x1C800] =	vst v63  }
0xc5: {  	_ =	swait.ge [sflag:s31], $0x4000  }
0xc6: {  	[sflag:s31] =	ssyncset.done $0x0  }
0xc7: {  	[sflag:s31] =	ssyncadd.s32 $0xFFFFC000  }
0xc8: {  	[spmem:s1] =	stream.indirect.scatter.add.f32 [tilespmem:s28], [sflag:$0x3], $0x80, s13, s26, $0xb8;
	[tilespmem:$0x1C800] =	vst v63  }
0xc9: {  	_ =	swait.ge [sflag:s24], $0x4000  }
0xca: {  	[sflag:s24] =	ssyncset.done $0x0  }
0xcb: {  	[sflag:s24] =	ssyncadd.s32 $0xFFFFC000  }
0xcc: {  	[tilespmem:s28], [sflag:$0x2] =	stream.indirect.gather [hbm4b:s4+s26], $0x80, s14, s26, $0xb8;
	[tilespmem:$0x1C800] =	vst v63  }
0xcd: {  	_ =	swait.ge [sflag:s29], $0x4000  }
0xce: {  	[sflag:s29] =	ssyncset.done $0x0  }
0xcf: {  	[sflag:s29] =	ssyncadd.s32 $0xFFFFC000  }
0xd0: {  	[spmem:s1] =	stream.indirect.scatter.add.f32 [tilespmem:s23], [sflag:$0x3], $0x80, s15, s26, $0xb8;
	[tilespmem:$0x1C800] =	vst v63  }
0xd1: {  	_ =	swait.ge [sflag:s24], $0x4000  }
0xd2: {  	[sflag:s24] =	ssyncset.done $0x0  }
0xd3: {  	[sflag:s24] =	ssyncadd.s32 $0xFFFFC000  }
0xd4: {  	_ =	swait.ge [sflag:s31], $0x4000  }
.Ltmp2:
0xd5: {  	[sflag:s31] =	ssyncset.done $0x0;
	(pc) =	sbr.rel @p0 .LBB2_4-.Ltmp2, $4  }
0xd6: {  	[sflag:s31] =	ssyncadd.s32 $0xFFFFC000  }
0xd7: {  	[spmem:s1] =	stream.indirect.scatter.add.f32 [tilespmem:s28], [sflag:$0x3], $0x80, s16, s26, $0xb8;
	[tilespmem:$0x1C800] =	vst v63  }
0xd8: {  	_ =	swait.ge [sflag:s24], $0x4000  }
0xd9: {  	[sflag:s24] =	ssyncset.done $0x0  }
.LBB2_5:
0xda: {  	[sflag:s24] =	ssyncadd.s32 $0xFFFFC000  }
0xdb: {  	[bflag:$0x0] =	sbarrier.arrive $0xFFFF  }
0xdc: {  	[tilespmem:s23], [sflag:$0x3] =	stream.linear.gather [spmem:s5], $0x4000, $0x38;
	[tilespmem:$0x1C800] =	vst v63  }
0xdd: {  	_ =	swait.ge [sflag:s24], $0x4000  }
0xde: {  	[sflag:s24] =	ssyncset.done $0x0  }
0xdf: {  	s18 =	rddreg [dreg:$0x4];
	[sflag:s24] =	ssyncadd.s32 $0xFFFFC000  }
0xe0: {  	[hbm4b:s18+s3] =	stream.linear.scatter [tilespmem:s23], [sflag:$0x1], $0x4000, $0x38;
	[tilespmem:$0x1C800] =	vst v63  }
0xe1: {  	s22 =	rddreg [dreg:$0x5]  }
0xe2: {  	[tilespmem:s28], [sflag:$0x3] =	stream.linear.gather [spmem:s22], $0x4000, $0x38;
	[tilespmem:$0x1C800] =	vst v63  }
0xe3: {  	_ =	swait.ge [sflag:s24], $0x4000  }
0xe4: {  	[sflag:s24] =	ssyncset.done $0x0  }
0xe5: {  	s21 =	rddreg [dreg:$0x6];
	[sflag:s24] =	ssyncadd.s32 $0xFFFFC000  }
0xe6: {  	[hbm4b:s21+s3] =	stream.linear.scatter [tilespmem:s28], [sflag:$0x2], $0x4000, $0x38;
	[tilespmem:$0x1C800] =	vst v63  }
0xe7: {  	_ =	swait.ge [sflag:s29], $0x4000  }
0xe8: {  	[sflag:s29] =	ssyncset.done $0x0  }
0xe9: {  	s22 =	rddreg [dreg:$0x7];
	[sflag:s29] =	ssyncadd.s32 $0xFFFFC000  }
0xea: {  	[tilespmem:s23], [sflag:$0x3] =	stream.linear.gather [spmem:s22], $0x4000, $0x38;
	[tilespmem:$0x1C800] =	vst v63  }
0xeb: {  	_ =	swait.ge [sflag:s24], $0x4000  }
0xec: {  	[sflag:s24] =	ssyncset.done $0x0  }
0xed: {  	s21 =	rddreg [dreg:$0x8];
	[sflag:s24] =	ssyncadd.s32 $0xFFFFC000  }
0xee: {  	[hbm4b:s21+s3] =	stream.linear.scatter [tilespmem:s23], [sflag:$0x1], $0x4000, $0x38;
	[tilespmem:$0x1C800] =	vst v63  }
0xef: {  	_ =	swait.ge [sflag:s31], $0x4000  }
0xf0: {  	[sflag:s31] =	ssyncset.done $0x0  }
0xf1: {  	s22 =	rddreg [dreg:$0x9];
	[sflag:s31] =	ssyncadd.s32 $0xFFFFC000  }
0xf2: {  	[tilespmem:s28], [sflag:$0x3] =	stream.linear.gather [spmem:s22], $0x4000, $0x38;
	[tilespmem:$0x1C800] =	vst v63  }
0xf3: {  	_ =	swait.ge [sflag:s24], $0x4000  }
0xf4: {  	[sflag:s24] =	ssyncset.done $0x0  }
0xf5: {  	s21 =	rddreg [dreg:$0xa];
	[sflag:s24] =	ssyncadd.s32 $0xFFFFC000  }
0xf6: {  	[hbm4b:s21+s3] =	stream.linear.scatter [tilespmem:s28], [sflag:$0x2], $0x4000, $0x38;
	[tilespmem:$0x1C800] =	vst v63  }
0xf7: {  	_ =	swait.ge [sflag:s29], $0x4000  }
0xf8: {  	[sflag:s29] =	ssyncset.done $0x0  }
0xf9: {  	s22 =	rddreg [dreg:$0xb];
	[sflag:s29] =	ssyncadd.s32 $0xFFFFC000  }
0xfa: {  	[tilespmem:s23], [sflag:$0x3] =	stream.linear.gather [spmem:s22], $0x4000, $0x38;
	[tilespmem:$0x1C800] =	vst v63  }
0xfb: {  	_ =	swait.ge [sflag:s24], $0x4000  }
0xfc: {  	[sflag:s24] =	ssyncset.done $0x0  }
0xfd: {  	s21 =	rddreg [dreg:$0xc];
	[sflag:s24] =	ssyncadd.s32 $0xFFFFC000  }
0xfe: {  	[hbm4b:s21+s3] =	stream.linear.scatter [tilespmem:s23], [sflag:$0x1], $0x4000, $0x38;
	[tilespmem:$0x1C800] =	vst v63  }
0xff: {  	_ =	swait.ge [sflag:s31], $0x4000  }
0x100: {  	[sflag:s31] =	ssyncset.done $0x0  }
0x101: {  	[sflag:s31] =	ssyncadd.s32 $0xFFFFC000  }
0x102: {  	_ =	swait.ge [sflag:s29], $0x4000  }
0x103: {  	s17 =	sadd.s32 $0x1, s17;
	s22 =	rddreg [dreg:$0xd]  }
0x104: {  	p0 =	sne.s32 s17, s22  }
.Ltmp3:
0x105: {  	_ = 	snop;
	(pc) =	sbr.rel @p0 .LBB2_1-.Ltmp3, $3  }
0x106: {  	_ =	sdelay $0x1  }
0x107: {  	[sflag:s29] =	ssyncset.done $0x0  }
0x108: {  	[sflag:s29] =	ssyncadd.s32 $0xFFFFC000  }
0x109: {  	_ =	sfence.sel $0x180000  }
0x10a: {  	[bflag:$0x0] =	sbarrier.arrive $0xFFFF  }
0x10b: {  	_ =	strace $0x9000004A  }
0x10c: {  	s0 =	stileid.u32;
	[bflag:$0x2] =	sbarrier.arrive $0xFFFF  }
0x10d: {  	p0 =	sne.s32 s0, $0x0;
	s0 =	rddreg [dreg:$0x3]  }
0x10e: {  	s0 =	sadd.s32 @!p0 $0x100000, s0  }
0x10f: {  	[sflag:s0] =	ssyncadd.tile.s32 @!p0 $0x1;
	_ =	shalt  }
.Lfunc_end2:
_tile_overlayer_lowered:
.L_overlay_start_2:
0x110: {  	(tag) =	ssettag $0x2  }
0x111: {  	s0 =	rddreg [dreg:$0x0];
	s2 =	stileid.u32  }
0x112: {  	s1 =	rddreg [dreg:$0x1];
	p0 =	sne.s32 s2, $0x0  }
0x113: {  	s3 =	rddreg [dreg:$0x2];
	[bflag:$0x3] =	sbarrier.arrive $0xFFFF;
	s2 =	simm.s32 @!p0 $0x1C03  }
0x114: {  	[timem:s3], [sflag:s2] =	dma.local @!p0 [hbm:s0], s1  }
0x115: {  	s0 =	simm.s32 @!p0 $0x3  }
0x116: {  	_ =	swait.ge @!p0 [sflag:s0], s1  }
0x117: {  	s1 =	ssub.s32 @!p0 $0x0, s1;
	[sflag:s0] =	ssyncset.done @!p0 $0x0  }
0x118: {  	[sflag:s0] =	ssyncadd.s32 @!p0 s1  }
0x119: {  	[bflag:$0x3] =	sbarrier.arrive $0xFFFF  }
0x11a: {  	_ =	shalt  }

// kernel: kernel.14.cloned.1.call-start
scs
__scs_entry_jumppad:
0x0: {  	(pc) =	sbr.rel $0x88, $3  }
0x1: {  	(tag) =	ssettag $0x0;
	lr =	simm.s32 $0x1  }
0x2: {  	[smem:$0x3F9B] =	sst lr;
	_ =	strace $0xD0000000  }
0x3: {  	_ = 	snop  }
0x4: {  	_ = 	snop  }
0x5: {  	_ = 	snop  }
0x6: {  	_ = 	snop  }
0x7: {  	_ = 	snop  }
__scs_overlays_trampoline_lowered:
0x8: {  	[smem:$0x3FAA] =	sst s0  }
0x9: {  	[smem:$0x3FAB] =	sst s1  }
0xa: {  	[smem:$0x3FAC] =	sst s2  }
0xb: {  	[smem:$0x3FAD] =	sst s3  }
0xc: {  	[smem:$0x3FAE] =	sst s4  }
0xd: {  	[smem:$0x3FAF] =	sst s5  }
0xe: {  	[smem:$0x3FB0] =	sst s6  }
0xf: {  	[smem:$0x3FB1] =	sst s7  }
0x10: {  	[smem:$0x3FB2] =	sst s8  }
0x11: {  	[smem:$0x3FB3] =	sst s9;
	s0 =	simm.s32 @!p0 $0x0  }
0x12: {  	s1 =	sld [smem:$0x3F99];
	s0 =	simm.s32 @p0 $0x1  }
0x13: {  	[smem:$0x3FB4] =	sst s0;
	s0 =	simm.s32 @!p1 $0x0  }
0x14: {  	s2 =	sld [smem:$0x3F98];
	s0 =	simm.s32 @p1 $0x1  }
0x15: {  	[smem:$0x3FB5] =	sst s0;
	s0 =	simm.s32 @!p2 $0x0  }
0x16: {  	s3 =	sld [smem:$0x3FDB];
	s0 =	simm.s32 @p2 $0x1  }
0x17: {  	s4 =	simm.s32 $0x1BF5;
	[smem:$0x3FB7] =	sst s0  }
0x18: {  	s0 =	sld [smem:$0x3F9A];
	_ =	swait.ge [sflag:s4], $0x0  }
0x19: {  	s7 =	sld [smem:$0x3F9B]  }
0x1a: {  	s8 =	sadd.s32 $0xFFFFE003, lr  }
0x1b: {  	s9 =	sadd.s32 $0xFFFFFEF7, lr;
	s5 =	simm.s32 $0xFFFFFFFF;
	p2 =	slt.u32 s8, $0xFFFFF086  }
0x1c: {  	p1 =	slt.u32 s9, $0xF7A;
	s5 =	simm.s32 @!p2 $0x0  }
0x1d: {  	s5 =	simm.s32 @p1 $0x1;
	p0 =	seq.s32 s7, s2  }
0x1e: {  	s7 =	smul.u32 @!p0 $0xF7A, s2;
	p2 =	seq.s32 @!p0 s5, $0x0  }
0x1f: {  	s9 =	smul.u32 $0xF7A, s1;
	s8 =	simm.s32 @!p0 $0x1BF5;
	p2 =	por !p2, p0  }
0x20: {  	[sflag:s8] =	ssyncset.s32 @!p0 $0xFFFFF086;
	s6 =	sadd.s32 @!p0 s3, s7;
	s7 =	simm.s32 @!p0 $0x108  }
0x21: {  	s3 =	sadd.s32 s3, s9;
	s6 =	sadd.s32 @!p0 $0x88, s6;
	s7 =	simm.s32 @p2 $0x1082  }
0x22: {  	[simem:s7], [sflag:s8] =	dma.local @!p0 [hbm:s6], $0xF7A  }
0x23: {  	s9 =	sor.u32 $0xD0000000, s2;
	s6 =	simm.s32 $0x108;
	_ =	swait.ge @!p0 [sflag:s8], $0x0  }
0x24: {  	s3 =	sadd.s32 $0x88, s3;
	s6 =	simm.s32 @!p1 $0x1082;
	[sflag:s4] =	ssyncset.s32 $0xFFFFF086  }
0x25: {  	[simem:s6], [sflag:s4] =	dma.local [hbm:s3], $0xF7A  }
0x26: {  	[smem:$0x3F9B] =	sst s1;
	(tag) =	ssettag s2;
	_ =	strace s9  }
0x27: {  	s1 =	sld [smem:$0x3FAB]  }
0x28: {  	s2 =	sld [smem:$0x3FAC]  }
0x29: {  	s4 =	sld [smem:$0x3FAE]  }
0x2a: {  	p0 =	seq.s32 s5, $0x0;
	s5 =	sld [smem:$0x3FAF]  }
0x2b: {  	s6 =	sld [smem:$0x3FB0]  }
0x2c: {  	s7 =	sld [smem:$0x3FB1]  }
0x2d: {  	s3 =	simm.s32 $0x108;
	s8 =	sld [smem:$0x3FB2]  }
0x2e: {  	s3 =	simm.s32 @!p0 $0x1082;
	s9 =	sld [smem:$0x3FB3]  }
0x2f: {  	lr =	sadd.s32 s0, s3;
	s0 =	sld [smem:$0x3FAA]  }
0x30: {  	s3 =	sld [smem:$0x3FAD]  }
0x31: {  	[smem:$0x3FB6] =	sst s10  }
0x32: {  	s10 =	sld [smem:$0x3FB4];
	_ =	sdelay $0x3  }
0x33: {  	p0 =	seq.s32 s10, $0x1;
	s10 =	sld [smem:$0x3FB6];
	_ =	sdelay $0x3  }
0x34: {  	[smem:$0x3FB6] =	sst s10  }
0x35: {  	s10 =	sld [smem:$0x3FB5];
	_ =	sdelay $0x3  }
0x36: {  	p1 =	seq.s32 s10, $0x1;
	s10 =	sld [smem:$0x3FB6];
	_ =	sdelay $0x3  }
0x37: {  	[smem:$0x3FB6] =	sst s10  }
0x38: {  	s10 =	sld [smem:$0x3FB7]  }
0x39: {  	_ = 	snop;
	(pc) =	sbr.ind lr, $3  }
0x3a: {  	_ = 	snop  }
0x3b: {  	_ = 	snop  }
0x3c: {  	p2 =	seq.s32 s10, $0x1;
	s10 =	sld [smem:$0x3FB6]  }
0x3d: {  	_ =	shalt  }
0x3e: {  	_ =	shalt  }
0x3f: {  	_ =	shalt  }
0x40: {  	_ =	shalt  }
0x41: {  	_ =	shalt  }
0x42: {  	_ =	shalt  }
0x43: {  	_ =	shalt  }
0x44: {  	_ =	shalt  }
0x45: {  	_ =	shalt  }
0x46: {  	_ =	shalt  }
0x47: {  	_ =	shalt  }
0x48: {  	_ =	shalt  }
0x49: {  	_ =	shalt  }
0x4a: {  	_ =	shalt  }
0x4b: {  	_ =	shalt  }
0x4c: {  	_ =	shalt  }
0x4d: {  	_ =	shalt  }
0x4e: {  	_ =	shalt  }
0x4f: {  	_ =	shalt  }
0x50: {  	_ =	shalt  }
0x51: {  	_ =	shalt  }
0x52: {  	_ =	shalt  }
0x53: {  	_ =	shalt  }
0x54: {  	_ =	shalt  }
0x55: {  	_ =	shalt  }
0x56: {  	_ =	shalt  }
0x57: {  	_ =	shalt  }
0x58: {  	_ =	shalt  }
0x59: {  	_ =	shalt  }
0x5a: {  	_ =	shalt  }
0x5b: {  	_ =	shalt  }
0x5c: {  	_ =	shalt  }
0x5d: {  	_ =	shalt  }
0x5e: {  	_ =	shalt  }
0x5f: {  	_ =	shalt  }
0x60: {  	_ =	shalt  }
0x61: {  	_ =	shalt  }
0x62: {  	_ =	shalt  }
0x63: {  	_ =	shalt  }
0x64: {  	_ =	shalt  }
0x65: {  	_ =	shalt  }
0x66: {  	_ =	shalt  }
0x67: {  	_ =	shalt  }
0x68: {  	_ =	shalt  }
0x69: {  	_ =	shalt  }
0x6a: {  	_ =	shalt  }
0x6b: {  	_ =	shalt  }
0x6c: {  	_ =	shalt  }
0x6d: {  	_ =	shalt  }
0x6e: {  	_ =	shalt  }
0x6f: {  	_ =	shalt  }
0x70: {  	_ =	shalt  }
0x71: {  	_ =	shalt  }
0x72: {  	_ =	shalt  }
0x73: {  	_ =	shalt  }
0x74: {  	_ =	shalt  }
0x75: {  	_ =	shalt  }
0x76: {  	_ =	shalt  }
0x77: {  	_ =	shalt  }
0x78: {  	_ =	shalt  }
0x79: {  	_ =	shalt  }
0x7a: {  	_ =	shalt  }
0x7b: {  	_ =	shalt  }
0x7c: {  	_ =	shalt  }
0x7d: {  	_ =	shalt  }
0x7e: {  	_ =	shalt  }
0x7f: {  	_ =	shalt  }
0x80: {  	_ =	shalt  }
0x81: {  	_ =	shalt  }
0x82: {  	_ =	shalt  }
0x83: {  	_ =	shalt  }
0x84: {  	_ =	shalt  }
0x85: {  	_ =	shalt  }
0x86: {  	_ =	shalt  }
0x87: {  	_ =	shalt  }
.Lfunc_end0:
.L_simem_size_0:
called_computation.2_lowered:
.L_overlay_start_0:
0x88: {  	s2 =	sld [smem:$0x3FD9]  }
0x89: {  	s3 =	sld [smem:$0x3FFE];
	_ =	sdelay $0x1  }
0x8a: {  	s1 =	srdreg.scid  }
0x8b: {  	s0 =	sand.u32 $0x1, s1  }
0x8c: {  	s17 =	sshll.u32 s0, $0xA;
	s2 =	sadd.s32 s3, s2  }
0x8d: {  	s2 =	sadd.s32 s2, s17  }
0x8e: {  	[smem:$0x3FC2] =	sst s2  }
0x8f: {  	_ = 	snop  }
0x90: {  	s2 =	sld [smem:$0x3FD0];
	(tm) =	ssettm $0x1  }
0x91: {  	s18 =	sld [smem:$0x3FFB];
	_ =	sdelay $0x3  }
0x92: {  	_ =	strace s18  }
0x93: {  	s3 =	sld [smem:$0x3FFC];
	_ =	sdelay $0x3  }
0x94: {  	_ =	strace s3  }
0x95: {  	s3 =	sld [smem:$0x3FFD];
	_ =	sdelay $0x3  }
0x96: {  	_ =	strace s3  }
0x97: {  	_ =	strace $0x8FFFFFFF  }
0x98: {  	s19 =	sld [smem:$0x3FDB];
	_ =	sdelay $0x1  }
0x99: {  	s4 =	simm.s32 $_scs_section_size  }
0x9a: {  	s5 =	simm.s32 $_size__tile_overlayer_lowered;
	s6 =	simm.s32 $_tile_overlayer_lowered  }
0x9b: {  	s22 =	simm.s32 $0x1BFF;
	s21 =	sshll.u32 s6, $0x1;
	s3 =	sadd.s32 s4, s19  }
0x9c: {  	s7 =	simm.s32 $0x0;
	s20 =	sshll.u32 s5, $0x1;
	s5 =	sadd.s32 s21, s3  }
0x9d: {  	[timem:s7], [sflag:s22] =	dma.local [hbm:s5], s20  }
0x9e: {  	_ =	swait.ge [sflag:s22], s20  }
0x9f: {  	s4 =	ssub.s32 $0x0, s20;
	[sflag:s22] =	ssyncset.done $0x0  }
0xa0: {  	[sflag:s22] =	ssyncadd.s32 s4;
	_ =	sdelay $0x1  }
0xa1: {  	s23 =	simm.s32 $0x1B8B  }
0xa2: {  	_ =	swait.ge [sflag:s23], $0x1  }
0xa3: {  	[sflag:s23] =	ssyncset.done $0x0  }
0xa4: {  	s25 =	simm.s32 $0x1B8E;
	s24 =	sld [smem:$0x3FFE];
	[sflag:s23] =	ssyncadd.s32 $0xFFFFFFFF  }
0xa5: {  	s26 =	simm.s32 $execute0_lowered;
	[smem:$0x3FD2] =	sst s25  }
0xa6: {  	s5 =	sshll.u32 s26, $0x1;
	_ =	strace $0x8000004C;
	[dreg:$0x1] =	wrdreg $0xFFFFFFFF  }
0xa7: {  	s28 =	simm.s32 $_size_execute0_lowered;
	s3 =	sadd.s32 s3, s5;
	[dreg:$0x0] =	wrdreg $0x0  }
0xa8: {  	s5 =	sshll.u32 s28, $0x1;
	[dreg:$0x2] =	wrdreg s3  }
0xa9: {  	[dreg:$0x3] =	wrdreg s5  }
0xaa: {  	[dreg:$0x4] =	wrdreg $0xC0  }
0xab: {  	_ =	task [dreg:s7], $0x5FFFF  }
0xac: {  	[dreg:$0x1] =	wrdreg $0xFFFFFFFF  }
0xad: {  	[dreg:$0x0] =	wrdreg $0x60  }
0xae: {  	[dreg:$0x2] =	wrdreg s24  }
0xaf: {  	[dreg:$0x3] =	wrdreg s2  }
0xb0: {  	[dreg:$0x4] =	wrdreg $0x88000  }
0xb1: {  	[dreg:$0x5] =	wrdreg $0x9  }
0xb2: {  	_ =	task.clear_ibuf [dreg:s7], $0x6FFFF;
	_ =	strace $0x9000004C  }
0xb3: {  	s29 =	simm.s32 $0x9;
	_ =	strace $0x8000004E  }
0xb4: {  	_ =	swait.ge [sflag:s29], $0x1  }
0xb5: {  	[sflag:s29] =	ssyncadd.s32 $0xFFFFFFFF  }
0xb6: {  	_ =	strace $0x9000004E  }
0xb7: {  	_ =	sfence  }
0xb8: {  	s30 =	sld [smem:$0x0];
	_ =	sdelay $0x2  }
0xb9: {  	s31 =	sshll.u32 s1, $0xD;
	s1 =	sshrl.u32 s1, $0x2  }
0xba: {  	s3 =	sand.u32 $0x4000, s31;
	s1 =	sadd.s32 s1, s30  }
0xbb: {  	s0 =	sor.u32 s3, s0;
	s1 =	sshll.u32 s1, $0x11  }
0xbc: {  	s0 =	sor.u32 s1, s0  }
0xbd: {  	s0 =	sadd.s32 $0x8F2B, s0  }
0xbe: {  	[sflag:s0] =	ssyncadd.remote.s32 $0x1  }
0xbf: {  	_ =	sfence.sel $0xFFFF  }
0xc0: {  	[dreg:$0x0] =	wrdreg $0xFFFFFFFF;
	(pc) =	sbr.abs _section_cstart, $3  }
0xc1: {  	[dreg:$0x1] =	wrdreg $0xFFFFFFFF  }
0xc2: {  	_ =	task.clear_ibuf [dreg:s7], $0x2FFFF;
	_ =	strace $0x9FFFFFFF  }
0xc3: {  	(tm) =	ssettm $0x7FFFFFFF  }
tec
execute0_lowered:
.L_overlay_start_1:
0x0: {  	(tag) =	ssettag $0x1  }
0x1: {  	s0 =	rddreg [dreg:$0x0]  }
0x2: {  	s2 =	rddreg [dreg:$0x1]  }
0x3: {  	s1 =	rddreg [dreg:$0x2];
	s3 =	simm.s32 $0x0  }
0x4: {  	s4 =	srdreg.scid;
	s9 =	stileid.u32;
	s28 =	simm.s32 $0x4800  }
0x5: {  	s29 =	simm.s32 $0x1;
	s30 =	simm.s32 $0x100;
	s31 =	simm.s32 $0x2  }
0x6: {  	[smem:$0x7FF] =	sst s3;
	s5 =	sand.u32 $0x1, s4;
	s24 =	sshll.u32 s9, $0x2  }
0x7: {  	s6 =	sshll.u32 s9, $0x4;
	s8 =	smul.u32 $0x50000, s9;
	s4 =	sadd.s32 $0x5CA00, s0  }
0x8: {  	s9 =	smul.u32 $0x280, s9;
	_ =	strace $0x8000004D;
	p0 =	seq.s32 s5, $0x0  }
0x9: {  	s7 =	sor.u32 $0x100, s24;
	s25 =	ssub.s32 $0x2, s5;
	s10 =	smul.u32 $0x2800, s5  }
0xa: {  	s7 =	smov.u32 @p0 s6;
	s26 =	sshrl.u32 s25, $0x1;
	s8 =	sshrl.u32 s8, $0x2  }
0xb: {  	s6 =	simm.s32 $0x10;
	s14 =	sadd.s32 $0x80, s9;
	s18 =	sadd.s32 $0x180, s9  }
0xc: {  	s7 =	sshll.u32 s7, $0x7;
	s12 =	ssub.s32 s25, s26;
	s13 =	sadd.s32 s9, s10  }
0xd: {  	s5 =	sadd.s32 s8, s1;
	s6 =	simm.s32 @!p0 $0x4;
	s19 =	sshll.u32 s18, $0x7  }
0xe: {  	s11 =	sadd.s32 s7, s0;
	s0 =	sadd.s32 $0x84A00, s0;
	s22 =	smax.u32 s12, $0x1  }
0xf: {  	s8 =	sshll.u32 s13, $0x4;
	s23 =	sadd.s32 $0x4000, s5;
	[dreg:$0xd] =	wrdreg s22  }
0x10: {  	s13 =	sshll.u32 s14, $0x7;
	s24 =	sadd.s32 $0x8000, s5;
	[dreg:$0xe] =	wrdreg s23  }
0x11: {  	s25 =	sadd.s32 $0xC000, s5;
	s26 =	sadd.s32 $0x10000, s5;
	[dreg:$0xf] =	wrdreg s24  }
0x12: {  	s12 =	simm.s32 $0x300;
	s8 =	sadd.s32 s0, s8;
	[dreg:$0x10] =	wrdreg s25  }
0x13: {  	s13 =	sadd.s32 s13, s1;
	[dreg:$0x11] =	wrdreg s26;
	s23 =	simm.s32 $0x800  }
0x14: {  	s24 =	simm.s32 $0x3;
	s25 =	simm.s32 $0x400;
	s26 =	simm.s32 $0x80  }
0x15: {  	[dreg:$0x4] =	wrdreg s8;
	s8 =	sadd.s32 s10, s14;
	s14 =	sadd.s32 $0x100, s9  }
0x16: {  	[dreg:$0x5] =	wrdreg s13;
	s9 =	sadd.s32 $0x200, s9;
	s8 =	sshll.u32 s8, $0x4  }
0x17: {  	s15 =	sadd.s32 s10, s14;
	s16 =	sshll.u32 s14, $0x7;
	s20 =	sshll.u32 s9, $0x7  }
0x18: {  	s14 =	simm.s32 $0x380;
	s8 =	sadd.s32 s0, s8;
	s13 =	sshll.u32 s15, $0x4  }
0x19: {  	s15 =	simm.s32 $0x700;
	[dreg:$0x6] =	wrdreg s8;
	s8 =	sadd.s32 s16, s1  }
0x1a: {  	s17 =	sadd.s32 s0, s13;
	s13 =	sadd.s32 s19, s1;
	s19 =	sadd.s32 s7, s2  }
0x1b: {  	s2 =	simm.s32 $0x180;
	s7 =	simm.s32 $0x500;
	[dreg:$0x7] =	wrdreg s8  }
0x1c: {  	s16 =	simm.s32 $0x780;
	[dreg:$0x8] =	wrdreg s17;
	s8 =	sadd.s32 s10, s18  }
0x1d: {  	[dreg:$0x9] =	wrdreg s13;
	s10 =	sadd.s32 s10, s9;
	s9 =	simm.s32 $0x580  }
0x1e: {  	s13 =	simm.s32 $0x680;
	s17 =	simm.s32 $0x0;
	s8 =	sshll.u32 s8, $0x4  }
0x1f: {  	s21 =	sshll.u32 s10, $0x4;
	s10 =	simm.s32 $0x280;
	s8 =	sadd.s32 s0, s8  }
0x20: {  	s0 =	sadd.s32 s0, s21;
	[dreg:$0xa] =	wrdreg s8;
	s8 =	sadd.s32 s20, s1  }
0x21: {  	[dreg:$0xc] =	wrdreg s0;
	s20 =	sadd.s32 $0x2A00, s11;
	s0 =	simm.s32 $0x480  }
0x22: {  	v0 =	vimm.f32 $0.0e+00;
	s11 =	simm.s32 $0x600;
	[dreg:$0xb] =	wrdreg s8;
	s8 =	simm.s32 $0x200  }
.LBB2_1:
0x23: {  	s18 =	simm.s32 $0x0;
	s21 =	simm.s32 $0x200  }
.LBB2_2:
0x24: {  	p0 =	sne.s32 s21, $0xFE00;
	[tilespmem:s18+$0x870] =	vst v0  }
0x25: {  	[tilespmem:s18+$0x800] =	vst v0  }
0x26: {  	[tilespmem:s18+$0x810] =	vst v0  }
.Ltmp0:
0x27: {  	[tilespmem:s18+$0x820] =	vst v0;
	(pc) =	sbr.rel @p0 .LBB2_2-.Ltmp0, $4  }
0x28: {  	[tilespmem:s18+$0x830] =	vst v0  }
0x29: {  	[tilespmem:s18+$0x840] =	vst v0  }
0x2a: {  	[tilespmem:s18+$0x850] =	vst v0  }
0x2b: {  	[tilespmem:s18+$0x860] =	vst v0;
	s18 =	sshra.s32 s21, $0x2;
	s21 =	sadd.s32 $0x200, s21  }
0x2c: {  	[tilespmem:s18+$0x870] =	vst v0  }
0x2d: {  	[tilespmem:s18+$0x800] =	vst v0  }
0x2e: {  	[tilespmem:s18+$0x810] =	vst v0  }
0x2f: {  	[tilespmem:s18+$0x820] =	vst v0  }
0x30: {  	[tilespmem:s18+$0x830] =	vst v0  }
0x31: {  	[tilespmem:s18+$0x840] =	vst v0  }
0x32: {  	[tilespmem:s18+$0x850] =	vst v0  }
0x33: {  	[tilespmem:s18+$0x860] =	vst v0  }
0x34: {  	[spmem:s5] =	stream.linear.scatter [tilespmem:s23], [sflag:$0x3], $0x4000, $0x38;
	[tilespmem:$0x1C800] =	vst v63  }
0x35: {  	_ =	swait.ge [sflag:s24], $0x4000  }
0x36: {  	[sflag:s24] =	ssyncset.done $0x0  }
0x37: {  	s21 =	rddreg [dreg:$0xe];
	[sflag:s24] =	ssyncadd.s32 $0xFFFFC000  }
0x38: {  	[spmem:s21] =	stream.linear.scatter [tilespmem:s23], [sflag:$0x3], $0x4000, $0x38;
	[tilespmem:$0x1C800] =	vst v63  }
0x39: {  	_ =	swait.ge [sflag:s24], $0x4000  }
0x3a: {  	[sflag:s24] =	ssyncset.done $0x0  }
0x3b: {  	s22 =	rddreg [dreg:$0xf];
	[sflag:s24] =	ssyncadd.s32 $0xFFFFC000  }
0x3c: {  	[spmem:s22] =	stream.linear.scatter [tilespmem:s23], [sflag:$0x3], $0x4000, $0x38;
	[tilespmem:$0x1C800] =	vst v63  }
0x3d: {  	_ =	swait.ge [sflag:s24], $0x4000  }
0x3e: {  	[sflag:s24] =	ssyncset.done $0x0  }
0x3f: {  	s21 =	rddreg [dreg:$0x10];
	[sflag:s24] =	ssyncadd.s32 $0xFFFFC000  }
0x40: {  	[spmem:s21] =	stream.linear.scatter [tilespmem:s23], [sflag:$0x3], $0x4000, $0x38;
	[tilespmem:$0x1C800] =	vst v63  }
0x41: {  	_ =	swait.ge [sflag:s24], $0x4000  }
0x42: {  	[sflag:s24] =	ssyncset.done $0x0  }
0x43: {  	s22 =	rddreg [dreg:$0x11];
	[sflag:s24] =	ssyncadd.s32 $0xFFFFC000  }
0x44: {  	[spmem:s22] =	stream.linear.scatter [tilespmem:s23], [sflag:$0x3], $0x4000, $0x38;
	[tilespmem:$0x1C800] =	vst v63  }
0x45: {  	_ =	swait.ge [sflag:s24], $0x4000  }
0x46: {  	[sflag:s24] =	ssyncset.done $0x0  }
0x47: {  	[sflag:s24] =	ssyncadd.s32 $0xFFFFC000  }
0x48: {  	[bflag:$0x0] =	sbarrier.arrive $0xFFFF  }
0x49: {  	[tilespmem:s3], [sflag:$0x3] =	stream.linear.gather [hbm4b:s20+s3], $0x400, $0x38;
	[tilespmem:$0x1C800] =	vst v63  }
0x4a: {  	_ =	swait.ge [sflag:s24], $0x400  }
0x4b: {  	[sflag:s24] =	ssyncset.done $0x0  }
0x4c: {  	[sflag:s24] =	ssyncadd.s32 $0xFFFFFC00  }
0x4d: {  	[tilespmem:s25], [sflag:$0x3] =	stream.linear.gather [hbm4b:s19+s3], $0x400, $0x38;
	[tilespmem:$0x1C800] =	vst v63  }
0x4e: {  	_ =	swait.ge [sflag:s24], $0x400  }
0x4f: {  	[sflag:s24] =	ssyncset.done $0x0  }
0x50: {  	[sflag:s24] =	ssyncadd.s32 $0xFFFFFC00  }
0x51: {  	[tilespmem:s23], [sflag:$0x1] =	stream.indirect.gather [hbm4b:s4+s26], $0x80, s3, s26, $0xb8;
	[tilespmem:$0x1C800] =	vst v63  }
0x52: {  	_ = 	snop  }
0x53: {  	[tilespmem:s28], [sflag:$0x2] =	stream.indirect.gather [hbm4b:s4+s26], $0x80, s26, s26, $0xb8;
	[tilespmem:$0x1C800] =	vst v63  }
0x54: {  	_ =	swait.ge [sflag:s29], $0x4000  }
0x55: {  	[sflag:s29] =	ssyncset.done $0x0  }
0x56: {  	[sflag:s29] =	ssyncadd.s32 $0xFFFFC000  }
0x57: {  	[spmem:s1] =	stream.indirect.scatter.add.f32 [tilespmem:s23], [sflag:$0x3], $0x80, s25, s26, $0xb8;
	[tilespmem:$0x1C800] =	vst v63  }
0x58: {  	_ =	swait.ge [sflag:s24], $0x4000  }
0x59: {  	[sflag:s24] =	ssyncset.done $0x0  }
0x5a: {  	[sflag:s24] =	ssyncadd.s32 $0xFFFFC000  }
0x5b: {  	[tilespmem:s23], [sflag:$0x1] =	stream.indirect.gather [hbm4b:s4+s26], $0x80, s30, s26, $0xb8;
	[tilespmem:$0x1C800] =	vst v63  }
0x5c: {  	_ =	swait.ge [sflag:s31], $0x4000  }
0x5d: {  	[sflag:s31] =	ssyncset.done $0x0  }
0x5e: {  	[sflag:s31] =	ssyncadd.s32 $0xFFFFC000  }
0x5f: {  	[spmem:s1] =	stream.indirect.scatter.add.f32 [tilespmem:s28], [sflag:$0x3], $0x80, s0, s26, $0xb8;
	[tilespmem:$0x1C800] =	vst v63  }
0x60: {  	_ =	swait.ge [sflag:s24], $0x4000  }
0x61: {  	[sflag:s24] =	ssyncset.done $0x0  }
0x62: {  	[sflag:s24] =	ssyncadd.s32 $0xFFFFC000  }
0x63: {  	[tilespmem:s28], [sflag:$0x2] =	stream.indirect.gather [hbm4b:s4+s26], $0x80, s2, s26, $0xb8;
	[tilespmem:$0x1C800] =	vst v63  }
0x64: {  	_ =	swait.ge [sflag:s29], $0x4000  }
0x65: {  	[sflag:s29] =	ssyncset.done $0x0  }
0x66: {  	[sflag:s29] =	ssyncadd.s32 $0xFFFFC000  }
0x67: {  	[spmem:s1] =	stream.indirect.scatter.add.f32 [tilespmem:s23], [sflag:$0x3], $0x80, s7, s26, $0xb8;
	[tilespmem:$0x1C800] =	vst v63  }
0x68: {  	_ =	swait.ge [sflag:s24], $0x4000  }
0x69: {  	[sflag:s24] =	ssyncset.done $0x0  }
0x6a: {  	[sflag:s24] =	ssyncadd.s32 $0xFFFFC000  }
0x6b: {  	[tilespmem:s23], [sflag:$0x1] =	stream.indirect.gather [hbm4b:s4+s26], $0x80, s8, s26, $0xb8;
	[tilespmem:$0x1C800] =	vst v63  }
0x6c: {  	_ =	swait.ge [sflag:s31], $0x4000  }
0x6d: {  	[sflag:s31] =	ssyncset.done $0x0  }
0x6e: {  	[sflag:s31] =	ssyncadd.s32 $0xFFFFC000  }
0x6f: {  	[spmem:s1] =	stream.indirect.scatter.add.f32 [tilespmem:s28], [sflag:$0x3], $0x80, s9, s26, $0xb8;
	[tilespmem:$0x1C800] =	vst v63  }
0x70: {  	_ =	swait.ge [sflag:s24], $0x4000  }
0x71: {  	[sflag:s24] =	ssyncset.done $0x0  }
0x72: {  	[sflag:s24] =	ssyncadd.s32 $0xFFFFC000  }
0x73: {  	[tilespmem:s28], [sflag:$0x2] =	stream.indirect.gather [hbm4b:s4+s26], $0x80, s10, s26, $0xb8;
	[tilespmem:$0x1C800] =	vst v63  }
0x74: {  	_ =	swait.ge [sflag:s29], $0x4000  }
0x75: {  	[sflag:s29] =	ssyncset.done $0x0  }
0x76: {  	[sflag:s29] =	ssyncadd.s32 $0xFFFFC000  }
0x77: {  	[spmem:s1] =	stream.indirect.scatter.add.f32 [tilespmem:s23], [sflag:$0x3], $0x80, s11, s26, $0xb8;
	[tilespmem:$0x1C800] =	vst v63  }
0x78: {  	_ =	swait.ge [sflag:s24], $0x4000  }
0x79: {  	[sflag:s24] =	ssyncset.done $0x0  }
0x7a: {  	[sflag:s24] =	ssyncadd.s32 $0xFFFFC000  }
0x7b: {  	[tilespmem:s23], [sflag:$0x1] =	stream.indirect.gather [hbm4b:s4+s26], $0x80, s12, s26, $0xb8;
	[tilespmem:$0x1C800] =	vst v63  }
0x7c: {  	_ =	swait.ge [sflag:s31], $0x4000  }
0x7d: {  	[sflag:s31] =	ssyncset.done $0x0  }
0x7e: {  	[sflag:s31] =	ssyncadd.s32 $0xFFFFC000  }
0x7f: {  	[spmem:s1] =	stream.indirect.scatter.add.f32 [tilespmem:s28], [sflag:$0x3], $0x80, s13, s26, $0xb8;
	[tilespmem:$0x1C800] =	vst v63  }
0x80: {  	_ =	swait.ge [sflag:s24], $0x4000  }
0x81: {  	[sflag:s24] =	ssyncset.done $0x0  }
0x82: {  	[sflag:s24] =	ssyncadd.s32 $0xFFFFC000  }
0x83: {  	[tilespmem:s28], [sflag:$0x2] =	stream.indirect.gather [hbm4b:s4+s26], $0x80, s14, s26, $0xb8;
	[tilespmem:$0x1C800] =	vst v63  }
0x84: {  	_ =	swait.ge [sflag:s29], $0x4000  }
0x85: {  	[sflag:s29] =	ssyncset.done $0x0  }
0x86: {  	[sflag:s29] =	ssyncadd.s32 $0xFFFFC000  }
0x87: {  	[spmem:s1] =	stream.indirect.scatter.add.f32 [tilespmem:s23], [sflag:$0x3], $0x80, s15, s26, $0xb8;
	[tilespmem:$0x1C800] =	vst v63  }
0x88: {  	_ =	swait.ge [sflag:s24], $0x4000  }
0x89: {  	[sflag:s24] =	ssyncset.done $0x0  }
0x8a: {  	[sflag:s24] =	ssyncadd.s32 $0xFFFFC000  }
0x8b: {  	p0 =	sne.s32 s6, $0x1;
	_ =	swait.ge [sflag:s31], $0x4000  }
.Ltmp1:
0x8c: {  	[sflag:s31] =	ssyncset.done $0x0;
	(pc) =	sbr.rel @!p0 .LBB2_5-.Ltmp1, $4  }
0x8d: {  	[sflag:s31] =	ssyncadd.s32 $0xFFFFC000  }
0x8e: {  	[spmem:s1] =	stream.indirect.scatter.add.f32 [tilespmem:s28], [sflag:$0x3], $0x80, s16, s26, $0xb8;
	[tilespmem:$0x1C800] =	vst v63  }
0x8f: {  	s18 =	sadd.s32 $0xFFFFFFFF, s6;
	_ =	swait.ge [sflag:s24], $0x4000  }
0x90: {  	s21 =	smov.u32 s19;
	s22 =	smov.u32 s20;
	[sflag:s24] =	ssyncset.done $0x0  }
.LBB2_4:
0x91: {  	[sflag:s24] =	ssyncadd.s32 $0xFFFFC000;
	s21 =	sadd.s32 $0x80, s21;
	s22 =	sadd.s32 $0x80, s22  }
0x92: {  	[tilespmem:s3], [sflag:$0x3] =	stream.linear.gather [hbm4b:s22+s3], $0x400, $0x38;
	[tilespmem:$0x1C800] =	vst v63  }
0x93: {  	p0 =	sne.s32 s18, $0x1;
	s18 =	sadd.s32 $0xFFFFFFFF, s18;
	_ =	swait.ge [sflag:s24], $0x400  }
0x94: {  	[sflag:s24] =	ssyncset.done $0x0  }
0x95: {  	[sflag:s24] =	ssyncadd.s32 $0xFFFFFC00  }
0x96: {  	[tilespmem:s25], [sflag:$0x3] =	stream.linear.gather [hbm4b:s21+s3], $0x400, $0x38;
	[tilespmem:$0x1C800] =	vst v63  }
0x97: {  	_ =	swait.ge [sflag:s24], $0x400  }
0x98: {  	[sflag:s24] =	ssyncset.done $0x0  }
0x99: {  	[sflag:s24] =	ssyncadd.s32 $0xFFFFFC00  }
0x9a: {  	[tilespmem:s23], [sflag:$0x1] =	stream.indirect.gather [hbm4b:s4+s26], $0x80, s3, s26, $0xb8;
	[tilespmem:$0x1C800] =	vst v63  }
0x9b: {  	_ = 	snop  }
0x9c: {  	[tilespmem:s28], [sflag:$0x2] =	stream.indirect.gather [hbm4b:s4+s26], $0x80, s26, s26, $0xb8;
	[tilespmem:$0x1C800] =	vst v63  }
0x9d: {  	_ =	swait.ge [sflag:s29], $0x4000  }
0x9e: {  	[sflag:s29] =	ssyncset.done $0x0  }
0x9f: {  	[sflag:s29] =	ssyncadd.s32 $0xFFFFC000  }
0xa0: {  	[spmem:s1] =	stream.indirect.scatter.add.f32 [tilespmem:s23], [sflag:$0x3], $0x80, s25, s26, $0xb8;
	[tilespmem:$0x1C800] =	vst v63  }
0xa1: {  	_ =	swait.ge [sflag:s24], $0x4000  }
0xa2: {  	[sflag:s24] =	ssyncset.done $0x0  }
0xa3: {  	[sflag:s24] =	ssyncadd.s32 $0xFFFFC000  }
0xa4: {  	[tilespmem:s23], [sflag:$0x1] =	stream.indirect.gather [hbm4b:s4+s26], $0x80, s30, s26, $0xb8;
	[tilespmem:$0x1C800] =	vst v63  }
0xa5: {  	_ =	swait.ge [sflag:s31], $0x4000  }
0xa6: {  	[sflag:s31] =	ssyncset.done $0x0  }
0xa7: {  	[sflag:s31] =	ssyncadd.s32 $0xFFFFC000  }
0xa8: {  	[spmem:s1] =	stream.indirect.scatter.add.f32 [tilespmem:s28], [sflag:$0x3], $0x80, s0, s26, $0xb8;
	[tilespmem:$0x1C800] =	vst v63  }
0xa9: {  	_ =	swait.ge [sflag:s24], $0x4000  }
0xaa: {  	[sflag:s24] =	ssyncset.done $0x0  }
0xab: {  	[sflag:s24] =	ssyncadd.s32 $0xFFFFC000  }
0xac: {  	[tilespmem:s28], [sflag:$0x2] =	stream.indirect.gather [hbm4b:s4+s26], $0x80, s2, s26, $0xb8;
	[tilespmem:$0x1C800] =	vst v63  }
0xad: {  	_ =	swait.ge [sflag:s29], $0x4000  }
0xae: {  	[sflag:s29] =	ssyncset.done $0x0  }
0xaf: {  	[sflag:s29] =	ssyncadd.s32 $0xFFFFC000  }
0xb0: {  	[spmem:s1] =	stream.indirect.scatter.add.f32 [tilespmem:s23], [sflag:$0x3], $0x80, s7, s26, $0xb8;
	[tilespmem:$0x1C800] =	vst v63  }
0xb1: {  	_ =	swait.ge [sflag:s24], $0x4000  }
0xb2: {  	[sflag:s24] =	ssyncset.done $0x0  }
0xb3: {  	[sflag:s24] =	ssyncadd.s32 $0xFFFFC000  }
0xb4: {  	[tilespmem:s23], [sflag:$0x1] =	stream.indirect.gather [hbm4b:s4+s26], $0x80, s8, s26, $0xb8;
	[tilespmem:$0x1C800] =	vst v63  }
0xb5: {  	_ =	swait.ge [sflag:s31], $0x4000  }
0xb6: {  	[sflag:s31] =	ssyncset.done $0x0  }
0xb7: {  	[sflag:s31] =	ssyncadd.s32 $0xFFFFC000  }
0xb8: {  	[spmem:s1] =	stream.indirect.scatter.add.f32 [tilespmem:s28], [sflag:$0x3], $0x80, s9, s26, $0xb8;
	[tilespmem:$0x1C800] =	vst v63  }
0xb9: {  	_ =	swait.ge [sflag:s24], $0x4000  }
0xba: {  	[sflag:s24] =	ssyncset.done $0x0  }
0xbb: {  	[sflag:s24] =	ssyncadd.s32 $0xFFFFC000  }
0xbc: {  	[tilespmem:s28], [sflag:$0x2] =	stream.indirect.gather [hbm4b:s4+s26], $0x80, s10, s26, $0xb8;
	[tilespmem:$0x1C800] =	vst v63  }
0xbd: {  	_ =	swait.ge [sflag:s29], $0x4000  }
0xbe: {  	[sflag:s29] =	ssyncset.done $0x0  }
0xbf: {  	[sflag:s29] =	ssyncadd.s32 $0xFFFFC000  }
0xc0: {  	[spmem:s1] =	stream.indirect.scatter.add.f32 [tilespmem:s23], [sflag:$0x3], $0x80, s11, s26, $0xb8;
	[tilespmem:$0x1C800] =	vst v63  }
0xc1: {  	_ =	swait.ge [sflag:s24], $0x4000  }
0xc2: {  	[sflag:s24] =	ssyncset.done $0x0  }
0xc3: {  	[sflag:s24] =	ssyncadd.s32 $0xFFFFC000  }
0xc4: {  	[tilespmem:s23], [sflag:$0x1] =	stream.indirect.gather [hbm4b:s4+s26], $0x80, s12, s26, $0xb8;
	[tilespmem:$0x1C800] =	vst v63  }
0xc5: {  	_ =	swait.ge [sflag:s31], $0x4000  }
0xc6: {  	[sflag:s31] =	ssyncset.done $0x0  }
0xc7: {  	[sflag:s31] =	ssyncadd.s32 $0xFFFFC000  }
0xc8: {  	[spmem:s1] =	stream.indirect.scatter.add.f32 [tilespmem:s28], [sflag:$0x3], $0x80, s13, s26, $0xb8;
	[tilespmem:$0x1C800] =	vst v63  }
0xc9: {  	_ =	swait.ge [sflag:s24], $0x4000  }
0xca: {  	[sflag:s24] =	ssyncset.done $0x0  }
0xcb: {  	[sflag:s24] =	ssyncadd.s32 $0xFFFFC000  }
0xcc: {  	[tilespmem:s28], [sflag:$0x2] =	stream.indirect.gather [hbm4b:s4+s26], $0x80, s14, s26, $0xb8;
	[tilespmem:$0x1C800] =	vst v63  }
0xcd: {  	_ =	swait.ge [sflag:s29], $0x4000  }
0xce: {  	[sflag:s29] =	ssyncset.done $0x0  }
0xcf: {  	[sflag:s29] =	ssyncadd.s32 $0xFFFFC000  }
0xd0: {  	[spmem:s1] =	stream.indirect.scatter.add.f32 [tilespmem:s23], [sflag:$0x3], $0x80, s15, s26, $0xb8;
	[tilespmem:$0x1C800] =	vst v63  }
0xd1: {  	_ =	swait.ge [sflag:s24], $0x4000  }
0xd2: {  	[sflag:s24] =	ssyncset.done $0x0  }
0xd3: {  	[sflag:s24] =	ssyncadd.s32 $0xFFFFC000  }
0xd4: {  	_ =	swait.ge [sflag:s31], $0x4000  }
.Ltmp2:
0xd5: {  	[sflag:s31] =	ssyncset.done $0x0;
	(pc) =	sbr.rel @p0 .LBB2_4-.Ltmp2, $4  }
0xd6: {  	[sflag:s31] =	ssyncadd.s32 $0xFFFFC000  }
0xd7: {  	[spmem:s1] =	stream.indirect.scatter.add.f32 [tilespmem:s28], [sflag:$0x3], $0x80, s16, s26, $0xb8;
	[tilespmem:$0x1C800] =	vst v63  }
0xd8: {  	_ =	swait.ge [sflag:s24], $0x4000  }
0xd9: {  	[sflag:s24] =	ssyncset.done $0x0  }
.LBB2_5:
0xda: {  	[sflag:s24] =	ssyncadd.s32 $0xFFFFC000  }
0xdb: {  	[bflag:$0x0] =	sbarrier.arrive $0xFFFF  }
0xdc: {  	[tilespmem:s23], [sflag:$0x3] =	stream.linear.gather [spmem:s5], $0x4000, $0x38;
	[tilespmem:$0x1C800] =	vst v63  }
0xdd: {  	_ =	swait.ge [sflag:s24], $0x4000  }
0xde: {  	[sflag:s24] =	ssyncset.done $0x0  }
0xdf: {  	s18 =	rddreg [dreg:$0x4];
	[sflag:s24] =	ssyncadd.s32 $0xFFFFC000  }
0xe0: {  	[hbm4b:s18+s3] =	stream.linear.scatter [tilespmem:s23], [sflag:$0x1], $0x4000, $0x38;
	[tilespmem:$0x1C800] =	vst v63  }
0xe1: {  	s22 =	rddreg [dreg:$0x5]  }
0xe2: {  	[tilespmem:s28], [sflag:$0x3] =	stream.linear.gather [spmem:s22], $0x4000, $0x38;
	[tilespmem:$0x1C800] =	vst v63  }
0xe3: {  	_ =	swait.ge [sflag:s24], $0x4000  }
0xe4: {  	[sflag:s24] =	ssyncset.done $0x0  }
0xe5: {  	s21 =	rddreg [dreg:$0x6];
	[sflag:s24] =	ssyncadd.s32 $0xFFFFC000  }
0xe6: {  	[hbm4b:s21+s3] =	stream.linear.scatter [tilespmem:s28], [sflag:$0x2], $0x4000, $0x38;
	[tilespmem:$0x1C800] =	vst v63  }
0xe7: {  	_ =	swait.ge [sflag:s29], $0x4000  }
0xe8: {  	[sflag:s29] =	ssyncset.done $0x0  }
0xe9: {  	s22 =	rddreg [dreg:$0x7];
	[sflag:s29] =	ssyncadd.s32 $0xFFFFC000  }
0xea: {  	[tilespmem:s23], [sflag:$0x3] =	stream.linear.gather [spmem:s22], $0x4000, $0x38;
	[tilespmem:$0x1C800] =	vst v63  }
0xeb: {  	_ =	swait.ge [sflag:s24], $0x4000  }
0xec: {  	[sflag:s24] =	ssyncset.done $0x0  }
0xed: {  	s21 =	rddreg [dreg:$0x8];
	[sflag:s24] =	ssyncadd.s32 $0xFFFFC000  }
0xee: {  	[hbm4b:s21+s3] =	stream.linear.scatter [tilespmem:s23], [sflag:$0x1], $0x4000, $0x38;
	[tilespmem:$0x1C800] =	vst v63  }
0xef: {  	_ =	swait.ge [sflag:s31], $0x4000  }
0xf0: {  	[sflag:s31] =	ssyncset.done $0x0  }
0xf1: {  	s22 =	rddreg [dreg:$0x9];
	[sflag:s31] =	ssyncadd.s32 $0xFFFFC000  }
0xf2: {  	[tilespmem:s28], [sflag:$0x3] =	stream.linear.gather [spmem:s22], $0x4000, $0x38;
	[tilespmem:$0x1C800] =	vst v63  }
0xf3: {  	_ =	swait.ge [sflag:s24], $0x4000  }
0xf4: {  	[sflag:s24] =	ssyncset.done $0x0  }
0xf5: {  	s21 =	rddreg [dreg:$0xa];
	[sflag:s24] =	ssyncadd.s32 $0xFFFFC000  }
0xf6: {  	[hbm4b:s21+s3] =	stream.linear.scatter [tilespmem:s28], [sflag:$0x2], $0x4000, $0x38;
	[tilespmem:$0x1C800] =	vst v63  }
0xf7: {  	_ =	swait.ge [sflag:s29], $0x4000  }
0xf8: {  	[sflag:s29] =	ssyncset.done $0x0  }
0xf9: {  	s22 =	rddreg [dreg:$0xb];
	[sflag:s29] =	ssyncadd.s32 $0xFFFFC000  }
0xfa: {  	[tilespmem:s23], [sflag:$0x3] =	stream.linear.gather [spmem:s22], $0x4000, $0x38;
	[tilespmem:$0x1C800] =	vst v63  }
0xfb: {  	_ =	swait.ge [sflag:s24], $0x4000  }
0xfc: {  	[sflag:s24] =	ssyncset.done $0x0  }
0xfd: {  	s21 =	rddreg [dreg:$0xc];
	[sflag:s24] =	ssyncadd.s32 $0xFFFFC000  }
0xfe: {  	[hbm4b:s21+s3] =	stream.linear.scatter [tilespmem:s23], [sflag:$0x1], $0x4000, $0x38;
	[tilespmem:$0x1C800] =	vst v63  }
0xff: {  	_ =	swait.ge [sflag:s31], $0x4000  }
0x100: {  	[sflag:s31] =	ssyncset.done $0x0  }
0x101: {  	[sflag:s31] =	ssyncadd.s32 $0xFFFFC000  }
0x102: {  	_ =	swait.ge [sflag:s29], $0x4000  }
0x103: {  	s17 =	sadd.s32 $0x1, s17;
	s22 =	rddreg [dreg:$0xd]  }
0x104: {  	p0 =	sne.s32 s17, s22  }
.Ltmp3:
0x105: {  	_ = 	snop;
	(pc) =	sbr.rel @p0 .LBB2_1-.Ltmp3, $3  }
0x106: {  	_ =	sdelay $0x1  }
0x107: {  	[sflag:s29] =	ssyncset.done $0x0  }
0x108: {  	[sflag:s29] =	ssyncadd.s32 $0xFFFFC000  }
0x109: {  	_ =	sfence.sel $0x180000  }
0x10a: {  	[bflag:$0x0] =	sbarrier.arrive $0xFFFF  }
0x10b: {  	_ =	strace $0x9000004D  }
0x10c: {  	s0 =	stileid.u32;
	[bflag:$0x2] =	sbarrier.arrive $0xFFFF  }
0x10d: {  	p0 =	sne.s32 s0, $0x0;
	s0 =	rddreg [dreg:$0x3]  }
0x10e: {  	s0 =	sadd.s32 @!p0 $0x100000, s0  }
0x10f: {  	[sflag:s0] =	ssyncadd.tile.s32 @!p0 $0x1;
	_ =	shalt  }
.Lfunc_end2:
_tile_overlayer_lowered:
.L_overlay_start_2:
0x110: {  	(tag) =	ssettag $0x2  }
0x111: {  	s0 =	rddreg [dreg:$0x0];
	s2 =	stileid.u32  }
0x112: {  	s1 =	rddreg [dreg:$0x1];
	p0 =	sne.s32 s2, $0x0  }
0x113: {  	s3 =	rddreg [dreg:$0x2];
	[bflag:$0x3] =	sbarrier.arrive $0xFFFF;
	s2 =	simm.s32 @!p0 $0x1C03  }
0x114: {  	[timem:s3], [sflag:s2] =	dma.local @!p0 [hbm:s0], s1  }
0x115: {  	s0 =	simm.s32 @!p0 $0x3  }
0x116: {  	_ =	swait.ge @!p0 [sflag:s0], s1  }
0x117: {  	s1 =	ssub.s32 @!p0 $0x0, s1;
	[sflag:s0] =	ssyncset.done @!p0 $0x0  }
0x118: {  	[sflag:s0] =	ssyncadd.s32 @!p0 s1  }
0x119: {  	[bflag:$0x3] =	sbarrier.arrive $0xFFFF  }
0x11a: {  	_ =	shalt  }

// kernel: kernel.8.cloned.1.call-start
scs
__scs_entry_jumppad:
0x0: {  	(pc) =	sbr.rel $0x88, $3  }
0x1: {  	(tag) =	ssettag $0x0;
	lr =	simm.s32 $0x1  }
0x2: {  	[smem:$0x3F9B] =	sst lr;
	_ =	strace $0xD0000000  }
0x3: {  	_ = 	snop  }
0x4: {  	_ = 	snop  }
0x5: {  	_ = 	snop  }
0x6: {  	_ = 	snop  }
0x7: {  	_ = 	snop  }
__scs_overlays_trampoline_lowered:
0x8: {  	[smem:$0x3FAA] =	sst s0  }
0x9: {  	[smem:$0x3FAB] =	sst s1  }
0xa: {  	[smem:$0x3FAC] =	sst s2  }
0xb: {  	[smem:$0x3FAD] =	sst s3  }
0xc: {  	[smem:$0x3FAE] =	sst s4  }
0xd: {  	[smem:$0x3FAF] =	sst s5  }
0xe: {  	[smem:$0x3FB0] =	sst s6  }
0xf: {  	[smem:$0x3FB1] =	sst s7  }
0x10: {  	[smem:$0x3FB2] =	sst s8  }
0x11: {  	[smem:$0x3FB3] =	sst s9;
	s0 =	simm.s32 @!p0 $0x0  }
0x12: {  	s1 =	sld [smem:$0x3F99];
	s0 =	simm.s32 @p0 $0x1  }
0x13: {  	[smem:$0x3FB4] =	sst s0;
	s0 =	simm.s32 @!p1 $0x0  }
0x14: {  	s2 =	sld [smem:$0x3F98];
	s0 =	simm.s32 @p1 $0x1  }
0x15: {  	[smem:$0x3FB5] =	sst s0;
	s0 =	simm.s32 @!p2 $0x0  }
0x16: {  	s3 =	sld [smem:$0x3FDB];
	s0 =	simm.s32 @p2 $0x1  }
0x17: {  	s4 =	simm.s32 $0x1BF5;
	[smem:$0x3FB7] =	sst s0  }
0x18: {  	s0 =	sld [smem:$0x3F9A];
	_ =	swait.ge [sflag:s4], $0x0  }
0x19: {  	s7 =	sld [smem:$0x3F9B]  }
0x1a: {  	s8 =	sadd.s32 $0xFFFFE003, lr  }
0x1b: {  	s9 =	sadd.s32 $0xFFFFFEF7, lr;
	s5 =	simm.s32 $0xFFFFFFFF;
	p2 =	slt.u32 s8, $0xFFFFF086  }
0x1c: {  	p1 =	slt.u32 s9, $0xF7A;
	s5 =	simm.s32 @!p2 $0x0  }
0x1d: {  	s5 =	simm.s32 @p1 $0x1;
	p0 =	seq.s32 s7, s2  }
0x1e: {  	s7 =	smul.u32 @!p0 $0xF7A, s2;
	p2 =	seq.s32 @!p0 s5, $0x0  }
0x1f: {  	s9 =	smul.u32 $0xF7A, s1;
	s8 =	simm.s32 @!p0 $0x1BF5;
	p2 =	por !p2, p0  }
0x20: {  	[sflag:s8] =	ssyncset.s32 @!p0 $0xFFFFF086;
	s6 =	sadd.s32 @!p0 s3, s7;
	s7 =	simm.s32 @!p0 $0x108  }
0x21: {  	s3 =	sadd.s32 s3, s9;
	s6 =	sadd.s32 @!p0 $0x88, s6;
	s7 =	simm.s32 @p2 $0x1082  }
0x22: {  	[simem:s7], [sflag:s8] =	dma.local @!p0 [hbm:s6], $0xF7A  }
0x23: {  	s9 =	sor.u32 $0xD0000000, s2;
	s6 =	simm.s32 $0x108;
	_ =	swait.ge @!p0 [sflag:s8], $0x0  }
0x24: {  	s3 =	sadd.s32 $0x88, s3;
	s6 =	simm.s32 @!p1 $0x1082;
	[sflag:s4] =	ssyncset.s32 $0xFFFFF086  }
0x25: {  	[simem:s6], [sflag:s4] =	dma.local [hbm:s3], $0xF7A  }
0x26: {  	[smem:$0x3F9B] =	sst s1;
	(tag) =	ssettag s2;
	_ =	strace s9  }
0x27: {  	s1 =	sld [smem:$0x3FAB]  }
0x28: {  	s2 =	sld [smem:$0x3FAC]  }
0x29: {  	s4 =	sld [smem:$0x3FAE]  }
0x2a: {  	p0 =	seq.s32 s5, $0x0;
	s5 =	sld [smem:$0x3FAF]  }
0x2b: {  	s6 =	sld [smem:$0x3FB0]  }
0x2c: {  	s7 =	sld [smem:$0x3FB1]  }
0x2d: {  	s3 =	simm.s32 $0x108;
	s8 =	sld [smem:$0x3FB2]  }
0x2e: {  	s3 =	simm.s32 @!p0 $0x1082;
	s9 =	sld [smem:$0x3FB3]  }
0x2f: {  	lr =	sadd.s32 s0, s3;
	s0 =	sld [smem:$0x3FAA]  }
0x30: {  	s3 =	sld [smem:$0x3FAD]  }
0x31: {  	[smem:$0x3FB6] =	sst s10  }
0x32: {  	s10 =	sld [smem:$0x3FB4];
	_ =	sdelay $0x3  }
0x33: {  	p0 =	seq.s32 s10, $0x1;
	s10 =	sld [smem:$0x3FB6];
	_ =	sdelay $0x3  }
0x34: {  	[smem:$0x3FB6] =	sst s10  }
0x35: {  	s10 =	sld [smem:$0x3FB5];
	_ =	sdelay $0x3  }
0x36: {  	p1 =	seq.s32 s10, $0x1;
	s10 =	sld [smem:$0x3FB6];
	_ =	sdelay $0x3  }
0x37: {  	[smem:$0x3FB6] =	sst s10  }
0x38: {  	s10 =	sld [smem:$0x3FB7]  }
0x39: {  	_ = 	snop;
	(pc) =	sbr.ind lr, $3  }
0x3a: {  	_ = 	snop  }
0x3b: {  	_ = 	snop  }
0x3c: {  	p2 =	seq.s32 s10, $0x1;
	s10 =	sld [smem:$0x3FB6]  }
0x3d: {  	_ =	shalt  }
0x3e: {  	_ =	shalt  }
0x3f: {  	_ =	shalt  }
0x40: {  	_ =	shalt  }
0x41: {  	_ =	shalt  }
0x42: {  	_ =	shalt  }
0x43: {  	_ =	shalt  }
0x44: {  	_ =	shalt  }
0x45: {  	_ =	shalt  }
0x46: {  	_ =	shalt  }
0x47: {  	_ =	shalt  }
0x48: {  	_ =	shalt  }
0x49: {  	_ =	shalt  }
0x4a: {  	_ =	shalt  }
0x4b: {  	_ =	shalt  }
0x4c: {  	_ =	shalt  }
0x4d: {  	_ =	shalt  }
0x4e: {  	_ =	shalt  }
0x4f: {  	_ =	shalt  }
0x50: {  	_ =	shalt  }
0x51: {  	_ =	shalt  }
0x52: {  	_ =	shalt  }
0x53: {  	_ =	shalt  }
0x54: {  	_ =	shalt  }
0x55: {  	_ =	shalt  }
0x56: {  	_ =	shalt  }
0x57: {  	_ =	shalt  }
0x58: {  	_ =	shalt  }
0x59: {  	_ =	shalt  }
0x5a: {  	_ =	shalt  }
0x5b: {  	_ =	shalt  }
0x5c: {  	_ =	shalt  }
0x5d: {  	_ =	shalt  }
0x5e: {  	_ =	shalt  }
0x5f: {  	_ =	shalt  }
0x60: {  	_ =	shalt  }
0x61: {  	_ =	shalt  }
0x62: {  	_ =	shalt  }
0x63: {  	_ =	shalt  }
0x64: {  	_ =	shalt  }
0x65: {  	_ =	shalt  }
0x66: {  	_ =	shalt  }
0x67: {  	_ =	shalt  }
0x68: {  	_ =	shalt  }
0x69: {  	_ =	shalt  }
0x6a: {  	_ =	shalt  }
0x6b: {  	_ =	shalt  }
0x6c: {  	_ =	shalt  }
0x6d: {  	_ =	shalt  }
0x6e: {  	_ =	shalt  }
0x6f: {  	_ =	shalt  }
0x70: {  	_ =	shalt  }
0x71: {  	_ =	shalt  }
0x72: {  	_ =	shalt  }
0x73: {  	_ =	shalt  }
0x74: {  	_ =	shalt  }
0x75: {  	_ =	shalt  }
0x76: {  	_ =	shalt  }
0x77: {  	_ =	shalt  }
0x78: {  	_ =	shalt  }
0x79: {  	_ =	shalt  }
0x7a: {  	_ =	shalt  }
0x7b: {  	_ =	shalt  }
0x7c: {  	_ =	shalt  }
0x7d: {  	_ =	shalt  }
0x7e: {  	_ =	shalt  }
0x7f: {  	_ =	shalt  }
0x80: {  	_ =	shalt  }
0x81: {  	_ =	shalt  }
0x82: {  	_ =	shalt  }
0x83: {  	_ =	shalt  }
0x84: {  	_ =	shalt  }
0x85: {  	_ =	shalt  }
0x86: {  	_ =	shalt  }
0x87: {  	_ =	shalt  }
.Lfunc_end0:
.L_simem_size_0:
called_computation_lowered:
.L_overlay_start_0:
0x88: {  	s2 =	sld [smem:$0x3FD9]  }
0x89: {  	s3 =	sld [smem:$0x3FFE];
	_ =	sdelay $0x1  }
0x8a: {  	s1 =	srdreg.scid  }
0x8b: {  	s0 =	sand.u32 $0x1, s1  }
0x8c: {  	s17 =	sshll.u32 s0, $0xA;
	s2 =	sadd.s32 s3, s2  }
0x8d: {  	s2 =	sadd.s32 s2, s17  }
0x8e: {  	[smem:$0x3FC2] =	sst s2  }
0x8f: {  	_ = 	snop  }
0x90: {  	s2 =	sld [smem:$0x3FD0];
	(tm) =	ssettm $0x1  }
0x91: {  	s18 =	sld [smem:$0x3FFB];
	_ =	sdelay $0x3  }
0x92: {  	_ =	strace s18  }
0x93: {  	s3 =	sld [smem:$0x3FFC];
	_ =	sdelay $0x3  }
0x94: {  	_ =	strace s3  }
0x95: {  	s3 =	sld [smem:$0x3FFD];
	_ =	sdelay $0x3  }
0x96: {  	_ =	strace s3  }
0x97: {  	_ =	strace $0x8FFFFFFF  }
0x98: {  	s19 =	sld [smem:$0x3FDB];
	_ =	sdelay $0x1  }
0x99: {  	s4 =	simm.s32 $_scs_section_size  }
0x9a: {  	s5 =	simm.s32 $_size__tile_overlayer_lowered;
	s6 =	simm.s32 $_tile_overlayer_lowered  }
0x9b: {  	s22 =	simm.s32 $0x1BFF;
	s21 =	sshll.u32 s6, $0x1;
	s3 =	sadd.s32 s4, s19  }
0x9c: {  	s7 =	simm.s32 $0x0;
	s20 =	sshll.u32 s5, $0x1;
	s5 =	sadd.s32 s21, s3  }
0x9d: {  	[timem:s7], [sflag:s22] =	dma.local [hbm:s5], s20  }
0x9e: {  	_ =	swait.ge [sflag:s22], s20  }
0x9f: {  	s4 =	ssub.s32 $0x0, s20;
	[sflag:s22] =	ssyncset.done $0x0  }
0xa0: {  	[sflag:s22] =	ssyncadd.s32 s4;
	_ =	sdelay $0x1  }
0xa1: {  	s23 =	simm.s32 $0x1B8B  }
0xa2: {  	_ =	swait.ge [sflag:s23], $0x1  }
0xa3: {  	[sflag:s23] =	ssyncset.done $0x0  }
0xa4: {  	s25 =	simm.s32 $0x1B8E;
	s24 =	sld [smem:$0x3FFE];
	[sflag:s23] =	ssyncadd.s32 $0xFFFFFFFF  }
0xa5: {  	s26 =	simm.s32 $execute0_lowered;
	[smem:$0x3FD2] =	sst s25  }
0xa6: {  	s5 =	sshll.u32 s26, $0x1;
	_ =	strace $0x80000046;
	[dreg:$0x1] =	wrdreg $0xFFFFFFFF  }
0xa7: {  	s28 =	simm.s32 $_size_execute0_lowered;
	s3 =	sadd.s32 s3, s5;
	[dreg:$0x0] =	wrdreg $0x0  }
0xa8: {  	s5 =	sshll.u32 s28, $0x1;
	[dreg:$0x2] =	wrdreg s3  }
0xa9: {  	[dreg:$0x3] =	wrdreg s5  }
0xaa: {  	[dreg:$0x4] =	wrdreg $0xC0  }
0xab: {  	_ =	task [dreg:s7], $0x5FFFF  }
0xac: {  	[dreg:$0x1] =	wrdreg $0xFFFFFFFF  }
0xad: {  	[dreg:$0x0] =	wrdreg $0x60  }
0xae: {  	[dreg:$0x2] =	wrdreg s2  }
0xaf: {  	[dreg:$0x3] =	wrdreg s24  }
0xb0: {  	[dreg:$0x4] =	wrdreg $0x44000  }
0xb1: {  	[dreg:$0x5] =	wrdreg $0x9  }
0xb2: {  	_ =	task.clear_ibuf [dreg:s7], $0x6FFFF;
	_ =	strace $0x90000046  }
0xb3: {  	s29 =	simm.s32 $0x9;
	_ =	strace $0x80000048  }
0xb4: {  	_ =	swait.ge [sflag:s29], $0x1  }
0xb5: {  	[sflag:s29] =	ssyncadd.s32 $0xFFFFFFFF  }
0xb6: {  	_ =	strace $0x90000048  }
0xb7: {  	_ =	sfence  }
0xb8: {  	s30 =	sld [smem:$0x0];
	_ =	sdelay $0x2  }
0xb9: {  	s31 =	sshll.u32 s1, $0xD;
	s1 =	sshrl.u32 s1, $0x2  }
0xba: {  	s3 =	sand.u32 $0x4000, s31;
	s1 =	sadd.s32 s1, s30  }
0xbb: {  	s0 =	sor.u32 s3, s0;
	s1 =	sshll.u32 s1, $0x11  }
0xbc: {  	s0 =	sor.u32 s1, s0  }
0xbd: {  	s0 =	sadd.s32 $0x8F2B, s0  }
0xbe: {  	[sflag:s0] =	ssyncadd.remote.s32 $0x1  }
0xbf: {  	_ =	sfence.sel $0xFFFF  }
0xc0: {  	[dreg:$0x0] =	wrdreg $0xFFFFFFFF;
	(pc) =	sbr.abs _section_cstart, $3  }
0xc1: {  	[dreg:$0x1] =	wrdreg $0xFFFFFFFF  }
0xc2: {  	_ =	task.clear_ibuf [dreg:s7], $0x2FFFF;
	_ =	strace $0x9FFFFFFF  }
0xc3: {  	(tm) =	ssettm $0x7FFFFFFF  }
tec
execute0_lowered:
.L_overlay_start_1:
0x0: {  	(tag) =	ssettag $0x1  }
0x1: {  	s0 =	rddreg [dreg:$0x0]  }
0x2: {  	s1 =	rddreg [dreg:$0x1]  }
0x3: {  	s2 =	rddreg [dreg:$0x2];
	s3 =	simm.s32 $0x0  }
0x4: {  	s4 =	srdreg.scid;
	s20 =	stileid.u32;
	s28 =	simm.s32 $0x300  }
0x5: {  	s29 =	simm.s32 $0x380;
	s30 =	simm.s32 $0x1;
	s14 =	smul.u32 $0x50000, s20  }
0x6: {  	s31 =	simm.s32 $0x0;
	[smem:$0x7FF] =	sst s3;
	s16 =	smul.u32 $0x280, s20  }
0x7: {  	s5 =	sand.u32 $0x1, s4;
	s1 =	sadd.s32 $0xCA00, s1;
	s20 =	smul.u32 $0x500, s20  }
0x8: {  	_ =	strace $0x80000047;
	s6 =	ssub.s32 $0x2, s5;
	s17 =	smul.u32 $0x2800, s5  }
0x9: {  	s5 =	smul.u32 $0x5000, s5;
	s7 =	sshrl.u32 s6, $0x1;
	s4 =	sshrl.u32 s14, $0x2  }
0xa: {  	s11 =	sadd.s32 $0x80, s16;
	s19 =	sadd.s32 $0x100, s16;
	s22 =	sadd.s32 $0x180, s16  }
0xb: {  	s24 =	sadd.s32 $0x200, s16;
	s6 =	ssub.s32 s6, s7;
	s4 =	sadd.s32 s4, s2  }
0xc: {  	s10 =	sadd.s32 s17, s16;
	s12 =	sshll.u32 s11, $0x7;
	s13 =	sadd.s32 s17, s11  }
0xd: {  	s14 =	sshll.u32 s19, $0x7;
	s25 =	sshll.u32 s24, $0x7;
	s0 =	sadd.s32 s5, s0  }
0xe: {  	s6 =	smax.u32 s6, $0x1;
	s15 =	sadd.s32 $0x4000, s4;
	s7 =	sadd.s32 $0x8000, s4  }
0xf: {  	s8 =	sadd.s32 $0xC000, s4;
	s9 =	sadd.s32 $0x10000, s4;
	s10 =	sshll.u32 s10, $0x4  }
0x10: {  	s11 =	sadd.s32 s12, s2;
	s18 =	sshll.u32 s13, $0x4;
	[dreg:$0x4] =	wrdreg s6  }
0x11: {  	s13 =	sadd.s32 s14, s2;
	[dreg:$0x5] =	wrdreg s15;
	s10 =	sadd.s32 s1, s10  }
0x12: {  	s12 =	sadd.s32 s1, s18;
	s15 =	sadd.s32 s17, s19;
	s18 =	sshll.u32 s22, $0x7  }
0x13: {  	s19 =	sadd.s32 s17, s22;
	s17 =	sadd.s32 s17, s24;
	s22 =	simm.s32 $0x80  }
0x14: {  	s24 =	simm.s32 $0x180;
	s21 =	sshll.u32 s15, $0x4;
	s15 =	sadd.s32 s18, s2  }
0x15: {  	s23 =	sshll.u32 s19, $0x4;
	s26 =	sshll.u32 s17, $0x4;
	s17 =	sadd.s32 s25, s2  }
0x16: {  	s19 =	sadd.s32 s20, s0;
	s20 =	simm.s32 $0x400;
	s25 =	simm.s32 $0x200  }
0x17: {  	s14 =	sadd.s32 s1, s21;
	s16 =	sadd.s32 s1, s23;
	s18 =	sadd.s32 s1, s26  }
0x18: {  	v0 =	vimm.f32 $0.0e+00;
	v1 =	vimm.f32 $1.000000000e+00;
	s21 =	simm.s32 $0x2;
	s23 =	simm.s32 $0x100;
	s26 =	simm.s32 $0x280  }
.LBB2_1:
0x19: {  	s0 =	simm.s32 $0x0;
	s1 =	simm.s32 $0x200  }
.LBB2_2:
0x1a: {  	p0 =	sne.s32 s1, $0xFE00;
	[tilespmem:s0+$0x470] =	vst v0  }
0x1b: {  	[tilespmem:s0+$0x400] =	vst v0  }
0x1c: {  	[tilespmem:s0+$0x410] =	vst v0  }
.Ltmp0:
0x1d: {  	[tilespmem:s0+$0x420] =	vst v0;
	(pc) =	sbr.rel @p0 .LBB2_2-.Ltmp0, $4  }
0x1e: {  	[tilespmem:s0+$0x430] =	vst v0  }
0x1f: {  	[tilespmem:s0+$0x440] =	vst v0  }
0x20: {  	[tilespmem:s0+$0x450] =	vst v0  }
0x21: {  	[tilespmem:s0+$0x460] =	vst v0;
	s0 =	sshra.s32 s1, $0x2;
	s1 =	sadd.s32 $0x200, s1  }
0x22: {  	[tilespmem:s0+$0x470] =	vst v0  }
0x23: {  	[tilespmem:s0+$0x400] =	vst v0  }
0x24: {  	[tilespmem:s0+$0x410] =	vst v0  }
0x25: {  	[tilespmem:s0+$0x420] =	vst v0  }
0x26: {  	[tilespmem:s0+$0x430] =	vst v0  }
0x27: {  	[tilespmem:s0+$0x440] =	vst v0  }
0x28: {  	[tilespmem:s0+$0x450] =	vst v0  }
0x29: {  	[tilespmem:s0+$0x460] =	vst v0  }
0x2a: {  	[spmem:s4] =	stream.linear.scatter [tilespmem:s20], [sflag:$0x2], $0x4000, $0x38;
	[tilespmem:$0x18400] =	vst v63  }
0x2b: {  	_ =	swait.ge [sflag:s21], $0x4000  }
0x2c: {  	[sflag:s21] =	ssyncset.done $0x0  }
0x2d: {  	s6 =	rddreg [dreg:$0x5];
	[sflag:s21] =	ssyncadd.s32 $0xFFFFC000  }
0x2e: {  	[spmem:s6] =	stream.linear.scatter [tilespmem:s20], [sflag:$0x2], $0x4000, $0x38;
	[tilespmem:$0x18400] =	vst v63  }
0x2f: {  	_ =	swait.ge [sflag:s21], $0x4000  }
0x30: {  	[sflag:s21] =	ssyncset.done $0x0  }
0x31: {  	[sflag:s21] =	ssyncadd.s32 $0xFFFFC000  }
0x32: {  	[spmem:s7] =	stream.linear.scatter [tilespmem:s20], [sflag:$0x2], $0x4000, $0x38;
	[tilespmem:$0x18400] =	vst v63  }
0x33: {  	_ =	swait.ge [sflag:s21], $0x4000  }
0x34: {  	[sflag:s21] =	ssyncset.done $0x0  }
0x35: {  	[sflag:s21] =	ssyncadd.s32 $0xFFFFC000  }
0x36: {  	[spmem:s8] =	stream.linear.scatter [tilespmem:s20], [sflag:$0x2], $0x4000, $0x38;
	[tilespmem:$0x18400] =	vst v63  }
0x37: {  	_ =	swait.ge [sflag:s21], $0x4000  }
0x38: {  	[sflag:s21] =	ssyncset.done $0x0  }
0x39: {  	[sflag:s21] =	ssyncadd.s32 $0xFFFFC000  }
0x3a: {  	[spmem:s9] =	stream.linear.scatter [tilespmem:s20], [sflag:$0x2], $0x4000, $0x38;
	[tilespmem:$0x18400] =	vst v63  }
0x3b: {  	_ =	swait.ge [sflag:s21], $0x4000  }
0x3c: {  	[sflag:s21] =	ssyncset.done $0x0  }
0x3d: {  	s0 =	simm.s32 $0x0;
	s1 =	simm.s32 $0x200;
	[sflag:s21] =	ssyncadd.s32 $0xFFFFC000  }
.LBB2_4:
0x3e: {  	p0 =	sne.s32 s1, $0xFE00;
	[tilespmem:s0+$0x470] =	vst v1  }
0x3f: {  	[tilespmem:s0+$0x400] =	vst v1  }
0x40: {  	[tilespmem:s0+$0x410] =	vst v1  }
.Ltmp1:
0x41: {  	[tilespmem:s0+$0x420] =	vst v1;
	(pc) =	sbr.rel @p0 .LBB2_4-.Ltmp1, $4  }
0x42: {  	[tilespmem:s0+$0x430] =	vst v1  }
0x43: {  	[tilespmem:s0+$0x440] =	vst v1  }
0x44: {  	[tilespmem:s0+$0x450] =	vst v1  }
0x45: {  	[tilespmem:s0+$0x460] =	vst v1;
	s0 =	sshra.s32 s1, $0x2;
	s1 =	sadd.s32 $0x200, s1  }
0x46: {  	[tilespmem:s0+$0x470] =	vst v1  }
0x47: {  	[tilespmem:s0+$0x400] =	vst v1  }
0x48: {  	[tilespmem:s0+$0x410] =	vst v1  }
0x49: {  	[tilespmem:s0+$0x420] =	vst v1  }
0x4a: {  	[tilespmem:s0+$0x430] =	vst v1  }
0x4b: {  	[tilespmem:s0+$0x440] =	vst v1  }
0x4c: {  	[tilespmem:s0+$0x450] =	vst v1  }
0x4d: {  	[tilespmem:s0+$0x460] =	vst v1  }
0x4e: {  	s6 =	sadd.s32 $0x0, s19;
	[bflag:$0x0] =	sbarrier.arrive $0xFFFF  }
0x4f: {  	[tilespmem:s3], [sflag:$0x2] =	stream.linear.gather [hbm4b:s6+s3], $0x400, $0x38;
	[tilespmem:$0x18400] =	vst v63  }
0x50: {  	_ =	swait.ge [sflag:s21], $0x400  }
0x51: {  	[sflag:s21] =	ssyncset.done $0x0  }
0x52: {  	[sflag:s21] =	ssyncadd.s32 $0xFFFFFC00  }
0x53: {  	[spmem:s2] =	stream.indirect.scatter.add.f32 [tilespmem:s20], [sflag:$0x1], $0x80, s3, s22, $0xb8;
	[tilespmem:$0x18400] =	vst v63  }
0x54: {  	_ = 	snop  }
0x55: {  	[spmem:s2] =	stream.indirect.scatter.add.f32 [tilespmem:s20], [sflag:$0x1], $0x80, s22, s22, $0xb8;
	[tilespmem:$0x18400] =	vst v63  }
0x56: {  	_ = 	snop  }
0x57: {  	[spmem:s2] =	stream.indirect.scatter.add.f32 [tilespmem:s20], [sflag:$0x1], $0x80, s23, s22, $0xb8;
	[tilespmem:$0x18400] =	vst v63  }
0x58: {  	_ = 	snop  }
0x59: {  	[spmem:s2] =	stream.indirect.scatter.add.f32 [tilespmem:s20], [sflag:$0x1], $0x80, s24, s22, $0xb8;
	[tilespmem:$0x18400] =	vst v63  }
0x5a: {  	_ = 	snop  }
0x5b: {  	[spmem:s2] =	stream.indirect.scatter.add.f32 [tilespmem:s20], [sflag:$0x1], $0x80, s25, s22, $0xb8;
	[tilespmem:$0x18400] =	vst v63  }
0x5c: {  	_ = 	snop  }
0x5d: {  	[spmem:s2] =	stream.indirect.scatter.add.f32 [tilespmem:s20], [sflag:$0x1], $0x80, s26, s22, $0xb8;
	[tilespmem:$0x18400] =	vst v63  }
0x5e: {  	_ = 	snop  }
0x5f: {  	[spmem:s2] =	stream.indirect.scatter.add.f32 [tilespmem:s20], [sflag:$0x1], $0x80, s28, s22, $0xb8;
	[tilespmem:$0x18400] =	vst v63  }
0x60: {  	_ = 	snop  }
0x61: {  	[spmem:s2] =	stream.indirect.scatter.add.f32 [tilespmem:s20], [sflag:$0x1], $0x80, s29, s22, $0xb8;
	[tilespmem:$0x18400] =	vst v63  }
0x62: {  	_ =	swait.ge [sflag:s30], $0x4000  }
0x63: {  	[sflag:s30] =	ssyncset.done $0x0  }
0x64: {  	[sflag:s30] =	ssyncadd.s32 $0xFFFFC000  }
0x65: {  	_ =	swait.ge [sflag:s30], $0x4000  }
0x66: {  	[sflag:s30] =	ssyncset.done $0x0  }
0x67: {  	[sflag:s30] =	ssyncadd.s32 $0xFFFFC000  }
0x68: {  	_ =	swait.ge [sflag:s30], $0x4000  }
0x69: {  	[sflag:s30] =	ssyncset.done $0x0  }
0x6a: {  	[sflag:s30] =	ssyncadd.s32 $0xFFFFC000  }
0x6b: {  	_ =	swait.ge [sflag:s30], $0x4000  }
0x6c: {  	[sflag:s30] =	ssyncset.done $0x0  }
0x6d: {  	[sflag:s30] =	ssyncadd.s32 $0xFFFFC000  }
0x6e: {  	_ =	swait.ge [sflag:s30], $0x4000  }
0x6f: {  	[sflag:s30] =	ssyncset.done $0x0  }
0x70: {  	[sflag:s30] =	ssyncadd.s32 $0xFFFFC000  }
0x71: {  	_ =	swait.ge [sflag:s30], $0x4000  }
0x72: {  	[sflag:s30] =	ssyncset.done $0x0  }
0x73: {  	[sflag:s30] =	ssyncadd.s32 $0xFFFFC000  }
0x74: {  	_ =	swait.ge [sflag:s30], $0x4000  }
0x75: {  	[sflag:s30] =	ssyncset.done $0x0  }
0x76: {  	[sflag:s30] =	ssyncadd.s32 $0xFFFFC000  }
0x77: {  	_ =	swait.ge [sflag:s30], $0x4000  }
0x78: {  	s0 =	simm.s32 $0x80;
	s1 =	simm.s32 $0x100;
	[sflag:s30] =	ssyncset.done $0x0  }
.LBB2_6:
0x79: {  	s6 =	sadd.s32 s0, s19  }
0x7a: {  	[sflag:s30] =	ssyncadd.s32 $0xFFFFC000;
	s0 =	smov.u32 s1;
	s5 =	sadd.s32 $0x80, s1  }
0x7b: {  	[tilespmem:s3], [sflag:$0x2] =	stream.linear.gather [hbm4b:s6+s3], $0x400, $0x38;
	[tilespmem:$0x18400] =	vst v63  }
0x7c: {  	p0 =	sne.s32 s1, $0x480;
	_ =	swait.ge [sflag:s21], $0x400  }
0x7d: {  	[sflag:s21] =	ssyncset.done $0x0  }
0x7e: {  	[sflag:s21] =	ssyncadd.s32 $0xFFFFFC00  }
0x7f: {  	[spmem:s2] =	stream.indirect.scatter.add.f32 [tilespmem:s20], [sflag:$0x1], $0x80, s3, s22, $0xb8;
	[tilespmem:$0x18400] =	vst v63  }
0x80: {  	_ = 	snop  }
0x81: {  	[spmem:s2] =	stream.indirect.scatter.add.f32 [tilespmem:s20], [sflag:$0x1], $0x80, s22, s22, $0xb8;
	[tilespmem:$0x18400] =	vst v63  }
0x82: {  	_ = 	snop  }
0x83: {  	[spmem:s2] =	stream.indirect.scatter.add.f32 [tilespmem:s20], [sflag:$0x1], $0x80, s23, s22, $0xb8;
	[tilespmem:$0x18400] =	vst v63  }
0x84: {  	_ = 	snop  }
0x85: {  	[spmem:s2] =	stream.indirect.scatter.add.f32 [tilespmem:s20], [sflag:$0x1], $0x80, s24, s22, $0xb8;
	[tilespmem:$0x18400] =	vst v63  }
0x86: {  	_ = 	snop  }
0x87: {  	[spmem:s2] =	stream.indirect.scatter.add.f32 [tilespmem:s20], [sflag:$0x1], $0x80, s25, s22, $0xb8;
	[tilespmem:$0x18400] =	vst v63  }
0x88: {  	_ = 	snop  }
0x89: {  	[spmem:s2] =	stream.indirect.scatter.add.f32 [tilespmem:s20], [sflag:$0x1], $0x80, s26, s22, $0xb8;
	[tilespmem:$0x18400] =	vst v63  }
0x8a: {  	_ = 	snop  }
0x8b: {  	[spmem:s2] =	stream.indirect.scatter.add.f32 [tilespmem:s20], [sflag:$0x1], $0x80, s28, s22, $0xb8;
	[tilespmem:$0x18400] =	vst v63  }
0x8c: {  	_ = 	snop  }
0x8d: {  	[spmem:s2] =	stream.indirect.scatter.add.f32 [tilespmem:s20], [sflag:$0x1], $0x80, s29, s22, $0xb8;
	[tilespmem:$0x18400] =	vst v63  }
0x8e: {  	_ =	swait.ge [sflag:s30], $0x4000  }
0x8f: {  	[sflag:s30] =	ssyncset.done $0x0  }
0x90: {  	[sflag:s30] =	ssyncadd.s32 $0xFFFFC000  }
0x91: {  	_ =	swait.ge [sflag:s30], $0x4000  }
0x92: {  	[sflag:s30] =	ssyncset.done $0x0  }
0x93: {  	[sflag:s30] =	ssyncadd.s32 $0xFFFFC000  }
0x94: {  	_ =	swait.ge [sflag:s30], $0x4000  }
0x95: {  	[sflag:s30] =	ssyncset.done $0x0  }
0x96: {  	[sflag:s30] =	ssyncadd.s32 $0xFFFFC000  }
0x97: {  	_ =	swait.ge [sflag:s30], $0x4000  }
0x98: {  	[sflag:s30] =	ssyncset.done $0x0  }
0x99: {  	[sflag:s30] =	ssyncadd.s32 $0xFFFFC000  }
0x9a: {  	_ =	swait.ge [sflag:s30], $0x4000  }
0x9b: {  	[sflag:s30] =	ssyncset.done $0x0  }
0x9c: {  	[sflag:s30] =	ssyncadd.s32 $0xFFFFC000  }
0x9d: {  	_ =	swait.ge [sflag:s30], $0x4000  }
0x9e: {  	[sflag:s30] =	ssyncset.done $0x0  }
0x9f: {  	[sflag:s30] =	ssyncadd.s32 $0xFFFFC000  }
.Ltmp2:
0xa0: {  	_ =	swait.ge [sflag:s30], $0x4000;
	(pc) =	sbr.rel @p0 .LBB2_6-.Ltmp2, $4  }
0xa1: {  	[sflag:s30] =	ssyncset.done $0x0  }
0xa2: {  	[sflag:s30] =	ssyncadd.s32 $0xFFFFC000  }
0xa3: {  	_ =	swait.ge [sflag:s30], $0x4000  }
0xa4: {  	s1 =	smov.u32 s5;
	[sflag:s30] =	ssyncset.done $0x0  }
0xa5: {  	s0 =	sadd.s32 s0, s19;
	[sflag:s30] =	ssyncadd.s32 $0xFFFFC000  }
0xa6: {  	[tilespmem:s3], [sflag:$0x2] =	stream.linear.gather [hbm4b:s0+s3], $0x400, $0x38;
	[tilespmem:$0x18400] =	vst v63  }
0xa7: {  	_ =	swait.ge [sflag:s21], $0x400  }
0xa8: {  	[sflag:s21] =	ssyncset.done $0x0  }
0xa9: {  	[sflag:s21] =	ssyncadd.s32 $0xFFFFFC00  }
0xaa: {  	[spmem:s2] =	stream.indirect.scatter.add.f32 [tilespmem:s20], [sflag:$0x1], $0x80, s3, s22, $0xb8;
	[tilespmem:$0x18400] =	vst v63  }
0xab: {  	_ = 	snop  }
0xac: {  	[spmem:s2] =	stream.indirect.scatter.add.f32 [tilespmem:s20], [sflag:$0x1], $0x80, s22, s22, $0xb8;
	[tilespmem:$0x18400] =	vst v63  }
0xad: {  	_ = 	snop  }
0xae: {  	[spmem:s2] =	stream.indirect.scatter.add.f32 [tilespmem:s20], [sflag:$0x1], $0x80, s23, s22, $0xb8;
	[tilespmem:$0x18400] =	vst v63  }
0xaf: {  	_ = 	snop  }
0xb0: {  	[spmem:s2] =	stream.indirect.scatter.add.f32 [tilespmem:s20], [sflag:$0x1], $0x80, s24, s22, $0xb8;
	[tilespmem:$0x18400] =	vst v63  }
0xb1: {  	_ = 	snop  }
0xb2: {  	[spmem:s2] =	stream.indirect.scatter.add.f32 [tilespmem:s20], [sflag:$0x1], $0x80, s25, s22, $0xb8;
	[tilespmem:$0x18400] =	vst v63  }
0xb3: {  	_ = 	snop  }
0xb4: {  	[spmem:s2] =	stream.indirect.scatter.add.f32 [tilespmem:s20], [sflag:$0x1], $0x80, s26, s22, $0xb8;
	[tilespmem:$0x18400] =	vst v63  }
0xb5: {  	_ = 	snop  }
0xb6: {  	[spmem:s2] =	stream.indirect.scatter.add.f32 [tilespmem:s20], [sflag:$0x1], $0x80, s28, s22, $0xb8;
	[tilespmem:$0x18400] =	vst v63  }
0xb7: {  	_ = 	snop  }
0xb8: {  	[spmem:s2] =	stream.indirect.scatter.add.f32 [tilespmem:s20], [sflag:$0x1], $0x80, s29, s22, $0xb8;
	[tilespmem:$0x18400] =	vst v63  }
0xb9: {  	_ =	swait.ge [sflag:s30], $0x4000  }
0xba: {  	[sflag:s30] =	ssyncset.done $0x0  }
0xbb: {  	[sflag:s30] =	ssyncadd.s32 $0xFFFFC000  }
0xbc: {  	_ =	swait.ge [sflag:s30], $0x4000  }
0xbd: {  	[sflag:s30] =	ssyncset.done $0x0  }
0xbe: {  	[sflag:s30] =	ssyncadd.s32 $0xFFFFC000  }
0xbf: {  	_ =	swait.ge [sflag:s30], $0x4000  }
0xc0: {  	[sflag:s30] =	ssyncset.done $0x0  }
0xc1: {  	[sflag:s30] =	ssyncadd.s32 $0xFFFFC000  }
0xc2: {  	_ =	swait.ge [sflag:s30], $0x4000  }
0xc3: {  	[sflag:s30] =	ssyncset.done $0x0  }
0xc4: {  	[sflag:s30] =	ssyncadd.s32 $0xFFFFC000  }
0xc5: {  	_ =	swait.ge [sflag:s30], $0x4000  }
0xc6: {  	[sflag:s30] =	ssyncset.done $0x0  }
0xc7: {  	[sflag:s30] =	ssyncadd.s32 $0xFFFFC000  }
0xc8: {  	_ =	swait.ge [sflag:s30], $0x4000  }
0xc9: {  	[sflag:s30] =	ssyncset.done $0x0  }
0xca: {  	[sflag:s30] =	ssyncadd.s32 $0xFFFFC000  }
0xcb: {  	_ =	swait.ge [sflag:s30], $0x4000  }
0xcc: {  	[sflag:s30] =	ssyncset.done $0x0  }
0xcd: {  	[sflag:s30] =	ssyncadd.s32 $0xFFFFC000  }
0xce: {  	_ =	swait.ge [sflag:s30], $0x4000  }
0xcf: {  	[sflag:s30] =	ssyncset.done $0x0  }
0xd0: {  	[sflag:s30] =	ssyncadd.s32 $0xFFFFC000  }
0xd1: {  	[bflag:$0x0] =	sbarrier.arrive $0xFFFF  }
0xd2: {  	[tilespmem:s20], [sflag:$0x2] =	stream.linear.gather [spmem:s4], $0x4000, $0x38;
	[tilespmem:$0x18400] =	vst v63  }
0xd3: {  	_ =	swait.ge [sflag:s21], $0x4000  }
0xd4: {  	[sflag:s21] =	ssyncset.done $0x0  }
0xd5: {  	[sflag:s21] =	ssyncadd.s32 $0xFFFFC000  }
0xd6: {  	[hbm4b:s10+s3] =	stream.linear.scatter [tilespmem:s20], [sflag:$0x2], $0x4000, $0x38;
	[tilespmem:$0x18400] =	vst v63  }
0xd7: {  	_ =	swait.ge [sflag:s21], $0x4000  }
0xd8: {  	[sflag:s21] =	ssyncset.done $0x0  }
0xd9: {  	[sflag:s21] =	ssyncadd.s32 $0xFFFFC000  }
0xda: {  	[tilespmem:s20], [sflag:$0x2] =	stream.linear.gather [spmem:s11], $0x4000, $0x38;
	[tilespmem:$0x18400] =	vst v63  }
0xdb: {  	_ =	swait.ge [sflag:s21], $0x4000  }
0xdc: {  	[sflag:s21] =	ssyncset.done $0x0  }
0xdd: {  	[sflag:s21] =	ssyncadd.s32 $0xFFFFC000  }
0xde: {  	[hbm4b:s12+s3] =	stream.linear.scatter [tilespmem:s20], [sflag:$0x2], $0x4000, $0x38;
	[tilespmem:$0x18400] =	vst v63  }
0xdf: {  	_ =	swait.ge [sflag:s21], $0x4000  }
0xe0: {  	[sflag:s21] =	ssyncset.done $0x0  }
0xe1: {  	[sflag:s21] =	ssyncadd.s32 $0xFFFFC000  }
0xe2: {  	[tilespmem:s20], [sflag:$0x2] =	stream.linear.gather [spmem:s13], $0x4000, $0x38;
	[tilespmem:$0x18400] =	vst v63  }
0xe3: {  	_ =	swait.ge [sflag:s21], $0x4000  }
0xe4: {  	[sflag:s21] =	ssyncset.done $0x0  }
0xe5: {  	[sflag:s21] =	ssyncadd.s32 $0xFFFFC000  }
0xe6: {  	[hbm4b:s14+s3] =	stream.linear.scatter [tilespmem:s20], [sflag:$0x2], $0x4000, $0x38;
	[tilespmem:$0x18400] =	vst v63  }
0xe7: {  	_ =	swait.ge [sflag:s21], $0x4000  }
0xe8: {  	[sflag:s21] =	ssyncset.done $0x0  }
0xe9: {  	[sflag:s21] =	ssyncadd.s32 $0xFFFFC000  }
0xea: {  	[tilespmem:s20], [sflag:$0x2] =	stream.linear.gather [spmem:s15], $0x4000, $0x38;
	[tilespmem:$0x18400] =	vst v63  }
0xeb: {  	_ =	swait.ge [sflag:s21], $0x4000  }
0xec: {  	[sflag:s21] =	ssyncset.done $0x0  }
0xed: {  	[sflag:s21] =	ssyncadd.s32 $0xFFFFC000  }
0xee: {  	[hbm4b:s16+s3] =	stream.linear.scatter [tilespmem:s20], [sflag:$0x2], $0x4000, $0x38;
	[tilespmem:$0x18400] =	vst v63  }
0xef: {  	_ =	swait.ge [sflag:s21], $0x4000  }
0xf0: {  	[sflag:s21] =	ssyncset.done $0x0  }
0xf1: {  	[sflag:s21] =	ssyncadd.s32 $0xFFFFC000  }
0xf2: {  	[tilespmem:s20], [sflag:$0x2] =	stream.linear.gather [spmem:s17], $0x4000, $0x38;
	[tilespmem:$0x18400] =	vst v63  }
0xf3: {  	_ =	swait.ge [sflag:s21], $0x4000  }
0xf4: {  	[sflag:s21] =	ssyncset.done $0x0  }
0xf5: {  	[sflag:s21] =	ssyncadd.s32 $0xFFFFC000  }
0xf6: {  	[hbm4b:s18+s3] =	stream.linear.scatter [tilespmem:s20], [sflag:$0x2], $0x4000, $0x38;
	[tilespmem:$0x18400] =	vst v63  }
0xf7: {  	_ =	swait.ge [sflag:s21], $0x4000  }
0xf8: {  	s31 =	sadd.s32 $0x1, s31;
	s6 =	rddreg [dreg:$0x4]  }
0xf9: {  	p0 =	sne.s32 s31, s6  }
.Ltmp3:
0xfa: {  	_ = 	snop;
	(pc) =	sbr.rel @p0 .LBB2_1-.Ltmp3, $3  }
0xfb: {  	_ =	sdelay $0x1  }
0xfc: {  	[sflag:s21] =	ssyncset.done $0x0  }
0xfd: {  	[sflag:s21] =	ssyncadd.s32 $0xFFFFC000  }
0xfe: {  	_ =	sfence.sel $0x180000  }
0xff: {  	[bflag:$0x0] =	sbarrier.arrive $0xFFFF  }
0x100: {  	_ =	strace $0x90000047  }
0x101: {  	s0 =	stileid.u32;
	[bflag:$0x2] =	sbarrier.arrive $0xFFFF  }
0x102: {  	p0 =	sne.s32 s0, $0x0;
	s0 =	rddreg [dreg:$0x3]  }
0x103: {  	s0 =	sadd.s32 @!p0 $0x100000, s0  }
0x104: {  	[sflag:s0] =	ssyncadd.tile.s32 @!p0 $0x1;
	_ =	shalt  }
.Lfunc_end2:
_tile_overlayer_lowered:
.L_overlay_start_2:
0x105: {  	(tag) =	ssettag $0x2  }
0x106: {  	s0 =	rddreg [dreg:$0x0];
	s2 =	stileid.u32  }
0x107: {  	s1 =	rddreg [dreg:$0x1];
	p0 =	sne.s32 s2, $0x0  }
0x108: {  	s3 =	rddreg [dreg:$0x2];
	[bflag:$0x3] =	sbarrier.arrive $0xFFFF;
	s2 =	simm.s32 @!p0 $0x1C02  }
0x109: {  	[timem:s3], [sflag:s2] =	dma.local @!p0 [hbm:s0], s1  }
0x10a: {  	s0 =	simm.s32 @!p0 $0x2  }
0x10b: {  	_ =	swait.ge @!p0 [sflag:s0], s1  }
0x10c: {  	s1 =	ssub.s32 @!p0 $0x0, s1;
	[sflag:s0] =	ssyncset.done @!p0 $0x0  }
0x10d: {  	[sflag:s0] =	ssyncadd.s32 @!p0 s1  }
0x10e: {  	[bflag:$0x3] =	sbarrier.arrive $0xFFFF  }
0x10f: {  	_ =	shalt  }

</sc_bundles>
